<compile_context>
chip_gen: v7x
topology: tpu7x:2x2x1
jax: 0.10.2.dev20260603
libtpu: 0.0.44.dev20260713+nightly
codegen_flags: <defaults>
</compile_context>

<pallas_src>
import functools

import jax
import jax.numpy as jnp
from jax import lax
from jax.experimental import pallas as pl
from jax.experimental.pallas import tpu as pltpu
from jax.experimental.pallas import tpu_sc as plsc

DIM = 256
WS = 4
H = 8
HD = DIM // H
SCALE = HD ** (-0.5)
BQ = 128
BK = 128
NEG = -1e9
TPAD = 384


def _sc_gather_rows(table, idx):
    n, d = table.shape
    info = plsc.get_sparse_core_info()
    nw = info.num_cores * info.num_subcores
    rows_per_w = n // nw
    ch = 128
    nch = rows_per_w // ch
    mesh = plsc.VectorSubcoreMesh(core_axis_name="c", subcore_axis_name="s")

    def body(table_hbm, idx_hbm, out_hbm, idx_v, rows_v, sem):
        wid = lax.axis_index("s") * info.num_cores + lax.axis_index("c")
        base = wid * rows_per_w
        for c in range(nch):
            off = base + c * ch
            pltpu.sync_copy(idx_hbm.at[pl.ds(off, ch)], idx_v)
            pltpu.async_copy(table_hbm.at[idx_v], rows_v, sem).wait()
            pltpu.sync_copy(rows_v, out_hbm.at[pl.ds(off, ch)])

    k = pl.kernel(
        body,
        out_type=jax.ShapeDtypeStruct((n, d), table.dtype),
        mesh=mesh,
        scratch_types=[
            pltpu.VMEM((ch,), jnp.int32),
            pltpu.VMEM((ch, d), table.dtype),
            pltpu.SemaphoreType.DMA,
        ],
    )
    return k(table, idx)


def _qkv_proj(xs, w_t, b):
    n = xs.shape[0]
    r = 256

    def body(x_ref, w_ref, b_ref, q_ref, kv_ref):
        y = jnp.dot(x_ref[...], w_ref[...], preferred_element_type=jnp.float32)
        y = y + b_ref[...]
        q_ref[...] = (y[:, :DIM] * SCALE).astype(jnp.bfloat16)
        kv_ref[...] = y[:, DIM:].astype(jnp.bfloat16)

    return pl.pallas_call(
        body,
        grid=(n // r,),
        in_specs=[
            pl.BlockSpec((r, DIM), lambda g: (g, 0)),
            pl.BlockSpec((DIM, 3 * DIM), lambda g: (0, 0)),
            pl.BlockSpec((1, 3 * DIM), lambda g: (0, 0)),
        ],
        out_specs=[
            pl.BlockSpec((r, DIM), lambda g: (g, 0)),
            pl.BlockSpec((r, 2 * DIM), lambda g: (g, 0)),
        ],
        out_shape=[
            jax.ShapeDtypeStruct((n, DIM), jnp.bfloat16),
            jax.ShapeDtypeStruct((n, 2 * DIM), jnp.bfloat16),
        ],
    )(xs, w_t, b)


def _bias_table(tab_pad):
    def body(tab_ref, out_ref):
        p = lax.broadcasted_iota(jnp.int32, (4096, 1), 0)
        ui = p >> 6
        uj = p & 63
        rx = (ui >> 4) - (uj >> 4) + (WS - 1)
        ry = ((ui >> 2) & 3) - ((uj >> 2) & 3) + (WS - 1)
        rz = (ui & 3) - (uj & 3) + (WS - 1)
        ridx = (rx * 7 + ry) * 7 + rz
        cols = lax.broadcasted_iota(jnp.int32, (4096, TPAD), 1)
        onehot = (cols == ridx).astype(jnp.float32)
        out_ref[...] = jnp.dot(onehot, tab_ref[...],
                               preferred_element_type=jnp.float32)

    return pl.pallas_call(
        body,
        out_shape=jax.ShapeDtypeStruct((4096, H), jnp.float32),
    )(tab_pad)


def _attention(q_s, kv_s, wq_col, uq_col, ws3, us3, btab, wp_t, bp,
               c0, c1, c2, nb_blk):
    n = q_s.shape[0]
    nqb = n // BQ

    def body(c0_ref, c1_ref, c2_ref, nb_ref, q_ref, kv0_ref, kv1_ref, kv2_ref,
             wr0_ref, wr1_ref, wr2_ref, ur0_ref, ur1_ref, ur2_ref,
             b_ref, wp_ref, bp_ref, wq_ref, uq_ref,
             out_ref):
        g = pl.program_id(0)
        nb = nb_ref[g]
        wq = wq_ref[...]
        uq = uq_ref[...]
        lanes64 = lax.broadcasted_iota(jnp.int32, (BQ, 64), 1)
        u_q = (lanes64 == uq).astype(jnp.bfloat16)
        sub64 = lax.broadcasted_iota(jnp.int32, (64, BK), 0)
        qs = []
        qbs = []
        for h in range(H):
            qs.append(q_ref[:, h * HD:(h + 1) * HD])
            qbs.append(jnp.dot(u_q, b_ref[h],
                               preferred_element_type=jnp.float32)
                       .astype(jnp.bfloat16))

        kv0 = kv0_ref[...]
        kv1 = kv1_ref[...]
        kv2 = kv2_ref[...]
        mask0 = wq == wr0_ref[0]
        mask1 = (wq == wr1_ref[0]) & (nb > 1)
        mask2 = (wq == wr2_ref[0]) & (nb > 2)
        ukt0 = (sub64 == ur0_ref[0]).astype(jnp.bfloat16)
        ukt1 = (sub64 == ur1_ref[0]).astype(jnp.bfloat16)
        ukt2 = (sub64 == ur2_ref[0]).astype(jnp.bfloat16)
        ls, accs = [], []
        for h in range(H):
            s0 = lax.dot_general(qs[h], kv0[:, h * HD:(h + 1) * HD],
                                 (((1,), (1,)), ((), ())),
                                 preferred_element_type=jnp.float32)
            s0 = s0 + jnp.dot(qbs[h], ukt0,
                              preferred_element_type=jnp.float32)
            s1 = lax.dot_general(qs[h], kv1[:, h * HD:(h + 1) * HD],
                                 (((1,), (1,)), ((), ())),
                                 preferred_element_type=jnp.float32)
            s1 = s1 + jnp.dot(qbs[h], ukt1,
                              preferred_element_type=jnp.float32)
            s2 = lax.dot_general(qs[h], kv2[:, h * HD:(h + 1) * HD],
                                 (((1,), (1,)), ((), ())),
                                 preferred_element_type=jnp.float32)
            s2 = s2 + jnp.dot(qbs[h], ukt2,
                              preferred_element_type=jnp.float32)
            p0 = jnp.exp(jnp.where(mask0, s0, NEG))
            p1 = jnp.exp(jnp.where(mask1, s1, NEG))
            p2 = jnp.exp(jnp.where(mask2, s2, NEG))
            ls.append(jnp.sum(p0, axis=1, keepdims=True) +
                      jnp.sum(p1, axis=1, keepdims=True) +
                      jnp.sum(p2, axis=1, keepdims=True))
            acc = jnp.dot(p0.astype(jnp.bfloat16),
                          kv0[:, DIM + h * HD:DIM + (h + 1) * HD],
                          preferred_element_type=jnp.float32)
            acc = acc + jnp.dot(p1.astype(jnp.bfloat16),
                                kv1[:, DIM + h * HD:DIM + (h + 1) * HD],
                                preferred_element_type=jnp.float32)
            acc = acc + jnp.dot(p2.astype(jnp.bfloat16),
                                kv2[:, DIM + h * HD:DIM + (h + 1) * HD],
                                preferred_element_type=jnp.float32)
            accs.append(acc)

        o = jnp.concatenate([accs[h] / ls[h] for h in range(H)],
                            axis=1).astype(jnp.bfloat16)
        out_ref[...] = jnp.dot(o, wp_ref[...],
                               preferred_element_type=jnp.float32) + bp_ref[...]

    def s_g(g, c0r, c1r, c2r, nbr):
        return (g, 0)

    def s_c0(g, c0r, c1r, c2r, nbr):
        return (c0r[g], 0)

    def s_c1(g, c0r, c1r, c2r, nbr):
        return (c1r[g], 0)

    def s_c2(g, c0r, c1r, c2r, nbr):
        return (c2r[g], 0)

    def r_c0(g, c0r, c1r, c2r, nbr):
        return (c0r[g], 0, 0)

    def r_c1(g, c0r, c1r, c2r, nbr):
        return (c1r[g], 0, 0)

    def r_c2(g, c0r, c1r, c2r, nbr):
        return (c2r[g], 0, 0)

    grid_spec = pltpu.PrefetchScalarGridSpec(
        num_scalar_prefetch=4,
        grid=(nqb,),
        in_specs=[
            pl.BlockSpec((BQ, DIM), s_g),
            pl.BlockSpec((BK, 2 * DIM), s_c0),
            pl.BlockSpec((BK, 2 * DIM), s_c1),
            pl.BlockSpec((BK, 2 * DIM), s_c2),
            pl.BlockSpec((1, 1, BK), r_c0),
            pl.BlockSpec((1, 1, BK), r_c1),
            pl.BlockSpec((1, 1, BK), r_c2),
            pl.BlockSpec((1, 1, BK), r_c0),
            pl.BlockSpec((1, 1, BK), r_c1),
            pl.BlockSpec((1, 1, BK), r_c2),
            pl.BlockSpec((H, 64, 64), lambda g, c0r, c1r, c2r, nbr: (0, 0, 0)),
            pl.BlockSpec((DIM, DIM), lambda g, c0r, c1r, c2r, nbr: (0, 0)),
            pl.BlockSpec((1, DIM), lambda g, c0r, c1r, c2r, nbr: (0, 0)),
            pl.BlockSpec((BQ, 1), s_g),
            pl.BlockSpec((BQ, 1), s_g),
        ],
        out_specs=pl.BlockSpec((BQ, DIM), s_g),
    )
    return pl.pallas_call(
        body,
        grid_spec=grid_spec,
        out_shape=jax.ShapeDtypeStruct((n, DIM), jnp.float32),
    )(c0, c1, c2, nb_blk, q_s, kv_s, kv_s, kv_s, ws3, ws3, ws3,
      us3, us3, us3, btab, wp_t, bp, wq_col, uq_col)


def _attention_fix(out_fast, q_s, kv_s, wq_col, uq_col, ws3, us3, btab,
                   wp_t, bp, lo_blk, nb_blk, fix_list, nfix):
    n = q_s.shape[0]
    nqb = n // BQ

    def body(fix_ref, nfix_ref, lo_ref, nb_ref, fast_ref, q_ref,
             wq_ref, uq_ref, ws3_ref, us3_ref, kv_hbm, b_ref, wp_ref,
             bp_ref, out_ref, kv_scr, l_scr, acc_scr, sem):
        g = pl.program_id(0)
        out_ref[...] = fast_ref[...]

        @pl.when(g < nfix_ref[0])
        def _fix():
            blk = fix_ref[g]
            lo = lo_ref[blk]
            nb = nb_ref[blk]
            wq = wq_ref[...]
            uq = uq_ref[...]
            lanes64 = lax.broadcasted_iota(jnp.int32, (BQ, 64), 1)
            u_q = (lanes64 == uq).astype(jnp.bfloat16)
            sub64 = lax.broadcasted_iota(jnp.int32, (64, BK), 0)
            qs = []
            qbs = []
            for h in range(H):
                qs.append(q_ref[:, h * HD:(h + 1) * HD])
                qbs.append(jnp.dot(u_q, b_ref[h],
                                   preferred_element_type=jnp.float32)
                           .astype(jnp.bfloat16))
            l_scr[...] = jnp.zeros((BQ, H), jnp.float32)
            acc_scr[...] = jnp.zeros((BQ, DIM), jnp.float32)

            def kv_step(t, carry):
                j = lo + t
                copy = pltpu.make_async_copy(
                    kv_hbm.at[pl.ds(j * BK, BK), :], kv_scr, sem)
                copy.start()
                copy.wait()
                t_mask = wq == ws3_ref[j]
                ukt = (sub64 == us3_ref[j]).astype(jnp.bfloat16)
                kv = kv_scr[...]
                n_ls, n_accs = [], []
                for h in range(H):
                    k_h = kv[:, h * HD:(h + 1) * HD]
                    v_h = kv[:, DIM + h * HD:DIM + (h + 1) * HD]
                    s = lax.dot_general(qs[h], k_h, (((1,), (1,)), ((), ())),
                                        preferred_element_type=jnp.float32)
                    s = s + jnp.dot(qbs[h], ukt,
                                    preferred_element_type=jnp.float32)
                    p = jnp.exp(jnp.where(t_mask, s, NEG))
                    n_ls.append(jnp.sum(p, axis=1, keepdims=True))
                    n_accs.append(jnp.dot(p.astype(jnp.bfloat16), v_h,
                                          preferred_element_type=jnp.float32))
                l_scr[...] = l_scr[...] + jnp.concatenate(n_ls, axis=1)
                acc_scr[...] = acc_scr[...] + jnp.concatenate(n_accs, axis=1)
                return carry

            lax.fori_loop(0, nb, kv_step, 0)
            r = 1.0 / l_scr[...]
            acc_all = acc_scr[...]
            o = jnp.concatenate(
                [acc_all[:, h * HD:(h + 1) * HD] * r[:, h:h + 1]
                 for h in range(H)], axis=1).astype(jnp.bfloat16)
            out_ref[...] = jnp.dot(o, wp_ref[...],
                                   preferred_element_type=jnp.float32) + bp_ref[...]

    def sel(g, fixr, nfr, lor, nbr):
        return (fixr[g], 0)

    grid_spec = pltpu.PrefetchScalarGridSpec(
        num_scalar_prefetch=4,
        grid=(nqb,),
        in_specs=[
            pl.BlockSpec((BQ, DIM), sel),
            pl.BlockSpec((BQ, DIM), sel),
            pl.BlockSpec((BQ, 1), sel),
            pl.BlockSpec((BQ, 1), sel),
            pl.BlockSpec((nqb, 1, BK), lambda g, fixr, nfr, lor, nbr: (0, 0, 0)),
            pl.BlockSpec((nqb, 1, BK), lambda g, fixr, nfr, lor, nbr: (0, 0, 0)),
            pl.BlockSpec(memory_space=pl.ANY),
            pl.BlockSpec((H, 64, 64), lambda g, fixr, nfr, lor, nbr: (0, 0, 0)),
            pl.BlockSpec((DIM, DIM), lambda g, fixr, nfr, lor, nbr: (0, 0)),
            pl.BlockSpec((1, DIM), lambda g, fixr, nfr, lor, nbr: (0, 0)),
        ],
        out_specs=pl.BlockSpec((BQ, DIM), sel),
        scratch_shapes=[
            pltpu.VMEM((BK, 2 * DIM), jnp.bfloat16),
            pltpu.VMEM((BQ, H), jnp.float32),
            pltpu.VMEM((BQ, DIM), jnp.float32),
            pltpu.SemaphoreType.DMA,
        ],
    )
    return pl.pallas_call(
        body,
        grid_spec=grid_spec,
        out_shape=jax.ShapeDtypeStruct((n, DIM), jnp.float32),
        input_output_aliases={4: 0},
    )(fix_list, nfix, lo_blk, nb_blk, out_fast, q_s, wq_col, uq_col,
      ws3, us3, kv_s, btab, wp_t, bp)


def kernel(x, coords, W_qkv, b_qkv, W_proj, b_proj, rel_pos_bias):
    n = x.shape[0]
    c = coords.astype(jnp.int32)
    w3 = c // WS
    wlin = (w3[:, 0] * 16 + w3[:, 1]) * 16 + w3[:, 2]
    u = ((c[:, 0] % WS) * 4 + (c[:, 1] % WS)) * 4 + (c[:, 2] % WS)

    sort_idx = jnp.argsort(wlin).astype(jnp.int32)
    inv_idx = jnp.argsort(sort_idx).astype(jnp.int32)
    ws = wlin[sort_idx]
    us = u[sort_idx]

    nqb = n // BQ
    firsts = ws[0::BQ]
    lasts = ws[BQ - 1::BQ]
    lo_row = jnp.searchsorted(ws, firsts, side="left")
    hi_row = jnp.searchsorted(ws, lasts, side="right")
    lo_blk = (lo_row // BK).astype(jnp.int32)
    nb_blk = ((hi_row + BK - 1) // BK).astype(jnp.int32) - lo_blk
    c1_blk = jnp.minimum(lo_blk + 1, nqb - 1).astype(jnp.int32)
    c2_blk = jnp.minimum(lo_blk + 2, nqb - 1).astype(jnp.int32)

    xs = _sc_gather_rows(x, sort_idx)

    q_s, kv_s = _qkv_proj(xs, W_qkv.T, b_qkv.reshape(1, 3 * DIM))

    tab_pad = jnp.pad(rel_pos_bias, ((0, TPAD - rel_pos_bias.shape[0]), (0, 0)))
    bflat = _bias_table(tab_pad)
    btab = bflat.reshape(64, 64, H).transpose(2, 0, 1).astype(jnp.bfloat16)

    wq_col = ws.reshape(n, 1)
    uq_col = us.reshape(n, 1)
    ws3 = ws.reshape(nqb, 1, BK)
    us3 = us.reshape(nqb, 1, BK)
    wp_t = W_proj.T.astype(jnp.bfloat16)
    bp = b_proj.reshape(1, DIM)

    out_fast = _attention(
        q_s, kv_s, wq_col, uq_col, ws3, us3, btab, wp_t, bp,
        lo_blk, c1_blk, c2_blk, nb_blk,
    )

    fix_mask = nb_blk > 3
    nfix = jnp.sum(fix_mask.astype(jnp.int32)).reshape(1)
    keys = jnp.where(fix_mask, jnp.arange(nqb, dtype=jnp.int32), nqb)
    fix_list = jnp.minimum(jnp.sort(keys), nqb - 1).astype(jnp.int32)

    out_s = lax.cond(
        nfix[0] > 0,
        lambda of: _attention_fix(
            of, q_s, kv_s, wq_col, uq_col, ws3, us3, btab, wp_t, bp,
            lo_blk, nb_blk, fix_list, nfix),
        lambda of: of,
        out_fast,
    )

    return _sc_gather_rows(out_s, inv_idx)

# --- scband reference (transcript-rebuilt; emitter-appended) ---
"""Pipeline reference for scband-sparse-window-attention-7593502179710 (READ-ONLY COPY).

The authoritative reference and input builder live on the scoring server;
editing this copy changes nothing except your own understanding.
"""

import jax, jax.numpy as jnp
import numpy as np

DIM = 256
WS = 4
H = 8
HD = DIM // H
SCALE = HD ** (-0.5)
N = 16384
GRID = 64


def setup_inputs(seed: int = 0) -> dict:
    key = jax.random.key(seed)
    ks = jax.random.split(key, 7)
    x = jax.random.normal(ks[0], (N, DIM), dtype=jnp.float32)
    coords = jax.random.randint(ks[1], (N, 3), 0, GRID)
    W_qkv = jax.random.normal(ks[2], (3 * DIM, DIM), dtype=jnp.float32) * 0.02
    b_qkv = jnp.zeros((3 * DIM,), dtype=jnp.float32)
    W_proj = jax.random.normal(ks[3], (DIM, DIM), dtype=jnp.float32) * 0.02
    b_proj = jnp.zeros((DIM,), dtype=jnp.float32)
    rel_pos_bias = jax.random.normal(ks[4], ((2 * WS - 1) ** 3, H), dtype=jnp.float32) * 0.02
    return {"x": x, "coords": coords, "W_qkv": W_qkv, "b_qkv": b_qkv, "W_proj": W_proj, "b_proj": b_proj, "rel_pos_bias": rel_pos_bias}


def _build_windows(coords_np):
    n = coords_np.shape[0]
    wid3 = coords_np // WS
    uniq, inv = np.unique(wid3, axis=0, return_inverse=True)
    Wn = uniq.shape[0]
    counts = np.bincount(inv, minlength=Wn)
    P = int(counts.max())
    order = np.argsort(inv, kind='stable')
    starts = np.concatenate([np.zeros(1, dtype=np.int64), np.cumsum(counts)[:-1]])
    ranks = np.arange(n) - starts[inv[order]]
    idx = np.full((Wn, P), n, dtype=np.int64)
    idx[inv[order], ranks] = order
    mask = idx < n
    return idx, mask


def reference(x, coords, W_qkv, b_qkv, W_proj, b_proj, rel_pos_bias):
    n = x.shape[0]
    coords_i = coords.astype(jnp.int32)
    wid = coords_i // WS
    # qkv projection
    qkv = x @ W_qkv.T + b_qkv
    qkv = qkv.reshape(n, 3, H, HD)
    q = qkv[:, 0]
    k = qkv[:, 1]
    v = qkv[:, 2]
    C = 128
    nchunks = n // C

    def body(carry, inp):
        qc, cc, wc = inp
        scores = jnp.einsum('chd,nhd->hcn', qc, k) * SCALE
        # relative position indices (cross-window pairs are masked out of softmax)
        rel = cc[:, None, :] - coords_i[None, :, :] + (WS - 1)
        rel = jnp.clip(rel, 0, 2 * WS - 2)
        rel_idx = rel[..., 0] * (2 * WS - 1) ** 2 + rel[..., 1] * (2 * WS - 1) + rel[..., 2]
        bias = rel_pos_bias[rel_idx]  # (C, n, H)
        attn = scores + jnp.transpose(bias, (2, 0, 1))
        same = jnp.all(wc[:, None, :] == wid[None, :, :], axis=-1)  # (C, n)
        attn = jnp.where(same[None, :, :], attn, -1e9)
        attn = jax.nn.softmax(attn, axis=-1)
        oc = jnp.einsum('hcn,nhd->chd', attn, v)
        return carry, oc

    qs = q.reshape(nchunks, C, H, HD)
    cs = coords_i.reshape(nchunks, C, 3)
    ws = wid.reshape(nchunks, C, 3)
    _, outs = jax.lax.scan(body, None, (qs, cs, ws))
    out = outs.reshape(n, DIM)
    out = out @ W_proj.T + b_proj
    return out

if __name__ == "__main__":
    import jax
    _d = setup_inputs()
    print(jax.jit(kernel)(*tuple(_d.values())))

</pallas_src>

<mosaic_0001>
#map = affine_map<(d0, d1) -> (0, 0)>
#map1 = affine_map<(d0, d1) -> (0)>
module attributes {stable_mosaic.version = 14 : i64} {
  func.func @body(%arg0: i32, %arg1: i32, %arg2: memref<16384x256xf32, #tpu.memory_space<hbm>>, %arg3: memref<16384xi32, #tpu.memory_space<hbm>>, %arg4: memref<16384x256xf32, #tpu.memory_space<hbm>>, %arg5: memref<128xi32, #tpu.memory_space<vmem>>, %arg6: memref<128x256xf32, #tpu.memory_space<vmem>>, %arg7: memref<!tpu.dma_semaphore, #tpu.memory_space<semaphore_mem>>) attributes {dimension_semantics = [#tpu.dimension_semantics<core_parallel>, #tpu.dimension_semantics<subcore_parallel>], iteration_bounds = array<i64: 2, 16>, scalar_prefetch = 0 : i64, scratch_operands = 3 : i64, tpu.core_type = #tpu.core_type<sc_vector_subcore>, window_params = [{transform_indices = #map}, {transform_indices = #map1}, {transform_indices = #map}]} {
    %mul3A = arith.constant 2 : i32
    %mul3A_0 = arith.muli %arg1, %mul3A : i32
    %add3A = arith.addi %mul3A_0, %arg0 : i32
    %mul3A_1 = arith.constant 512 : i32
    %mul3A_2 = arith.muli %add3A, %mul3A_1 : i32
    %add3A_3 = arith.constant 0 : i32
    %add3A_4 = arith.addi %mul3A_2, %add3A_3 : i32
    "tpu.region"() ({
      %run_scoped3A = tpu.sem_alloc : memref<!tpu.dma_semaphore, #tpu.memory_space<semaphore_mem>>
      %dma_start3A_33 = tpu.memref_slice %arg3[%add3A_4] : memref<16384xi32, #tpu.memory_space<hbm>> -> memref<128xi32, #tpu.memory_space<hbm>>
      %dma_start3A_34 = tpu.memref_slice %arg3[%add3A_4] : memref<16384xi32, #tpu.memory_space<hbm>> -> memref<128xi32, #tpu.memory_space<hbm>>
      tpu.enqueue_dma source(%dma_start3A_34 : memref<128xi32, #tpu.memory_space<hbm>>) target(%arg5 : memref<128xi32, #tpu.memory_space<vmem>>) target_semaphore(%run_scoped3A : memref<!tpu.dma_semaphore, #tpu.memory_space<semaphore_mem>>)
      %dma_wait3A_35 = tpu.memref_slice %arg3[%add3A_4] : memref<16384xi32, #tpu.memory_space<hbm>> -> memref<128xi32, #tpu.memory_space<hbm>>
      %dma_wait3A_36 = tpu.memref_slice %arg3[%add3A_4] : memref<16384xi32, #tpu.memory_space<hbm>> -> memref<128xi32, #tpu.memory_space<hbm>>
      tpu.wait_dma2 semaphore(%run_scoped3A : memref<!tpu.dma_semaphore, #tpu.memory_space<semaphore_mem>>) src(%dma_wait3A_36 : memref<128xi32, #tpu.memory_space<hbm>>) dst(%arg5 : memref<128xi32, #tpu.memory_space<vmem>>)
      tpu.yield
    }) : () -> ()
    %dma_start3A = arith.constant 0 : i32
    %dma_start3A_5 = arith.constant 0 : i32
    %dma_start3A_6 = tpu.memref_slice %arg2[%dma_start3A, %dma_start3A_5] : memref<16384x256xf32, #tpu.memory_space<hbm>> -> memref<16384x256xf32, #tpu.memory_space<hbm>>
    tpu.enqueue_indirect_dma source(%dma_start3A_6 : memref<16384x256xf32, #tpu.memory_space<hbm>>) target(%arg6 : memref<128x256xf32, #tpu.memory_space<vmem>>) offsets(%arg5 : memref<128xi32, #tpu.memory_space<vmem>>) semaphore(%arg7 : memref<!tpu.dma_semaphore, #tpu.memory_space<semaphore_mem>>)
    %dma_wait3A = arith.constant 0 : i32
    %dma_wait3A_7 = arith.constant 0 : i32
    %dma_wait3A_8 = tpu.memref_slice %arg2[%dma_wait3A, %dma_wait3A_7] : memref<16384x256xf32, #tpu.memory_space<hbm>> -> memref<16384x256xf32, #tpu.memory_space<hbm>>
    tpu.wait_indirect_dma semaphore(%arg7 : memref<!tpu.dma_semaphore, #tpu.memory_space<semaphore_mem>>) src(%dma_wait3A_8 : memref<16384x256xf32, #tpu.memory_space<hbm>>) dst(%arg6 : memref<128x256xf32, #tpu.memory_space<vmem>>)
    "tpu.region"() ({
      %run_scoped3A = tpu.sem_alloc : memref<!tpu.dma_semaphore, #tpu.memory_space<semaphore_mem>>
      %dma_start3A_33 = arith.constant 0 : i32
      %dma_start3A_34 = tpu.memref_slice %arg4[%add3A_4, %dma_start3A_33] : memref<16384x256xf32, #tpu.memory_space<hbm>> -> memref<128x256xf32, #tpu.memory_space<hbm>>
      %dma_start3A_35 = arith.constant 0 : i32
      %dma_start3A_36 = tpu.memref_slice %arg4[%add3A_4, %dma_start3A_35] : memref<16384x256xf32, #tpu.memory_space<hbm>> -> memref<128x256xf32, #tpu.memory_space<hbm>>
      tpu.enqueue_dma source(%arg6 : memref<128x256xf32, #tpu.memory_space<vmem>>) target(%dma_start3A_36 : memref<128x256xf32, #tpu.memory_space<hbm>>) target_semaphore(%run_scoped3A : memref<!tpu.dma_semaphore, #tpu.memory_space<semaphore_mem>>)
      %dma_wait3A_37 = arith.constant 0 : i32
      %dma_wait3A_38 = tpu.memref_slice %arg4[%add3A_4, %dma_wait3A_37] : memref<16384x256xf32, #tpu.memory_space<hbm>> -> memref<128x256xf32, #tpu.memory_space<hbm>>
      %dma_wait3A_39 = arith.constant 0 : i32
      %dma_wait3A_40 = tpu.memref_slice %arg4[%add3A_4, %dma_wait3A_39] : memref<16384x256xf32, #tpu.memory_space<hbm>> -> memref<128x256xf32, #tpu.memory_space<hbm>>
      tpu.wait_dma2 semaphore(%run_scoped3A : memref<!tpu.dma_semaphore, #tpu.memory_space<semaphore_mem>>) src(%arg6 : memref<128x256xf32, #tpu.memory_space<vmem>>) dst(%dma_wait3A_40 : memref<128x256xf32, #tpu.memory_space<hbm>>)
      tpu.yield
    }) : () -> ()
    %add3A_9 = arith.constant 128 : i32
    %add3A_10 = arith.addi %mul3A_2, %add3A_9 : i32
    "tpu.region"() ({
      %run_scoped3A = tpu.sem_alloc : memref<!tpu.dma_semaphore, #tpu.memory_space<semaphore_mem>>
      %dma_start3A_33 = tpu.memref_slice %arg3[%add3A_10] : memref<16384xi32, #tpu.memory_space<hbm>> -> memref<128xi32, #tpu.memory_space<hbm>>
      %dma_start3A_34 = tpu.memref_slice %arg3[%add3A_10] : memref<16384xi32, #tpu.memory_space<hbm>> -> memref<128xi32, #tpu.memory_space<hbm>>
      tpu.enqueue_dma source(%dma_start3A_34 : memref<128xi32, #tpu.memory_space<hbm>>) target(%arg5 : memref<128xi32, #tpu.memory_space<vmem>>) target_semaphore(%run_scoped3A : memref<!tpu.dma_semaphore, #tpu.memory_space<semaphore_mem>>)
      %dma_wait3A_35 = tpu.memref_slice %arg3[%add3A_10] : memref<16384xi32, #tpu.memory_space<hbm>> -> memref<128xi32, #tpu.memory_space<hbm>>
      %dma_wait3A_36 = tpu.memref_slice %arg3[%add3A_10] : memref<16384xi32, #tpu.memory_space<hbm>> -> memref<128xi32, #tpu.memory_space<hbm>>
      tpu.wait_dma2 semaphore(%run_scoped3A : memref<!tpu.dma_semaphore, #tpu.memory_space<semaphore_mem>>) src(%dma_wait3A_36 : memref<128xi32, #tpu.memory_space<hbm>>) dst(%arg5 : memref<128xi32, #tpu.memory_space<vmem>>)
      tpu.yield
    }) : () -> ()
    %dma_start3A_11 = arith.constant 0 : i32
    %dma_start3A_12 = arith.constant 0 : i32
    %dma_start3A_13 = tpu.memref_slice %arg2[%dma_start3A_11, %dma_start3A_12] : memref<16384x256xf32, #tpu.memory_space<hbm>> -> memref<16384x256xf32, #tpu.memory_space<hbm>>
    tpu.enqueue_indirect_dma source(%dma_start3A_13 : memref<16384x256xf32, #tpu.memory_space<hbm>>) target(%arg6 : memref<128x256xf32, #tpu.memory_space<vmem>>) offsets(%arg5 : memref<128xi32, #tpu.memory_space<vmem>>) semaphore(%arg7 : memref<!tpu.dma_semaphore, #tpu.memory_space<semaphore_mem>>)
    %dma_wait3A_14 = arith.constant 0 : i32
    %dma_wait3A_15 = arith.constant 0 : i32
    %dma_wait3A_16 = tpu.memref_slice %arg2[%dma_wait3A_14, %dma_wait3A_15] : memref<16384x256xf32, #tpu.memory_space<hbm>> -> memref<16384x256xf32, #tpu.memory_space<hbm>>
    tpu.wait_indirect_dma semaphore(%arg7 : memref<!tpu.dma_semaphore, #tpu.memory_space<semaphore_mem>>) src(%dma_wait3A_16 : memref<16384x256xf32, #tpu.memory_space<hbm>>) dst(%arg6 : memref<128x256xf32, #tpu.memory_space<vmem>>)
    "tpu.region"() ({
      %run_scoped3A = tpu.sem_alloc : memref<!tpu.dma_semaphore, #tpu.memory_space<semaphore_mem>>
      %dma_start3A_33 = arith.constant 0 : i32
      %dma_start3A_34 = tpu.memref_slice %arg4[%add3A_10, %dma_start3A_33] : memref<16384x256xf32, #tpu.memory_space<hbm>> -> memref<128x256xf32, #tpu.memory_space<hbm>>
      %dma_start3A_35 = arith.constant 0 : i32
      %dma_start3A_36 = tpu.memref_slice %arg4[%add3A_10, %dma_start3A_35] : memref<16384x256xf32, #tpu.memory_space<hbm>> -> memref<128x256xf32, #tpu.memory_space<hbm>>
      tpu.enqueue_dma source(%arg6 : memref<128x256xf32, #tpu.memory_space<vmem>>) target(%dma_start3A_36 : memref<128x256xf32, #tpu.memory_space<hbm>>) target_semaphore(%run_scoped3A : memref<!tpu.dma_semaphore, #tpu.memory_space<semaphore_mem>>)
      %dma_wait3A_37 = arith.constant 0 : i32
      %dma_wait3A_38 = tpu.memref_slice %arg4[%add3A_10, %dma_wait3A_37] : memref<16384x256xf32, #tpu.memory_space<hbm>> -> memref<128x256xf32, #tpu.memory_space<hbm>>
      %dma_wait3A_39 = arith.constant 0 : i32
      %dma_wait3A_40 = tpu.memref_slice %arg4[%add3A_10, %dma_wait3A_39] : memref<16384x256xf32, #tpu.memory_space<hbm>> -> memref<128x256xf32, #tpu.memory_space<hbm>>
      tpu.wait_dma2 semaphore(%run_scoped3A : memref<!tpu.dma_semaphore, #tpu.memory_space<semaphore_mem>>) src(%arg6 : memref<128x256xf32, #tpu.memory_space<vmem>>) dst(%dma_wait3A_40 : memref<128x256xf32, #tpu.memory_space<hbm>>)
      tpu.yield
    }) : () -> ()
    %add3A_17 = arith.constant 256 : i32
    %add3A_18 = arith.addi %mul3A_2, %add3A_17 : i32
    "tpu.region"() ({
      %run_scoped3A = tpu.sem_alloc : memref<!tpu.dma_semaphore, #tpu.memory_space<semaphore_mem>>
      %dma_start3A_33 = tpu.memref_slice %arg3[%add3A_18] : memref<16384xi32, #tpu.memory_space<hbm>> -> memref<128xi32, #tpu.memory_space<hbm>>
      %dma_start3A_34 = tpu.memref_slice %arg3[%add3A_18] : memref<16384xi32, #tpu.memory_space<hbm>> -> memref<128xi32, #tpu.memory_space<hbm>>
      tpu.enqueue_dma source(%dma_start3A_34 : memref<128xi32, #tpu.memory_space<hbm>>) target(%arg5 : memref<128xi32, #tpu.memory_space<vmem>>) target_semaphore(%run_scoped3A : memref<!tpu.dma_semaphore, #tpu.memory_space<semaphore_mem>>)
      %dma_wait3A_35 = tpu.memref_slice %arg3[%add3A_18] : memref<16384xi32, #tpu.memory_space<hbm>> -> memref<128xi32, #tpu.memory_space<hbm>>
      %dma_wait3A_36 = tpu.memref_slice %arg3[%add3A_18] : memref<16384xi32, #tpu.memory_space<hbm>> -> memref<128xi32, #tpu.memory_space<hbm>>
      tpu.wait_dma2 semaphore(%run_scoped3A : memref<!tpu.dma_semaphore, #tpu.memory_space<semaphore_mem>>) src(%dma_wait3A_36 : memref<128xi32, #tpu.memory_space<hbm>>) dst(%arg5 : memref<128xi32, #tpu.memory_space<vmem>>)
      tpu.yield
    }) : () -> ()
    %dma_start3A_19 = arith.constant 0 : i32
    %dma_start3A_20 = arith.constant 0 : i32
    %dma_start3A_21 = tpu.memref_slice %arg2[%dma_start3A_19, %dma_start3A_20] : memref<16384x256xf32, #tpu.memory_space<hbm>> -> memref<16384x256xf32, #tpu.memory_space<hbm>>
    tpu.enqueue_indirect_dma source(%dma_start3A_21 : memref<16384x256xf32, #tpu.memory_space<hbm>>) target(%arg6 : memref<128x256xf32, #tpu.memory_space<vmem>>) offsets(%arg5 : memref<128xi32, #tpu.memory_space<vmem>>) semaphore(%arg7 : memref<!tpu.dma_semaphore, #tpu.memory_space<semaphore_mem>>)
    %dma_wait3A_22 = arith.constant 0 : i32
    %dma_wait3A_23 = arith.constant 0 : i32
    %dma_wait3A_24 = tpu.memref_slice %arg2[%dma_wait3A_22, %dma_wait3A_23] : memref<16384x256xf32, #tpu.memory_space<hbm>> -> memref<16384x256xf32, #tpu.memory_space<hbm>>
    tpu.wait_indirect_dma semaphore(%arg7 : memref<!tpu.dma_semaphore, #tpu.memory_space<semaphore_mem>>) src(%dma_wait3A_24 : memref<16384x256xf32, #tpu.memory_space<hbm>>) dst(%arg6 : memref<128x256xf32, #tpu.memory_space<vmem>>)
    "tpu.region"() ({
      %run_scoped3A = tpu.sem_alloc : memref<!tpu.dma_semaphore, #tpu.memory_space<semaphore_mem>>
      %dma_start3A_33 = arith.constant 0 : i32
      %dma_start3A_34 = tpu.memref_slice %arg4[%add3A_18, %dma_start3A_33] : memref<16384x256xf32, #tpu.memory_space<hbm>> -> memref<128x256xf32, #tpu.memory_space<hbm>>
      %dma_start3A_35 = arith.constant 0 : i32
      %dma_start3A_36 = tpu.memref_slice %arg4[%add3A_18, %dma_start3A_35] : memref<16384x256xf32, #tpu.memory_space<hbm>> -> memref<128x256xf32, #tpu.memory_space<hbm>>
      tpu.enqueue_dma source(%arg6 : memref<128x256xf32, #tpu.memory_space<vmem>>) target(%dma_start3A_36 : memref<128x256xf32, #tpu.memory_space<hbm>>) target_semaphore(%run_scoped3A : memref<!tpu.dma_semaphore, #tpu.memory_space<semaphore_mem>>)
      %dma_wait3A_37 = arith.constant 0 : i32
      %dma_wait3A_38 = tpu.memref_slice %arg4[%add3A_18, %dma_wait3A_37] : memref<16384x256xf32, #tpu.memory_space<hbm>> -> memref<128x256xf32, #tpu.memory_space<hbm>>
      %dma_wait3A_39 = arith.constant 0 : i32
      %dma_wait3A_40 = tpu.memref_slice %arg4[%add3A_18, %dma_wait3A_39] : memref<16384x256xf32, #tpu.memory_space<hbm>> -> memref<128x256xf32, #tpu.memory_space<hbm>>
      tpu.wait_dma2 semaphore(%run_scoped3A : memref<!tpu.dma_semaphore, #tpu.memory_space<semaphore_mem>>) src(%arg6 : memref<128x256xf32, #tpu.memory_space<vmem>>) dst(%dma_wait3A_40 : memref<128x256xf32, #tpu.memory_space<hbm>>)
      tpu.yield
    }) : () -> ()
    %add3A_25 = arith.constant 384 : i32
    %add3A_26 = arith.addi %mul3A_2, %add3A_25 : i32
    "tpu.region"() ({
      %run_scoped3A = tpu.sem_alloc : memref<!tpu.dma_semaphore, #tpu.memory_space<semaphore_mem>>
      %dma_start3A_33 = tpu.memref_slice %arg3[%add3A_26] : memref<16384xi32, #tpu.memory_space<hbm>> -> memref<128xi32, #tpu.memory_space<hbm>>
      %dma_start3A_34 = tpu.memref_slice %arg3[%add3A_26] : memref<16384xi32, #tpu.memory_space<hbm>> -> memref<128xi32, #tpu.memory_space<hbm>>
      tpu.enqueue_dma source(%dma_start3A_34 : memref<128xi32, #tpu.memory_space<hbm>>) target(%arg5 : memref<128xi32, #tpu.memory_space<vmem>>) target_semaphore(%run_scoped3A : memref<!tpu.dma_semaphore, #tpu.memory_space<semaphore_mem>>)
      %dma_wait3A_35 = tpu.memref_slice %arg3[%add3A_26] : memref<16384xi32, #tpu.memory_space<hbm>> -> memref<128xi32, #tpu.memory_space<hbm>>
      %dma_wait3A_36 = tpu.memref_slice %arg3[%add3A_26] : memref<16384xi32, #tpu.memory_space<hbm>> -> memref<128xi32, #tpu.memory_space<hbm>>
      tpu.wait_dma2 semaphore(%run_scoped3A : memref<!tpu.dma_semaphore, #tpu.memory_space<semaphore_mem>>) src(%dma_wait3A_36 : memref<128xi32, #tpu.memory_space<hbm>>) dst(%arg5 : memref<128xi32, #tpu.memory_space<vmem>>)
      tpu.yield
    }) : () -> ()
    %dma_start3A_27 = arith.constant 0 : i32
    %dma_start3A_28 = arith.constant 0 : i32
    %dma_start3A_29 = tpu.memref_slice %arg2[%dma_start3A_27, %dma_start3A_28] : memref<16384x256xf32, #tpu.memory_space<hbm>> -> memref<16384x256xf32, #tpu.memory_space<hbm>>
    tpu.enqueue_indirect_dma source(%dma_start3A_29 : memref<16384x256xf32, #tpu.memory_space<hbm>>) target(%arg6 : memref<128x256xf32, #tpu.memory_space<vmem>>) offsets(%arg5 : memref<128xi32, #tpu.memory_space<vmem>>) semaphore(%arg7 : memref<!tpu.dma_semaphore, #tpu.memory_space<semaphore_mem>>)
    %dma_wait3A_30 = arith.constant 0 : i32
    %dma_wait3A_31 = arith.constant 0 : i32
    %dma_wait3A_32 = tpu.memref_slice %arg2[%dma_wait3A_30, %dma_wait3A_31] : memref<16384x256xf32, #tpu.memory_space<hbm>> -> memref<16384x256xf32, #tpu.memory_space<hbm>>
    tpu.wait_indirect_dma semaphore(%arg7 : memref<!tpu.dma_semaphore, #tpu.memory_space<semaphore_mem>>) src(%dma_wait3A_32 : memref<16384x256xf32, #tpu.memory_space<hbm>>) dst(%arg6 : memref<128x256xf32, #tpu.memory_space<vmem>>)
    "tpu.region"() ({
      %run_scoped3A = tpu.sem_alloc : memref<!tpu.dma_semaphore, #tpu.memory_space<semaphore_mem>>
      %dma_start3A_33 = arith.constant 0 : i32
      %dma_start3A_34 = tpu.memref_slice %arg4[%add3A_26, %dma_start3A_33] : memref<16384x256xf32, #tpu.memory_space<hbm>> -> memref<128x256xf32, #tpu.memory_space<hbm>>
      %dma_start3A_35 = arith.constant 0 : i32
      %dma_start3A_36 = tpu.memref_slice %arg4[%add3A_26, %dma_start3A_35] : memref<16384x256xf32, #tpu.memory_space<hbm>> -> memref<128x256xf32, #tpu.memory_space<hbm>>
      tpu.enqueue_dma source(%arg6 : memref<128x256xf32, #tpu.memory_space<vmem>>) target(%dma_start3A_36 : memref<128x256xf32, #tpu.memory_space<hbm>>) target_semaphore(%run_scoped3A : memref<!tpu.dma_semaphore, #tpu.memory_space<semaphore_mem>>)
      %dma_wait3A_37 = arith.constant 0 : i32
      %dma_wait3A_38 = tpu.memref_slice %arg4[%add3A_26, %dma_wait3A_37] : memref<16384x256xf32, #tpu.memory_space<hbm>> -> memref<128x256xf32, #tpu.memory_space<hbm>>
      %dma_wait3A_39 = arith.constant 0 : i32
      %dma_wait3A_40 = tpu.memref_slice %arg4[%add3A_26, %dma_wait3A_39] : memref<16384x256xf32, #tpu.memory_space<hbm>> -> memref<128x256xf32, #tpu.memory_space<hbm>>
      tpu.wait_dma2 semaphore(%run_scoped3A : memref<!tpu.dma_semaphore, #tpu.memory_space<semaphore_mem>>) src(%arg6 : memref<128x256xf32, #tpu.memory_space<vmem>>) dst(%dma_wait3A_40 : memref<128x256xf32, #tpu.memory_space<hbm>>)
      tpu.yield
    }) : () -> ()
    return
  }
}

#map = affine_map<(d0, d1) -> (0, 0)>
#map1 = affine_map<(d0, d1) -> (0)>
module attributes {stable_mosaic.version = 14 : i64} {
  func.func @body(%arg0: i32, %arg1: i32, %arg2: memref<16384x256xf32, #tpu.memory_space<hbm>>, %arg3: memref<16384xi32, #tpu.memory_space<hbm>>, %arg4: memref<16384x256xf32, #tpu.memory_space<hbm>>, %arg5: memref<128xi32, #tpu.memory_space<vmem>>, %arg6: memref<128x256xf32, #tpu.memory_space<vmem>>, %arg7: memref<!tpu.dma_semaphore, #tpu.memory_space<semaphore_mem>>) attributes {dimension_semantics = [#tpu.dimension_semantics<core_parallel>, #tpu.dimension_semantics<subcore_parallel>], iteration_bounds = array<i64: 2, 16>, scalar_prefetch = 0 : i64, scratch_operands = 3 : i64, tpu.core_type = #tpu.core_type<sc_vector_subcore>, window_params = [{transform_indices = #map}, {transform_indices = #map1}, {transform_indices = #map}]} {
    %mul3A = arith.constant 2 : i32
    %mul3A_0 = arith.muli %arg1, %mul3A : i32
    %add3A = arith.addi %mul3A_0, %arg0 : i32
    %mul3A_1 = arith.constant 512 : i32
    %mul3A_2 = arith.muli %add3A, %mul3A_1 : i32
    %add3A_3 = arith.constant 0 : i32
    %add3A_4 = arith.addi %mul3A_2, %add3A_3 : i32
    "tpu.region"() ({
      %run_scoped3A = tpu.sem_alloc : memref<!tpu.dma_semaphore, #tpu.memory_space<semaphore_mem>>
      %dma_start3A_33 = tpu.memref_slice %arg3[%add3A_4] : memref<16384xi32, #tpu.memory_space<hbm>> -> memref<128xi32, #tpu.memory_space<hbm>>
      %dma_start3A_34 = tpu.memref_slice %arg3[%add3A_4] : memref<16384xi32, #tpu.memory_space<hbm>> -> memref<128xi32, #tpu.memory_space<hbm>>
      tpu.enqueue_dma source(%dma_start3A_34 : memref<128xi32, #tpu.memory_space<hbm>>) target(%arg5 : memref<128xi32, #tpu.memory_space<vmem>>) target_semaphore(%run_scoped3A : memref<!tpu.dma_semaphore, #tpu.memory_space<semaphore_mem>>)
      %dma_wait3A_35 = tpu.memref_slice %arg3[%add3A_4] : memref<16384xi32, #tpu.memory_space<hbm>> -> memref<128xi32, #tpu.memory_space<hbm>>
      %dma_wait3A_36 = tpu.memref_slice %arg3[%add3A_4] : memref<16384xi32, #tpu.memory_space<hbm>> -> memref<128xi32, #tpu.memory_space<hbm>>
      tpu.wait_dma2 semaphore(%run_scoped3A : memref<!tpu.dma_semaphore, #tpu.memory_space<semaphore_mem>>) src(%dma_wait3A_36 : memref<128xi32, #tpu.memory_space<hbm>>) dst(%arg5 : memref<128xi32, #tpu.memory_space<vmem>>)
      tpu.yield
    }) : () -> ()
    %dma_start3A = arith.constant 0 : i32
    %dma_start3A_5 = arith.constant 0 : i32
    %dma_start3A_6 = tpu.memref_slice %arg2[%dma_start3A, %dma_start3A_5] : memref<16384x256xf32, #tpu.memory_space<hbm>> -> memref<16384x256xf32, #tpu.memory_space<hbm>>
    tpu.enqueue_indirect_dma source(%dma_start3A_6 : memref<16384x256xf32, #tpu.memory_space<hbm>>) target(%arg6 : memref<128x256xf32, #tpu.memory_space<vmem>>) offsets(%arg5 : memref<128xi32, #tpu.memory_space<vmem>>) semaphore(%arg7 : memref<!tpu.dma_semaphore, #tpu.memory_space<semaphore_mem>>)
    %dma_wait3A = arith.constant 0 : i32
    %dma_wait3A_7 = arith.constant 0 : i32
    %dma_wait3A_8 = tpu.memref_slice %arg2[%dma_wait3A, %dma_wait3A_7] : memref<16384x256xf32, #tpu.memory_space<hbm>> -> memref<16384x256xf32, #tpu.memory_space<hbm>>
    tpu.wait_indirect_dma semaphore(%arg7 : memref<!tpu.dma_semaphore, #tpu.memory_space<semaphore_mem>>) src(%dma_wait3A_8 : memref<16384x256xf32, #tpu.memory_space<hbm>>) dst(%arg6 : memref<128x256xf32, #tpu.memory_space<vmem>>)
    "tpu.region"() ({
      %run_scoped3A = tpu.sem_alloc : memref<!tpu.dma_semaphore, #tpu.memory_space<semaphore_mem>>
      %dma_start3A_33 = arith.constant 0 : i32
      %dma_start3A_34 = tpu.memref_slice %arg4[%add3A_4, %dma_start3A_33] : memref<16384x256xf32, #tpu.memory_space<hbm>> -> memref<128x256xf32, #tpu.memory_space<hbm>>
      %dma_start3A_35 = arith.constant 0 : i32
      %dma_start3A_36 = tpu.memref_slice %arg4[%add3A_4, %dma_start3A_35] : memref<16384x256xf32, #tpu.memory_space<hbm>> -> memref<128x256xf32, #tpu.memory_space<hbm>>
      tpu.enqueue_dma source(%arg6 : memref<128x256xf32, #tpu.memory_space<vmem>>) target(%dma_start3A_36 : memref<128x256xf32, #tpu.memory_space<hbm>>) target_semaphore(%run_scoped3A : memref<!tpu.dma_semaphore, #tpu.memory_space<semaphore_mem>>)
      %dma_wait3A_37 = arith.constant 0 : i32
      %dma_wait3A_38 = tpu.memref_slice %arg4[%add3A_4, %dma_wait3A_37] : memref<16384x256xf32, #tpu.memory_space<hbm>> -> memref<128x256xf32, #tpu.memory_space<hbm>>
      %dma_wait3A_39 = arith.constant 0 : i32
      %dma_wait3A_40 = tpu.memref_slice %arg4[%add3A_4, %dma_wait3A_39] : memref<16384x256xf32, #tpu.memory_space<hbm>> -> memref<128x256xf32, #tpu.memory_space<hbm>>
      tpu.wait_dma2 semaphore(%run_scoped3A : memref<!tpu.dma_semaphore, #tpu.memory_space<semaphore_mem>>) src(%arg6 : memref<128x256xf32, #tpu.memory_space<vmem>>) dst(%dma_wait3A_40 : memref<128x256xf32, #tpu.memory_space<hbm>>)
      tpu.yield
    }) : () -> ()
    %add3A_9 = arith.constant 128 : i32
    %add3A_10 = arith.addi %mul3A_2, %add3A_9 : i32
    "tpu.region"() ({
      %run_scoped3A = tpu.sem_alloc : memref<!tpu.dma_semaphore, #tpu.memory_space<semaphore_mem>>
      %dma_start3A_33 = tpu.memref_slice %arg3[%add3A_10] : memref<16384xi32, #tpu.memory_space<hbm>> -> memref<128xi32, #tpu.memory_space<hbm>>
      %dma_start3A_34 = tpu.memref_slice %arg3[%add3A_10] : memref<16384xi32, #tpu.memory_space<hbm>> -> memref<128xi32, #tpu.memory_space<hbm>>
      tpu.enqueue_dma source(%dma_start3A_34 : memref<128xi32, #tpu.memory_space<hbm>>) target(%arg5 : memref<128xi32, #tpu.memory_space<vmem>>) target_semaphore(%run_scoped3A : memref<!tpu.dma_semaphore, #tpu.memory_space<semaphore_mem>>)
      %dma_wait3A_35 = tpu.memref_slice %arg3[%add3A_10] : memref<16384xi32, #tpu.memory_space<hbm>> -> memref<128xi32, #tpu.memory_space<hbm>>
      %dma_wait3A_36 = tpu.memref_slice %arg3[%add3A_10] : memref<16384xi32, #tpu.memory_space<hbm>> -> memref<128xi32, #tpu.memory_space<hbm>>
      tpu.wait_dma2 semaphore(%run_scoped3A : memref<!tpu.dma_semaphore, #tpu.memory_space<semaphore_mem>>) src(%dma_wait3A_36 : memref<128xi32, #tpu.memory_space<hbm>>) dst(%arg5 : memref<128xi32, #tpu.memory_space<vmem>>)
      tpu.yield
    }) : () -> ()
    %dma_start3A_11 = arith.constant 0 : i32
    %dma_start3A_12 = arith.constant 0 : i32
    %dma_start3A_13 = tpu.memref_slice %arg2[%dma_start3A_11, %dma_start3A_12] : memref<16384x256xf32, #tpu.memory_space<hbm>> -> memref<16384x256xf32, #tpu.memory_space<hbm>>
    tpu.enqueue_indirect_dma source(%dma_start3A_13 : memref<16384x256xf32, #tpu.memory_space<hbm>>) target(%arg6 : memref<128x256xf32, #tpu.memory_space<vmem>>) offsets(%arg5 : memref<128xi32, #tpu.memory_space<vmem>>) semaphore(%arg7 : memref<!tpu.dma_semaphore, #tpu.memory_space<semaphore_mem>>)
    %dma_wait3A_14 = arith.constant 0 : i32
    %dma_wait3A_15 = arith.constant 0 : i32
    %dma_wait3A_16 = tpu.memref_slice %arg2[%dma_wait3A_14, %dma_wait3A_15] : memref<16384x256xf32, #tpu.memory_space<hbm>> -> memref<16384x256xf32, #tpu.memory_space<hbm>>
    tpu.wait_indirect_dma semaphore(%arg7 : memref<!tpu.dma_semaphore, #tpu.memory_space<semaphore_mem>>) src(%dma_wait3A_16 : memref<16384x256xf32, #tpu.memory_space<hbm>>) dst(%arg6 : memref<128x256xf32, #tpu.memory_space<vmem>>)
    "tpu.region"() ({
      %run_scoped3A = tpu.sem_alloc : memref<!tpu.dma_semaphore, #tpu.memory_space<semaphore_mem>>
      %dma_start3A_33 = arith.constant 0 : i32
      %dma_start3A_34 = tpu.memref_slice %arg4[%add3A_10, %dma_start3A_33] : memref<16384x256xf32, #tpu.memory_space<hbm>> -> memref<128x256xf32, #tpu.memory_space<hbm>>
      %dma_start3A_35 = arith.constant 0 : i32
      %dma_start3A_36 = tpu.memref_slice %arg4[%add3A_10, %dma_start3A_35] : memref<16384x256xf32, #tpu.memory_space<hbm>> -> memref<128x256xf32, #tpu.memory_space<hbm>>
      tpu.enqueue_dma source(%arg6 : memref<128x256xf32, #tpu.memory_space<vmem>>) target(%dma_start3A_36 : memref<128x256xf32, #tpu.memory_space<hbm>>) target_semaphore(%run_scoped3A : memref<!tpu.dma_semaphore, #tpu.memory_space<semaphore_mem>>)
      %dma_wait3A_37 = arith.constant 0 : i32
      %dma_wait3A_38 = tpu.memref_slice %arg4[%add3A_10, %dma_wait3A_37] : memref<16384x256xf32, #tpu.memory_space<hbm>> -> memref<128x256xf32, #tpu.memory_space<hbm>>
      %dma_wait3A_39 = arith.constant 0 : i32
      %dma_wait3A_40 = tpu.memref_slice %arg4[%add3A_10, %dma_wait3A_39] : memref<16384x256xf32, #tpu.memory_space<hbm>> -> memref<128x256xf32, #tpu.memory_space<hbm>>
      tpu.wait_dma2 semaphore(%run_scoped3A : memref<!tpu.dma_semaphore, #tpu.memory_space<semaphore_mem>>) src(%arg6 : memref<128x256xf32, #tpu.memory_space<vmem>>) dst(%dma_wait3A_40 : memref<128x256xf32, #tpu.memory_space<hbm>>)
      tpu.yield
    }) : () -> ()
    %add3A_17 = arith.constant 256 : i32
    %add3A_18 = arith.addi %mul3A_2, %add3A_17 : i32
    "tpu.region"() ({
      %run_scoped3A = tpu.sem_alloc : memref<!tpu.dma_semaphore, #tpu.memory_space<semaphore_mem>>
      %dma_start3A_33 = tpu.memref_slice %arg3[%add3A_18] : memref<16384xi32, #tpu.memory_space<hbm>> -> memref<128xi32, #tpu.memory_space<hbm>>
      %dma_start3A_34 = tpu.memref_slice %arg3[%add3A_18] : memref<16384xi32, #tpu.memory_space<hbm>> -> memref<128xi32, #tpu.memory_space<hbm>>
      tpu.enqueue_dma source(%dma_start3A_34 : memref<128xi32, #tpu.memory_space<hbm>>) target(%arg5 : memref<128xi32, #tpu.memory_space<vmem>>) target_semaphore(%run_scoped3A : memref<!tpu.dma_semaphore, #tpu.memory_space<semaphore_mem>>)
      %dma_wait3A_35 = tpu.memref_slice %arg3[%add3A_18] : memref<16384xi32, #tpu.memory_space<hbm>> -> memref<128xi32, #tpu.memory_space<hbm>>
      %dma_wait3A_36 = tpu.memref_slice %arg3[%add3A_18] : memref<16384xi32, #tpu.memory_space<hbm>> -> memref<128xi32, #tpu.memory_space<hbm>>
      tpu.wait_dma2 semaphore(%run_scoped3A : memref<!tpu.dma_semaphore, #tpu.memory_space<semaphore_mem>>) src(%dma_wait3A_36 : memref<128xi32, #tpu.memory_space<hbm>>) dst(%arg5 : memref<128xi32, #tpu.memory_space<vmem>>)
      tpu.yield
    }) : () -> ()
    %dma_start3A_19 = arith.constant 0 : i32
    %dma_start3A_20 = arith.constant 0 : i32
    %dma_start3A_21 = tpu.memref_slice %arg2[%dma_start3A_19, %dma_start3A_20] : memref<16384x256xf32, #tpu.memory_space<hbm>> -> memref<16384x256xf32, #tpu.memory_space<hbm>>
    tpu.enqueue_indirect_dma source(%dma_start3A_21 : memref<16384x256xf32, #tpu.memory_space<hbm>>) target(%arg6 : memref<128x256xf32, #tpu.memory_space<vmem>>) offsets(%arg5 : memref<128xi32, #tpu.memory_space<vmem>>) semaphore(%arg7 : memref<!tpu.dma_semaphore, #tpu.memory_space<semaphore_mem>>)
    %dma_wait3A_22 = arith.constant 0 : i32
    %dma_wait3A_23 = arith.constant 0 : i32
    %dma_wait3A_24 = tpu.memref_slice %arg2[%dma_wait3A_22, %dma_wait3A_23] : memref<16384x256xf32, #tpu.memory_space<hbm>> -> memref<16384x256xf32, #tpu.memory_space<hbm>>
    tpu.wait_indirect_dma semaphore(%arg7 : memref<!tpu.dma_semaphore, #tpu.memory_space<semaphore_mem>>) src(%dma_wait3A_24 : memref<16384x256xf32, #tpu.memory_space<hbm>>) dst(%arg6 : memref<128x256xf32, #tpu.memory_space<vmem>>)
    "tpu.region"() ({
      %run_scoped3A = tpu.sem_alloc : memref<!tpu.dma_semaphore, #tpu.memory_space<semaphore_mem>>
      %dma_start3A_33 = arith.constant 0 : i32
      %dma_start3A_34 = tpu.memref_slice %arg4[%add3A_18, %dma_start3A_33] : memref<16384x256xf32, #tpu.memory_space<hbm>> -> memref<128x256xf32, #tpu.memory_space<hbm>>
      %dma_start3A_35 = arith.constant 0 : i32
      %dma_start3A_36 = tpu.memref_slice %arg4[%add3A_18, %dma_start3A_35] : memref<16384x256xf32, #tpu.memory_space<hbm>> -> memref<128x256xf32, #tpu.memory_space<hbm>>
      tpu.enqueue_dma source(%arg6 : memref<128x256xf32, #tpu.memory_space<vmem>>) target(%dma_start3A_36 : memref<128x256xf32, #tpu.memory_space<hbm>>) target_semaphore(%run_scoped3A : memref<!tpu.dma_semaphore, #tpu.memory_space<semaphore_mem>>)
      %dma_wait3A_37 = arith.constant 0 : i32
      %dma_wait3A_38 = tpu.memref_slice %arg4[%add3A_18, %dma_wait3A_37] : memref<16384x256xf32, #tpu.memory_space<hbm>> -> memref<128x256xf32, #tpu.memory_space<hbm>>
      %dma_wait3A_39 = arith.constant 0 : i32
      %dma_wait3A_40 = tpu.memref_slice %arg4[%add3A_18, %dma_wait3A_39] : memref<16384x256xf32, #tpu.memory_space<hbm>> -> memref<128x256xf32, #tpu.memory_space<hbm>>
      tpu.wait_dma2 semaphore(%run_scoped3A : memref<!tpu.dma_semaphore, #tpu.memory_space<semaphore_mem>>) src(%arg6 : memref<128x256xf32, #tpu.memory_space<vmem>>) dst(%dma_wait3A_40 : memref<128x256xf32, #tpu.memory_space<hbm>>)
      tpu.yield
    }) : () -> ()
    %add3A_25 = arith.constant 384 : i32
    %add3A_26 = arith.addi %mul3A_2, %add3A_25 : i32
    "tpu.region"() ({
      %run_scoped3A = tpu.sem_alloc : memref<!tpu.dma_semaphore, #tpu.memory_space<semaphore_mem>>
      %dma_start3A_33 = tpu.memref_slice %arg3[%add3A_26] : memref<16384xi32, #tpu.memory_space<hbm>> -> memref<128xi32, #tpu.memory_space<hbm>>
      %dma_start3A_34 = tpu.memref_slice %arg3[%add3A_26] : memref<16384xi32, #tpu.memory_space<hbm>> -> memref<128xi32, #tpu.memory_space<hbm>>
      tpu.enqueue_dma source(%dma_start3A_34 : memref<128xi32, #tpu.memory_space<hbm>>) target(%arg5 : memref<128xi32, #tpu.memory_space<vmem>>) target_semaphore(%run_scoped3A : memref<!tpu.dma_semaphore, #tpu.memory_space<semaphore_mem>>)
      %dma_wait3A_35 = tpu.memref_slice %arg3[%add3A_26] : memref<16384xi32, #tpu.memory_space<hbm>> -> memref<128xi32, #tpu.memory_space<hbm>>
      %dma_wait3A_36 = tpu.memref_slice %arg3[%add3A_26] : memref<16384xi32, #tpu.memory_space<hbm>> -> memref<128xi32, #tpu.memory_space<hbm>>
      tpu.wait_dma2 semaphore(%run_scoped3A : memref<!tpu.dma_semaphore, #tpu.memory_space<semaphore_mem>>) src(%dma_wait3A_36 : memref<128xi32, #tpu.memory_space<hbm>>) dst(%arg5 : memref<128xi32, #tpu.memory_space<vmem>>)
      tpu.yield
    }) : () -> ()
    %dma_start3A_27 = arith.constant 0 : i32
    %dma_start3A_28 = arith.constant 0 : i32
    %dma_start3A_29 = tpu.memref_slice %arg2[%dma_start3A_27, %dma_start3A_28] : memref<16384x256xf32, #tpu.memory_space<hbm>> -> memref<16384x256xf32, #tpu.memory_space<hbm>>
    tpu.enqueue_indirect_dma source(%dma_start3A_29 : memref<16384x256xf32, #tpu.memory_space<hbm>>) target(%arg6 : memref<128x256xf32, #tpu.memory_space<vmem>>) offsets(%arg5 : memref<128xi32, #tpu.memory_space<vmem>>) semaphore(%arg7 : memref<!tpu.dma_semaphore, #tpu.memory_space<semaphore_mem>>)
    %dma_wait3A_30 = arith.constant 0 : i32
    %dma_wait3A_31 = arith.constant 0 : i32
    %dma_wait3A_32 = tpu.memref_slice %arg2[%dma_wait3A_30, %dma_wait3A_31] : memref<16384x256xf32, #tpu.memory_space<hbm>> -> memref<16384x256xf32, #tpu.memory_space<hbm>>
    tpu.wait_indirect_dma semaphore(%arg7 : memref<!tpu.dma_semaphore, #tpu.memory_space<semaphore_mem>>) src(%dma_wait3A_32 : memref<16384x256xf32, #tpu.memory_space<hbm>>) dst(%arg6 : memref<128x256xf32, #tpu.memory_space<vmem>>)
    "tpu.region"() ({
      %run_scoped3A = tpu.sem_alloc : memref<!tpu.dma_semaphore, #tpu.memory_space<semaphore_mem>>
      %dma_start3A_33 = arith.constant 0 : i32
      %dma_start3A_34 = tpu.memref_slice %arg4[%add3A_26, %dma_start3A_33] : memref<16384x256xf32, #tpu.memory_space<hbm>> -> memref<128x256xf32, #tpu.memory_space<hbm>>
      %dma_start3A_35 = arith.constant 0 : i32
      %dma_start3A_36 = tpu.memref_slice %arg4[%add3A_26, %dma_start3A_35] : memref<16384x256xf32, #tpu.memory_space<hbm>> -> memref<128x256xf32, #tpu.memory_space<hbm>>
      tpu.enqueue_dma source(%arg6 : memref<128x256xf32, #tpu.memory_space<vmem>>) target(%dma_start3A_36 : memref<128x256xf32, #tpu.memory_space<hbm>>) target_semaphore(%run_scoped3A : memref<!tpu.dma_semaphore, #tpu.memory_space<semaphore_mem>>)
      %dma_wait3A_37 = arith.constant 0 : i32
      %dma_wait3A_38 = tpu.memref_slice %arg4[%add3A_26, %dma_wait3A_37] : memref<16384x256xf32, #tpu.memory_space<hbm>> -> memref<128x256xf32, #tpu.memory_space<hbm>>
      %dma_wait3A_39 = arith.constant 0 : i32
      %dma_wait3A_40 = tpu.memref_slice %arg4[%add3A_26, %dma_wait3A_39] : memref<16384x256xf32, #tpu.memory_space<hbm>> -> memref<128x256xf32, #tpu.memory_space<hbm>>
      tpu.wait_dma2 semaphore(%run_scoped3A : memref<!tpu.dma_semaphore, #tpu.memory_space<semaphore_mem>>) src(%arg6 : memref<128x256xf32, #tpu.memory_space<vmem>>) dst(%dma_wait3A_40 : memref<128x256xf32, #tpu.memory_space<hbm>>)
      tpu.yield
    }) : () -> ()
    return
  }
}

module attributes {stable_mosaic.version = 14 : i64} {
  func.func @body(%arg0: memref<384x8xf32, #tpu.memory_space<vmem>>, %arg1: memref<4096x8xf32, #tpu.memory_space<vmem>>) attributes {dimension_semantics = [], scalar_prefetch = 0 : i64, scratch_operands = 0 : i64, tpu.core_type = #tpu.core_type<tc>} {
    %iota3A = tpu.iota {dimensions = array<i32: 0>} : vector<4096x1xi32>
    %shift_right_arithmetic3A = arith.constant 6 : i32
    %shift_right_arithmetic3A_0 = vector.broadcast %shift_right_arithmetic3A : i32 to vector<4096x1xi32>
    %shift_right_arithmetic3A_1 = arith.shrsi %iota3A, %shift_right_arithmetic3A_0 : vector<4096x1xi32>
    %and3A = arith.constant 63 : i32
    %and3A_2 = vector.broadcast %and3A : i32 to vector<4096x1xi32>
    %and3A_3 = arith.andi %iota3A, %and3A_2 : vector<4096x1xi32>
    %shift_right_arithmetic3A_4 = arith.constant 4 : i32
    %shift_right_arithmetic3A_5 = vector.broadcast %shift_right_arithmetic3A_4 : i32 to vector<4096x1xi32>
    %shift_right_arithmetic3A_6 = arith.shrsi %shift_right_arithmetic3A_1, %shift_right_arithmetic3A_5 : vector<4096x1xi32>
    %shift_right_arithmetic3A_7 = arith.constant 4 : i32
    %shift_right_arithmetic3A_8 = vector.broadcast %shift_right_arithmetic3A_7 : i32 to vector<4096x1xi32>
    %shift_right_arithmetic3A_9 = arith.shrsi %and3A_3, %shift_right_arithmetic3A_8 : vector<4096x1xi32>
    %sub3A = arith.subi %shift_right_arithmetic3A_6, %shift_right_arithmetic3A_9 : vector<4096x1xi32>
    %add3A = arith.constant 3 : i32
    %add3A_10 = vector.broadcast %add3A : i32 to vector<4096x1xi32>
    %add3A_11 = arith.addi %sub3A, %add3A_10 : vector<4096x1xi32>
    %shift_right_arithmetic3A_12 = arith.constant 2 : i32
    %shift_right_arithmetic3A_13 = vector.broadcast %shift_right_arithmetic3A_12 : i32 to vector<4096x1xi32>
    %shift_right_arithmetic3A_14 = arith.shrsi %shift_right_arithmetic3A_1, %shift_right_arithmetic3A_13 : vector<4096x1xi32>
    %and3A_15 = arith.constant 3 : i32
    %and3A_16 = vector.broadcast %and3A_15 : i32 to vector<4096x1xi32>
    %and3A_17 = arith.andi %shift_right_arithmetic3A_14, %and3A_16 : vector<4096x1xi32>
    %shift_right_arithmetic3A_18 = arith.constant 2 : i32
    %shift_right_arithmetic3A_19 = vector.broadcast %shift_right_arithmetic3A_18 : i32 to vector<4096x1xi32>
    %shift_right_arithmetic3A_20 = arith.shrsi %and3A_3, %shift_right_arithmetic3A_19 : vector<4096x1xi32>
    %and3A_21 = arith.constant 3 : i32
    %and3A_22 = vector.broadcast %and3A_21 : i32 to vector<4096x1xi32>
    %and3A_23 = arith.andi %shift_right_arithmetic3A_20, %and3A_22 : vector<4096x1xi32>
    %sub3A_24 = arith.subi %and3A_17, %and3A_23 : vector<4096x1xi32>
    %add3A_25 = arith.constant 3 : i32
    %add3A_26 = vector.broadcast %add3A_25 : i32 to vector<4096x1xi32>
    %add3A_27 = arith.addi %sub3A_24, %add3A_26 : vector<4096x1xi32>
    %and3A_28 = arith.constant 3 : i32
    %and3A_29 = vector.broadcast %and3A_28 : i32 to vector<4096x1xi32>
    %and3A_30 = arith.andi %shift_right_arithmetic3A_1, %and3A_29 : vector<4096x1xi32>
    %and3A_31 = arith.constant 3 : i32
    %and3A_32 = vector.broadcast %and3A_31 : i32 to vector<4096x1xi32>
    %and3A_33 = arith.andi %and3A_3, %and3A_32 : vector<4096x1xi32>
    %sub3A_34 = arith.subi %and3A_30, %and3A_33 : vector<4096x1xi32>
    %add3A_35 = arith.constant 3 : i32
    %add3A_36 = vector.broadcast %add3A_35 : i32 to vector<4096x1xi32>
    %add3A_37 = arith.addi %sub3A_34, %add3A_36 : vector<4096x1xi32>
    %mul3A = arith.constant 7 : i32
    %mul3A_38 = vector.broadcast %mul3A : i32 to vector<4096x1xi32>
    %mul3A_39 = arith.muli %add3A_11, %mul3A_38 : vector<4096x1xi32>
    %add3A_40 = arith.addi %mul3A_39, %add3A_27 : vector<4096x1xi32>
    %mul3A_41 = arith.constant 7 : i32
    %mul3A_42 = vector.broadcast %mul3A_41 : i32 to vector<4096x1xi32>
    %mul3A_43 = arith.muli %add3A_40, %mul3A_42 : vector<4096x1xi32>
    %add3A_44 = arith.addi %mul3A_43, %add3A_37 : vector<4096x1xi32>
    %iota3A_45 = tpu.iota {dimensions = array<i32: 1>} : vector<4096x384xi32>
    %eq3A = vector.broadcast %add3A_44 : vector<4096x1xi32> to vector<4096x384xi32>
    %eq3A_46 = arith.cmpi eq, %iota3A_45, %eq3A : vector<4096x384xi32>
    %convert_element_type3A = arith.extui %eq3A_46 : vector<4096x384xi1> to vector<4096x384xi32>
    %convert_element_type3A_47 = arith.sitofp %convert_element_type3A : vector<4096x384xi32> to vector<4096x384xf32>
    %get3A = arith.constant 0 : index
    %get3A_48 = arith.constant 0 : index
    %get3A_49 = vector.load %arg0[%get3A, %get3A_48] : memref<384x8xf32, #tpu.memory_space<vmem>>, vector<384x8xf32>
    %dot_general3A = arith.constant dense<0.000000e+00> : vector<4096x8xf32>
    %dot_general3A_50 = tpu.matmul %convert_element_type3A_47, %get3A_49, %dot_general3A {dimension_numbers = #tpu.dot_dimension_numbers<[1], [0], [0], [1], [0, 0, 1, 1], [], []>, transpose_lhs_hint = false} : vector<4096x384xf32>, vector<384x8xf32>, vector<4096x8xf32> -> vector<4096x8xf32>
    %swap3A = arith.constant 0 : index
    %swap3A_51 = arith.constant 0 : index
    %swap3A_52 = vector.load %arg1[%swap3A, %swap3A_51] : memref<4096x8xf32, #tpu.memory_space<vmem>>, vector<4096x8xf32>
    tpu.vector_store %arg1[%swap3A, %swap3A_51], %dot_general3A_50 {strides = array<i32>} : memref<4096x8xf32, #tpu.memory_space<vmem>>, vector<4096x8xf32>,
    return
  }
}

module attributes {stable_mosaic.version = 14 : i64} {
  func.func @body(%arg0: i32, %arg1: memref<256x256xf32, #tpu.memory_space<vmem>>, %arg2: memref<256x768xf32, #tpu.memory_space<vmem>>, %arg3: memref<1x768xf32, #tpu.memory_space<vmem>>, %arg4: memref<256x256xbf16, #tpu.memory_space<vmem>>, %arg5: memref<256x512xbf16, #tpu.memory_space<vmem>>) attributes {dimension_semantics = [#tpu.dimension_semantics<arbitrary>], iteration_bounds = array<i64: 64>, scalar_prefetch = 0 : i64, scratch_operands = 0 : i64, tpu.core_type = #tpu.core_type<tc>, window_params = [{transform_indices = @transform_0, window_bounds = array<i64: 256, 256>}, {pipeline_mode = #tpu.pipeline_mode<synchronous>, transform_indices = @transform_1, window_bounds = array<i64: 256, 768>}, {pipeline_mode = #tpu.pipeline_mode<synchronous>, transform_indices = @transform_2, window_bounds = array<i64: 1, 768>}, {transform_indices = @transform_3, window_bounds = array<i64: 256, 256>}, {transform_indices = @transform_4, window_bounds = array<i64: 256, 512>}]} {
    %get3A = arith.constant 0 : index
    %get3A_0 = arith.constant 0 : index
    %get3A_1 = vector.load %arg1[%get3A, %get3A_0] : memref<256x256xf32, #tpu.memory_space<vmem>>, vector<256x256xf32>
    %get3A_2 = arith.constant 0 : index
    %get3A_3 = arith.constant 0 : index
    %get3A_4 = vector.load %arg2[%get3A_2, %get3A_3] : memref<256x768xf32, #tpu.memory_space<vmem>>, vector<256x768xf32>
    %dot_general3A = arith.constant dense<0.000000e+00> : vector<256x768xf32>
    %dot_general3A_5 = tpu.matmul %get3A_1, %get3A_4, %dot_general3A {dimension_numbers = #tpu.dot_dimension_numbers<[1], [0], [0], [1], [0, 0, 1, 1], [], []>, transpose_lhs_hint = false} : vector<256x256xf32>, vector<256x768xf32>, vector<256x768xf32> -> vector<256x768xf32>
    %get3A_6 = arith.constant 0 : index
    %get3A_7 = arith.constant 0 : index
    %get3A_8 = vector.load %arg3[%get3A_6, %get3A_7] : memref<1x768xf32, #tpu.memory_space<vmem>>, vector<1x768xf32>
    %add3A = vector.broadcast %get3A_8 : vector<1x768xf32> to vector<256x768xf32>
    %add3A_9 = arith.addf %dot_general3A_5, %add3A : vector<256x768xf32>
    %slice3A = vector.extract_strided_slice %add3A_9 {offsets = [0, 0], sizes = [256, 256], strides = [1, 1]} : vector<256x768xf32> to vector<256x256xf32>
    %mul3A = arith.constant 0.176776692 : f32
    %mul3A_10 = vector.broadcast %mul3A : f32 to vector<256x256xf32>
    %mul3A_11 = arith.mulf %slice3A, %mul3A_10 : vector<256x256xf32>
    %convert_element_type3A = arith.truncf %mul3A_11 : vector<256x256xf32> to vector<256x256xbf16>
    %swap3A = arith.constant 0 : index
    %swap3A_12 = arith.constant 0 : index
    %swap3A_13 = vector.load %arg4[%swap3A, %swap3A_12] : memref<256x256xbf16, #tpu.memory_space<vmem>>, vector<256x256xbf16>
    tpu.vector_store %arg4[%swap3A, %swap3A_12], %convert_element_type3A {strides = array<i32>} : memref<256x256xbf16, #tpu.memory_space<vmem>>, vector<256x256xbf16>,
    %slice3A_14 = vector.extract_strided_slice %add3A_9 {offsets = [0, 256], sizes = [256, 512], strides = [1, 1]} : vector<256x768xf32> to vector<256x512xf32>
    %convert_element_type3A_15 = arith.truncf %slice3A_14 : vector<256x512xf32> to vector<256x512xbf16>
    %swap3A_16 = arith.constant 0 : index
    %swap3A_17 = arith.constant 0 : index
    %swap3A_18 = vector.load %arg5[%swap3A_16, %swap3A_17] : memref<256x512xbf16, #tpu.memory_space<vmem>>, vector<256x512xbf16>
    tpu.vector_store %arg5[%swap3A_16, %swap3A_17], %convert_element_type3A_15 {strides = array<i32>} : memref<256x512xbf16, #tpu.memory_space<vmem>>, vector<256x512xbf16>,
    return
  }
  func.func @transform_0(%arg0: i32) -> (i32, i32) {
    %c0_i32 = arith.constant 0 : i32
    %c0_i32_0 = arith.constant 0 : i32
    return %arg0, %c0_i32 : i32, i32
  }
  func.func @transform_1(%arg0: i32) -> (i32, i32) {
    %c0_i32 = arith.constant 0 : i32
    %c0_i32_0 = arith.constant 0 : i32
    %c0_i32_1 = arith.constant 0 : i32
    return %c0_i32, %c0_i32_0 : i32, i32
  }
  func.func @transform_2(%arg0: i32) -> (i32, i32) {
    %c0_i32 = arith.constant 0 : i32
    %c0_i32_0 = arith.constant 0 : i32
    %c0_i32_1 = arith.constant 0 : i32
    return %c0_i32, %c0_i32_0 : i32, i32
  }
  func.func @transform_3(%arg0: i32) -> (i32, i32) {
    %c0_i32 = arith.constant 0 : i32
    %c0_i32_0 = arith.constant 0 : i32
    return %arg0, %c0_i32 : i32, i32
  }
  func.func @transform_4(%arg0: i32) -> (i32, i32) {
    %c0_i32 = arith.constant 0 : i32
    %c0_i32_0 = arith.constant 0 : i32
    return %arg0, %c0_i32 : i32, i32
  }
}

module attributes {stable_mosaic.version = 14 : i64} {
  func.func @body(%arg0: i32, %arg1: memref<128xi32, #tpu.memory_space<smem>>, %arg2: memref<128xi32, #tpu.memory_space<smem>>, %arg3: memref<128xi32, #tpu.memory_space<smem>>, %arg4: memref<128xi32, #tpu.memory_space<smem>>, %arg5: memref<128x256xbf16, #tpu.memory_space<vmem>>, %arg6: memref<128x512xbf16, #tpu.memory_space<vmem>>, %arg7: memref<128x512xbf16, #tpu.memory_space<vmem>>, %arg8: memref<128x512xbf16, #tpu.memory_space<vmem>>, %arg9: memref<1x1x128xi32, #tpu.memory_space<vmem>>, %arg10: memref<1x1x128xi32, #tpu.memory_space<vmem>>, %arg11: memref<1x1x128xi32, #tpu.memory_space<vmem>>, %arg12: memref<1x1x128xi32, #tpu.memory_space<vmem>>, %arg13: memref<1x1x128xi32, #tpu.memory_space<vmem>>, %arg14: memref<1x1x128xi32, #tpu.memory_space<vmem>>, %arg15: memref<8x64x64xbf16, #tpu.memory_space<vmem>>, %arg16: memref<256x256xbf16, #tpu.memory_space<vmem>>, %arg17: memref<1x256xf32, #tpu.memory_space<vmem>>, %arg18: memref<128x1xi32, #tpu.memory_space<vmem>>, %arg19: memref<128x1xi32, #tpu.memory_space<vmem>>, %arg20: memref<128x256xf32, #tpu.memory_space<vmem>>) attributes {dimension_semantics = [#tpu.dimension_semantics<arbitrary>], iteration_bounds = array<i64: 128>, scalar_prefetch = 4 : i64, scratch_operands = 0 : i64, tpu.core_type = #tpu.core_type<tc>, window_params = [{transform_indices = @transform_0, window_bounds = array<i64: 128, 256>}, {transform_indices = @transform_1, window_bounds = array<i64: 128, 512>}, {transform_indices = @transform_2, window_bounds = array<i64: 128, 512>}, {transform_indices = @transform_3, window_bounds = array<i64: 128, 512>}, {transform_indices = @transform_4, window_bounds = array<i64: 1, 1, 128>}, {transform_indices = @transform_5, window_bounds = array<i64: 1, 1, 128>}, {transform_indices = @transform_6, window_bounds = array<i64: 1, 1, 128>}, {transform_indices = @transform_7, window_bounds = array<i64: 1, 1, 128>}, {transform_indices = @transform_8, window_bounds = array<i64: 1, 1, 128>}, {transform_indices = @transform_9, window_bounds = array<i64: 1, 1, 128>}, {pipeline_mode = #tpu.pipeline_mode<synchronous>, transform_indices = @transform_10, window_bounds = array<i64: 8, 64, 64>}, {pipeline_mode = #tpu.pipeline_mode<synchronous>, transform_indices = @transform_11, window_bounds = array<i64: 256, 256>}, {pipeline_mode = #tpu.pipeline_mode<synchronous>, transform_indices = @transform_12, window_bounds = array<i64: 1, 256>}, {transform_indices = @transform_13, window_bounds = array<i64: 128, 1>}, {transform_indices = @transform_14, window_bounds = array<i64: 128, 1>}, {transform_indices = @transform_15, window_bounds = array<i64: 128, 256>}]} {
    %get3A = arith.index_cast %arg0 : i32 to index
    %get3A_0 = memref.load %arg4[%get3A] : memref<128xi32, #tpu.memory_space<smem>>
    %get3A_1 = arith.constant 0 : index
    %get3A_2 = arith.constant 0 : index
    %get3A_3 = vector.load %arg18[%get3A_1, %get3A_2] : memref<128x1xi32, #tpu.memory_space<vmem>>, vector<128x1xi32>
    %get3A_4 = arith.constant 0 : index
    %get3A_5 = arith.constant 0 : index
    %get3A_6 = vector.load %arg19[%get3A_4, %get3A_5] : memref<128x1xi32, #tpu.memory_space<vmem>>, vector<128x1xi32>
    %iota3A = tpu.iota {dimensions = array<i32: 1>} : vector<128x64xi32>
    %eq3A = vector.broadcast %get3A_6 : vector<128x1xi32> to vector<128x64xi32>
    %eq3A_7 = arith.cmpi eq, %iota3A, %eq3A : vector<128x64xi32>
    %convert_element_type3A = arith.extui %eq3A_7 : vector<128x64xi1> to vector<128x64xi32>
    %convert_element_type3A_8 = arith.sitofp %convert_element_type3A : vector<128x64xi32> to vector<128x64xf32>
    %convert_element_type3A_9 = arith.truncf %convert_element_type3A_8 : vector<128x64xf32> to vector<128x64xbf16>
    %iota3A_10 = tpu.iota {dimensions = array<i32: 0>} : vector<64x128xi32>
    %get3A_11 = arith.constant 0 : index
    %get3A_12 = arith.constant 0 : index
    %get3A_13 = vector.load %arg5[%get3A_11, %get3A_12] : memref<128x256xbf16, #tpu.memory_space<vmem>>, vector<128x32xbf16>
    %get3A_14 = arith.constant 0 : index
    %get3A_15 = arith.constant 0 : index
    %get3A_16 = arith.constant 0 : index
    %get3A_17 = vector.load %arg15[%get3A_14, %get3A_15, %get3A_16] : memref<8x64x64xbf16, #tpu.memory_space<vmem>>, vector<1x64x64xbf16>
    %get3A_18 = vector.shape_cast %get3A_17 : vector<1x64x64xbf16> to vector<64x64xbf16>
    %dot_general3A = arith.constant dense<0.000000e+00> : vector<128x64xf32>
    %dot_general3A_19 = tpu.matmul %convert_element_type3A_9, %get3A_18, %dot_general3A {dimension_numbers = #tpu.dot_dimension_numbers<[1], [0], [0], [1], [0, 0, 1, 1], [], []>, transpose_lhs_hint = false} : vector<128x64xbf16>, vector<64x64xbf16>, vector<128x64xf32> -> vector<128x64xf32>
    %convert_element_type3A_20 = arith.truncf %dot_general3A_19 : vector<128x64xf32> to vector<128x64xbf16>
    %get3A_21 = arith.constant 0 : index
    %get3A_22 = arith.constant 32 : index
    %get3A_23 = vector.load %arg5[%get3A_21, %get3A_22] : memref<128x256xbf16, #tpu.memory_space<vmem>>, vector<128x32xbf16>
    %get3A_24 = arith.constant 1 : index
    %get3A_25 = arith.constant 0 : index
    %get3A_26 = arith.constant 0 : index
    %get3A_27 = vector.load %arg15[%get3A_24, %get3A_25, %get3A_26] : memref<8x64x64xbf16, #tpu.memory_space<vmem>>, vector<1x64x64xbf16>
    %get3A_28 = vector.shape_cast %get3A_27 : vector<1x64x64xbf16> to vector<64x64xbf16>
    %dot_general3A_29 = arith.constant dense<0.000000e+00> : vector<128x64xf32>
    %dot_general3A_30 = tpu.matmul %convert_element_type3A_9, %get3A_28, %dot_general3A_29 {dimension_numbers = #tpu.dot_dimension_numbers<[1], [0], [0], [1], [0, 0, 1, 1], [], []>, transpose_lhs_hint = false} : vector<128x64xbf16>, vector<64x64xbf16>, vector<128x64xf32> -> vector<128x64xf32>
    %convert_element_type3A_31 = arith.truncf %dot_general3A_30 : vector<128x64xf32> to vector<128x64xbf16>
    %get3A_32 = arith.constant 0 : index
    %get3A_33 = arith.constant 64 : index
    %get3A_34 = vector.load %arg5[%get3A_32, %get3A_33] : memref<128x256xbf16, #tpu.memory_space<vmem>>, vector<128x32xbf16>
    %get3A_35 = arith.constant 2 : index
    %get3A_36 = arith.constant 0 : index
    %get3A_37 = arith.constant 0 : index
    %get3A_38 = vector.load %arg15[%get3A_35, %get3A_36, %get3A_37] : memref<8x64x64xbf16, #tpu.memory_space<vmem>>, vector<1x64x64xbf16>
    %get3A_39 = vector.shape_cast %get3A_38 : vector<1x64x64xbf16> to vector<64x64xbf16>
    %dot_general3A_40 = arith.constant dense<0.000000e+00> : vector<128x64xf32>
    %dot_general3A_41 = tpu.matmul %convert_element_type3A_9, %get3A_39, %dot_general3A_40 {dimension_numbers = #tpu.dot_dimension_numbers<[1], [0], [0], [1], [0, 0, 1, 1], [], []>, transpose_lhs_hint = false} : vector<128x64xbf16>, vector<64x64xbf16>, vector<128x64xf32> -> vector<128x64xf32>
    %convert_element_type3A_42 = arith.truncf %dot_general3A_41 : vector<128x64xf32> to vector<128x64xbf16>
    %get3A_43 = arith.constant 0 : index
    %get3A_44 = arith.constant 96 : index
    %get3A_45 = vector.load %arg5[%get3A_43, %get3A_44] : memref<128x256xbf16, #tpu.memory_space<vmem>>, vector<128x32xbf16>
    %get3A_46 = arith.constant 3 : index
    %get3A_47 = arith.constant 0 : index
    %get3A_48 = arith.constant 0 : index
    %get3A_49 = vector.load %arg15[%get3A_46, %get3A_47, %get3A_48] : memref<8x64x64xbf16, #tpu.memory_space<vmem>>, vector<1x64x64xbf16>
    %get3A_50 = vector.shape_cast %get3A_49 : vector<1x64x64xbf16> to vector<64x64xbf16>
    %dot_general3A_51 = arith.constant dense<0.000000e+00> : vector<128x64xf32>
    %dot_general3A_52 = tpu.matmul %convert_element_type3A_9, %get3A_50, %dot_general3A_51 {dimension_numbers = #tpu.dot_dimension_numbers<[1], [0], [0], [1], [0, 0, 1, 1], [], []>, transpose_lhs_hint = false} : vector<128x64xbf16>, vector<64x64xbf16>, vector<128x64xf32> -> vector<128x64xf32>
    %convert_element_type3A_53 = arith.truncf %dot_general3A_52 : vector<128x64xf32> to vector<128x64xbf16>
    %get3A_54 = arith.constant 0 : index
    %get3A_55 = arith.constant 128 : index
    %get3A_56 = vector.load %arg5[%get3A_54, %get3A_55] : memref<128x256xbf16, #tpu.memory_space<vmem>>, vector<128x32xbf16>
    %get3A_57 = arith.constant 4 : index
    %get3A_58 = arith.constant 0 : index
    %get3A_59 = arith.constant 0 : index
    %get3A_60 = vector.load %arg15[%get3A_57, %get3A_58, %get3A_59] : memref<8x64x64xbf16, #tpu.memory_space<vmem>>, vector<1x64x64xbf16>
    %get3A_61 = vector.shape_cast %get3A_60 : vector<1x64x64xbf16> to vector<64x64xbf16>
    %dot_general3A_62 = arith.constant dense<0.000000e+00> : vector<128x64xf32>
    %dot_general3A_63 = tpu.matmul %convert_element_type3A_9, %get3A_61, %dot_general3A_62 {dimension_numbers = #tpu.dot_dimension_numbers<[1], [0], [0], [1], [0, 0, 1, 1], [], []>, transpose_lhs_hint = false} : vector<128x64xbf16>, vector<64x64xbf16>, vector<128x64xf32> -> vector<128x64xf32>
    %convert_element_type3A_64 = arith.truncf %dot_general3A_63 : vector<128x64xf32> to vector<128x64xbf16>
    %get3A_65 = arith.constant 0 : index
    %get3A_66 = arith.constant 160 : index
    %get3A_67 = vector.load %arg5[%get3A_65, %get3A_66] : memref<128x256xbf16, #tpu.memory_space<vmem>>, vector<128x32xbf16>
    %get3A_68 = arith.constant 5 : index
    %get3A_69 = arith.constant 0 : index
    %get3A_70 = arith.constant 0 : index
    %get3A_71 = vector.load %arg15[%get3A_68, %get3A_69, %get3A_70] : memref<8x64x64xbf16, #tpu.memory_space<vmem>>, vector<1x64x64xbf16>
    %get3A_72 = vector.shape_cast %get3A_71 : vector<1x64x64xbf16> to vector<64x64xbf16>
    %dot_general3A_73 = arith.constant dense<0.000000e+00> : vector<128x64xf32>
    %dot_general3A_74 = tpu.matmul %convert_element_type3A_9, %get3A_72, %dot_general3A_73 {dimension_numbers = #tpu.dot_dimension_numbers<[1], [0], [0], [1], [0, 0, 1, 1], [], []>, transpose_lhs_hint = false} : vector<128x64xbf16>, vector<64x64xbf16>, vector<128x64xf32> -> vector<128x64xf32>
    %convert_element_type3A_75 = arith.truncf %dot_general3A_74 : vector<128x64xf32> to vector<128x64xbf16>
    %get3A_76 = arith.constant 0 : index
    %get3A_77 = arith.constant 192 : index
    %get3A_78 = vector.load %arg5[%get3A_76, %get3A_77] : memref<128x256xbf16, #tpu.memory_space<vmem>>, vector<128x32xbf16>
    %get3A_79 = arith.constant 6 : index
    %get3A_80 = arith.constant 0 : index
    %get3A_81 = arith.constant 0 : index
    %get3A_82 = vector.load %arg15[%get3A_79, %get3A_80, %get3A_81] : memref<8x64x64xbf16, #tpu.memory_space<vmem>>, vector<1x64x64xbf16>
    %get3A_83 = vector.shape_cast %get3A_82 : vector<1x64x64xbf16> to vector<64x64xbf16>
    %dot_general3A_84 = arith.constant dense<0.000000e+00> : vector<128x64xf32>
    %dot_general3A_85 = tpu.matmul %convert_element_type3A_9, %get3A_83, %dot_general3A_84 {dimension_numbers = #tpu.dot_dimension_numbers<[1], [0], [0], [1], [0, 0, 1, 1], [], []>, transpose_lhs_hint = false} : vector<128x64xbf16>, vector<64x64xbf16>, vector<128x64xf32> -> vector<128x64xf32>
    %convert_element_type3A_86 = arith.truncf %dot_general3A_85 : vector<128x64xf32> to vector<128x64xbf16>
    %get3A_87 = arith.constant 0 : index
    %get3A_88 = arith.constant 224 : index
    %get3A_89 = vector.load %arg5[%get3A_87, %get3A_88] : memref<128x256xbf16, #tpu.memory_space<vmem>>, vector<128x32xbf16>
    %get3A_90 = arith.constant 7 : index
    %get3A_91 = arith.constant 0 : index
    %get3A_92 = arith.constant 0 : index
    %get3A_93 = vector.load %arg15[%get3A_90, %get3A_91, %get3A_92] : memref<8x64x64xbf16, #tpu.memory_space<vmem>>, vector<1x64x64xbf16>
    %get3A_94 = vector.shape_cast %get3A_93 : vector<1x64x64xbf16> to vector<64x64xbf16>
    %dot_general3A_95 = arith.constant dense<0.000000e+00> : vector<128x64xf32>
    %dot_general3A_96 = tpu.matmul %convert_element_type3A_9, %get3A_94, %dot_general3A_95 {dimension_numbers = #tpu.dot_dimension_numbers<[1], [0], [0], [1], [0, 0, 1, 1], [], []>, transpose_lhs_hint = false} : vector<128x64xbf16>, vector<64x64xbf16>, vector<128x64xf32> -> vector<128x64xf32>
    %convert_element_type3A_97 = arith.truncf %dot_general3A_96 : vector<128x64xf32> to vector<128x64xbf16>
    %get3A_98 = arith.constant 0 : index
    %get3A_99 = arith.constant 0 : index
    %get3A_100 = vector.load %arg6[%get3A_98, %get3A_99] : memref<128x512xbf16, #tpu.memory_space<vmem>>, vector<128x512xbf16>
    %get3A_101 = arith.constant 0 : index
    %get3A_102 = arith.constant 0 : index
    %get3A_103 = vector.load %arg7[%get3A_101, %get3A_102] : memref<128x512xbf16, #tpu.memory_space<vmem>>, vector<128x512xbf16>
    %get3A_104 = arith.constant 0 : index
    %get3A_105 = arith.constant 0 : index
    %get3A_106 = vector.load %arg8[%get3A_104, %get3A_105] : memref<128x512xbf16, #tpu.memory_space<vmem>>, vector<128x512xbf16>
    %get3A_107 = arith.constant 0 : index
    %get3A_108 = arith.constant 0 : index
    %get3A_109 = arith.constant 0 : index
    %get3A_110 = vector.load %arg9[%get3A_107, %get3A_108, %get3A_109] : memref<1x1x128xi32, #tpu.memory_space<vmem>>, vector<1x1x128xi32>
    %get3A_111 = vector.shape_cast %get3A_110 : vector<1x1x128xi32> to vector<1x128xi32>
    %eq3A_112 = vector.broadcast %get3A_3 : vector<128x1xi32> to vector<128x128xi32>
    %eq3A_113 = vector.broadcast %get3A_111 : vector<1x128xi32> to vector<128x128xi32>
    %eq3A_114 = arith.cmpi eq, %eq3A_112, %eq3A_113 : vector<128x128xi32>
    %get3A_115 = arith.constant 0 : index
    %get3A_116 = arith.constant 0 : index
    %get3A_117 = arith.constant 0 : index
    %get3A_118 = vector.load %arg10[%get3A_115, %get3A_116, %get3A_117] : memref<1x1x128xi32, #tpu.memory_space<vmem>>, vector<1x1x128xi32>
    %get3A_119 = vector.shape_cast %get3A_118 : vector<1x1x128xi32> to vector<1x128xi32>
    %eq3A_120 = vector.broadcast %get3A_3 : vector<128x1xi32> to vector<128x128xi32>
    %eq3A_121 = vector.broadcast %get3A_119 : vector<1x128xi32> to vector<128x128xi32>
    %eq3A_122 = arith.cmpi eq, %eq3A_120, %eq3A_121 : vector<128x128xi32>
    %gt3A = arith.constant 1 : i32
    %gt3A_123 = arith.cmpi sgt, %get3A_0, %gt3A : i32
    %and3A = vector.broadcast %gt3A_123 : i1 to vector<128x128xi1>
    %and3A_124 = arith.andi %eq3A_122, %and3A : vector<128x128xi1>
    %get3A_125 = arith.constant 0 : index
    %get3A_126 = arith.constant 0 : index
    %get3A_127 = arith.constant 0 : index
    %get3A_128 = vector.load %arg11[%get3A_125, %get3A_126, %get3A_127] : memref<1x1x128xi32, #tpu.memory_space<vmem>>, vector<1x1x128xi32>
    %get3A_129 = vector.shape_cast %get3A_128 : vector<1x1x128xi32> to vector<1x128xi32>
    %eq3A_130 = vector.broadcast %get3A_3 : vector<128x1xi32> to vector<128x128xi32>
    %eq3A_131 = vector.broadcast %get3A_129 : vector<1x128xi32> to vector<128x128xi32>
    %eq3A_132 = arith.cmpi eq, %eq3A_130, %eq3A_131 : vector<128x128xi32>
    %gt3A_133 = arith.constant 2 : i32
    %gt3A_134 = arith.cmpi sgt, %get3A_0, %gt3A_133 : i32
    %and3A_135 = vector.broadcast %gt3A_134 : i1 to vector<128x128xi1>
    %and3A_136 = arith.andi %eq3A_132, %and3A_135 : vector<128x128xi1>
    %get3A_137 = arith.constant 0 : index
    %get3A_138 = arith.constant 0 : index
    %get3A_139 = arith.constant 0 : index
    %get3A_140 = vector.load %arg12[%get3A_137, %get3A_138, %get3A_139] : memref<1x1x128xi32, #tpu.memory_space<vmem>>, vector<1x1x128xi32>
    %get3A_141 = vector.shape_cast %get3A_140 : vector<1x1x128xi32> to vector<1x128xi32>
    %eq3A_142 = vector.broadcast %get3A_141 : vector<1x128xi32> to vector<64x128xi32>
    %eq3A_143 = arith.cmpi eq, %iota3A_10, %eq3A_142 : vector<64x128xi32>
    %convert_element_type3A_144 = arith.extui %eq3A_143 : vector<64x128xi1> to vector<64x128xi32>
    %convert_element_type3A_145 = arith.sitofp %convert_element_type3A_144 : vector<64x128xi32> to vector<64x128xf32>
    %convert_element_type3A_146 = arith.truncf %convert_element_type3A_145 : vector<64x128xf32> to vector<64x128xbf16>
    %get3A_147 = arith.constant 0 : index
    %get3A_148 = arith.constant 0 : index
    %get3A_149 = arith.constant 0 : index
    %get3A_150 = vector.load %arg13[%get3A_147, %get3A_148, %get3A_149] : memref<1x1x128xi32, #tpu.memory_space<vmem>>, vector<1x1x128xi32>
    %get3A_151 = vector.shape_cast %get3A_150 : vector<1x1x128xi32> to vector<1x128xi32>
    %eq3A_152 = vector.broadcast %get3A_151 : vector<1x128xi32> to vector<64x128xi32>
    %eq3A_153 = arith.cmpi eq, %iota3A_10, %eq3A_152 : vector<64x128xi32>
    %convert_element_type3A_154 = arith.extui %eq3A_153 : vector<64x128xi1> to vector<64x128xi32>
    %convert_element_type3A_155 = arith.sitofp %convert_element_type3A_154 : vector<64x128xi32> to vector<64x128xf32>
    %convert_element_type3A_156 = arith.truncf %convert_element_type3A_155 : vector<64x128xf32> to vector<64x128xbf16>
    %get3A_157 = arith.constant 0 : index
    %get3A_158 = arith.constant 0 : index
    %get3A_159 = arith.constant 0 : index
    %get3A_160 = vector.load %arg14[%get3A_157, %get3A_158, %get3A_159] : memref<1x1x128xi32, #tpu.memory_space<vmem>>, vector<1x1x128xi32>
    %get3A_161 = vector.shape_cast %get3A_160 : vector<1x1x128xi32> to vector<1x128xi32>
    %eq3A_162 = vector.broadcast %get3A_161 : vector<1x128xi32> to vector<64x128xi32>
    %eq3A_163 = arith.cmpi eq, %iota3A_10, %eq3A_162 : vector<64x128xi32>
    %convert_element_type3A_164 = arith.extui %eq3A_163 : vector<64x128xi1> to vector<64x128xi32>
    %convert_element_type3A_165 = arith.sitofp %convert_element_type3A_164 : vector<64x128xi32> to vector<64x128xf32>
    %convert_element_type3A_166 = arith.truncf %convert_element_type3A_165 : vector<64x128xf32> to vector<64x128xbf16>
    %slice3A = vector.extract_strided_slice %get3A_100 {offsets = [0, 0], sizes = [128, 32], strides = [1, 1]} : vector<128x512xbf16> to vector<128x32xbf16>
    %dot_general3A_167 = arith.constant dense<0.000000e+00> : vector<128x128xf32>
    %dot_general3A_168 = tpu.matmul %get3A_13, %slice3A, %dot_general3A_167 {dimension_numbers = #tpu.dot_dimension_numbers<[1], [1], [0], [0], [0, 0, 1, 0], [], []>, transpose_lhs_hint = false} : vector<128x32xbf16>, vector<128x32xbf16>, vector<128x128xf32> -> vector<128x128xf32>
    %dot_general3A_169 = arith.constant dense<0.000000e+00> : vector<128x128xf32>
    %dot_general3A_170 = tpu.matmul %convert_element_type3A_20, %convert_element_type3A_146, %dot_general3A_169 {dimension_numbers = #tpu.dot_dimension_numbers<[1], [0], [0], [1], [0, 0, 1, 1], [], []>, transpose_lhs_hint = false} : vector<128x64xbf16>, vector<64x128xbf16>, vector<128x128xf32> -> vector<128x128xf32>
    %add3A = arith.addf %dot_general3A_168, %dot_general3A_170 : vector<128x128xf32>
    %slice3A_171 = vector.extract_strided_slice %get3A_103 {offsets = [0, 0], sizes = [128, 32], strides = [1, 1]} : vector<128x512xbf16> to vector<128x32xbf16>
    %dot_general3A_172 = arith.constant dense<0.000000e+00> : vector<128x128xf32>
    %dot_general3A_173 = tpu.matmul %get3A_13, %slice3A_171, %dot_general3A_172 {dimension_numbers = #tpu.dot_dimension_numbers<[1], [1], [0], [0], [0, 0, 1, 0], [], []>, transpose_lhs_hint = false} : vector<128x32xbf16>, vector<128x32xbf16>, vector<128x128xf32> -> vector<128x128xf32>
    %dot_general3A_174 = arith.constant dense<0.000000e+00> : vector<128x128xf32>
    %dot_general3A_175 = tpu.matmul %convert_element_type3A_20, %convert_element_type3A_156, %dot_general3A_174 {dimension_numbers = #tpu.dot_dimension_numbers<[1], [0], [0], [1], [0, 0, 1, 1], [], []>, transpose_lhs_hint = false} : vector<128x64xbf16>, vector<64x128xbf16>, vector<128x128xf32> -> vector<128x128xf32>
    %add3A_176 = arith.addf %dot_general3A_173, %dot_general3A_175 : vector<128x128xf32>
    %slice3A_177 = vector.extract_strided_slice %get3A_106 {offsets = [0, 0], sizes = [128, 32], strides = [1, 1]} : vector<128x512xbf16> to vector<128x32xbf16>
    %dot_general3A_178 = arith.constant dense<0.000000e+00> : vector<128x128xf32>
    %dot_general3A_179 = tpu.matmul %get3A_13, %slice3A_177, %dot_general3A_178 {dimension_numbers = #tpu.dot_dimension_numbers<[1], [1], [0], [0], [0, 0, 1, 0], [], []>, transpose_lhs_hint = false} : vector<128x32xbf16>, vector<128x32xbf16>, vector<128x128xf32> -> vector<128x128xf32>
    %dot_general3A_180 = arith.constant dense<0.000000e+00> : vector<128x128xf32>
    %dot_general3A_181 = tpu.matmul %convert_element_type3A_20, %convert_element_type3A_166, %dot_general3A_180 {dimension_numbers = #tpu.dot_dimension_numbers<[1], [0], [0], [1], [0, 0, 1, 1], [], []>, transpose_lhs_hint = false} : vector<128x64xbf16>, vector<64x128xbf16>, vector<128x128xf32> -> vector<128x128xf32>
    %add3A_182 = arith.addf %dot_general3A_179, %dot_general3A_181 : vector<128x128xf32>
    %jit3A = arith.constant -1.000000e+09 : f32
    %broadcast_in_dim3A = vector.broadcast %jit3A : f32 to vector<128x128xf32>
    %select_n3A = arith.select %eq3A_114, %add3A, %broadcast_in_dim3A : vector<128x128xi1>, vector<128x128xf32>
    %exp3A = math.exp %select_n3A : vector<128x128xf32>
    %jit3A_183 = arith.constant -1.000000e+09 : f32
    %broadcast_in_dim3A_184 = vector.broadcast %jit3A_183 : f32 to vector<128x128xf32>
    %select_n3A_185 = arith.select %and3A_124, %add3A_176, %broadcast_in_dim3A_184 : vector<128x128xi1>, vector<128x128xf32>
    %exp3A_186 = math.exp %select_n3A_185 : vector<128x128xf32>
    %jit3A_187 = arith.constant -1.000000e+09 : f32
    %broadcast_in_dim3A_188 = vector.broadcast %jit3A_187 : f32 to vector<128x128xf32>
    %select_n3A_189 = arith.select %and3A_136, %add3A_182, %broadcast_in_dim3A_188 : vector<128x128xi1>, vector<128x128xf32>
    %exp3A_190 = math.exp %select_n3A_189 : vector<128x128xf32>
    %reduce_sum3A = arith.constant dense<0.000000e+00> : vector<128xf32>
    %reduce_sum3A_191 = vector.multi_reduction <add>, %exp3A, %reduce_sum3A [1] : vector<128x128xf32> to vector<128xf32>
    %broadcast_in_dim3A_192 = vector.shape_cast %reduce_sum3A_191 : vector<128xf32> to vector<128x1xf32>
    %reduce_sum3A_193 = arith.constant dense<0.000000e+00> : vector<128xf32>
    %reduce_sum3A_194 = vector.multi_reduction <add>, %exp3A_186, %reduce_sum3A_193 [1] : vector<128x128xf32> to vector<128xf32>
    %broadcast_in_dim3A_195 = vector.shape_cast %reduce_sum3A_194 : vector<128xf32> to vector<128x1xf32>
    %add3A_196 = arith.addf %broadcast_in_dim3A_192, %broadcast_in_dim3A_195 : vector<128x1xf32>
    %reduce_sum3A_197 = arith.constant dense<0.000000e+00> : vector<128xf32>
    %reduce_sum3A_198 = vector.multi_reduction <add>, %exp3A_190, %reduce_sum3A_197 [1] : vector<128x128xf32> to vector<128xf32>
    %broadcast_in_dim3A_199 = vector.shape_cast %reduce_sum3A_198 : vector<128xf32> to vector<128x1xf32>
    %add3A_200 = arith.addf %add3A_196, %broadcast_in_dim3A_199 : vector<128x1xf32>
    %convert_element_type3A_201 = arith.truncf %exp3A : vector<128x128xf32> to vector<128x128xbf16>
    %slice3A_202 = vector.extract_strided_slice %get3A_100 {offsets = [0, 256], sizes = [128, 32], strides = [1, 1]} : vector<128x512xbf16> to vector<128x32xbf16>
    %dot_general3A_203 = arith.constant dense<0.000000e+00> : vector<128x32xf32>
    %dot_general3A_204 = tpu.matmul %convert_element_type3A_201, %slice3A_202, %dot_general3A_203 {dimension_numbers = #tpu.dot_dimension_numbers<[1], [0], [0], [1], [0, 0, 1, 1], [], []>, transpose_lhs_hint = false} : vector<128x128xbf16>, vector<128x32xbf16>, vector<128x32xf32> -> vector<128x32xf32>
    %convert_element_type3A_205 = arith.truncf %exp3A_186 : vector<128x128xf32> to vector<128x128xbf16>
    %slice3A_206 = vector.extract_strided_slice %get3A_103 {offsets = [0, 256], sizes = [128, 32], strides = [1, 1]} : vector<128x512xbf16> to vector<128x32xbf16>
    %dot_general3A_207 = arith.constant dense<0.000000e+00> : vector<128x32xf32>
    %dot_general3A_208 = tpu.matmul %convert_element_type3A_205, %slice3A_206, %dot_general3A_207 {dimension_numbers = #tpu.dot_dimension_numbers<[1], [0], [0], [1], [0, 0, 1, 1], [], []>, transpose_lhs_hint = false} : vector<128x128xbf16>, vector<128x32xbf16>, vector<128x32xf32> -> vector<128x32xf32>
    %add3A_209 = arith.addf %dot_general3A_204, %dot_general3A_208 : vector<128x32xf32>
    %convert_element_type3A_210 = arith.truncf %exp3A_190 : vector<128x128xf32> to vector<128x128xbf16>
    %slice3A_211 = vector.extract_strided_slice %get3A_106 {offsets = [0, 256], sizes = [128, 32], strides = [1, 1]} : vector<128x512xbf16> to vector<128x32xbf16>
    %dot_general3A_212 = arith.constant dense<0.000000e+00> : vector<128x32xf32>
    %dot_general3A_213 = tpu.matmul %convert_element_type3A_210, %slice3A_211, %dot_general3A_212 {dimension_numbers = #tpu.dot_dimension_numbers<[1], [0], [0], [1], [0, 0, 1, 1], [], []>, transpose_lhs_hint = false} : vector<128x128xbf16>, vector<128x32xbf16>, vector<128x32xf32> -> vector<128x32xf32>
    %add3A_214 = arith.addf %add3A_209, %dot_general3A_213 : vector<128x32xf32>
    %slice3A_215 = vector.extract_strided_slice %get3A_100 {offsets = [0, 32], sizes = [128, 32], strides = [1, 1]} : vector<128x512xbf16> to vector<128x32xbf16>
    %dot_general3A_216 = arith.constant dense<0.000000e+00> : vector<128x128xf32>
    %dot_general3A_217 = tpu.matmul %get3A_23, %slice3A_215, %dot_general3A_216 {dimension_numbers = #tpu.dot_dimension_numbers<[1], [1], [0], [0], [0, 0, 1, 0], [], []>, transpose_lhs_hint = false} : vector<128x32xbf16>, vector<128x32xbf16>, vector<128x128xf32> -> vector<128x128xf32>
    %dot_general3A_218 = arith.constant dense<0.000000e+00> : vector<128x128xf32>
    %dot_general3A_219 = tpu.matmul %convert_element_type3A_31, %convert_element_type3A_146, %dot_general3A_218 {dimension_numbers = #tpu.dot_dimension_numbers<[1], [0], [0], [1], [0, 0, 1, 1], [], []>, transpose_lhs_hint = false} : vector<128x64xbf16>, vector<64x128xbf16>, vector<128x128xf32> -> vector<128x128xf32>
    %add3A_220 = arith.addf %dot_general3A_217, %dot_general3A_219 : vector<128x128xf32>
    %slice3A_221 = vector.extract_strided_slice %get3A_103 {offsets = [0, 32], sizes = [128, 32], strides = [1, 1]} : vector<128x512xbf16> to vector<128x32xbf16>
    %dot_general3A_222 = arith.constant dense<0.000000e+00> : vector<128x128xf32>
    %dot_general3A_223 = tpu.matmul %get3A_23, %slice3A_221, %dot_general3A_222 {dimension_numbers = #tpu.dot_dimension_numbers<[1], [1], [0], [0], [0, 0, 1, 0], [], []>, transpose_lhs_hint = false} : vector<128x32xbf16>, vector<128x32xbf16>, vector<128x128xf32> -> vector<128x128xf32>
    %dot_general3A_224 = arith.constant dense<0.000000e+00> : vector<128x128xf32>
    %dot_general3A_225 = tpu.matmul %convert_element_type3A_31, %convert_element_type3A_156, %dot_general3A_224 {dimension_numbers = #tpu.dot_dimension_numbers<[1], [0], [0], [1], [0, 0, 1, 1], [], []>, transpose_lhs_hint = false} : vector<128x64xbf16>, vector<64x128xbf16>, vector<128x128xf32> -> vector<128x128xf32>
    %add3A_226 = arith.addf %dot_general3A_223, %dot_general3A_225 : vector<128x128xf32>
    %slice3A_227 = vector.extract_strided_slice %get3A_106 {offsets = [0, 32], sizes = [128, 32], strides = [1, 1]} : vector<128x512xbf16> to vector<128x32xbf16>
    %dot_general3A_228 = arith.constant dense<0.000000e+00> : vector<128x128xf32>
    %dot_general3A_229 = tpu.matmul %get3A_23, %slice3A_227, %dot_general3A_228 {dimension_numbers = #tpu.dot_dimension_numbers<[1], [1], [0], [0], [0, 0, 1, 0], [], []>, transpose_lhs_hint = false} : vector<128x32xbf16>, vector<128x32xbf16>, vector<128x128xf32> -> vector<128x128xf32>
    %dot_general3A_230 = arith.constant dense<0.000000e+00> : vector<128x128xf32>
    %dot_general3A_231 = tpu.matmul %convert_element_type3A_31, %convert_element_type3A_166, %dot_general3A_230 {dimension_numbers = #tpu.dot_dimension_numbers<[1], [0], [0], [1], [0, 0, 1, 1], [], []>, transpose_lhs_hint = false} : vector<128x64xbf16>, vector<64x128xbf16>, vector<128x128xf32> -> vector<128x128xf32>
    %add3A_232 = arith.addf %dot_general3A_229, %dot_general3A_231 : vector<128x128xf32>
    %jit3A_233 = arith.constant -1.000000e+09 : f32
    %broadcast_in_dim3A_234 = vector.broadcast %jit3A_233 : f32 to vector<128x128xf32>
    %select_n3A_235 = arith.select %eq3A_114, %add3A_220, %broadcast_in_dim3A_234 : vector<128x128xi1>, vector<128x128xf32>
    %exp3A_236 = math.exp %select_n3A_235 : vector<128x128xf32>
    %jit3A_237 = arith.constant -1.000000e+09 : f32
    %broadcast_in_dim3A_238 = vector.broadcast %jit3A_237 : f32 to vector<128x128xf32>
    %select_n3A_239 = arith.select %and3A_124, %add3A_226, %broadcast_in_dim3A_238 : vector<128x128xi1>, vector<128x128xf32>
    %exp3A_240 = math.exp %select_n3A_239 : vector<128x128xf32>
    %jit3A_241 = arith.constant -1.000000e+09 : f32
    %broadcast_in_dim3A_242 = vector.broadcast %jit3A_241 : f32 to vector<128x128xf32>
    %select_n3A_243 = arith.select %and3A_136, %add3A_232, %broadcast_in_dim3A_242 : vector<128x128xi1>, vector<128x128xf32>
    %exp3A_244 = math.exp %select_n3A_243 : vector<128x128xf32>
    %reduce_sum3A_245 = arith.constant dense<0.000000e+00> : vector<128xf32>
    %reduce_sum3A_246 = vector.multi_reduction <add>, %exp3A_236, %reduce_sum3A_245 [1] : vector<128x128xf32> to vector<128xf32>
    %broadcast_in_dim3A_247 = vector.shape_cast %reduce_sum3A_246 : vector<128xf32> to vector<128x1xf32>
    %reduce_sum3A_248 = arith.constant dense<0.000000e+00> : vector<128xf32>
    %reduce_sum3A_249 = vector.multi_reduction <add>, %exp3A_240, %reduce_sum3A_248 [1] : vector<128x128xf32> to vector<128xf32>
    %broadcast_in_dim3A_250 = vector.shape_cast %reduce_sum3A_249 : vector<128xf32> to vector<128x1xf32>
    %add3A_251 = arith.addf %broadcast_in_dim3A_247, %broadcast_in_dim3A_250 : vector<128x1xf32>
    %reduce_sum3A_252 = arith.constant dense<0.000000e+00> : vector<128xf32>
    %reduce_sum3A_253 = vector.multi_reduction <add>, %exp3A_244, %reduce_sum3A_252 [1] : vector<128x128xf32> to vector<128xf32>
    %broadcast_in_dim3A_254 = vector.shape_cast %reduce_sum3A_253 : vector<128xf32> to vector<128x1xf32>
    %add3A_255 = arith.addf %add3A_251, %broadcast_in_dim3A_254 : vector<128x1xf32>
    %convert_element_type3A_256 = arith.truncf %exp3A_236 : vector<128x128xf32> to vector<128x128xbf16>
    %slice3A_257 = vector.extract_strided_slice %get3A_100 {offsets = [0, 288], sizes = [128, 32], strides = [1, 1]} : vector<128x512xbf16> to vector<128x32xbf16>
    %dot_general3A_258 = arith.constant dense<0.000000e+00> : vector<128x32xf32>
    %dot_general3A_259 = tpu.matmul %convert_element_type3A_256, %slice3A_257, %dot_general3A_258 {dimension_numbers = #tpu.dot_dimension_numbers<[1], [0], [0], [1], [0, 0, 1, 1], [], []>, transpose_lhs_hint = false} : vector<128x128xbf16>, vector<128x32xbf16>, vector<128x32xf32> -> vector<128x32xf32>
    %convert_element_type3A_260 = arith.truncf %exp3A_240 : vector<128x128xf32> to vector<128x128xbf16>
    %slice3A_261 = vector.extract_strided_slice %get3A_103 {offsets = [0, 288], sizes = [128, 32], strides = [1, 1]} : vector<128x512xbf16> to vector<128x32xbf16>
    %dot_general3A_262 = arith.constant dense<0.000000e+00> : vector<128x32xf32>
    %dot_general3A_263 = tpu.matmul %convert_element_type3A_260, %slice3A_261, %dot_general3A_262 {dimension_numbers = #tpu.dot_dimension_numbers<[1], [0], [0], [1], [0, 0, 1, 1], [], []>, transpose_lhs_hint = false} : vector<128x128xbf16>, vector<128x32xbf16>, vector<128x32xf32> -> vector<128x32xf32>
    %add3A_264 = arith.addf %dot_general3A_259, %dot_general3A_263 : vector<128x32xf32>
    %convert_element_type3A_265 = arith.truncf %exp3A_244 : vector<128x128xf32> to vector<128x128xbf16>
    %slice3A_266 = vector.extract_strided_slice %get3A_106 {offsets = [0, 288], sizes = [128, 32], strides = [1, 1]} : vector<128x512xbf16> to vector<128x32xbf16>
    %dot_general3A_267 = arith.constant dense<0.000000e+00> : vector<128x32xf32>
    %dot_general3A_268 = tpu.matmul %convert_element_type3A_265, %slice3A_266, %dot_general3A_267 {dimension_numbers = #tpu.dot_dimension_numbers<[1], [0], [0], [1], [0, 0, 1, 1], [], []>, transpose_lhs_hint = false} : vector<128x128xbf16>, vector<128x32xbf16>, vector<128x32xf32> -> vector<128x32xf32>
    %add3A_269 = arith.addf %add3A_264, %dot_general3A_268 : vector<128x32xf32>
    %slice3A_270 = vector.extract_strided_slice %get3A_100 {offsets = [0, 64], sizes = [128, 32], strides = [1, 1]} : vector<128x512xbf16> to vector<128x32xbf16>
    %dot_general3A_271 = arith.constant dense<0.000000e+00> : vector<128x128xf32>
    %dot_general3A_272 = tpu.matmul %get3A_34, %slice3A_270, %dot_general3A_271 {dimension_numbers = #tpu.dot_dimension_numbers<[1], [1], [0], [0], [0, 0, 1, 0], [], []>, transpose_lhs_hint = false} : vector<128x32xbf16>, vector<128x32xbf16>, vector<128x128xf32> -> vector<128x128xf32>
    %dot_general3A_273 = arith.constant dense<0.000000e+00> : vector<128x128xf32>
    %dot_general3A_274 = tpu.matmul %convert_element_type3A_42, %convert_element_type3A_146, %dot_general3A_273 {dimension_numbers = #tpu.dot_dimension_numbers<[1], [0], [0], [1], [0, 0, 1, 1], [], []>, transpose_lhs_hint = false} : vector<128x64xbf16>, vector<64x128xbf16>, vector<128x128xf32> -> vector<128x128xf32>
    %add3A_275 = arith.addf %dot_general3A_272, %dot_general3A_274 : vector<128x128xf32>
    %slice3A_276 = vector.extract_strided_slice %get3A_103 {offsets = [0, 64], sizes = [128, 32], strides = [1, 1]} : vector<128x512xbf16> to vector<128x32xbf16>
    %dot_general3A_277 = arith.constant dense<0.000000e+00> : vector<128x128xf32>
    %dot_general3A_278 = tpu.matmul %get3A_34, %slice3A_276, %dot_general3A_277 {dimension_numbers = #tpu.dot_dimension_numbers<[1], [1], [0], [0], [0, 0, 1, 0], [], []>, transpose_lhs_hint = false} : vector<128x32xbf16>, vector<128x32xbf16>, vector<128x128xf32> -> vector<128x128xf32>
    %dot_general3A_279 = arith.constant dense<0.000000e+00> : vector<128x128xf32>
    %dot_general3A_280 = tpu.matmul %convert_element_type3A_42, %convert_element_type3A_156, %dot_general3A_279 {dimension_numbers = #tpu.dot_dimension_numbers<[1], [0], [0], [1], [0, 0, 1, 1], [], []>, transpose_lhs_hint = false} : vector<128x64xbf16>, vector<64x128xbf16>, vector<128x128xf32> -> vector<128x128xf32>
    %add3A_281 = arith.addf %dot_general3A_278, %dot_general3A_280 : vector<128x128xf32>
    %slice3A_282 = vector.extract_strided_slice %get3A_106 {offsets = [0, 64], sizes = [128, 32], strides = [1, 1]} : vector<128x512xbf16> to vector<128x32xbf16>
    %dot_general3A_283 = arith.constant dense<0.000000e+00> : vector<128x128xf32>
    %dot_general3A_284 = tpu.matmul %get3A_34, %slice3A_282, %dot_general3A_283 {dimension_numbers = #tpu.dot_dimension_numbers<[1], [1], [0], [0], [0, 0, 1, 0], [], []>, transpose_lhs_hint = false} : vector<128x32xbf16>, vector<128x32xbf16>, vector<128x128xf32> -> vector<128x128xf32>
    %dot_general3A_285 = arith.constant dense<0.000000e+00> : vector<128x128xf32>
    %dot_general3A_286 = tpu.matmul %convert_element_type3A_42, %convert_element_type3A_166, %dot_general3A_285 {dimension_numbers = #tpu.dot_dimension_numbers<[1], [0], [0], [1], [0, 0, 1, 1], [], []>, transpose_lhs_hint = false} : vector<128x64xbf16>, vector<64x128xbf16>, vector<128x128xf32> -> vector<128x128xf32>
    %add3A_287 = arith.addf %dot_general3A_284, %dot_general3A_286 : vector<128x128xf32>
    %jit3A_288 = arith.constant -1.000000e+09 : f32
    %broadcast_in_dim3A_289 = vector.broadcast %jit3A_288 : f32 to vector<128x128xf32>
    %select_n3A_290 = arith.select %eq3A_114, %add3A_275, %broadcast_in_dim3A_289 : vector<128x128xi1>, vector<128x128xf32>
    %exp3A_291 = math.exp %select_n3A_290 : vector<128x128xf32>
    %jit3A_292 = arith.constant -1.000000e+09 : f32
    %broadcast_in_dim3A_293 = vector.broadcast %jit3A_292 : f32 to vector<128x128xf32>
    %select_n3A_294 = arith.select %and3A_124, %add3A_281, %broadcast_in_dim3A_293 : vector<128x128xi1>, vector<128x128xf32>
    %exp3A_295 = math.exp %select_n3A_294 : vector<128x128xf32>
    %jit3A_296 = arith.constant -1.000000e+09 : f32
    %broadcast_in_dim3A_297 = vector.broadcast %jit3A_296 : f32 to vector<128x128xf32>
    %select_n3A_298 = arith.select %and3A_136, %add3A_287, %broadcast_in_dim3A_297 : vector<128x128xi1>, vector<128x128xf32>
    %exp3A_299 = math.exp %select_n3A_298 : vector<128x128xf32>
    %reduce_sum3A_300 = arith.constant dense<0.000000e+00> : vector<128xf32>
    %reduce_sum3A_301 = vector.multi_reduction <add>, %exp3A_291, %reduce_sum3A_300 [1] : vector<128x128xf32> to vector<128xf32>
    %broadcast_in_dim3A_302 = vector.shape_cast %reduce_sum3A_301 : vector<128xf32> to vector<128x1xf32>
    %reduce_sum3A_303 = arith.constant dense<0.000000e+00> : vector<128xf32>
    %reduce_sum3A_304 = vector.multi_reduction <add>, %exp3A_295, %reduce_sum3A_303 [1] : vector<128x128xf32> to vector<128xf32>
    %broadcast_in_dim3A_305 = vector.shape_cast %reduce_sum3A_304 : vector<128xf32> to vector<128x1xf32>
    %add3A_306 = arith.addf %broadcast_in_dim3A_302, %broadcast_in_dim3A_305 : vector<128x1xf32>
    %reduce_sum3A_307 = arith.constant dense<0.000000e+00> : vector<128xf32>
    %reduce_sum3A_308 = vector.multi_reduction <add>, %exp3A_299, %reduce_sum3A_307 [1] : vector<128x128xf32> to vector<128xf32>
    %broadcast_in_dim3A_309 = vector.shape_cast %reduce_sum3A_308 : vector<128xf32> to vector<128x1xf32>
    %add3A_310 = arith.addf %add3A_306, %broadcast_in_dim3A_309 : vector<128x1xf32>
    %convert_element_type3A_311 = arith.truncf %exp3A_291 : vector<128x128xf32> to vector<128x128xbf16>
    %slice3A_312 = vector.extract_strided_slice %get3A_100 {offsets = [0, 320], sizes = [128, 32], strides = [1, 1]} : vector<128x512xbf16> to vector<128x32xbf16>
    %dot_general3A_313 = arith.constant dense<0.000000e+00> : vector<128x32xf32>
    %dot_general3A_314 = tpu.matmul %convert_element_type3A_311, %slice3A_312, %dot_general3A_313 {dimension_numbers = #tpu.dot_dimension_numbers<[1], [0], [0], [1], [0, 0, 1, 1], [], []>, transpose_lhs_hint = false} : vector<128x128xbf16>, vector<128x32xbf16>, vector<128x32xf32> -> vector<128x32xf32>
    %convert_element_type3A_315 = arith.truncf %exp3A_295 : vector<128x128xf32> to vector<128x128xbf16>
    %slice3A_316 = vector.extract_strided_slice %get3A_103 {offsets = [0, 320], sizes = [128, 32], strides = [1, 1]} : vector<128x512xbf16> to vector<128x32xbf16>
    %dot_general3A_317 = arith.constant dense<0.000000e+00> : vector<128x32xf32>
    %dot_general3A_318 = tpu.matmul %convert_element_type3A_315, %slice3A_316, %dot_general3A_317 {dimension_numbers = #tpu.dot_dimension_numbers<[1], [0], [0], [1], [0, 0, 1, 1], [], []>, transpose_lhs_hint = false} : vector<128x128xbf16>, vector<128x32xbf16>, vector<128x32xf32> -> vector<128x32xf32>
    %add3A_319 = arith.addf %dot_general3A_314, %dot_general3A_318 : vector<128x32xf32>
    %convert_element_type3A_320 = arith.truncf %exp3A_299 : vector<128x128xf32> to vector<128x128xbf16>
    %slice3A_321 = vector.extract_strided_slice %get3A_106 {offsets = [0, 320], sizes = [128, 32], strides = [1, 1]} : vector<128x512xbf16> to vector<128x32xbf16>
    %dot_general3A_322 = arith.constant dense<0.000000e+00> : vector<128x32xf32>
    %dot_general3A_323 = tpu.matmul %convert_element_type3A_320, %slice3A_321, %dot_general3A_322 {dimension_numbers = #tpu.dot_dimension_numbers<[1], [0], [0], [1], [0, 0, 1, 1], [], []>, transpose_lhs_hint = false} : vector<128x128xbf16>, vector<128x32xbf16>, vector<128x32xf32> -> vector<128x32xf32>
    %add3A_324 = arith.addf %add3A_319, %dot_general3A_323 : vector<128x32xf32>
    %slice3A_325 = vector.extract_strided_slice %get3A_100 {offsets = [0, 96], sizes = [128, 32], strides = [1, 1]} : vector<128x512xbf16> to vector<128x32xbf16>
    %dot_general3A_326 = arith.constant dense<0.000000e+00> : vector<128x128xf32>
    %dot_general3A_327 = tpu.matmul %get3A_45, %slice3A_325, %dot_general3A_326 {dimension_numbers = #tpu.dot_dimension_numbers<[1], [1], [0], [0], [0, 0, 1, 0], [], []>, transpose_lhs_hint = false} : vector<128x32xbf16>, vector<128x32xbf16>, vector<128x128xf32> -> vector<128x128xf32>
    %dot_general3A_328 = arith.constant dense<0.000000e+00> : vector<128x128xf32>
    %dot_general3A_329 = tpu.matmul %convert_element_type3A_53, %convert_element_type3A_146, %dot_general3A_328 {dimension_numbers = #tpu.dot_dimension_numbers<[1], [0], [0], [1], [0, 0, 1, 1], [], []>, transpose_lhs_hint = false} : vector<128x64xbf16>, vector<64x128xbf16>, vector<128x128xf32> -> vector<128x128xf32>
    %add3A_330 = arith.addf %dot_general3A_327, %dot_general3A_329 : vector<128x128xf32>
    %slice3A_331 = vector.extract_strided_slice %get3A_103 {offsets = [0, 96], sizes = [128, 32], strides = [1, 1]} : vector<128x512xbf16> to vector<128x32xbf16>
    %dot_general3A_332 = arith.constant dense<0.000000e+00> : vector<128x128xf32>
    %dot_general3A_333 = tpu.matmul %get3A_45, %slice3A_331, %dot_general3A_332 {dimension_numbers = #tpu.dot_dimension_numbers<[1], [1], [0], [0], [0, 0, 1, 0], [], []>, transpose_lhs_hint = false} : vector<128x32xbf16>, vector<128x32xbf16>, vector<128x128xf32> -> vector<128x128xf32>
    %dot_general3A_334 = arith.constant dense<0.000000e+00> : vector<128x128xf32>
    %dot_general3A_335 = tpu.matmul %convert_element_type3A_53, %convert_element_type3A_156, %dot_general3A_334 {dimension_numbers = #tpu.dot_dimension_numbers<[1], [0], [0], [1], [0, 0, 1, 1], [], []>, transpose_lhs_hint = false} : vector<128x64xbf16>, vector<64x128xbf16>, vector<128x128xf32> -> vector<128x128xf32>
    %add3A_336 = arith.addf %dot_general3A_333, %dot_general3A_335 : vector<128x128xf32>
    %slice3A_337 = vector.extract_strided_slice %get3A_106 {offsets = [0, 96], sizes = [128, 32], strides = [1, 1]} : vector<128x512xbf16> to vector<128x32xbf16>
    %dot_general3A_338 = arith.constant dense<0.000000e+00> : vector<128x128xf32>
    %dot_general3A_339 = tpu.matmul %get3A_45, %slice3A_337, %dot_general3A_338 {dimension_numbers = #tpu.dot_dimension_numbers<[1], [1], [0], [0], [0, 0, 1, 0], [], []>, transpose_lhs_hint = false} : vector<128x32xbf16>, vector<128x32xbf16>, vector<128x128xf32> -> vector<128x128xf32>
    %dot_general3A_340 = arith.constant dense<0.000000e+00> : vector<128x128xf32>
    %dot_general3A_341 = tpu.matmul %convert_element_type3A_53, %convert_element_type3A_166, %dot_general3A_340 {dimension_numbers = #tpu.dot_dimension_numbers<[1], [0], [0], [1], [0, 0, 1, 1], [], []>, transpose_lhs_hint = false} : vector<128x64xbf16>, vector<64x128xbf16>, vector<128x128xf32> -> vector<128x128xf32>
    %add3A_342 = arith.addf %dot_general3A_339, %dot_general3A_341 : vector<128x128xf32>
    %jit3A_343 = arith.constant -1.000000e+09 : f32
    %broadcast_in_dim3A_344 = vector.broadcast %jit3A_343 : f32 to vector<128x128xf32>
    %select_n3A_345 = arith.select %eq3A_114, %add3A_330, %broadcast_in_dim3A_344 : vector<128x128xi1>, vector<128x128xf32>
    %exp3A_346 = math.exp %select_n3A_345 : vector<128x128xf32>
    %jit3A_347 = arith.constant -1.000000e+09 : f32
    %broadcast_in_dim3A_348 = vector.broadcast %jit3A_347 : f32 to vector<128x128xf32>
    %select_n3A_349 = arith.select %and3A_124, %add3A_336, %broadcast_in_dim3A_348 : vector<128x128xi1>, vector<128x128xf32>
    %exp3A_350 = math.exp %select_n3A_349 : vector<128x128xf32>
    %jit3A_351 = arith.constant -1.000000e+09 : f32
    %broadcast_in_dim3A_352 = vector.broadcast %jit3A_351 : f32 to vector<128x128xf32>
    %select_n3A_353 = arith.select %and3A_136, %add3A_342, %broadcast_in_dim3A_352 : vector<128x128xi1>, vector<128x128xf32>
    %exp3A_354 = math.exp %select_n3A_353 : vector<128x128xf32>
    %reduce_sum3A_355 = arith.constant dense<0.000000e+00> : vector<128xf32>
    %reduce_sum3A_356 = vector.multi_reduction <add>, %exp3A_346, %reduce_sum3A_355 [1] : vector<128x128xf32> to vector<128xf32>
    %broadcast_in_dim3A_357 = vector.shape_cast %reduce_sum3A_356 : vector<128xf32> to vector<128x1xf32>
    %reduce_sum3A_358 = arith.constant dense<0.000000e+00> : vector<128xf32>
    %reduce_sum3A_359 = vector.multi_reduction <add>, %exp3A_350, %reduce_sum3A_358 [1] : vector<128x128xf32> to vector<128xf32>
    %broadcast_in_dim3A_360 = vector.shape_cast %reduce_sum3A_359 : vector<128xf32> to vector<128x1xf32>
    %add3A_361 = arith.addf %broadcast_in_dim3A_357, %broadcast_in_dim3A_360 : vector<128x1xf32>
    %reduce_sum3A_362 = arith.constant dense<0.000000e+00> : vector<128xf32>
    %reduce_sum3A_363 = vector.multi_reduction <add>, %exp3A_354, %reduce_sum3A_362 [1] : vector<128x128xf32> to vector<128xf32>
    %broadcast_in_dim3A_364 = vector.shape_cast %reduce_sum3A_363 : vector<128xf32> to vector<128x1xf32>
    %add3A_365 = arith.addf %add3A_361, %broadcast_in_dim3A_364 : vector<128x1xf32>
    %convert_element_type3A_366 = arith.truncf %exp3A_346 : vector<128x128xf32> to vector<128x128xbf16>
    %slice3A_367 = vector.extract_strided_slice %get3A_100 {offsets = [0, 352], sizes = [128, 32], strides = [1, 1]} : vector<128x512xbf16> to vector<128x32xbf16>
    %dot_general3A_368 = arith.constant dense<0.000000e+00> : vector<128x32xf32>
    %dot_general3A_369 = tpu.matmul %convert_element_type3A_366, %slice3A_367, %dot_general3A_368 {dimension_numbers = #tpu.dot_dimension_numbers<[1], [0], [0], [1], [0, 0, 1, 1], [], []>, transpose_lhs_hint = false} : vector<128x128xbf16>, vector<128x32xbf16>, vector<128x32xf32> -> vector<128x32xf32>
    %convert_element_type3A_370 = arith.truncf %exp3A_350 : vector<128x128xf32> to vector<128x128xbf16>
    %slice3A_371 = vector.extract_strided_slice %get3A_103 {offsets = [0, 352], sizes = [128, 32], strides = [1, 1]} : vector<128x512xbf16> to vector<128x32xbf16>
    %dot_general3A_372 = arith.constant dense<0.000000e+00> : vector<128x32xf32>
    %dot_general3A_373 = tpu.matmul %convert_element_type3A_370, %slice3A_371, %dot_general3A_372 {dimension_numbers = #tpu.dot_dimension_numbers<[1], [0], [0], [1], [0, 0, 1, 1], [], []>, transpose_lhs_hint = false} : vector<128x128xbf16>, vector<128x32xbf16>, vector<128x32xf32> -> vector<128x32xf32>
    %add3A_374 = arith.addf %dot_general3A_369, %dot_general3A_373 : vector<128x32xf32>
    %convert_element_type3A_375 = arith.truncf %exp3A_354 : vector<128x128xf32> to vector<128x128xbf16>
    %slice3A_376 = vector.extract_strided_slice %get3A_106 {offsets = [0, 352], sizes = [128, 32], strides = [1, 1]} : vector<128x512xbf16> to vector<128x32xbf16>
    %dot_general3A_377 = arith.constant dense<0.000000e+00> : vector<128x32xf32>
    %dot_general3A_378 = tpu.matmul %convert_element_type3A_375, %slice3A_376, %dot_general3A_377 {dimension_numbers = #tpu.dot_dimension_numbers<[1], [0], [0], [1], [0, 0, 1, 1], [], []>, transpose_lhs_hint = false} : vector<128x128xbf16>, vector<128x32xbf16>, vector<128x32xf32> -> vector<128x32xf32>
    %add3A_379 = arith.addf %add3A_374, %dot_general3A_378 : vector<128x32xf32>
    %slice3A_380 = vector.extract_strided_slice %get3A_100 {offsets = [0, 128], sizes = [128, 32], strides = [1, 1]} : vector<128x512xbf16> to vector<128x32xbf16>
    %dot_general3A_381 = arith.constant dense<0.000000e+00> : vector<128x128xf32>
    %dot_general3A_382 = tpu.matmul %get3A_56, %slice3A_380, %dot_general3A_381 {dimension_numbers = #tpu.dot_dimension_numbers<[1], [1], [0], [0], [0, 0, 1, 0], [], []>, transpose_lhs_hint = false} : vector<128x32xbf16>, vector<128x32xbf16>, vector<128x128xf32> -> vector<128x128xf32>
    %dot_general3A_383 = arith.constant dense<0.000000e+00> : vector<128x128xf32>
    %dot_general3A_384 = tpu.matmul %convert_element_type3A_64, %convert_element_type3A_146, %dot_general3A_383 {dimension_numbers = #tpu.dot_dimension_numbers<[1], [0], [0], [1], [0, 0, 1, 1], [], []>, transpose_lhs_hint = false} : vector<128x64xbf16>, vector<64x128xbf16>, vector<128x128xf32> -> vector<128x128xf32>
    %add3A_385 = arith.addf %dot_general3A_382, %dot_general3A_384 : vector<128x128xf32>
    %slice3A_386 = vector.extract_strided_slice %get3A_103 {offsets = [0, 128], sizes = [128, 32], strides = [1, 1]} : vector<128x512xbf16> to vector<128x32xbf16>
    %dot_general3A_387 = arith.constant dense<0.000000e+00> : vector<128x128xf32>
    %dot_general3A_388 = tpu.matmul %get3A_56, %slice3A_386, %dot_general3A_387 {dimension_numbers = #tpu.dot_dimension_numbers<[1], [1], [0], [0], [0, 0, 1, 0], [], []>, transpose_lhs_hint = false} : vector<128x32xbf16>, vector<128x32xbf16>, vector<128x128xf32> -> vector<128x128xf32>
    %dot_general3A_389 = arith.constant dense<0.000000e+00> : vector<128x128xf32>
    %dot_general3A_390 = tpu.matmul %convert_element_type3A_64, %convert_element_type3A_156, %dot_general3A_389 {dimension_numbers = #tpu.dot_dimension_numbers<[1], [0], [0], [1], [0, 0, 1, 1], [], []>, transpose_lhs_hint = false} : vector<128x64xbf16>, vector<64x128xbf16>, vector<128x128xf32> -> vector<128x128xf32>
    %add3A_391 = arith.addf %dot_general3A_388, %dot_general3A_390 : vector<128x128xf32>
    %slice3A_392 = vector.extract_strided_slice %get3A_106 {offsets = [0, 128], sizes = [128, 32], strides = [1, 1]} : vector<128x512xbf16> to vector<128x32xbf16>
    %dot_general3A_393 = arith.constant dense<0.000000e+00> : vector<128x128xf32>
    %dot_general3A_394 = tpu.matmul %get3A_56, %slice3A_392, %dot_general3A_393 {dimension_numbers = #tpu.dot_dimension_numbers<[1], [1], [0], [0], [0, 0, 1, 0], [], []>, transpose_lhs_hint = false} : vector<128x32xbf16>, vector<128x32xbf16>, vector<128x128xf32> -> vector<128x128xf32>
    %dot_general3A_395 = arith.constant dense<0.000000e+00> : vector<128x128xf32>
    %dot_general3A_396 = tpu.matmul %convert_element_type3A_64, %convert_element_type3A_166, %dot_general3A_395 {dimension_numbers = #tpu.dot_dimension_numbers<[1], [0], [0], [1], [0, 0, 1, 1], [], []>, transpose_lhs_hint = false} : vector<128x64xbf16>, vector<64x128xbf16>, vector<128x128xf32> -> vector<128x128xf32>
    %add3A_397 = arith.addf %dot_general3A_394, %dot_general3A_396 : vector<128x128xf32>
    %jit3A_398 = arith.constant -1.000000e+09 : f32
    %broadcast_in_dim3A_399 = vector.broadcast %jit3A_398 : f32 to vector<128x128xf32>
    %select_n3A_400 = arith.select %eq3A_114, %add3A_385, %broadcast_in_dim3A_399 : vector<128x128xi1>, vector<128x128xf32>
    %exp3A_401 = math.exp %select_n3A_400 : vector<128x128xf32>
    %jit3A_402 = arith.constant -1.000000e+09 : f32
    %broadcast_in_dim3A_403 = vector.broadcast %jit3A_402 : f32 to vector<128x128xf32>
    %select_n3A_404 = arith.select %and3A_124, %add3A_391, %broadcast_in_dim3A_403 : vector<128x128xi1>, vector<128x128xf32>
    %exp3A_405 = math.exp %select_n3A_404 : vector<128x128xf32>
    %jit3A_406 = arith.constant -1.000000e+09 : f32
    %broadcast_in_dim3A_407 = vector.broadcast %jit3A_406 : f32 to vector<128x128xf32>
    %select_n3A_408 = arith.select %and3A_136, %add3A_397, %broadcast_in_dim3A_407 : vector<128x128xi1>, vector<128x128xf32>
    %exp3A_409 = math.exp %select_n3A_408 : vector<128x128xf32>
    %reduce_sum3A_410 = arith.constant dense<0.000000e+00> : vector<128xf32>
    %reduce_sum3A_411 = vector.multi_reduction <add>, %exp3A_401, %reduce_sum3A_410 [1] : vector<128x128xf32> to vector<128xf32>
    %broadcast_in_dim3A_412 = vector.shape_cast %reduce_sum3A_411 : vector<128xf32> to vector<128x1xf32>
    %reduce_sum3A_413 = arith.constant dense<0.000000e+00> : vector<128xf32>
    %reduce_sum3A_414 = vector.multi_reduction <add>, %exp3A_405, %reduce_sum3A_413 [1] : vector<128x128xf32> to vector<128xf32>
    %broadcast_in_dim3A_415 = vector.shape_cast %reduce_sum3A_414 : vector<128xf32> to vector<128x1xf32>
    %add3A_416 = arith.addf %broadcast_in_dim3A_412, %broadcast_in_dim3A_415 : vector<128x1xf32>
    %reduce_sum3A_417 = arith.constant dense<0.000000e+00> : vector<128xf32>
    %reduce_sum3A_418 = vector.multi_reduction <add>, %exp3A_409, %reduce_sum3A_417 [1] : vector<128x128xf32> to vector<128xf32>
    %broadcast_in_dim3A_419 = vector.shape_cast %reduce_sum3A_418 : vector<128xf32> to vector<128x1xf32>
    %add3A_420 = arith.addf %add3A_416, %broadcast_in_dim3A_419 : vector<128x1xf32>
    %convert_element_type3A_421 = arith.truncf %exp3A_401 : vector<128x128xf32> to vector<128x128xbf16>
    %slice3A_422 = vector.extract_strided_slice %get3A_100 {offsets = [0, 384], sizes = [128, 32], strides = [1, 1]} : vector<128x512xbf16> to vector<128x32xbf16>
    %dot_general3A_423 = arith.constant dense<0.000000e+00> : vector<128x32xf32>
    %dot_general3A_424 = tpu.matmul %convert_element_type3A_421, %slice3A_422, %dot_general3A_423 {dimension_numbers = #tpu.dot_dimension_numbers<[1], [0], [0], [1], [0, 0, 1, 1], [], []>, transpose_lhs_hint = false} : vector<128x128xbf16>, vector<128x32xbf16>, vector<128x32xf32> -> vector<128x32xf32>
    %convert_element_type3A_425 = arith.truncf %exp3A_405 : vector<128x128xf32> to vector<128x128xbf16>
    %slice3A_426 = vector.extract_strided_slice %get3A_103 {offsets = [0, 384], sizes = [128, 32], strides = [1, 1]} : vector<128x512xbf16> to vector<128x32xbf16>
    %dot_general3A_427 = arith.constant dense<0.000000e+00> : vector<128x32xf32>
    %dot_general3A_428 = tpu.matmul %convert_element_type3A_425, %slice3A_426, %dot_general3A_427 {dimension_numbers = #tpu.dot_dimension_numbers<[1], [0], [0], [1], [0, 0, 1, 1], [], []>, transpose_lhs_hint = false} : vector<128x128xbf16>, vector<128x32xbf16>, vector<128x32xf32> -> vector<128x32xf32>
    %add3A_429 = arith.addf %dot_general3A_424, %dot_general3A_428 : vector<128x32xf32>
    %convert_element_type3A_430 = arith.truncf %exp3A_409 : vector<128x128xf32> to vector<128x128xbf16>
    %slice3A_431 = vector.extract_strided_slice %get3A_106 {offsets = [0, 384], sizes = [128, 32], strides = [1, 1]} : vector<128x512xbf16> to vector<128x32xbf16>
    %dot_general3A_432 = arith.constant dense<0.000000e+00> : vector<128x32xf32>
    %dot_general3A_433 = tpu.matmul %convert_element_type3A_430, %slice3A_431, %dot_general3A_432 {dimension_numbers = #tpu.dot_dimension_numbers<[1], [0], [0], [1], [0, 0, 1, 1], [], []>, transpose_lhs_hint = false} : vector<128x128xbf16>, vector<128x32xbf16>, vector<128x32xf32> -> vector<128x32xf32>
    %add3A_434 = arith.addf %add3A_429, %dot_general3A_433 : vector<128x32xf32>
    %slice3A_435 = vector.extract_strided_slice %get3A_100 {offsets = [0, 160], sizes = [128, 32], strides = [1, 1]} : vector<128x512xbf16> to vector<128x32xbf16>
    %dot_general3A_436 = arith.constant dense<0.000000e+00> : vector<128x128xf32>
    %dot_general3A_437 = tpu.matmul %get3A_67, %slice3A_435, %dot_general3A_436 {dimension_numbers = #tpu.dot_dimension_numbers<[1], [1], [0], [0], [0, 0, 1, 0], [], []>, transpose_lhs_hint = false} : vector<128x32xbf16>, vector<128x32xbf16>, vector<128x128xf32> -> vector<128x128xf32>
    %dot_general3A_438 = arith.constant dense<0.000000e+00> : vector<128x128xf32>
    %dot_general3A_439 = tpu.matmul %convert_element_type3A_75, %convert_element_type3A_146, %dot_general3A_438 {dimension_numbers = #tpu.dot_dimension_numbers<[1], [0], [0], [1], [0, 0, 1, 1], [], []>, transpose_lhs_hint = false} : vector<128x64xbf16>, vector<64x128xbf16>, vector<128x128xf32> -> vector<128x128xf32>
    %add3A_440 = arith.addf %dot_general3A_437, %dot_general3A_439 : vector<128x128xf32>
    %slice3A_441 = vector.extract_strided_slice %get3A_103 {offsets = [0, 160], sizes = [128, 32], strides = [1, 1]} : vector<128x512xbf16> to vector<128x32xbf16>
    %dot_general3A_442 = arith.constant dense<0.000000e+00> : vector<128x128xf32>
    %dot_general3A_443 = tpu.matmul %get3A_67, %slice3A_441, %dot_general3A_442 {dimension_numbers = #tpu.dot_dimension_numbers<[1], [1], [0], [0], [0, 0, 1, 0], [], []>, transpose_lhs_hint = false} : vector<128x32xbf16>, vector<128x32xbf16>, vector<128x128xf32> -> vector<128x128xf32>
    %dot_general3A_444 = arith.constant dense<0.000000e+00> : vector<128x128xf32>
    %dot_general3A_445 = tpu.matmul %convert_element_type3A_75, %convert_element_type3A_156, %dot_general3A_444 {dimension_numbers = #tpu.dot_dimension_numbers<[1], [0], [0], [1], [0, 0, 1, 1], [], []>, transpose_lhs_hint = false} : vector<128x64xbf16>, vector<64x128xbf16>, vector<128x128xf32> -> vector<128x128xf32>
    %add3A_446 = arith.addf %dot_general3A_443, %dot_general3A_445 : vector<128x128xf32>
    %slice3A_447 = vector.extract_strided_slice %get3A_106 {offsets = [0, 160], sizes = [128, 32], strides = [1, 1]} : vector<128x512xbf16> to vector<128x32xbf16>
    %dot_general3A_448 = arith.constant dense<0.000000e+00> : vector<128x128xf32>
    %dot_general3A_449 = tpu.matmul %get3A_67, %slice3A_447, %dot_general3A_448 {dimension_numbers = #tpu.dot_dimension_numbers<[1], [1], [0], [0], [0, 0, 1, 0], [], []>, transpose_lhs_hint = false} : vector<128x32xbf16>, vector<128x32xbf16>, vector<128x128xf32> -> vector<128x128xf32>
    %dot_general3A_450 = arith.constant dense<0.000000e+00> : vector<128x128xf32>
    %dot_general3A_451 = tpu.matmul %convert_element_type3A_75, %convert_element_type3A_166, %dot_general3A_450 {dimension_numbers = #tpu.dot_dimension_numbers<[1], [0], [0], [1], [0, 0, 1, 1], [], []>, transpose_lhs_hint = false} : vector<128x64xbf16>, vector<64x128xbf16>, vector<128x128xf32> -> vector<128x128xf32>
    %add3A_452 = arith.addf %dot_general3A_449, %dot_general3A_451 : vector<128x128xf32>
    %jit3A_453 = arith.constant -1.000000e+09 : f32
    %broadcast_in_dim3A_454 = vector.broadcast %jit3A_453 : f32 to vector<128x128xf32>
    %select_n3A_455 = arith.select %eq3A_114, %add3A_440, %broadcast_in_dim3A_454 : vector<128x128xi1>, vector<128x128xf32>
    %exp3A_456 = math.exp %select_n3A_455 : vector<128x128xf32>
    %jit3A_457 = arith.constant -1.000000e+09 : f32
    %broadcast_in_dim3A_458 = vector.broadcast %jit3A_457 : f32 to vector<128x128xf32>
    %select_n3A_459 = arith.select %and3A_124, %add3A_446, %broadcast_in_dim3A_458 : vector<128x128xi1>, vector<128x128xf32>
    %exp3A_460 = math.exp %select_n3A_459 : vector<128x128xf32>
    %jit3A_461 = arith.constant -1.000000e+09 : f32
    %broadcast_in_dim3A_462 = vector.broadcast %jit3A_461 : f32 to vector<128x128xf32>
    %select_n3A_463 = arith.select %and3A_136, %add3A_452, %broadcast_in_dim3A_462 : vector<128x128xi1>, vector<128x128xf32>
    %exp3A_464 = math.exp %select_n3A_463 : vector<128x128xf32>
    %reduce_sum3A_465 = arith.constant dense<0.000000e+00> : vector<128xf32>
    %reduce_sum3A_466 = vector.multi_reduction <add>, %exp3A_456, %reduce_sum3A_465 [1] : vector<128x128xf32> to vector<128xf32>
    %broadcast_in_dim3A_467 = vector.shape_cast %reduce_sum3A_466 : vector<128xf32> to vector<128x1xf32>
    %reduce_sum3A_468 = arith.constant dense<0.000000e+00> : vector<128xf32>
    %reduce_sum3A_469 = vector.multi_reduction <add>, %exp3A_460, %reduce_sum3A_468 [1] : vector<128x128xf32> to vector<128xf32>
    %broadcast_in_dim3A_470 = vector.shape_cast %reduce_sum3A_469 : vector<128xf32> to vector<128x1xf32>
    %add3A_471 = arith.addf %broadcast_in_dim3A_467, %broadcast_in_dim3A_470 : vector<128x1xf32>
    %reduce_sum3A_472 = arith.constant dense<0.000000e+00> : vector<128xf32>
    %reduce_sum3A_473 = vector.multi_reduction <add>, %exp3A_464, %reduce_sum3A_472 [1] : vector<128x128xf32> to vector<128xf32>
    %broadcast_in_dim3A_474 = vector.shape_cast %reduce_sum3A_473 : vector<128xf32> to vector<128x1xf32>
    %add3A_475 = arith.addf %add3A_471, %broadcast_in_dim3A_474 : vector<128x1xf32>
    %convert_element_type3A_476 = arith.truncf %exp3A_456 : vector<128x128xf32> to vector<128x128xbf16>
    %slice3A_477 = vector.extract_strided_slice %get3A_100 {offsets = [0, 416], sizes = [128, 32], strides = [1, 1]} : vector<128x512xbf16> to vector<128x32xbf16>
    %dot_general3A_478 = arith.constant dense<0.000000e+00> : vector<128x32xf32>
    %dot_general3A_479 = tpu.matmul %convert_element_type3A_476, %slice3A_477, %dot_general3A_478 {dimension_numbers = #tpu.dot_dimension_numbers<[1], [0], [0], [1], [0, 0, 1, 1], [], []>, transpose_lhs_hint = false} : vector<128x128xbf16>, vector<128x32xbf16>, vector<128x32xf32> -> vector<128x32xf32>
    %convert_element_type3A_480 = arith.truncf %exp3A_460 : vector<128x128xf32> to vector<128x128xbf16>
    %slice3A_481 = vector.extract_strided_slice %get3A_103 {offsets = [0, 416], sizes = [128, 32], strides = [1, 1]} : vector<128x512xbf16> to vector<128x32xbf16>
    %dot_general3A_482 = arith.constant dense<0.000000e+00> : vector<128x32xf32>
    %dot_general3A_483 = tpu.matmul %convert_element_type3A_480, %slice3A_481, %dot_general3A_482 {dimension_numbers = #tpu.dot_dimension_numbers<[1], [0], [0], [1], [0, 0, 1, 1], [], []>, transpose_lhs_hint = false} : vector<128x128xbf16>, vector<128x32xbf16>, vector<128x32xf32> -> vector<128x32xf32>
    %add3A_484 = arith.addf %dot_general3A_479, %dot_general3A_483 : vector<128x32xf32>
    %convert_element_type3A_485 = arith.truncf %exp3A_464 : vector<128x128xf32> to vector<128x128xbf16>
    %slice3A_486 = vector.extract_strided_slice %get3A_106 {offsets = [0, 416], sizes = [128, 32], strides = [1, 1]} : vector<128x512xbf16> to vector<128x32xbf16>
    %dot_general3A_487 = arith.constant dense<0.000000e+00> : vector<128x32xf32>
    %dot_general3A_488 = tpu.matmul %convert_element_type3A_485, %slice3A_486, %dot_general3A_487 {dimension_numbers = #tpu.dot_dimension_numbers<[1], [0], [0], [1], [0, 0, 1, 1], [], []>, transpose_lhs_hint = false} : vector<128x128xbf16>, vector<128x32xbf16>, vector<128x32xf32> -> vector<128x32xf32>
    %add3A_489 = arith.addf %add3A_484, %dot_general3A_488 : vector<128x32xf32>
    %slice3A_490 = vector.extract_strided_slice %get3A_100 {offsets = [0, 192], sizes = [128, 32], strides = [1, 1]} : vector<128x512xbf16> to vector<128x32xbf16>
    %dot_general3A_491 = arith.constant dense<0.000000e+00> : vector<128x128xf32>
    %dot_general3A_492 = tpu.matmul %get3A_78, %slice3A_490, %dot_general3A_491 {dimension_numbers = #tpu.dot_dimension_numbers<[1], [1], [0], [0], [0, 0, 1, 0], [], []>, transpose_lhs_hint = false} : vector<128x32xbf16>, vector<128x32xbf16>, vector<128x128xf32> -> vector<128x128xf32>
    %dot_general3A_493 = arith.constant dense<0.000000e+00> : vector<128x128xf32>
    %dot_general3A_494 = tpu.matmul %convert_element_type3A_86, %convert_element_type3A_146, %dot_general3A_493 {dimension_numbers = #tpu.dot_dimension_numbers<[1], [0], [0], [1], [0, 0, 1, 1], [], []>, transpose_lhs_hint = false} : vector<128x64xbf16>, vector<64x128xbf16>, vector<128x128xf32> -> vector<128x128xf32>
    %add3A_495 = arith.addf %dot_general3A_492, %dot_general3A_494 : vector<128x128xf32>
    %slice3A_496 = vector.extract_strided_slice %get3A_103 {offsets = [0, 192], sizes = [128, 32], strides = [1, 1]} : vector<128x512xbf16> to vector<128x32xbf16>
    %dot_general3A_497 = arith.constant dense<0.000000e+00> : vector<128x128xf32>
    %dot_general3A_498 = tpu.matmul %get3A_78, %slice3A_496, %dot_general3A_497 {dimension_numbers = #tpu.dot_dimension_numbers<[1], [1], [0], [0], [0, 0, 1, 0], [], []>, transpose_lhs_hint = false} : vector<128x32xbf16>, vector<128x32xbf16>, vector<128x128xf32> -> vector<128x128xf32>
    %dot_general3A_499 = arith.constant dense<0.000000e+00> : vector<128x128xf32>
    %dot_general3A_500 = tpu.matmul %convert_element_type3A_86, %convert_element_type3A_156, %dot_general3A_499 {dimension_numbers = #tpu.dot_dimension_numbers<[1], [0], [0], [1], [0, 0, 1, 1], [], []>, transpose_lhs_hint = false} : vector<128x64xbf16>, vector<64x128xbf16>, vector<128x128xf32> -> vector<128x128xf32>
    %add3A_501 = arith.addf %dot_general3A_498, %dot_general3A_500 : vector<128x128xf32>
    %slice3A_502 = vector.extract_strided_slice %get3A_106 {offsets = [0, 192], sizes = [128, 32], strides = [1, 1]} : vector<128x512xbf16> to vector<128x32xbf16>
    %dot_general3A_503 = arith.constant dense<0.000000e+00> : vector<128x128xf32>
    %dot_general3A_504 = tpu.matmul %get3A_78, %slice3A_502, %dot_general3A_503 {dimension_numbers = #tpu.dot_dimension_numbers<[1], [1], [0], [0], [0, 0, 1, 0], [], []>, transpose_lhs_hint = false} : vector<128x32xbf16>, vector<128x32xbf16>, vector<128x128xf32> -> vector<128x128xf32>
    %dot_general3A_505 = arith.constant dense<0.000000e+00> : vector<128x128xf32>
    %dot_general3A_506 = tpu.matmul %convert_element_type3A_86, %convert_element_type3A_166, %dot_general3A_505 {dimension_numbers = #tpu.dot_dimension_numbers<[1], [0], [0], [1], [0, 0, 1, 1], [], []>, transpose_lhs_hint = false} : vector<128x64xbf16>, vector<64x128xbf16>, vector<128x128xf32> -> vector<128x128xf32>
    %add3A_507 = arith.addf %dot_general3A_504, %dot_general3A_506 : vector<128x128xf32>
    %jit3A_508 = arith.constant -1.000000e+09 : f32
    %broadcast_in_dim3A_509 = vector.broadcast %jit3A_508 : f32 to vector<128x128xf32>
    %select_n3A_510 = arith.select %eq3A_114, %add3A_495, %broadcast_in_dim3A_509 : vector<128x128xi1>, vector<128x128xf32>
    %exp3A_511 = math.exp %select_n3A_510 : vector<128x128xf32>
    %jit3A_512 = arith.constant -1.000000e+09 : f32
    %broadcast_in_dim3A_513 = vector.broadcast %jit3A_512 : f32 to vector<128x128xf32>
    %select_n3A_514 = arith.select %and3A_124, %add3A_501, %broadcast_in_dim3A_513 : vector<128x128xi1>, vector<128x128xf32>
    %exp3A_515 = math.exp %select_n3A_514 : vector<128x128xf32>
    %jit3A_516 = arith.constant -1.000000e+09 : f32
    %broadcast_in_dim3A_517 = vector.broadcast %jit3A_516 : f32 to vector<128x128xf32>
    %select_n3A_518 = arith.select %and3A_136, %add3A_507, %broadcast_in_dim3A_517 : vector<128x128xi1>, vector<128x128xf32>
    %exp3A_519 = math.exp %select_n3A_518 : vector<128x128xf32>
    %reduce_sum3A_520 = arith.constant dense<0.000000e+00> : vector<128xf32>
    %reduce_sum3A_521 = vector.multi_reduction <add>, %exp3A_511, %reduce_sum3A_520 [1] : vector<128x128xf32> to vector<128xf32>
    %broadcast_in_dim3A_522 = vector.shape_cast %reduce_sum3A_521 : vector<128xf32> to vector<128x1xf32>
    %reduce_sum3A_523 = arith.constant dense<0.000000e+00> : vector<128xf32>
    %reduce_sum3A_524 = vector.multi_reduction <add>, %exp3A_515, %reduce_sum3A_523 [1] : vector<128x128xf32> to vector<128xf32>
    %broadcast_in_dim3A_525 = vector.shape_cast %reduce_sum3A_524 : vector<128xf32> to vector<128x1xf32>
    %add3A_526 = arith.addf %broadcast_in_dim3A_522, %broadcast_in_dim3A_525 : vector<128x1xf32>
    %reduce_sum3A_527 = arith.constant dense<0.000000e+00> : vector<128xf32>
    %reduce_sum3A_528 = vector.multi_reduction <add>, %exp3A_519, %reduce_sum3A_527 [1] : vector<128x128xf32> to vector<128xf32>
    %broadcast_in_dim3A_529 = vector.shape_cast %reduce_sum3A_528 : vector<128xf32> to vector<128x1xf32>
    %add3A_530 = arith.addf %add3A_526, %broadcast_in_dim3A_529 : vector<128x1xf32>
    %convert_element_type3A_531 = arith.truncf %exp3A_511 : vector<128x128xf32> to vector<128x128xbf16>
    %slice3A_532 = vector.extract_strided_slice %get3A_100 {offsets = [0, 448], sizes = [128, 32], strides = [1, 1]} : vector<128x512xbf16> to vector<128x32xbf16>
    %dot_general3A_533 = arith.constant dense<0.000000e+00> : vector<128x32xf32>
    %dot_general3A_534 = tpu.matmul %convert_element_type3A_531, %slice3A_532, %dot_general3A_533 {dimension_numbers = #tpu.dot_dimension_numbers<[1], [0], [0], [1], [0, 0, 1, 1], [], []>, transpose_lhs_hint = false} : vector<128x128xbf16>, vector<128x32xbf16>, vector<128x32xf32> -> vector<128x32xf32>
    %convert_element_type3A_535 = arith.truncf %exp3A_515 : vector<128x128xf32> to vector<128x128xbf16>
    %slice3A_536 = vector.extract_strided_slice %get3A_103 {offsets = [0, 448], sizes = [128, 32], strides = [1, 1]} : vector<128x512xbf16> to vector<128x32xbf16>
    %dot_general3A_537 = arith.constant dense<0.000000e+00> : vector<128x32xf32>
    %dot_general3A_538 = tpu.matmul %convert_element_type3A_535, %slice3A_536, %dot_general3A_537 {dimension_numbers = #tpu.dot_dimension_numbers<[1], [0], [0], [1], [0, 0, 1, 1], [], []>, transpose_lhs_hint = false} : vector<128x128xbf16>, vector<128x32xbf16>, vector<128x32xf32> -> vector<128x32xf32>
    %add3A_539 = arith.addf %dot_general3A_534, %dot_general3A_538 : vector<128x32xf32>
    %convert_element_type3A_540 = arith.truncf %exp3A_519 : vector<128x128xf32> to vector<128x128xbf16>
    %slice3A_541 = vector.extract_strided_slice %get3A_106 {offsets = [0, 448], sizes = [128, 32], strides = [1, 1]} : vector<128x512xbf16> to vector<128x32xbf16>
    %dot_general3A_542 = arith.constant dense<0.000000e+00> : vector<128x32xf32>
    %dot_general3A_543 = tpu.matmul %convert_element_type3A_540, %slice3A_541, %dot_general3A_542 {dimension_numbers = #tpu.dot_dimension_numbers<[1], [0], [0], [1], [0, 0, 1, 1], [], []>, transpose_lhs_hint = false} : vector<128x128xbf16>, vector<128x32xbf16>, vector<128x32xf32> -> vector<128x32xf32>
    %add3A_544 = arith.addf %add3A_539, %dot_general3A_543 : vector<128x32xf32>
    %slice3A_545 = vector.extract_strided_slice %get3A_100 {offsets = [0, 224], sizes = [128, 32], strides = [1, 1]} : vector<128x512xbf16> to vector<128x32xbf16>
    %dot_general3A_546 = arith.constant dense<0.000000e+00> : vector<128x128xf32>
    %dot_general3A_547 = tpu.matmul %get3A_89, %slice3A_545, %dot_general3A_546 {dimension_numbers = #tpu.dot_dimension_numbers<[1], [1], [0], [0], [0, 0, 1, 0], [], []>, transpose_lhs_hint = false} : vector<128x32xbf16>, vector<128x32xbf16>, vector<128x128xf32> -> vector<128x128xf32>
    %dot_general3A_548 = arith.constant dense<0.000000e+00> : vector<128x128xf32>
    %dot_general3A_549 = tpu.matmul %convert_element_type3A_97, %convert_element_type3A_146, %dot_general3A_548 {dimension_numbers = #tpu.dot_dimension_numbers<[1], [0], [0], [1], [0, 0, 1, 1], [], []>, transpose_lhs_hint = false} : vector<128x64xbf16>, vector<64x128xbf16>, vector<128x128xf32> -> vector<128x128xf32>
    %add3A_550 = arith.addf %dot_general3A_547, %dot_general3A_549 : vector<128x128xf32>
    %slice3A_551 = vector.extract_strided_slice %get3A_103 {offsets = [0, 224], sizes = [128, 32], strides = [1, 1]} : vector<128x512xbf16> to vector<128x32xbf16>
    %dot_general3A_552 = arith.constant dense<0.000000e+00> : vector<128x128xf32>
    %dot_general3A_553 = tpu.matmul %get3A_89, %slice3A_551, %dot_general3A_552 {dimension_numbers = #tpu.dot_dimension_numbers<[1], [1], [0], [0], [0, 0, 1, 0], [], []>, transpose_lhs_hint = false} : vector<128x32xbf16>, vector<128x32xbf16>, vector<128x128xf32> -> vector<128x128xf32>
    %dot_general3A_554 = arith.constant dense<0.000000e+00> : vector<128x128xf32>
    %dot_general3A_555 = tpu.matmul %convert_element_type3A_97, %convert_element_type3A_156, %dot_general3A_554 {dimension_numbers = #tpu.dot_dimension_numbers<[1], [0], [0], [1], [0, 0, 1, 1], [], []>, transpose_lhs_hint = false} : vector<128x64xbf16>, vector<64x128xbf16>, vector<128x128xf32> -> vector<128x128xf32>
    %add3A_556 = arith.addf %dot_general3A_553, %dot_general3A_555 : vector<128x128xf32>
    %slice3A_557 = vector.extract_strided_slice %get3A_106 {offsets = [0, 224], sizes = [128, 32], strides = [1, 1]} : vector<128x512xbf16> to vector<128x32xbf16>
    %dot_general3A_558 = arith.constant dense<0.000000e+00> : vector<128x128xf32>
    %dot_general3A_559 = tpu.matmul %get3A_89, %slice3A_557, %dot_general3A_558 {dimension_numbers = #tpu.dot_dimension_numbers<[1], [1], [0], [0], [0, 0, 1, 0], [], []>, transpose_lhs_hint = false} : vector<128x32xbf16>, vector<128x32xbf16>, vector<128x128xf32> -> vector<128x128xf32>
    %dot_general3A_560 = arith.constant dense<0.000000e+00> : vector<128x128xf32>
    %dot_general3A_561 = tpu.matmul %convert_element_type3A_97, %convert_element_type3A_166, %dot_general3A_560 {dimension_numbers = #tpu.dot_dimension_numbers<[1], [0], [0], [1], [0, 0, 1, 1], [], []>, transpose_lhs_hint = false} : vector<128x64xbf16>, vector<64x128xbf16>, vector<128x128xf32> -> vector<128x128xf32>
    %add3A_562 = arith.addf %dot_general3A_559, %dot_general3A_561 : vector<128x128xf32>
    %jit3A_563 = arith.constant -1.000000e+09 : f32
    %broadcast_in_dim3A_564 = vector.broadcast %jit3A_563 : f32 to vector<128x128xf32>
    %select_n3A_565 = arith.select %eq3A_114, %add3A_550, %broadcast_in_dim3A_564 : vector<128x128xi1>, vector<128x128xf32>
    %exp3A_566 = math.exp %select_n3A_565 : vector<128x128xf32>
    %jit3A_567 = arith.constant -1.000000e+09 : f32
    %broadcast_in_dim3A_568 = vector.broadcast %jit3A_567 : f32 to vector<128x128xf32>
    %select_n3A_569 = arith.select %and3A_124, %add3A_556, %broadcast_in_dim3A_568 : vector<128x128xi1>, vector<128x128xf32>
    %exp3A_570 = math.exp %select_n3A_569 : vector<128x128xf32>
    %jit3A_571 = arith.constant -1.000000e+09 : f32
    %broadcast_in_dim3A_572 = vector.broadcast %jit3A_571 : f32 to vector<128x128xf32>
    %select_n3A_573 = arith.select %and3A_136, %add3A_562, %broadcast_in_dim3A_572 : vector<128x128xi1>, vector<128x128xf32>
    %exp3A_574 = math.exp %select_n3A_573 : vector<128x128xf32>
    %reduce_sum3A_575 = arith.constant dense<0.000000e+00> : vector<128xf32>
    %reduce_sum3A_576 = vector.multi_reduction <add>, %exp3A_566, %reduce_sum3A_575 [1] : vector<128x128xf32> to vector<128xf32>
    %broadcast_in_dim3A_577 = vector.shape_cast %reduce_sum3A_576 : vector<128xf32> to vector<128x1xf32>
    %reduce_sum3A_578 = arith.constant dense<0.000000e+00> : vector<128xf32>
    %reduce_sum3A_579 = vector.multi_reduction <add>, %exp3A_570, %reduce_sum3A_578 [1] : vector<128x128xf32> to vector<128xf32>
    %broadcast_in_dim3A_580 = vector.shape_cast %reduce_sum3A_579 : vector<128xf32> to vector<128x1xf32>
    %add3A_581 = arith.addf %broadcast_in_dim3A_577, %broadcast_in_dim3A_580 : vector<128x1xf32>
    %reduce_sum3A_582 = arith.constant dense<0.000000e+00> : vector<128xf32>
    %reduce_sum3A_583 = vector.multi_reduction <add>, %exp3A_574, %reduce_sum3A_582 [1] : vector<128x128xf32> to vector<128xf32>
    %broadcast_in_dim3A_584 = vector.shape_cast %reduce_sum3A_583 : vector<128xf32> to vector<128x1xf32>
    %add3A_585 = arith.addf %add3A_581, %broadcast_in_dim3A_584 : vector<128x1xf32>
    %convert_element_type3A_586 = arith.truncf %exp3A_566 : vector<128x128xf32> to vector<128x128xbf16>
    %slice3A_587 = vector.extract_strided_slice %get3A_100 {offsets = [0, 480], sizes = [128, 32], strides = [1, 1]} : vector<128x512xbf16> to vector<128x32xbf16>
    %dot_general3A_588 = arith.constant dense<0.000000e+00> : vector<128x32xf32>
    %dot_general3A_589 = tpu.matmul %convert_element_type3A_586, %slice3A_587, %dot_general3A_588 {dimension_numbers = #tpu.dot_dimension_numbers<[1], [0], [0], [1], [0, 0, 1, 1], [], []>, transpose_lhs_hint = false} : vector<128x128xbf16>, vector<128x32xbf16>, vector<128x32xf32> -> vector<128x32xf32>
    %convert_element_type3A_590 = arith.truncf %exp3A_570 : vector<128x128xf32> to vector<128x128xbf16>
    %slice3A_591 = vector.extract_strided_slice %get3A_103 {offsets = [0, 480], sizes = [128, 32], strides = [1, 1]} : vector<128x512xbf16> to vector<128x32xbf16>
    %dot_general3A_592 = arith.constant dense<0.000000e+00> : vector<128x32xf32>
    %dot_general3A_593 = tpu.matmul %convert_element_type3A_590, %slice3A_591, %dot_general3A_592 {dimension_numbers = #tpu.dot_dimension_numbers<[1], [0], [0], [1], [0, 0, 1, 1], [], []>, transpose_lhs_hint = false} : vector<128x128xbf16>, vector<128x32xbf16>, vector<128x32xf32> -> vector<128x32xf32>
    %add3A_594 = arith.addf %dot_general3A_589, %dot_general3A_593 : vector<128x32xf32>
    %convert_element_type3A_595 = arith.truncf %exp3A_574 : vector<128x128xf32> to vector<128x128xbf16>
    %slice3A_596 = vector.extract_strided_slice %get3A_106 {offsets = [0, 480], sizes = [128, 32], strides = [1, 1]} : vector<128x512xbf16> to vector<128x32xbf16>
    %dot_general3A_597 = arith.constant dense<0.000000e+00> : vector<128x32xf32>
    %dot_general3A_598 = tpu.matmul %convert_element_type3A_595, %slice3A_596, %dot_general3A_597 {dimension_numbers = #tpu.dot_dimension_numbers<[1], [0], [0], [1], [0, 0, 1, 1], [], []>, transpose_lhs_hint = false} : vector<128x128xbf16>, vector<128x32xbf16>, vector<128x32xf32> -> vector<128x32xf32>
    %add3A_599 = arith.addf %add3A_594, %dot_general3A_598 : vector<128x32xf32>
    %div3A = vector.broadcast %add3A_200 : vector<128x1xf32> to vector<128x32xf32>
    %div3A_600 = arith.divf %add3A_214, %div3A : vector<128x32xf32>
    %div3A_601 = vector.broadcast %add3A_255 : vector<128x1xf32> to vector<128x32xf32>
    %div3A_602 = arith.divf %add3A_269, %div3A_601 : vector<128x32xf32>
    %div3A_603 = vector.broadcast %add3A_310 : vector<128x1xf32> to vector<128x32xf32>
    %div3A_604 = arith.divf %add3A_324, %div3A_603 : vector<128x32xf32>
    %div3A_605 = vector.broadcast %add3A_365 : vector<128x1xf32> to vector<128x32xf32>
    %div3A_606 = arith.divf %add3A_379, %div3A_605 : vector<128x32xf32>
    %div3A_607 = vector.broadcast %add3A_420 : vector<128x1xf32> to vector<128x32xf32>
    %div3A_608 = arith.divf %add3A_434, %div3A_607 : vector<128x32xf32>
    %div3A_609 = vector.broadcast %add3A_475 : vector<128x1xf32> to vector<128x32xf32>
    %div3A_610 = arith.divf %add3A_489, %div3A_609 : vector<128x32xf32>
    %div3A_611 = vector.broadcast %add3A_530 : vector<128x1xf32> to vector<128x32xf32>
    %div3A_612 = arith.divf %add3A_544, %div3A_611 : vector<128x32xf32>
    %div3A_613 = vector.broadcast %add3A_585 : vector<128x1xf32> to vector<128x32xf32>
    %div3A_614 = arith.divf %add3A_599, %div3A_613 : vector<128x32xf32>
    %concatenate3A = tpu.concatenate %div3A_600, %div3A_602, %div3A_604, %div3A_606, %div3A_608, %div3A_610, %div3A_612, %div3A_614 in 1 : vector<128x32xf32>, vector<128x32xf32>, vector<128x32xf32>, vector<128x32xf32>, vector<128x32xf32>, vector<128x32xf32>, vector<128x32xf32>, vector<128x32xf32> -> vector<128x256xf32>
    %convert_element_type3A_615 = arith.truncf %concatenate3A : vector<128x256xf32> to vector<128x256xbf16>
    %get3A_616 = arith.constant 0 : index
    %get3A_617 = arith.constant 0 : index
    %get3A_618 = vector.load %arg16[%get3A_616, %get3A_617] : memref<256x256xbf16, #tpu.memory_space<vmem>>, vector<256x256xbf16>
    %dot_general3A_619 = arith.constant dense<0.000000e+00> : vector<128x256xf32>
    %dot_general3A_620 = tpu.matmul %convert_element_type3A_615, %get3A_618, %dot_general3A_619 {dimension_numbers = #tpu.dot_dimension_numbers<[1], [0], [0], [1], [0, 0, 1, 1], [], []>, transpose_lhs_hint = false} : vector<128x256xbf16>, vector<256x256xbf16>, vector<128x256xf32> -> vector<128x256xf32>
    %get3A_621 = arith.constant 0 : index
    %get3A_622 = arith.constant 0 : index
    %get3A_623 = vector.load %arg17[%get3A_621, %get3A_622] : memref<1x256xf32, #tpu.memory_space<vmem>>, vector<1x256xf32>
    %add3A_624 = vector.broadcast %get3A_623 : vector<1x256xf32> to vector<128x256xf32>
    %add3A_625 = arith.addf %dot_general3A_620, %add3A_624 : vector<128x256xf32>
    %swap3A = arith.constant 0 : index
    %swap3A_626 = arith.constant 0 : index
    %swap3A_627 = vector.load %arg20[%swap3A, %swap3A_626] : memref<128x256xf32, #tpu.memory_space<vmem>>, vector<128x256xf32>
    tpu.vector_store %arg20[%swap3A, %swap3A_626], %add3A_625 {strides = array<i32>} : memref<128x256xf32, #tpu.memory_space<vmem>>, vector<128x256xf32>,
    return
  }
  func.func @transform_0(%arg0: i32, %arg1: memref<128xi32, #tpu.memory_space<smem>>, %arg2: memref<128xi32, #tpu.memory_space<smem>>, %arg3: memref<128xi32, #tpu.memory_space<smem>>, %arg4: memref<128xi32, #tpu.memory_space<smem>>) -> (i32, i32) {
    %c0_i32 = arith.constant 0 : i32
    %c0_i32_0 = arith.constant 0 : i32
    return %arg0, %c0_i32 : i32, i32
  }
  func.func @transform_1(%arg0: i32, %arg1: memref<128xi32, #tpu.memory_space<smem>>, %arg2: memref<128xi32, #tpu.memory_space<smem>>, %arg3: memref<128xi32, #tpu.memory_space<smem>>, %arg4: memref<128xi32, #tpu.memory_space<smem>>) -> (i32, i32) {
    %get3A = arith.index_cast %arg0 : i32 to index
    %get3A_0 = memref.load %arg1[%get3A] : memref<128xi32, #tpu.memory_space<smem>>
    %c0_i32 = arith.constant 0 : i32
    %c0_i32_1 = arith.constant 0 : i32
    return %get3A_0, %c0_i32 : i32, i32
  }
  func.func @transform_2(%arg0: i32, %arg1: memref<128xi32, #tpu.memory_space<smem>>, %arg2: memref<128xi32, #tpu.memory_space<smem>>, %arg3: memref<128xi32, #tpu.memory_space<smem>>, %arg4: memref<128xi32, #tpu.memory_space<smem>>) -> (i32, i32) {
    %get3A = arith.index_cast %arg0 : i32 to index
    %get3A_0 = memref.load %arg2[%get3A] : memref<128xi32, #tpu.memory_space<smem>>
    %c0_i32 = arith.constant 0 : i32
    %c0_i32_1 = arith.constant 0 : i32
    return %get3A_0, %c0_i32 : i32, i32
  }
  func.func @transform_3(%arg0: i32, %arg1: memref<128xi32, #tpu.memory_space<smem>>, %arg2: memref<128xi32, #tpu.memory_space<smem>>, %arg3: memref<128xi32, #tpu.memory_space<smem>>, %arg4: memref<128xi32, #tpu.memory_space<smem>>) -> (i32, i32) {
    %get3A = arith.index_cast %arg0 : i32 to index
    %get3A_0 = memref.load %arg3[%get3A] : memref<128xi32, #tpu.memory_space<smem>>
    %c0_i32 = arith.constant 0 : i32
    %c0_i32_1 = arith.constant 0 : i32
    return %get3A_0, %c0_i32 : i32, i32
  }
  func.func @transform_4(%arg0: i32, %arg1: memref<128xi32, #tpu.memory_space<smem>>, %arg2: memref<128xi32, #tpu.memory_space<smem>>, %arg3: memref<128xi32, #tpu.memory_space<smem>>, %arg4: memref<128xi32, #tpu.memory_space<smem>>) -> (i32, i32, i32) {
    %get3A = arith.index_cast %arg0 : i32 to index
    %get3A_0 = memref.load %arg1[%get3A] : memref<128xi32, #tpu.memory_space<smem>>
    %c0_i32 = arith.constant 0 : i32
    %c0_i32_1 = arith.constant 0 : i32
    %c0_i32_2 = arith.constant 0 : i32
    return %get3A_0, %c0_i32, %c0_i32_1 : i32, i32, i32
  }
  func.func @transform_5(%arg0: i32, %arg1: memref<128xi32, #tpu.memory_space<smem>>, %arg2: memref<128xi32, #tpu.memory_space<smem>>, %arg3: memref<128xi32, #tpu.memory_space<smem>>, %arg4: memref<128xi32, #tpu.memory_space<smem>>) -> (i32, i32, i32) {
    %get3A = arith.index_cast %arg0 : i32 to index
    %get3A_0 = memref.load %arg2[%get3A] : memref<128xi32, #tpu.memory_space<smem>>
    %c0_i32 = arith.constant 0 : i32
    %c0_i32_1 = arith.constant 0 : i32
    %c0_i32_2 = arith.constant 0 : i32
    return %get3A_0, %c0_i32, %c0_i32_1 : i32, i32, i32
  }
  func.func @transform_6(%arg0: i32, %arg1: memref<128xi32, #tpu.memory_space<smem>>, %arg2: memref<128xi32, #tpu.memory_space<smem>>, %arg3: memref<128xi32, #tpu.memory_space<smem>>, %arg4: memref<128xi32, #tpu.memory_space<smem>>) -> (i32, i32, i32) {
    %get3A = arith.index_cast %arg0 : i32 to index
    %get3A_0 = memref.load %arg3[%get3A] : memref<128xi32, #tpu.memory_space<smem>>
    %c0_i32 = arith.constant 0 : i32
    %c0_i32_1 = arith.constant 0 : i32
    %c0_i32_2 = arith.constant 0 : i32
    return %get3A_0, %c0_i32, %c0_i32_1 : i32, i32, i32
  }
  func.func @transform_7(%arg0: i32, %arg1: memref<128xi32, #tpu.memory_space<smem>>, %arg2: memref<128xi32, #tpu.memory_space<smem>>, %arg3: memref<128xi32, #tpu.memory_space<smem>>, %arg4: memref<128xi32, #tpu.memory_space<smem>>) -> (i32, i32, i32) {
    %get3A = arith.index_cast %arg0 : i32 to index
    %get3A_0 = memref.load %arg1[%get3A] : memref<128xi32, #tpu.memory_space<smem>>
    %c0_i32 = arith.constant 0 : i32
    %c0_i32_1 = arith.constant 0 : i32
    %c0_i32_2 = arith.constant 0 : i32
    return %get3A_0, %c0_i32, %c0_i32_1 : i32, i32, i32
  }
  func.func @transform_8(%arg0: i32, %arg1: memref<128xi32, #tpu.memory_space<smem>>, %arg2: memref<128xi32, #tpu.memory_space<smem>>, %arg3: memref<128xi32, #tpu.memory_space<smem>>, %arg4: memref<128xi32, #tpu.memory_space<smem>>) -> (i32, i32, i32) {
    %get3A = arith.index_cast %arg0 : i32 to index
    %get3A_0 = memref.load %arg2[%get3A] : memref<128xi32, #tpu.memory_space<smem>>
    %c0_i32 = arith.constant 0 : i32
    %c0_i32_1 = arith.constant 0 : i32
    %c0_i32_2 = arith.constant 0 : i32
    return %get3A_0, %c0_i32, %c0_i32_1 : i32, i32, i32
  }
  func.func @transform_9(%arg0: i32, %arg1: memref<128xi32, #tpu.memory_space<smem>>, %arg2: memref<128xi32, #tpu.memory_space<smem>>, %arg3: memref<128xi32, #tpu.memory_space<smem>>, %arg4: memref<128xi32, #tpu.memory_space<smem>>) -> (i32, i32, i32) {
    %get3A = arith.index_cast %arg0 : i32 to index
    %get3A_0 = memref.load %arg3[%get3A] : memref<128xi32, #tpu.memory_space<smem>>
    %c0_i32 = arith.constant 0 : i32
    %c0_i32_1 = arith.constant 0 : i32
    %c0_i32_2 = arith.constant 0 : i32
    return %get3A_0, %c0_i32, %c0_i32_1 : i32, i32, i32
  }
  func.func @transform_10(%arg0: i32, %arg1: memref<128xi32, #tpu.memory_space<smem>>, %arg2: memref<128xi32, #tpu.memory_space<smem>>, %arg3: memref<128xi32, #tpu.memory_space<smem>>, %arg4: memref<128xi32, #tpu.memory_space<smem>>) -> (i32, i32, i32) {
    %c0_i32 = arith.constant 0 : i32
    %c0_i32_0 = arith.constant 0 : i32
    %c0_i32_1 = arith.constant 0 : i32
    %c0_i32_2 = arith.constant 0 : i32
    return %c0_i32, %c0_i32_0, %c0_i32_1 : i32, i32, i32
  }
  func.func @transform_11(%arg0: i32, %arg1: memref<128xi32, #tpu.memory_space<smem>>, %arg2: memref<128xi32, #tpu.memory_space<smem>>, %arg3: memref<128xi32, #tpu.memory_space<smem>>, %arg4: memref<128xi32, #tpu.memory_space<smem>>) -> (i32, i32) {
    %c0_i32 = arith.constant 0 : i32
    %c0_i32_0 = arith.constant 0 : i32
    %c0_i32_1 = arith.constant 0 : i32
    return %c0_i32, %c0_i32_0 : i32, i32
  }
  func.func @transform_12(%arg0: i32, %arg1: memref<128xi32, #tpu.memory_space<smem>>, %arg2: memref<128xi32, #tpu.memory_space<smem>>, %arg3: memref<128xi32, #tpu.memory_space<smem>>, %arg4: memref<128xi32, #tpu.memory_space<smem>>) -> (i32, i32) {
    %c0_i32 = arith.constant 0 : i32
    %c0_i32_0 = arith.constant 0 : i32
    %c0_i32_1 = arith.constant 0 : i32
    return %c0_i32, %c0_i32_0 : i32, i32
  }
  func.func @transform_13(%arg0: i32, %arg1: memref<128xi32, #tpu.memory_space<smem>>, %arg2: memref<128xi32, #tpu.memory_space<smem>>, %arg3: memref<128xi32, #tpu.memory_space<smem>>, %arg4: memref<128xi32, #tpu.memory_space<smem>>) -> (i32, i32) {
    %c0_i32 = arith.constant 0 : i32
    %c0_i32_0 = arith.constant 0 : i32
    return %arg0, %c0_i32 : i32, i32
  }
  func.func @transform_14(%arg0: i32, %arg1: memref<128xi32, #tpu.memory_space<smem>>, %arg2: memref<128xi32, #tpu.memory_space<smem>>, %arg3: memref<128xi32, #tpu.memory_space<smem>>, %arg4: memref<128xi32, #tpu.memory_space<smem>>) -> (i32, i32) {
    %c0_i32 = arith.constant 0 : i32
    %c0_i32_0 = arith.constant 0 : i32
    return %arg0, %c0_i32 : i32, i32
  }
  func.func @transform_15(%arg0: i32, %arg1: memref<128xi32, #tpu.memory_space<smem>>, %arg2: memref<128xi32, #tpu.memory_space<smem>>, %arg3: memref<128xi32, #tpu.memory_space<smem>>, %arg4: memref<128xi32, #tpu.memory_space<smem>>) -> (i32, i32) {
    %c0_i32 = arith.constant 0 : i32
    %c0_i32_0 = arith.constant 0 : i32
    return %arg0, %c0_i32 : i32, i32
  }
}

module attributes {stable_mosaic.version = 14 : i64} {
  func.func @body(%arg0: i32, %arg1: memref<128xi32, #tpu.memory_space<smem>>, %arg2: memref<1xi32, #tpu.memory_space<smem>>, %arg3: memref<128xi32, #tpu.memory_space<smem>>, %arg4: memref<128xi32, #tpu.memory_space<smem>>, %arg5: memref<128x256xf32, #tpu.memory_space<vmem>>, %arg6: memref<128x256xbf16, #tpu.memory_space<vmem>>, %arg7: memref<128x1xi32, #tpu.memory_space<vmem>>, %arg8: memref<128x1xi32, #tpu.memory_space<vmem>>, %arg9: memref<128x1x128xi32, #tpu.memory_space<vmem>>, %arg10: memref<128x1x128xi32, #tpu.memory_space<vmem>>, %arg11: memref<16384x512xbf16, #tpu.memory_space<any>>, %arg12: memref<8x64x64xbf16, #tpu.memory_space<vmem>>, %arg13: memref<256x256xbf16, #tpu.memory_space<vmem>>, %arg14: memref<1x256xf32, #tpu.memory_space<vmem>>, %arg15: memref<128x256xf32, #tpu.memory_space<vmem>>, %arg16: memref<128x512xbf16, #tpu.memory_space<vmem>>, %arg17: memref<128x8xf32, #tpu.memory_space<vmem>>, %arg18: memref<128x256xf32, #tpu.memory_space<vmem>>, %arg19: memref<!tpu.dma_semaphore, #tpu.memory_space<semaphore_mem>>) attributes {dimension_semantics = [#tpu.dimension_semantics<arbitrary>], iteration_bounds = array<i64: 128>, scalar_prefetch = 4 : i64, scratch_operands = 4 : i64, tpu.core_type = #tpu.core_type<tc>, window_params = [{transform_indices = @transform_0, window_bounds = array<i64: 128, 256>}, {transform_indices = @transform_1, window_bounds = array<i64: 128, 256>}, {transform_indices = @transform_2, window_bounds = array<i64: 128, 1>}, {transform_indices = @transform_3, window_bounds = array<i64: 128, 1>}, {pipeline_mode = #tpu.pipeline_mode<synchronous>, transform_indices = @transform_4, window_bounds = array<i64: 128, 1, 128>}, {pipeline_mode = #tpu.pipeline_mode<synchronous>, transform_indices = @transform_5, window_bounds = array<i64: 128, 1, 128>}, {}, {pipeline_mode = #tpu.pipeline_mode<synchronous>, transform_indices = @transform_7, window_bounds = array<i64: 8, 64, 64>}, {pipeline_mode = #tpu.pipeline_mode<synchronous>, transform_indices = @transform_8, window_bounds = array<i64: 256, 256>}, {pipeline_mode = #tpu.pipeline_mode<synchronous>, transform_indices = @transform_9, window_bounds = array<i64: 1, 256>}, {transform_indices = @transform_10, window_bounds = array<i64: 128, 256>}]} {
    %get3A = arith.constant 0 : index
    %get3A_0 = arith.constant 0 : index
    %get3A_1 = vector.load %arg5[%get3A, %get3A_0] : memref<128x256xf32, #tpu.memory_space<vmem>>, vector<128x256xf32>
    %swap3A = arith.constant 0 : index
    %swap3A_2 = arith.constant 0 : index
    %swap3A_3 = vector.load %arg15[%swap3A, %swap3A_2] : memref<128x256xf32, #tpu.memory_space<vmem>>, vector<128x256xf32>
    tpu.vector_store %arg15[%swap3A, %swap3A_2], %get3A_1 {strides = array<i32>} : memref<128x256xf32, #tpu.memory_space<vmem>>, vector<128x256xf32>,
    %get3A_4 = arith.constant 0 : index
    %get3A_5 = memref.load %arg2[%get3A_4] : memref<1xi32, #tpu.memory_space<smem>>
    %lt3A = arith.cmpi slt, %arg0, %get3A_5 : i32
    %convert_element_type3A = arith.extui %lt3A : i1 to i32
    %cond3A = arith.constant 0 : i32
    %cond3A_6 = arith.cmpi ne, %convert_element_type3A, %cond3A : i32
    scf.if %cond3A_6 {
      %get3A_7 = arith.index_cast %arg0 : i32 to index
      %get3A_8 = memref.load %arg1[%get3A_7] : memref<128xi32, #tpu.memory_space<smem>>
      %get3A_9 = arith.index_cast %get3A_8 : i32 to index
      %get3A_10 = memref.load %arg3[%get3A_9] : memref<128xi32, #tpu.memory_space<smem>>
      %get3A_11 = arith.index_cast %get3A_8 : i32 to index
      %get3A_12 = memref.load %arg4[%get3A_11] : memref<128xi32, #tpu.memory_space<smem>>
      %get3A_13 = arith.constant 0 : index
      %get3A_14 = arith.constant 0 : index
      %get3A_15 = vector.load %arg7[%get3A_13, %get3A_14] : memref<128x1xi32, #tpu.memory_space<vmem>>, vector<128x1xi32>
      %get3A_16 = arith.constant 0 : index
      %get3A_17 = arith.constant 0 : index
      %get3A_18 = vector.load %arg8[%get3A_16, %get3A_17] : memref<128x1xi32, #tpu.memory_space<vmem>>, vector<128x1xi32>
      %iota3A = tpu.iota {dimensions = array<i32: 1>} : vector<128x64xi32>
      %eq3A = vector.broadcast %get3A_18 : vector<128x1xi32> to vector<128x64xi32>
      %eq3A_19 = arith.cmpi eq, %iota3A, %eq3A : vector<128x64xi32>
      %convert_element_type3A_20 = arith.extui %eq3A_19 : vector<128x64xi1> to vector<128x64xi32>
      %convert_element_type3A_21 = arith.sitofp %convert_element_type3A_20 : vector<128x64xi32> to vector<128x64xf32>
      %convert_element_type3A_22 = arith.truncf %convert_element_type3A_21 : vector<128x64xf32> to vector<128x64xbf16>
      %iota3A_23 = tpu.iota {dimensions = array<i32: 0>} : vector<64x128xi32>
      %get3A_24 = arith.constant 0 : index
      %get3A_25 = arith.constant 0 : index
      %get3A_26 = vector.load %arg6[%get3A_24, %get3A_25] : memref<128x256xbf16, #tpu.memory_space<vmem>>, vector<128x32xbf16>
      %get3A_27 = arith.constant 0 : index
      %get3A_28 = arith.constant 0 : index
      %get3A_29 = arith.constant 0 : index
      %get3A_30 = vector.load %arg12[%get3A_27, %get3A_28, %get3A_29] : memref<8x64x64xbf16, #tpu.memory_space<vmem>>, vector<1x64x64xbf16>
      %get3A_31 = vector.shape_cast %get3A_30 : vector<1x64x64xbf16> to vector<64x64xbf16>
      %dot_general3A = arith.constant dense<0.000000e+00> : vector<128x64xf32>
      %dot_general3A_32 = tpu.matmul %convert_element_type3A_22, %get3A_31, %dot_general3A {dimension_numbers = #tpu.dot_dimension_numbers<[1], [0], [0], [1], [0, 0, 1, 1], [], []>, transpose_lhs_hint = false} : vector<128x64xbf16>, vector<64x64xbf16>, vector<128x64xf32> -> vector<128x64xf32>
      %convert_element_type3A_33 = arith.truncf %dot_general3A_32 : vector<128x64xf32> to vector<128x64xbf16>
      %get3A_34 = arith.constant 0 : index
      %get3A_35 = arith.constant 32 : index
      %get3A_36 = vector.load %arg6[%get3A_34, %get3A_35] : memref<128x256xbf16, #tpu.memory_space<vmem>>, vector<128x32xbf16>
      %get3A_37 = arith.constant 1 : index
      %get3A_38 = arith.constant 0 : index
      %get3A_39 = arith.constant 0 : index
      %get3A_40 = vector.load %arg12[%get3A_37, %get3A_38, %get3A_39] : memref<8x64x64xbf16, #tpu.memory_space<vmem>>, vector<1x64x64xbf16>
      %get3A_41 = vector.shape_cast %get3A_40 : vector<1x64x64xbf16> to vector<64x64xbf16>
      %dot_general3A_42 = arith.constant dense<0.000000e+00> : vector<128x64xf32>
      %dot_general3A_43 = tpu.matmul %convert_element_type3A_22, %get3A_41, %dot_general3A_42 {dimension_numbers = #tpu.dot_dimension_numbers<[1], [0], [0], [1], [0, 0, 1, 1], [], []>, transpose_lhs_hint = false} : vector<128x64xbf16>, vector<64x64xbf16>, vector<128x64xf32> -> vector<128x64xf32>
      %convert_element_type3A_44 = arith.truncf %dot_general3A_43 : vector<128x64xf32> to vector<128x64xbf16>
      %get3A_45 = arith.constant 0 : index
      %get3A_46 = arith.constant 64 : index
      %get3A_47 = vector.load %arg6[%get3A_45, %get3A_46] : memref<128x256xbf16, #tpu.memory_space<vmem>>, vector<128x32xbf16>
      %get3A_48 = arith.constant 2 : index
      %get3A_49 = arith.constant 0 : index
      %get3A_50 = arith.constant 0 : index
      %get3A_51 = vector.load %arg12[%get3A_48, %get3A_49, %get3A_50] : memref<8x64x64xbf16, #tpu.memory_space<vmem>>, vector<1x64x64xbf16>
      %get3A_52 = vector.shape_cast %get3A_51 : vector<1x64x64xbf16> to vector<64x64xbf16>
      %dot_general3A_53 = arith.constant dense<0.000000e+00> : vector<128x64xf32>
      %dot_general3A_54 = tpu.matmul %convert_element_type3A_22, %get3A_52, %dot_general3A_53 {dimension_numbers = #tpu.dot_dimension_numbers<[1], [0], [0], [1], [0, 0, 1, 1], [], []>, transpose_lhs_hint = false} : vector<128x64xbf16>, vector<64x64xbf16>, vector<128x64xf32> -> vector<128x64xf32>
      %convert_element_type3A_55 = arith.truncf %dot_general3A_54 : vector<128x64xf32> to vector<128x64xbf16>
      %get3A_56 = arith.constant 0 : index
      %get3A_57 = arith.constant 96 : index
      %get3A_58 = vector.load %arg6[%get3A_56, %get3A_57] : memref<128x256xbf16, #tpu.memory_space<vmem>>, vector<128x32xbf16>
      %get3A_59 = arith.constant 3 : index
      %get3A_60 = arith.constant 0 : index
      %get3A_61 = arith.constant 0 : index
      %get3A_62 = vector.load %arg12[%get3A_59, %get3A_60, %get3A_61] : memref<8x64x64xbf16, #tpu.memory_space<vmem>>, vector<1x64x64xbf16>
      %get3A_63 = vector.shape_cast %get3A_62 : vector<1x64x64xbf16> to vector<64x64xbf16>
      %dot_general3A_64 = arith.constant dense<0.000000e+00> : vector<128x64xf32>
      %dot_general3A_65 = tpu.matmul %convert_element_type3A_22, %get3A_63, %dot_general3A_64 {dimension_numbers = #tpu.dot_dimension_numbers<[1], [0], [0], [1], [0, 0, 1, 1], [], []>, transpose_lhs_hint = false} : vector<128x64xbf16>, vector<64x64xbf16>, vector<128x64xf32> -> vector<128x64xf32>
      %convert_element_type3A_66 = arith.truncf %dot_general3A_65 : vector<128x64xf32> to vector<128x64xbf16>
      %get3A_67 = arith.constant 0 : index
      %get3A_68 = arith.constant 128 : index
      %get3A_69 = vector.load %arg6[%get3A_67, %get3A_68] : memref<128x256xbf16, #tpu.memory_space<vmem>>, vector<128x32xbf16>
      %get3A_70 = arith.constant 4 : index
      %get3A_71 = arith.constant 0 : index
      %get3A_72 = arith.constant 0 : index
      %get3A_73 = vector.load %arg12[%get3A_70, %get3A_71, %get3A_72] : memref<8x64x64xbf16, #tpu.memory_space<vmem>>, vector<1x64x64xbf16>
      %get3A_74 = vector.shape_cast %get3A_73 : vector<1x64x64xbf16> to vector<64x64xbf16>
      %dot_general3A_75 = arith.constant dense<0.000000e+00> : vector<128x64xf32>
      %dot_general3A_76 = tpu.matmul %convert_element_type3A_22, %get3A_74, %dot_general3A_75 {dimension_numbers = #tpu.dot_dimension_numbers<[1], [0], [0], [1], [0, 0, 1, 1], [], []>, transpose_lhs_hint = false} : vector<128x64xbf16>, vector<64x64xbf16>, vector<128x64xf32> -> vector<128x64xf32>
      %convert_element_type3A_77 = arith.truncf %dot_general3A_76 : vector<128x64xf32> to vector<128x64xbf16>
      %get3A_78 = arith.constant 0 : index
      %get3A_79 = arith.constant 160 : index
      %get3A_80 = vector.load %arg6[%get3A_78, %get3A_79] : memref<128x256xbf16, #tpu.memory_space<vmem>>, vector<128x32xbf16>
      %get3A_81 = arith.constant 5 : index
      %get3A_82 = arith.constant 0 : index
      %get3A_83 = arith.constant 0 : index
      %get3A_84 = vector.load %arg12[%get3A_81, %get3A_82, %get3A_83] : memref<8x64x64xbf16, #tpu.memory_space<vmem>>, vector<1x64x64xbf16>
      %get3A_85 = vector.shape_cast %get3A_84 : vector<1x64x64xbf16> to vector<64x64xbf16>
      %dot_general3A_86 = arith.constant dense<0.000000e+00> : vector<128x64xf32>
      %dot_general3A_87 = tpu.matmul %convert_element_type3A_22, %get3A_85, %dot_general3A_86 {dimension_numbers = #tpu.dot_dimension_numbers<[1], [0], [0], [1], [0, 0, 1, 1], [], []>, transpose_lhs_hint = false} : vector<128x64xbf16>, vector<64x64xbf16>, vector<128x64xf32> -> vector<128x64xf32>
      %convert_element_type3A_88 = arith.truncf %dot_general3A_87 : vector<128x64xf32> to vector<128x64xbf16>
      %get3A_89 = arith.constant 0 : index
      %get3A_90 = arith.constant 192 : index
      %get3A_91 = vector.load %arg6[%get3A_89, %get3A_90] : memref<128x256xbf16, #tpu.memory_space<vmem>>, vector<128x32xbf16>
      %get3A_92 = arith.constant 6 : index
      %get3A_93 = arith.constant 0 : index
      %get3A_94 = arith.constant 0 : index
      %get3A_95 = vector.load %arg12[%get3A_92, %get3A_93, %get3A_94] : memref<8x64x64xbf16, #tpu.memory_space<vmem>>, vector<1x64x64xbf16>
      %get3A_96 = vector.shape_cast %get3A_95 : vector<1x64x64xbf16> to vector<64x64xbf16>
      %dot_general3A_97 = arith.constant dense<0.000000e+00> : vector<128x64xf32>
      %dot_general3A_98 = tpu.matmul %convert_element_type3A_22, %get3A_96, %dot_general3A_97 {dimension_numbers = #tpu.dot_dimension_numbers<[1], [0], [0], [1], [0, 0, 1, 1], [], []>, transpose_lhs_hint = false} : vector<128x64xbf16>, vector<64x64xbf16>, vector<128x64xf32> -> vector<128x64xf32>
      %convert_element_type3A_99 = arith.truncf %dot_general3A_98 : vector<128x64xf32> to vector<128x64xbf16>
      %get3A_100 = arith.constant 0 : index
      %get3A_101 = arith.constant 224 : index
      %get3A_102 = vector.load %arg6[%get3A_100, %get3A_101] : memref<128x256xbf16, #tpu.memory_space<vmem>>, vector<128x32xbf16>
      %get3A_103 = arith.constant 7 : index
      %get3A_104 = arith.constant 0 : index
      %get3A_105 = arith.constant 0 : index
      %get3A_106 = vector.load %arg12[%get3A_103, %get3A_104, %get3A_105] : memref<8x64x64xbf16, #tpu.memory_space<vmem>>, vector<1x64x64xbf16>
      %get3A_107 = vector.shape_cast %get3A_106 : vector<1x64x64xbf16> to vector<64x64xbf16>
      %dot_general3A_108 = arith.constant dense<0.000000e+00> : vector<128x64xf32>
      %dot_general3A_109 = tpu.matmul %convert_element_type3A_22, %get3A_107, %dot_general3A_108 {dimension_numbers = #tpu.dot_dimension_numbers<[1], [0], [0], [1], [0, 0, 1, 1], [], []>, transpose_lhs_hint = false} : vector<128x64xbf16>, vector<64x64xbf16>, vector<128x64xf32> -> vector<128x64xf32>
      %convert_element_type3A_110 = arith.truncf %dot_general3A_109 : vector<128x64xf32> to vector<128x64xbf16>
      %broadcast_in_dim3A = arith.constant 0.000000e+00 : f32
      %broadcast_in_dim3A_111 = vector.broadcast %broadcast_in_dim3A : f32 to vector<128x8xf32>
      %swap3A_112 = arith.constant 0 : index
      %swap3A_113 = arith.constant 0 : index
      %swap3A_114 = vector.load %arg17[%swap3A_112, %swap3A_113] : memref<128x8xf32, #tpu.memory_space<vmem>>, vector<128x8xf32>
      tpu.vector_store %arg17[%swap3A_112, %swap3A_113], %broadcast_in_dim3A_111 {strides = array<i32>} : memref<128x8xf32, #tpu.memory_space<vmem>>, vector<128x8xf32>,
      %broadcast_in_dim3A_115 = arith.constant 0.000000e+00 : f32
      %broadcast_in_dim3A_116 = vector.broadcast %broadcast_in_dim3A_115 : f32 to vector<128x256xf32>
      %swap3A_117 = arith.constant 0 : index
      %swap3A_118 = arith.constant 0 : index
      %swap3A_119 = vector.load %arg18[%swap3A_117, %swap3A_118] : memref<128x256xf32, #tpu.memory_space<vmem>>, vector<128x256xf32>
      tpu.vector_store %arg18[%swap3A_117, %swap3A_118], %broadcast_in_dim3A_116 {strides = array<i32>} : memref<128x256xf32, #tpu.memory_space<vmem>>, vector<128x256xf32>,
      %while3A = arith.constant 0 : i32
      %while3A_120 = arith.constant 0 : i32
      %while3A_121 = arith.subi %get3A_12, %while3A_120 : i32
      %while3A_122 = arith.addi %while3A_120, %while3A_121 : i32
      %while3A_123 = arith.constant 1 : i32
      %while3A_124 = arith.divsi %while3A_121, %while3A_123 : i32
      %while3A_125 = arith.muli %while3A_124, %while3A_123 : i32
      %while3A_126 = arith.addi %while3A_120, %while3A_125 : i32
      %while3A_127 = arith.constant 1 : i32
      scf.for %while3A_180 = %while3A_120 to %while3A_126 step %while3A_127  : i32 {
        %add3A_181 = arith.addi %get3A_10, %while3A_180 : i32
        %mul3A_182 = arith.constant 128 : i32
        %mul3A_183 = arith.muli %add3A_181, %mul3A_182 : i32
        %dma_start3A = arith.constant 0 : i32
        %dma_start3A_184 = tpu.memref_slice %arg11[%mul3A_183, %dma_start3A] : memref<16384x512xbf16, #tpu.memory_space<any>> -> memref<128x512xbf16, #tpu.memory_space<any>>
        tpu.enqueue_dma source(%dma_start3A_184 : memref<128x512xbf16, #tpu.memory_space<any>>) target(%arg16 : memref<128x512xbf16, #tpu.memory_space<vmem>>) target_semaphore(%arg19 : memref<!tpu.dma_semaphore, #tpu.memory_space<semaphore_mem>>)
        %dma_wait3A = arith.constant 0 : i32
        %dma_wait3A_185 = tpu.memref_slice %arg11[%mul3A_183, %dma_wait3A] : memref<16384x512xbf16, #tpu.memory_space<any>> -> memref<128x512xbf16, #tpu.memory_space<any>>
        tpu.wait_dma2 semaphore(%arg19 : memref<!tpu.dma_semaphore, #tpu.memory_space<semaphore_mem>>) src(%dma_wait3A_185 : memref<128x512xbf16, #tpu.memory_space<any>>) dst(%arg16 : memref<128x512xbf16, #tpu.memory_space<vmem>>)
        %get3A_186 = arith.index_cast %add3A_181 : i32 to index
        %get3A_187 = arith.constant 0 : index
        %get3A_188 = arith.constant 0 : index
        %get3A_189 = vector.load %arg9[%get3A_186, %get3A_187, %get3A_188] : memref<128x1x128xi32, #tpu.memory_space<vmem>>, vector<1x1x128xi32>
        %get3A_190 = vector.shape_cast %get3A_189 : vector<1x1x128xi32> to vector<1x128xi32>
        %eq3A_191 = vector.broadcast %get3A_15 : vector<128x1xi32> to vector<128x128xi32>
        %eq3A_192 = vector.broadcast %get3A_190 : vector<1x128xi32> to vector<128x128xi32>
        %eq3A_193 = arith.cmpi eq, %eq3A_191, %eq3A_192 : vector<128x128xi32>
        %get3A_194 = arith.index_cast %add3A_181 : i32 to index
        %get3A_195 = arith.constant 0 : index
        %get3A_196 = arith.constant 0 : index
        %get3A_197 = vector.load %arg10[%get3A_194, %get3A_195, %get3A_196] : memref<128x1x128xi32, #tpu.memory_space<vmem>>, vector<1x1x128xi32>
        %get3A_198 = vector.shape_cast %get3A_197 : vector<1x1x128xi32> to vector<1x128xi32>
        %eq3A_199 = vector.broadcast %get3A_198 : vector<1x128xi32> to vector<64x128xi32>
        %eq3A_200 = arith.cmpi eq, %iota3A_23, %eq3A_199 : vector<64x128xi32>
        %convert_element_type3A_201 = arith.extui %eq3A_200 : vector<64x128xi1> to vector<64x128xi32>
        %convert_element_type3A_202 = arith.sitofp %convert_element_type3A_201 : vector<64x128xi32> to vector<64x128xf32>
        %convert_element_type3A_203 = arith.truncf %convert_element_type3A_202 : vector<64x128xf32> to vector<64x128xbf16>
        %get3A_204 = arith.constant 0 : index
        %get3A_205 = arith.constant 0 : index
        %get3A_206 = vector.load %arg16[%get3A_204, %get3A_205] : memref<128x512xbf16, #tpu.memory_space<vmem>>, vector<128x512xbf16>
        %slice3A_207 = vector.extract_strided_slice %get3A_206 {offsets = [0, 0], sizes = [128, 32], strides = [1, 1]} : vector<128x512xbf16> to vector<128x32xbf16>
        %slice3A_208 = vector.extract_strided_slice %get3A_206 {offsets = [0, 256], sizes = [128, 32], strides = [1, 1]} : vector<128x512xbf16> to vector<128x32xbf16>
        %dot_general3A_209 = arith.constant dense<0.000000e+00> : vector<128x128xf32>
        %dot_general3A_210 = tpu.matmul %get3A_26, %slice3A_207, %dot_general3A_209 {dimension_numbers = #tpu.dot_dimension_numbers<[1], [1], [0], [0], [0, 0, 1, 0], [], []>, transpose_lhs_hint = false} : vector<128x32xbf16>, vector<128x32xbf16>, vector<128x128xf32> -> vector<128x128xf32>
        %dot_general3A_211 = arith.constant dense<0.000000e+00> : vector<128x128xf32>
        %dot_general3A_212 = tpu.matmul %convert_element_type3A_33, %convert_element_type3A_203, %dot_general3A_211 {dimension_numbers = #tpu.dot_dimension_numbers<[1], [0], [0], [1], [0, 0, 1, 1], [], []>, transpose_lhs_hint = false} : vector<128x64xbf16>, vector<64x128xbf16>, vector<128x128xf32> -> vector<128x128xf32>
        %add3A_213 = arith.addf %dot_general3A_210, %dot_general3A_212 : vector<128x128xf32>
        %jit3A = arith.constant -1.000000e+09 : f32
        %broadcast_in_dim3A_214 = vector.broadcast %jit3A : f32 to vector<128x128xf32>
        %select_n3A = arith.select %eq3A_193, %add3A_213, %broadcast_in_dim3A_214 : vector<128x128xi1>, vector<128x128xf32>
        %exp3A = math.exp %select_n3A : vector<128x128xf32>
        %reduce_sum3A = arith.constant dense<0.000000e+00> : vector<128xf32>
        %reduce_sum3A_215 = vector.multi_reduction <add>, %exp3A, %reduce_sum3A [1] : vector<128x128xf32> to vector<128xf32>
        %broadcast_in_dim3A_216 = vector.shape_cast %reduce_sum3A_215 : vector<128xf32> to vector<128x1xf32>
        %convert_element_type3A_217 = arith.truncf %exp3A : vector<128x128xf32> to vector<128x128xbf16>
        %dot_general3A_218 = arith.constant dense<0.000000e+00> : vector<128x32xf32>
        %dot_general3A_219 = tpu.matmul %convert_element_type3A_217, %slice3A_208, %dot_general3A_218 {dimension_numbers = #tpu.dot_dimension_numbers<[1], [0], [0], [1], [0, 0, 1, 1], [], []>, transpose_lhs_hint = false} : vector<128x128xbf16>, vector<128x32xbf16>, vector<128x32xf32> -> vector<128x32xf32>
        %slice3A_220 = vector.extract_strided_slice %get3A_206 {offsets = [0, 32], sizes = [128, 32], strides = [1, 1]} : vector<128x512xbf16> to vector<128x32xbf16>
        %slice3A_221 = vector.extract_strided_slice %get3A_206 {offsets = [0, 288], sizes = [128, 32], strides = [1, 1]} : vector<128x512xbf16> to vector<128x32xbf16>
        %dot_general3A_222 = arith.constant dense<0.000000e+00> : vector<128x128xf32>
        %dot_general3A_223 = tpu.matmul %get3A_36, %slice3A_220, %dot_general3A_222 {dimension_numbers = #tpu.dot_dimension_numbers<[1], [1], [0], [0], [0, 0, 1, 0], [], []>, transpose_lhs_hint = false} : vector<128x32xbf16>, vector<128x32xbf16>, vector<128x128xf32> -> vector<128x128xf32>
        %dot_general3A_224 = arith.constant dense<0.000000e+00> : vector<128x128xf32>
        %dot_general3A_225 = tpu.matmul %convert_element_type3A_44, %convert_element_type3A_203, %dot_general3A_224 {dimension_numbers = #tpu.dot_dimension_numbers<[1], [0], [0], [1], [0, 0, 1, 1], [], []>, transpose_lhs_hint = false} : vector<128x64xbf16>, vector<64x128xbf16>, vector<128x128xf32> -> vector<128x128xf32>
        %add3A_226 = arith.addf %dot_general3A_223, %dot_general3A_225 : vector<128x128xf32>
        %jit3A_227 = arith.constant -1.000000e+09 : f32
        %broadcast_in_dim3A_228 = vector.broadcast %jit3A_227 : f32 to vector<128x128xf32>
        %select_n3A_229 = arith.select %eq3A_193, %add3A_226, %broadcast_in_dim3A_228 : vector<128x128xi1>, vector<128x128xf32>
        %exp3A_230 = math.exp %select_n3A_229 : vector<128x128xf32>
        %reduce_sum3A_231 = arith.constant dense<0.000000e+00> : vector<128xf32>
        %reduce_sum3A_232 = vector.multi_reduction <add>, %exp3A_230, %reduce_sum3A_231 [1] : vector<128x128xf32> to vector<128xf32>
        %broadcast_in_dim3A_233 = vector.shape_cast %reduce_sum3A_232 : vector<128xf32> to vector<128x1xf32>
        %convert_element_type3A_234 = arith.truncf %exp3A_230 : vector<128x128xf32> to vector<128x128xbf16>
        %dot_general3A_235 = arith.constant dense<0.000000e+00> : vector<128x32xf32>
        %dot_general3A_236 = tpu.matmul %convert_element_type3A_234, %slice3A_221, %dot_general3A_235 {dimension_numbers = #tpu.dot_dimension_numbers<[1], [0], [0], [1], [0, 0, 1, 1], [], []>, transpose_lhs_hint = false} : vector<128x128xbf16>, vector<128x32xbf16>, vector<128x32xf32> -> vector<128x32xf32>
        %slice3A_237 = vector.extract_strided_slice %get3A_206 {offsets = [0, 64], sizes = [128, 32], strides = [1, 1]} : vector<128x512xbf16> to vector<128x32xbf16>
        %slice3A_238 = vector.extract_strided_slice %get3A_206 {offsets = [0, 320], sizes = [128, 32], strides = [1, 1]} : vector<128x512xbf16> to vector<128x32xbf16>
        %dot_general3A_239 = arith.constant dense<0.000000e+00> : vector<128x128xf32>
        %dot_general3A_240 = tpu.matmul %get3A_47, %slice3A_237, %dot_general3A_239 {dimension_numbers = #tpu.dot_dimension_numbers<[1], [1], [0], [0], [0, 0, 1, 0], [], []>, transpose_lhs_hint = false} : vector<128x32xbf16>, vector<128x32xbf16>, vector<128x128xf32> -> vector<128x128xf32>
        %dot_general3A_241 = arith.constant dense<0.000000e+00> : vector<128x128xf32>
        %dot_general3A_242 = tpu.matmul %convert_element_type3A_55, %convert_element_type3A_203, %dot_general3A_241 {dimension_numbers = #tpu.dot_dimension_numbers<[1], [0], [0], [1], [0, 0, 1, 1], [], []>, transpose_lhs_hint = false} : vector<128x64xbf16>, vector<64x128xbf16>, vector<128x128xf32> -> vector<128x128xf32>
        %add3A_243 = arith.addf %dot_general3A_240, %dot_general3A_242 : vector<128x128xf32>
        %jit3A_244 = arith.constant -1.000000e+09 : f32
        %broadcast_in_dim3A_245 = vector.broadcast %jit3A_244 : f32 to vector<128x128xf32>
        %select_n3A_246 = arith.select %eq3A_193, %add3A_243, %broadcast_in_dim3A_245 : vector<128x128xi1>, vector<128x128xf32>
        %exp3A_247 = math.exp %select_n3A_246 : vector<128x128xf32>
        %reduce_sum3A_248 = arith.constant dense<0.000000e+00> : vector<128xf32>
        %reduce_sum3A_249 = vector.multi_reduction <add>, %exp3A_247, %reduce_sum3A_248 [1] : vector<128x128xf32> to vector<128xf32>
        %broadcast_in_dim3A_250 = vector.shape_cast %reduce_sum3A_249 : vector<128xf32> to vector<128x1xf32>
        %convert_element_type3A_251 = arith.truncf %exp3A_247 : vector<128x128xf32> to vector<128x128xbf16>
        %dot_general3A_252 = arith.constant dense<0.000000e+00> : vector<128x32xf32>
        %dot_general3A_253 = tpu.matmul %convert_element_type3A_251, %slice3A_238, %dot_general3A_252 {dimension_numbers = #tpu.dot_dimension_numbers<[1], [0], [0], [1], [0, 0, 1, 1], [], []>, transpose_lhs_hint = false} : vector<128x128xbf16>, vector<128x32xbf16>, vector<128x32xf32> -> vector<128x32xf32>
        %slice3A_254 = vector.extract_strided_slice %get3A_206 {offsets = [0, 96], sizes = [128, 32], strides = [1, 1]} : vector<128x512xbf16> to vector<128x32xbf16>
        %slice3A_255 = vector.extract_strided_slice %get3A_206 {offsets = [0, 352], sizes = [128, 32], strides = [1, 1]} : vector<128x512xbf16> to vector<128x32xbf16>
        %dot_general3A_256 = arith.constant dense<0.000000e+00> : vector<128x128xf32>
        %dot_general3A_257 = tpu.matmul %get3A_58, %slice3A_254, %dot_general3A_256 {dimension_numbers = #tpu.dot_dimension_numbers<[1], [1], [0], [0], [0, 0, 1, 0], [], []>, transpose_lhs_hint = false} : vector<128x32xbf16>, vector<128x32xbf16>, vector<128x128xf32> -> vector<128x128xf32>
        %dot_general3A_258 = arith.constant dense<0.000000e+00> : vector<128x128xf32>
        %dot_general3A_259 = tpu.matmul %convert_element_type3A_66, %convert_element_type3A_203, %dot_general3A_258 {dimension_numbers = #tpu.dot_dimension_numbers<[1], [0], [0], [1], [0, 0, 1, 1], [], []>, transpose_lhs_hint = false} : vector<128x64xbf16>, vector<64x128xbf16>, vector<128x128xf32> -> vector<128x128xf32>
        %add3A_260 = arith.addf %dot_general3A_257, %dot_general3A_259 : vector<128x128xf32>
        %jit3A_261 = arith.constant -1.000000e+09 : f32
        %broadcast_in_dim3A_262 = vector.broadcast %jit3A_261 : f32 to vector<128x128xf32>
        %select_n3A_263 = arith.select %eq3A_193, %add3A_260, %broadcast_in_dim3A_262 : vector<128x128xi1>, vector<128x128xf32>
        %exp3A_264 = math.exp %select_n3A_263 : vector<128x128xf32>
        %reduce_sum3A_265 = arith.constant dense<0.000000e+00> : vector<128xf32>
        %reduce_sum3A_266 = vector.multi_reduction <add>, %exp3A_264, %reduce_sum3A_265 [1] : vector<128x128xf32> to vector<128xf32>
        %broadcast_in_dim3A_267 = vector.shape_cast %reduce_sum3A_266 : vector<128xf32> to vector<128x1xf32>
        %convert_element_type3A_268 = arith.truncf %exp3A_264 : vector<128x128xf32> to vector<128x128xbf16>
        %dot_general3A_269 = arith.constant dense<0.000000e+00> : vector<128x32xf32>
        %dot_general3A_270 = tpu.matmul %convert_element_type3A_268, %slice3A_255, %dot_general3A_269 {dimension_numbers = #tpu.dot_dimension_numbers<[1], [0], [0], [1], [0, 0, 1, 1], [], []>, transpose_lhs_hint = false} : vector<128x128xbf16>, vector<128x32xbf16>, vector<128x32xf32> -> vector<128x32xf32>
        %slice3A_271 = vector.extract_strided_slice %get3A_206 {offsets = [0, 128], sizes = [128, 32], strides = [1, 1]} : vector<128x512xbf16> to vector<128x32xbf16>
        %slice3A_272 = vector.extract_strided_slice %get3A_206 {offsets = [0, 384], sizes = [128, 32], strides = [1, 1]} : vector<128x512xbf16> to vector<128x32xbf16>
        %dot_general3A_273 = arith.constant dense<0.000000e+00> : vector<128x128xf32>
        %dot_general3A_274 = tpu.matmul %get3A_69, %slice3A_271, %dot_general3A_273 {dimension_numbers = #tpu.dot_dimension_numbers<[1], [1], [0], [0], [0, 0, 1, 0], [], []>, transpose_lhs_hint = false} : vector<128x32xbf16>, vector<128x32xbf16>, vector<128x128xf32> -> vector<128x128xf32>
        %dot_general3A_275 = arith.constant dense<0.000000e+00> : vector<128x128xf32>
        %dot_general3A_276 = tpu.matmul %convert_element_type3A_77, %convert_element_type3A_203, %dot_general3A_275 {dimension_numbers = #tpu.dot_dimension_numbers<[1], [0], [0], [1], [0, 0, 1, 1], [], []>, transpose_lhs_hint = false} : vector<128x64xbf16>, vector<64x128xbf16>, vector<128x128xf32> -> vector<128x128xf32>
        %add3A_277 = arith.addf %dot_general3A_274, %dot_general3A_276 : vector<128x128xf32>
        %jit3A_278 = arith.constant -1.000000e+09 : f32
        %broadcast_in_dim3A_279 = vector.broadcast %jit3A_278 : f32 to vector<128x128xf32>
        %select_n3A_280 = arith.select %eq3A_193, %add3A_277, %broadcast_in_dim3A_279 : vector<128x128xi1>, vector<128x128xf32>
        %exp3A_281 = math.exp %select_n3A_280 : vector<128x128xf32>
        %reduce_sum3A_282 = arith.constant dense<0.000000e+00> : vector<128xf32>
        %reduce_sum3A_283 = vector.multi_reduction <add>, %exp3A_281, %reduce_sum3A_282 [1] : vector<128x128xf32> to vector<128xf32>
        %broadcast_in_dim3A_284 = vector.shape_cast %reduce_sum3A_283 : vector<128xf32> to vector<128x1xf32>
        %convert_element_type3A_285 = arith.truncf %exp3A_281 : vector<128x128xf32> to vector<128x128xbf16>
        %dot_general3A_286 = arith.constant dense<0.000000e+00> : vector<128x32xf32>
        %dot_general3A_287 = tpu.matmul %convert_element_type3A_285, %slice3A_272, %dot_general3A_286 {dimension_numbers = #tpu.dot_dimension_numbers<[1], [0], [0], [1], [0, 0, 1, 1], [], []>, transpose_lhs_hint = false} : vector<128x128xbf16>, vector<128x32xbf16>, vector<128x32xf32> -> vector<128x32xf32>
        %slice3A_288 = vector.extract_strided_slice %get3A_206 {offsets = [0, 160], sizes = [128, 32], strides = [1, 1]} : vector<128x512xbf16> to vector<128x32xbf16>
        %slice3A_289 = vector.extract_strided_slice %get3A_206 {offsets = [0, 416], sizes = [128, 32], strides = [1, 1]} : vector<128x512xbf16> to vector<128x32xbf16>
        %dot_general3A_290 = arith.constant dense<0.000000e+00> : vector<128x128xf32>
        %dot_general3A_291 = tpu.matmul %get3A_80, %slice3A_288, %dot_general3A_290 {dimension_numbers = #tpu.dot_dimension_numbers<[1], [1], [0], [0], [0, 0, 1, 0], [], []>, transpose_lhs_hint = false} : vector<128x32xbf16>, vector<128x32xbf16>, vector<128x128xf32> -> vector<128x128xf32>
        %dot_general3A_292 = arith.constant dense<0.000000e+00> : vector<128x128xf32>
        %dot_general3A_293 = tpu.matmul %convert_element_type3A_88, %convert_element_type3A_203, %dot_general3A_292 {dimension_numbers = #tpu.dot_dimension_numbers<[1], [0], [0], [1], [0, 0, 1, 1], [], []>, transpose_lhs_hint = false} : vector<128x64xbf16>, vector<64x128xbf16>, vector<128x128xf32> -> vector<128x128xf32>
        %add3A_294 = arith.addf %dot_general3A_291, %dot_general3A_293 : vector<128x128xf32>
        %jit3A_295 = arith.constant -1.000000e+09 : f32
        %broadcast_in_dim3A_296 = vector.broadcast %jit3A_295 : f32 to vector<128x128xf32>
        %select_n3A_297 = arith.select %eq3A_193, %add3A_294, %broadcast_in_dim3A_296 : vector<128x128xi1>, vector<128x128xf32>
        %exp3A_298 = math.exp %select_n3A_297 : vector<128x128xf32>
        %reduce_sum3A_299 = arith.constant dense<0.000000e+00> : vector<128xf32>
        %reduce_sum3A_300 = vector.multi_reduction <add>, %exp3A_298, %reduce_sum3A_299 [1] : vector<128x128xf32> to vector<128xf32>
        %broadcast_in_dim3A_301 = vector.shape_cast %reduce_sum3A_300 : vector<128xf32> to vector<128x1xf32>
        %convert_element_type3A_302 = arith.truncf %exp3A_298 : vector<128x128xf32> to vector<128x128xbf16>
        %dot_general3A_303 = arith.constant dense<0.000000e+00> : vector<128x32xf32>
        %dot_general3A_304 = tpu.matmul %convert_element_type3A_302, %slice3A_289, %dot_general3A_303 {dimension_numbers = #tpu.dot_dimension_numbers<[1], [0], [0], [1], [0, 0, 1, 1], [], []>, transpose_lhs_hint = false} : vector<128x128xbf16>, vector<128x32xbf16>, vector<128x32xf32> -> vector<128x32xf32>
        %slice3A_305 = vector.extract_strided_slice %get3A_206 {offsets = [0, 192], sizes = [128, 32], strides = [1, 1]} : vector<128x512xbf16> to vector<128x32xbf16>
        %slice3A_306 = vector.extract_strided_slice %get3A_206 {offsets = [0, 448], sizes = [128, 32], strides = [1, 1]} : vector<128x512xbf16> to vector<128x32xbf16>
        %dot_general3A_307 = arith.constant dense<0.000000e+00> : vector<128x128xf32>
        %dot_general3A_308 = tpu.matmul %get3A_91, %slice3A_305, %dot_general3A_307 {dimension_numbers = #tpu.dot_dimension_numbers<[1], [1], [0], [0], [0, 0, 1, 0], [], []>, transpose_lhs_hint = false} : vector<128x32xbf16>, vector<128x32xbf16>, vector<128x128xf32> -> vector<128x128xf32>
        %dot_general3A_309 = arith.constant dense<0.000000e+00> : vector<128x128xf32>
        %dot_general3A_310 = tpu.matmul %convert_element_type3A_99, %convert_element_type3A_203, %dot_general3A_309 {dimension_numbers = #tpu.dot_dimension_numbers<[1], [0], [0], [1], [0, 0, 1, 1], [], []>, transpose_lhs_hint = false} : vector<128x64xbf16>, vector<64x128xbf16>, vector<128x128xf32> -> vector<128x128xf32>
        %add3A_311 = arith.addf %dot_general3A_308, %dot_general3A_310 : vector<128x128xf32>
        %jit3A_312 = arith.constant -1.000000e+09 : f32
        %broadcast_in_dim3A_313 = vector.broadcast %jit3A_312 : f32 to vector<128x128xf32>
        %select_n3A_314 = arith.select %eq3A_193, %add3A_311, %broadcast_in_dim3A_313 : vector<128x128xi1>, vector<128x128xf32>
        %exp3A_315 = math.exp %select_n3A_314 : vector<128x128xf32>
        %reduce_sum3A_316 = arith.constant dense<0.000000e+00> : vector<128xf32>
        %reduce_sum3A_317 = vector.multi_reduction <add>, %exp3A_315, %reduce_sum3A_316 [1] : vector<128x128xf32> to vector<128xf32>
        %broadcast_in_dim3A_318 = vector.shape_cast %reduce_sum3A_317 : vector<128xf32> to vector<128x1xf32>
        %convert_element_type3A_319 = arith.truncf %exp3A_315 : vector<128x128xf32> to vector<128x128xbf16>
        %dot_general3A_320 = arith.constant dense<0.000000e+00> : vector<128x32xf32>
        %dot_general3A_321 = tpu.matmul %convert_element_type3A_319, %slice3A_306, %dot_general3A_320 {dimension_numbers = #tpu.dot_dimension_numbers<[1], [0], [0], [1], [0, 0, 1, 1], [], []>, transpose_lhs_hint = false} : vector<128x128xbf16>, vector<128x32xbf16>, vector<128x32xf32> -> vector<128x32xf32>
        %slice3A_322 = vector.extract_strided_slice %get3A_206 {offsets = [0, 224], sizes = [128, 32], strides = [1, 1]} : vector<128x512xbf16> to vector<128x32xbf16>
        %slice3A_323 = vector.extract_strided_slice %get3A_206 {offsets = [0, 480], sizes = [128, 32], strides = [1, 1]} : vector<128x512xbf16> to vector<128x32xbf16>
        %dot_general3A_324 = arith.constant dense<0.000000e+00> : vector<128x128xf32>
        %dot_general3A_325 = tpu.matmul %get3A_102, %slice3A_322, %dot_general3A_324 {dimension_numbers = #tpu.dot_dimension_numbers<[1], [1], [0], [0], [0, 0, 1, 0], [], []>, transpose_lhs_hint = false} : vector<128x32xbf16>, vector<128x32xbf16>, vector<128x128xf32> -> vector<128x128xf32>
        %dot_general3A_326 = arith.constant dense<0.000000e+00> : vector<128x128xf32>
        %dot_general3A_327 = tpu.matmul %convert_element_type3A_110, %convert_element_type3A_203, %dot_general3A_326 {dimension_numbers = #tpu.dot_dimension_numbers<[1], [0], [0], [1], [0, 0, 1, 1], [], []>, transpose_lhs_hint = false} : vector<128x64xbf16>, vector<64x128xbf16>, vector<128x128xf32> -> vector<128x128xf32>
        %add3A_328 = arith.addf %dot_general3A_325, %dot_general3A_327 : vector<128x128xf32>
        %jit3A_329 = arith.constant -1.000000e+09 : f32
        %broadcast_in_dim3A_330 = vector.broadcast %jit3A_329 : f32 to vector<128x128xf32>
        %select_n3A_331 = arith.select %eq3A_193, %add3A_328, %broadcast_in_dim3A_330 : vector<128x128xi1>, vector<128x128xf32>
        %exp3A_332 = math.exp %select_n3A_331 : vector<128x128xf32>
        %reduce_sum3A_333 = arith.constant dense<0.000000e+00> : vector<128xf32>
        %reduce_sum3A_334 = vector.multi_reduction <add>, %exp3A_332, %reduce_sum3A_333 [1] : vector<128x128xf32> to vector<128xf32>
        %broadcast_in_dim3A_335 = vector.shape_cast %reduce_sum3A_334 : vector<128xf32> to vector<128x1xf32>
        %convert_element_type3A_336 = arith.truncf %exp3A_332 : vector<128x128xf32> to vector<128x128xbf16>
        %dot_general3A_337 = arith.constant dense<0.000000e+00> : vector<128x32xf32>
        %dot_general3A_338 = tpu.matmul %convert_element_type3A_336, %slice3A_323, %dot_general3A_337 {dimension_numbers = #tpu.dot_dimension_numbers<[1], [0], [0], [1], [0, 0, 1, 1], [], []>, transpose_lhs_hint = false} : vector<128x128xbf16>, vector<128x32xbf16>, vector<128x32xf32> -> vector<128x32xf32>
        %get3A_339 = arith.constant 0 : index
        %get3A_340 = arith.constant 0 : index
        %get3A_341 = vector.load %arg17[%get3A_339, %get3A_340] : memref<128x8xf32, #tpu.memory_space<vmem>>, vector<128x8xf32>
        %concatenate3A_342 = tpu.concatenate %broadcast_in_dim3A_216, %broadcast_in_dim3A_233, %broadcast_in_dim3A_250, %broadcast_in_dim3A_267, %broadcast_in_dim3A_284, %broadcast_in_dim3A_301, %broadcast_in_dim3A_318, %broadcast_in_dim3A_335 in 1 : vector<128x1xf32>, vector<128x1xf32>, vector<128x1xf32>, vector<128x1xf32>, vector<128x1xf32>, vector<128x1xf32>, vector<128x1xf32>, vector<128x1xf32> -> vector<128x8xf32>
        %add3A_343 = arith.addf %get3A_341, %concatenate3A_342 : vector<128x8xf32>
        %swap3A_344 = arith.constant 0 : index
        %swap3A_345 = arith.constant 0 : index
        %swap3A_346 = vector.load %arg17[%swap3A_344, %swap3A_345] : memref<128x8xf32, #tpu.memory_space<vmem>>, vector<128x8xf32>
        tpu.vector_store %arg17[%swap3A_344, %swap3A_345], %add3A_343 {strides = array<i32>} : memref<128x8xf32, #tpu.memory_space<vmem>>, vector<128x8xf32>,
        %get3A_347 = arith.constant 0 : index
        %get3A_348 = arith.constant 0 : index
        %get3A_349 = vector.load %arg18[%get3A_347, %get3A_348] : memref<128x256xf32, #tpu.memory_space<vmem>>, vector<128x256xf32>
        %concatenate3A_350 = tpu.concatenate %dot_general3A_219, %dot_general3A_236, %dot_general3A_253, %dot_general3A_270, %dot_general3A_287, %dot_general3A_304, %dot_general3A_321, %dot_general3A_338 in 1 : vector<128x32xf32>, vector<128x32xf32>, vector<128x32xf32>, vector<128x32xf32>, vector<128x32xf32>, vector<128x32xf32>, vector<128x32xf32>, vector<128x32xf32> -> vector<128x256xf32>
        %add3A_351 = arith.addf %get3A_349, %concatenate3A_350 : vector<128x256xf32>
        %swap3A_352 = arith.constant 0 : index
        %swap3A_353 = arith.constant 0 : index
        %swap3A_354 = vector.load %arg18[%swap3A_352, %swap3A_353] : memref<128x256xf32, #tpu.memory_space<vmem>>, vector<128x256xf32>
        tpu.vector_store %arg18[%swap3A_352, %swap3A_353], %add3A_351 {strides = array<i32>} : memref<128x256xf32, #tpu.memory_space<vmem>>, vector<128x256xf32>,
      }
      %while3A_128 = arith.constant 1 : i32
      scf.for %while3A_180 = %while3A_126 to %while3A_122 step %while3A_128  : i32 {
        %add3A_181 = arith.addi %get3A_10, %while3A_180 : i32
        %mul3A_182 = arith.constant 128 : i32
        %mul3A_183 = arith.muli %add3A_181, %mul3A_182 : i32
        %dma_start3A = arith.constant 0 : i32
        %dma_start3A_184 = tpu.memref_slice %arg11[%mul3A_183, %dma_start3A] : memref<16384x512xbf16, #tpu.memory_space<any>> -> memref<128x512xbf16, #tpu.memory_space<any>>
        tpu.enqueue_dma source(%dma_start3A_184 : memref<128x512xbf16, #tpu.memory_space<any>>) target(%arg16 : memref<128x512xbf16, #tpu.memory_space<vmem>>) target_semaphore(%arg19 : memref<!tpu.dma_semaphore, #tpu.memory_space<semaphore_mem>>)
        %dma_wait3A = arith.constant 0 : i32
        %dma_wait3A_185 = tpu.memref_slice %arg11[%mul3A_183, %dma_wait3A] : memref<16384x512xbf16, #tpu.memory_space<any>> -> memref<128x512xbf16, #tpu.memory_space<any>>
        tpu.wait_dma2 semaphore(%arg19 : memref<!tpu.dma_semaphore, #tpu.memory_space<semaphore_mem>>) src(%dma_wait3A_185 : memref<128x512xbf16, #tpu.memory_space<any>>) dst(%arg16 : memref<128x512xbf16, #tpu.memory_space<vmem>>)
        %get3A_186 = arith.index_cast %add3A_181 : i32 to index
        %get3A_187 = arith.constant 0 : index
        %get3A_188 = arith.constant 0 : index
        %get3A_189 = vector.load %arg9[%get3A_186, %get3A_187, %get3A_188] : memref<128x1x128xi32, #tpu.memory_space<vmem>>, vector<1x1x128xi32>
        %get3A_190 = vector.shape_cast %get3A_189 : vector<1x1x128xi32> to vector<1x128xi32>
        %eq3A_191 = vector.broadcast %get3A_15 : vector<128x1xi32> to vector<128x128xi32>
        %eq3A_192 = vector.broadcast %get3A_190 : vector<1x128xi32> to vector<128x128xi32>
        %eq3A_193 = arith.cmpi eq, %eq3A_191, %eq3A_192 : vector<128x128xi32>
        %get3A_194 = arith.index_cast %add3A_181 : i32 to index
        %get3A_195 = arith.constant 0 : index
        %get3A_196 = arith.constant 0 : index
        %get3A_197 = vector.load %arg10[%get3A_194, %get3A_195, %get3A_196] : memref<128x1x128xi32, #tpu.memory_space<vmem>>, vector<1x1x128xi32>
        %get3A_198 = vector.shape_cast %get3A_197 : vector<1x1x128xi32> to vector<1x128xi32>
        %eq3A_199 = vector.broadcast %get3A_198 : vector<1x128xi32> to vector<64x128xi32>
        %eq3A_200 = arith.cmpi eq, %iota3A_23, %eq3A_199 : vector<64x128xi32>
        %convert_element_type3A_201 = arith.extui %eq3A_200 : vector<64x128xi1> to vector<64x128xi32>
        %convert_element_type3A_202 = arith.sitofp %convert_element_type3A_201 : vector<64x128xi32> to vector<64x128xf32>
        %convert_element_type3A_203 = arith.truncf %convert_element_type3A_202 : vector<64x128xf32> to vector<64x128xbf16>
        %get3A_204 = arith.constant 0 : index
        %get3A_205 = arith.constant 0 : index
        %get3A_206 = vector.load %arg16[%get3A_204, %get3A_205] : memref<128x512xbf16, #tpu.memory_space<vmem>>, vector<128x512xbf16>
        %slice3A_207 = vector.extract_strided_slice %get3A_206 {offsets = [0, 0], sizes = [128, 32], strides = [1, 1]} : vector<128x512xbf16> to vector<128x32xbf16>
        %slice3A_208 = vector.extract_strided_slice %get3A_206 {offsets = [0, 256], sizes = [128, 32], strides = [1, 1]} : vector<128x512xbf16> to vector<128x32xbf16>
        %dot_general3A_209 = arith.constant dense<0.000000e+00> : vector<128x128xf32>
        %dot_general3A_210 = tpu.matmul %get3A_26, %slice3A_207, %dot_general3A_209 {dimension_numbers = #tpu.dot_dimension_numbers<[1], [1], [0], [0], [0, 0, 1, 0], [], []>, transpose_lhs_hint = false} : vector<128x32xbf16>, vector<128x32xbf16>, vector<128x128xf32> -> vector<128x128xf32>
        %dot_general3A_211 = arith.constant dense<0.000000e+00> : vector<128x128xf32>
        %dot_general3A_212 = tpu.matmul %convert_element_type3A_33, %convert_element_type3A_203, %dot_general3A_211 {dimension_numbers = #tpu.dot_dimension_numbers<[1], [0], [0], [1], [0, 0, 1, 1], [], []>, transpose_lhs_hint = false} : vector<128x64xbf16>, vector<64x128xbf16>, vector<128x128xf32> -> vector<128x128xf32>
        %add3A_213 = arith.addf %dot_general3A_210, %dot_general3A_212 : vector<128x128xf32>
        %jit3A = arith.constant -1.000000e+09 : f32
        %broadcast_in_dim3A_214 = vector.broadcast %jit3A : f32 to vector<128x128xf32>
        %select_n3A = arith.select %eq3A_193, %add3A_213, %broadcast_in_dim3A_214 : vector<128x128xi1>, vector<128x128xf32>
        %exp3A = math.exp %select_n3A : vector<128x128xf32>
        %reduce_sum3A = arith.constant dense<0.000000e+00> : vector<128xf32>
        %reduce_sum3A_215 = vector.multi_reduction <add>, %exp3A, %reduce_sum3A [1] : vector<128x128xf32> to vector<128xf32>
        %broadcast_in_dim3A_216 = vector.shape_cast %reduce_sum3A_215 : vector<128xf32> to vector<128x1xf32>
        %convert_element_type3A_217 = arith.truncf %exp3A : vector<128x128xf32> to vector<128x128xbf16>
        %dot_general3A_218 = arith.constant dense<0.000000e+00> : vector<128x32xf32>
        %dot_general3A_219 = tpu.matmul %convert_element_type3A_217, %slice3A_208, %dot_general3A_218 {dimension_numbers = #tpu.dot_dimension_numbers<[1], [0], [0], [1], [0, 0, 1, 1], [], []>, transpose_lhs_hint = false} : vector<128x128xbf16>, vector<128x32xbf16>, vector<128x32xf32> -> vector<128x32xf32>
        %slice3A_220 = vector.extract_strided_slice %get3A_206 {offsets = [0, 32], sizes = [128, 32], strides = [1, 1]} : vector<128x512xbf16> to vector<128x32xbf16>
        %slice3A_221 = vector.extract_strided_slice %get3A_206 {offsets = [0, 288], sizes = [128, 32], strides = [1, 1]} : vector<128x512xbf16> to vector<128x32xbf16>
        %dot_general3A_222 = arith.constant dense<0.000000e+00> : vector<128x128xf32>
        %dot_general3A_223 = tpu.matmul %get3A_36, %slice3A_220, %dot_general3A_222 {dimension_numbers = #tpu.dot_dimension_numbers<[1], [1], [0], [0], [0, 0, 1, 0], [], []>, transpose_lhs_hint = false} : vector<128x32xbf16>, vector<128x32xbf16>, vector<128x128xf32> -> vector<128x128xf32>
        %dot_general3A_224 = arith.constant dense<0.000000e+00> : vector<128x128xf32>
        %dot_general3A_225 = tpu.matmul %convert_element_type3A_44, %convert_element_type3A_203, %dot_general3A_224 {dimension_numbers = #tpu.dot_dimension_numbers<[1], [0], [0], [1], [0, 0, 1, 1], [], []>, transpose_lhs_hint = false} : vector<128x64xbf16>, vector<64x128xbf16>, vector<128x128xf32> -> vector<128x128xf32>
        %add3A_226 = arith.addf %dot_general3A_223, %dot_general3A_225 : vector<128x128xf32>
        %jit3A_227 = arith.constant -1.000000e+09 : f32
        %broadcast_in_dim3A_228 = vector.broadcast %jit3A_227 : f32 to vector<128x128xf32>
        %select_n3A_229 = arith.select %eq3A_193, %add3A_226, %broadcast_in_dim3A_228 : vector<128x128xi1>, vector<128x128xf32>
        %exp3A_230 = math.exp %select_n3A_229 : vector<128x128xf32>
        %reduce_sum3A_231 = arith.constant dense<0.000000e+00> : vector<128xf32>
        %reduce_sum3A_232 = vector.multi_reduction <add>, %exp3A_230, %reduce_sum3A_231 [1] : vector<128x128xf32> to vector<128xf32>
        %broadcast_in_dim3A_233 = vector.shape_cast %reduce_sum3A_232 : vector<128xf32> to vector<128x1xf32>
        %convert_element_type3A_234 = arith.truncf %exp3A_230 : vector<128x128xf32> to vector<128x128xbf16>
        %dot_general3A_235 = arith.constant dense<0.000000e+00> : vector<128x32xf32>
        %dot_general3A_236 = tpu.matmul %convert_element_type3A_234, %slice3A_221, %dot_general3A_235 {dimension_numbers = #tpu.dot_dimension_numbers<[1], [0], [0], [1], [0, 0, 1, 1], [], []>, transpose_lhs_hint = false} : vector<128x128xbf16>, vector<128x32xbf16>, vector<128x32xf32> -> vector<128x32xf32>
        %slice3A_237 = vector.extract_strided_slice %get3A_206 {offsets = [0, 64], sizes = [128, 32], strides = [1, 1]} : vector<128x512xbf16> to vector<128x32xbf16>
        %slice3A_238 = vector.extract_strided_slice %get3A_206 {offsets = [0, 320], sizes = [128, 32], strides = [1, 1]} : vector<128x512xbf16> to vector<128x32xbf16>
        %dot_general3A_239 = arith.constant dense<0.000000e+00> : vector<128x128xf32>
        %dot_general3A_240 = tpu.matmul %get3A_47, %slice3A_237, %dot_general3A_239 {dimension_numbers = #tpu.dot_dimension_numbers<[1], [1], [0], [0], [0, 0, 1, 0], [], []>, transpose_lhs_hint = false} : vector<128x32xbf16>, vector<128x32xbf16>, vector<128x128xf32> -> vector<128x128xf32>
        %dot_general3A_241 = arith.constant dense<0.000000e+00> : vector<128x128xf32>
        %dot_general3A_242 = tpu.matmul %convert_element_type3A_55, %convert_element_type3A_203, %dot_general3A_241 {dimension_numbers = #tpu.dot_dimension_numbers<[1], [0], [0], [1], [0, 0, 1, 1], [], []>, transpose_lhs_hint = false} : vector<128x64xbf16>, vector<64x128xbf16>, vector<128x128xf32> -> vector<128x128xf32>
        %add3A_243 = arith.addf %dot_general3A_240, %dot_general3A_242 : vector<128x128xf32>
        %jit3A_244 = arith.constant -1.000000e+09 : f32
        %broadcast_in_dim3A_245 = vector.broadcast %jit3A_244 : f32 to vector<128x128xf32>
        %select_n3A_246 = arith.select %eq3A_193, %add3A_243, %broadcast_in_dim3A_245 : vector<128x128xi1>, vector<128x128xf32>
        %exp3A_247 = math.exp %select_n3A_246 : vector<128x128xf32>
        %reduce_sum3A_248 = arith.constant dense<0.000000e+00> : vector<128xf32>
        %reduce_sum3A_249 = vector.multi_reduction <add>, %exp3A_247, %reduce_sum3A_248 [1] : vector<128x128xf32> to vector<128xf32>
        %broadcast_in_dim3A_250 = vector.shape_cast %reduce_sum3A_249 : vector<128xf32> to vector<128x1xf32>
        %convert_element_type3A_251 = arith.truncf %exp3A_247 : vector<128x128xf32> to vector<128x128xbf16>
        %dot_general3A_252 = arith.constant dense<0.000000e+00> : vector<128x32xf32>
        %dot_general3A_253 = tpu.matmul %convert_element_type3A_251, %slice3A_238, %dot_general3A_252 {dimension_numbers = #tpu.dot_dimension_numbers<[1], [0], [0], [1], [0, 0, 1, 1], [], []>, transpose_lhs_hint = false} : vector<128x128xbf16>, vector<128x32xbf16>, vector<128x32xf32> -> vector<128x32xf32>
        %slice3A_254 = vector.extract_strided_slice %get3A_206 {offsets = [0, 96], sizes = [128, 32], strides = [1, 1]} : vector<128x512xbf16> to vector<128x32xbf16>
        %slice3A_255 = vector.extract_strided_slice %get3A_206 {offsets = [0, 352], sizes = [128, 32], strides = [1, 1]} : vector<128x512xbf16> to vector<128x32xbf16>
        %dot_general3A_256 = arith.constant dense<0.000000e+00> : vector<128x128xf32>
        %dot_general3A_257 = tpu.matmul %get3A_58, %slice3A_254, %dot_general3A_256 {dimension_numbers = #tpu.dot_dimension_numbers<[1], [1], [0], [0], [0, 0, 1, 0], [], []>, transpose_lhs_hint = false} : vector<128x32xbf16>, vector<128x32xbf16>, vector<128x128xf32> -> vector<128x128xf32>
        %dot_general3A_258 = arith.constant dense<0.000000e+00> : vector<128x128xf32>
        %dot_general3A_259 = tpu.matmul %convert_element_type3A_66, %convert_element_type3A_203, %dot_general3A_258 {dimension_numbers = #tpu.dot_dimension_numbers<[1], [0], [0], [1], [0, 0, 1, 1], [], []>, transpose_lhs_hint = false} : vector<128x64xbf16>, vector<64x128xbf16>, vector<128x128xf32> -> vector<128x128xf32>
        %add3A_260 = arith.addf %dot_general3A_257, %dot_general3A_259 : vector<128x128xf32>
        %jit3A_261 = arith.constant -1.000000e+09 : f32
        %broadcast_in_dim3A_262 = vector.broadcast %jit3A_261 : f32 to vector<128x128xf32>
        %select_n3A_263 = arith.select %eq3A_193, %add3A_260, %broadcast_in_dim3A_262 : vector<128x128xi1>, vector<128x128xf32>
        %exp3A_264 = math.exp %select_n3A_263 : vector<128x128xf32>
        %reduce_sum3A_265 = arith.constant dense<0.000000e+00> : vector<128xf32>
        %reduce_sum3A_266 = vector.multi_reduction <add>, %exp3A_264, %reduce_sum3A_265 [1] : vector<128x128xf32> to vector<128xf32>
        %broadcast_in_dim3A_267 = vector.shape_cast %reduce_sum3A_266 : vector<128xf32> to vector<128x1xf32>
        %convert_element_type3A_268 = arith.truncf %exp3A_264 : vector<128x128xf32> to vector<128x128xbf16>
        %dot_general3A_269 = arith.constant dense<0.000000e+00> : vector<128x32xf32>
        %dot_general3A_270 = tpu.matmul %convert_element_type3A_268, %slice3A_255, %dot_general3A_269 {dimension_numbers = #tpu.dot_dimension_numbers<[1], [0], [0], [1], [0, 0, 1, 1], [], []>, transpose_lhs_hint = false} : vector<128x128xbf16>, vector<128x32xbf16>, vector<128x32xf32> -> vector<128x32xf32>
        %slice3A_271 = vector.extract_strided_slice %get3A_206 {offsets = [0, 128], sizes = [128, 32], strides = [1, 1]} : vector<128x512xbf16> to vector<128x32xbf16>
        %slice3A_272 = vector.extract_strided_slice %get3A_206 {offsets = [0, 384], sizes = [128, 32], strides = [1, 1]} : vector<128x512xbf16> to vector<128x32xbf16>
        %dot_general3A_273 = arith.constant dense<0.000000e+00> : vector<128x128xf32>
        %dot_general3A_274 = tpu.matmul %get3A_69, %slice3A_271, %dot_general3A_273 {dimension_numbers = #tpu.dot_dimension_numbers<[1], [1], [0], [0], [0, 0, 1, 0], [], []>, transpose_lhs_hint = false} : vector<128x32xbf16>, vector<128x32xbf16>, vector<128x128xf32> -> vector<128x128xf32>
        %dot_general3A_275 = arith.constant dense<0.000000e+00> : vector<128x128xf32>
        %dot_general3A_276 = tpu.matmul %convert_element_type3A_77, %convert_element_type3A_203, %dot_general3A_275 {dimension_numbers = #tpu.dot_dimension_numbers<[1], [0], [0], [1], [0, 0, 1, 1], [], []>, transpose_lhs_hint = false} : vector<128x64xbf16>, vector<64x128xbf16>, vector<128x128xf32> -> vector<128x128xf32>
        %add3A_277 = arith.addf %dot_general3A_274, %dot_general3A_276 : vector<128x128xf32>
        %jit3A_278 = arith.constant -1.000000e+09 : f32
        %broadcast_in_dim3A_279 = vector.broadcast %jit3A_278 : f32 to vector<128x128xf32>
        %select_n3A_280 = arith.select %eq3A_193, %add3A_277, %broadcast_in_dim3A_279 : vector<128x128xi1>, vector<128x128xf32>
        %exp3A_281 = math.exp %select_n3A_280 : vector<128x128xf32>
        %reduce_sum3A_282 = arith.constant dense<0.000000e+00> : vector<128xf32>
        %reduce_sum3A_283 = vector.multi_reduction <add>, %exp3A_281, %reduce_sum3A_282 [1] : vector<128x128xf32> to vector<128xf32>
        %broadcast_in_dim3A_284 = vector.shape_cast %reduce_sum3A_283 : vector<128xf32> to vector<128x1xf32>
        %convert_element_type3A_285 = arith.truncf %exp3A_281 : vector<128x128xf32> to vector<128x128xbf16>
        %dot_general3A_286 = arith.constant dense<0.000000e+00> : vector<128x32xf32>
        %dot_general3A_287 = tpu.matmul %convert_element_type3A_285, %slice3A_272, %dot_general3A_286 {dimension_numbers = #tpu.dot_dimension_numbers<[1], [0], [0], [1], [0, 0, 1, 1], [], []>, transpose_lhs_hint = false} : vector<128x128xbf16>, vector<128x32xbf16>, vector<128x32xf32> -> vector<128x32xf32>
        %slice3A_288 = vector.extract_strided_slice %get3A_206 {offsets = [0, 160], sizes = [128, 32], strides = [1, 1]} : vector<128x512xbf16> to vector<128x32xbf16>
        %slice3A_289 = vector.extract_strided_slice %get3A_206 {offsets = [0, 416], sizes = [128, 32], strides = [1, 1]} : vector<128x512xbf16> to vector<128x32xbf16>
        %dot_general3A_290 = arith.constant dense<0.000000e+00> : vector<128x128xf32>
        %dot_general3A_291 = tpu.matmul %get3A_80, %slice3A_288, %dot_general3A_290 {dimension_numbers = #tpu.dot_dimension_numbers<[1], [1], [0], [0], [0, 0, 1, 0], [], []>, transpose_lhs_hint = false} : vector<128x32xbf16>, vector<128x32xbf16>, vector<128x128xf32> -> vector<128x128xf32>
        %dot_general3A_292 = arith.constant dense<0.000000e+00> : vector<128x128xf32>
        %dot_general3A_293 = tpu.matmul %convert_element_type3A_88, %convert_element_type3A_203, %dot_general3A_292 {dimension_numbers = #tpu.dot_dimension_numbers<[1], [0], [0], [1], [0, 0, 1, 1], [], []>, transpose_lhs_hint = false} : vector<128x64xbf16>, vector<64x128xbf16>, vector<128x128xf32> -> vector<128x128xf32>
        %add3A_294 = arith.addf %dot_general3A_291, %dot_general3A_293 : vector<128x128xf32>
        %jit3A_295 = arith.constant -1.000000e+09 : f32
        %broadcast_in_dim3A_296 = vector.broadcast %jit3A_295 : f32 to vector<128x128xf32>
        %select_n3A_297 = arith.select %eq3A_193, %add3A_294, %broadcast_in_dim3A_296 : vector<128x128xi1>, vector<128x128xf32>
        %exp3A_298 = math.exp %select_n3A_297 : vector<128x128xf32>
        %reduce_sum3A_299 = arith.constant dense<0.000000e+00> : vector<128xf32>
        %reduce_sum3A_300 = vector.multi_reduction <add>, %exp3A_298, %reduce_sum3A_299 [1] : vector<128x128xf32> to vector<128xf32>
        %broadcast_in_dim3A_301 = vector.shape_cast %reduce_sum3A_300 : vector<128xf32> to vector<128x1xf32>
        %convert_element_type3A_302 = arith.truncf %exp3A_298 : vector<128x128xf32> to vector<128x128xbf16>
        %dot_general3A_303 = arith.constant dense<0.000000e+00> : vector<128x32xf32>
        %dot_general3A_304 = tpu.matmul %convert_element_type3A_302, %slice3A_289, %dot_general3A_303 {dimension_numbers = #tpu.dot_dimension_numbers<[1], [0], [0], [1], [0, 0, 1, 1], [], []>, transpose_lhs_hint = false} : vector<128x128xbf16>, vector<128x32xbf16>, vector<128x32xf32> -> vector<128x32xf32>
        %slice3A_305 = vector.extract_strided_slice %get3A_206 {offsets = [0, 192], sizes = [128, 32], strides = [1, 1]} : vector<128x512xbf16> to vector<128x32xbf16>
        %slice3A_306 = vector.extract_strided_slice %get3A_206 {offsets = [0, 448], sizes = [128, 32], strides = [1, 1]} : vector<128x512xbf16> to vector<128x32xbf16>
        %dot_general3A_307 = arith.constant dense<0.000000e+00> : vector<128x128xf32>
        %dot_general3A_308 = tpu.matmul %get3A_91, %slice3A_305, %dot_general3A_307 {dimension_numbers = #tpu.dot_dimension_numbers<[1], [1], [0], [0], [0, 0, 1, 0], [], []>, transpose_lhs_hint = false} : vector<128x32xbf16>, vector<128x32xbf16>, vector<128x128xf32> -> vector<128x128xf32>
        %dot_general3A_309 = arith.constant dense<0.000000e+00> : vector<128x128xf32>
        %dot_general3A_310 = tpu.matmul %convert_element_type3A_99, %convert_element_type3A_203, %dot_general3A_309 {dimension_numbers = #tpu.dot_dimension_numbers<[1], [0], [0], [1], [0, 0, 1, 1], [], []>, transpose_lhs_hint = false} : vector<128x64xbf16>, vector<64x128xbf16>, vector<128x128xf32> -> vector<128x128xf32>
        %add3A_311 = arith.addf %dot_general3A_308, %dot_general3A_310 : vector<128x128xf32>
        %jit3A_312 = arith.constant -1.000000e+09 : f32
        %broadcast_in_dim3A_313 = vector.broadcast %jit3A_312 : f32 to vector<128x128xf32>
        %select_n3A_314 = arith.select %eq3A_193, %add3A_311, %broadcast_in_dim3A_313 : vector<128x128xi1>, vector<128x128xf32>
        %exp3A_315 = math.exp %select_n3A_314 : vector<128x128xf32>
        %reduce_sum3A_316 = arith.constant dense<0.000000e+00> : vector<128xf32>
        %reduce_sum3A_317 = vector.multi_reduction <add>, %exp3A_315, %reduce_sum3A_316 [1] : vector<128x128xf32> to vector<128xf32>
        %broadcast_in_dim3A_318 = vector.shape_cast %reduce_sum3A_317 : vector<128xf32> to vector<128x1xf32>
        %convert_element_type3A_319 = arith.truncf %exp3A_315 : vector<128x128xf32> to vector<128x128xbf16>
        %dot_general3A_320 = arith.constant dense<0.000000e+00> : vector<128x32xf32>
        %dot_general3A_321 = tpu.matmul %convert_element_type3A_319, %slice3A_306, %dot_general3A_320 {dimension_numbers = #tpu.dot_dimension_numbers<[1], [0], [0], [1], [0, 0, 1, 1], [], []>, transpose_lhs_hint = false} : vector<128x128xbf16>, vector<128x32xbf16>, vector<128x32xf32> -> vector<128x32xf32>
        %slice3A_322 = vector.extract_strided_slice %get3A_206 {offsets = [0, 224], sizes = [128, 32], strides = [1, 1]} : vector<128x512xbf16> to vector<128x32xbf16>
        %slice3A_323 = vector.extract_strided_slice %get3A_206 {offsets = [0, 480], sizes = [128, 32], strides = [1, 1]} : vector<128x512xbf16> to vector<128x32xbf16>
        %dot_general3A_324 = arith.constant dense<0.000000e+00> : vector<128x128xf32>
        %dot_general3A_325 = tpu.matmul %get3A_102, %slice3A_322, %dot_general3A_324 {dimension_numbers = #tpu.dot_dimension_numbers<[1], [1], [0], [0], [0, 0, 1, 0], [], []>, transpose_lhs_hint = false} : vector<128x32xbf16>, vector<128x32xbf16>, vector<128x128xf32> -> vector<128x128xf32>
        %dot_general3A_326 = arith.constant dense<0.000000e+00> : vector<128x128xf32>
        %dot_general3A_327 = tpu.matmul %convert_element_type3A_110, %convert_element_type3A_203, %dot_general3A_326 {dimension_numbers = #tpu.dot_dimension_numbers<[1], [0], [0], [1], [0, 0, 1, 1], [], []>, transpose_lhs_hint = false} : vector<128x64xbf16>, vector<64x128xbf16>, vector<128x128xf32> -> vector<128x128xf32>
        %add3A_328 = arith.addf %dot_general3A_325, %dot_general3A_327 : vector<128x128xf32>
        %jit3A_329 = arith.constant -1.000000e+09 : f32
        %broadcast_in_dim3A_330 = vector.broadcast %jit3A_329 : f32 to vector<128x128xf32>
        %select_n3A_331 = arith.select %eq3A_193, %add3A_328, %broadcast_in_dim3A_330 : vector<128x128xi1>, vector<128x128xf32>
        %exp3A_332 = math.exp %select_n3A_331 : vector<128x128xf32>
        %reduce_sum3A_333 = arith.constant dense<0.000000e+00> : vector<128xf32>
        %reduce_sum3A_334 = vector.multi_reduction <add>, %exp3A_332, %reduce_sum3A_333 [1] : vector<128x128xf32> to vector<128xf32>
        %broadcast_in_dim3A_335 = vector.shape_cast %reduce_sum3A_334 : vector<128xf32> to vector<128x1xf32>
        %convert_element_type3A_336 = arith.truncf %exp3A_332 : vector<128x128xf32> to vector<128x128xbf16>
        %dot_general3A_337 = arith.constant dense<0.000000e+00> : vector<128x32xf32>
        %dot_general3A_338 = tpu.matmul %convert_element_type3A_336, %slice3A_323, %dot_general3A_337 {dimension_numbers = #tpu.dot_dimension_numbers<[1], [0], [0], [1], [0, 0, 1, 1], [], []>, transpose_lhs_hint = false} : vector<128x128xbf16>, vector<128x32xbf16>, vector<128x32xf32> -> vector<128x32xf32>
        %get3A_339 = arith.constant 0 : index
        %get3A_340 = arith.constant 0 : index
        %get3A_341 = vector.load %arg17[%get3A_339, %get3A_340] : memref<128x8xf32, #tpu.memory_space<vmem>>, vector<128x8xf32>
        %concatenate3A_342 = tpu.concatenate %broadcast_in_dim3A_216, %broadcast_in_dim3A_233, %broadcast_in_dim3A_250, %broadcast_in_dim3A_267, %broadcast_in_dim3A_284, %broadcast_in_dim3A_301, %broadcast_in_dim3A_318, %broadcast_in_dim3A_335 in 1 : vector<128x1xf32>, vector<128x1xf32>, vector<128x1xf32>, vector<128x1xf32>, vector<128x1xf32>, vector<128x1xf32>, vector<128x1xf32>, vector<128x1xf32> -> vector<128x8xf32>
        %add3A_343 = arith.addf %get3A_341, %concatenate3A_342 : vector<128x8xf32>
        %swap3A_344 = arith.constant 0 : index
        %swap3A_345 = arith.constant 0 : index
        %swap3A_346 = vector.load %arg17[%swap3A_344, %swap3A_345] : memref<128x8xf32, #tpu.memory_space<vmem>>, vector<128x8xf32>
        tpu.vector_store %arg17[%swap3A_344, %swap3A_345], %add3A_343 {strides = array<i32>} : memref<128x8xf32, #tpu.memory_space<vmem>>, vector<128x8xf32>,
        %get3A_347 = arith.constant 0 : index
        %get3A_348 = arith.constant 0 : index
        %get3A_349 = vector.load %arg18[%get3A_347, %get3A_348] : memref<128x256xf32, #tpu.memory_space<vmem>>, vector<128x256xf32>
        %concatenate3A_350 = tpu.concatenate %dot_general3A_219, %dot_general3A_236, %dot_general3A_253, %dot_general3A_270, %dot_general3A_287, %dot_general3A_304, %dot_general3A_321, %dot_general3A_338 in 1 : vector<128x32xf32>, vector<128x32xf32>, vector<128x32xf32>, vector<128x32xf32>, vector<128x32xf32>, vector<128x32xf32>, vector<128x32xf32>, vector<128x32xf32> -> vector<128x256xf32>
        %add3A_351 = arith.addf %get3A_349, %concatenate3A_350 : vector<128x256xf32>
        %swap3A_352 = arith.constant 0 : index
        %swap3A_353 = arith.constant 0 : index
        %swap3A_354 = vector.load %arg18[%swap3A_352, %swap3A_353] : memref<128x256xf32, #tpu.memory_space<vmem>>, vector<128x256xf32>
        tpu.vector_store %arg18[%swap3A_352, %swap3A_353], %add3A_351 {strides = array<i32>} : memref<128x256xf32, #tpu.memory_space<vmem>>, vector<128x256xf32>,
      }
      %get3A_129 = arith.constant 0 : index
      %get3A_130 = arith.constant 0 : index
      %get3A_131 = vector.load %arg17[%get3A_129, %get3A_130] : memref<128x8xf32, #tpu.memory_space<vmem>>, vector<128x8xf32>
      %div3A = arith.constant 1.000000e+00 : f32
      %div3A_132 = vector.broadcast %div3A : f32 to vector<128x8xf32>
      %div3A_133 = arith.divf %div3A_132, %get3A_131 : vector<128x8xf32>
      %get3A_134 = arith.constant 0 : index
      %get3A_135 = arith.constant 0 : index
      %get3A_136 = vector.load %arg18[%get3A_134, %get3A_135] : memref<128x256xf32, #tpu.memory_space<vmem>>, vector<128x256xf32>
      %slice3A = vector.extract_strided_slice %get3A_136 {offsets = [0, 0], sizes = [128, 32], strides = [1, 1]} : vector<128x256xf32> to vector<128x32xf32>
      %slice3A_137 = vector.extract_strided_slice %div3A_133 {offsets = [0, 0], sizes = [128, 1], strides = [1, 1]} : vector<128x8xf32> to vector<128x1xf32>
      %mul3A = vector.broadcast %slice3A_137 : vector<128x1xf32> to vector<128x32xf32>
      %mul3A_138 = arith.mulf %slice3A, %mul3A : vector<128x32xf32>
      %slice3A_139 = vector.extract_strided_slice %get3A_136 {offsets = [0, 32], sizes = [128, 32], strides = [1, 1]} : vector<128x256xf32> to vector<128x32xf32>
      %slice3A_140 = vector.extract_strided_slice %div3A_133 {offsets = [0, 1], sizes = [128, 1], strides = [1, 1]} : vector<128x8xf32> to vector<128x1xf32>
      %mul3A_141 = vector.broadcast %slice3A_140 : vector<128x1xf32> to vector<128x32xf32>
      %mul3A_142 = arith.mulf %slice3A_139, %mul3A_141 : vector<128x32xf32>
      %slice3A_143 = vector.extract_strided_slice %get3A_136 {offsets = [0, 64], sizes = [128, 32], strides = [1, 1]} : vector<128x256xf32> to vector<128x32xf32>
      %slice3A_144 = vector.extract_strided_slice %div3A_133 {offsets = [0, 2], sizes = [128, 1], strides = [1, 1]} : vector<128x8xf32> to vector<128x1xf32>
      %mul3A_145 = vector.broadcast %slice3A_144 : vector<128x1xf32> to vector<128x32xf32>
      %mul3A_146 = arith.mulf %slice3A_143, %mul3A_145 : vector<128x32xf32>
      %slice3A_147 = vector.extract_strided_slice %get3A_136 {offsets = [0, 96], sizes = [128, 32], strides = [1, 1]} : vector<128x256xf32> to vector<128x32xf32>
      %slice3A_148 = vector.extract_strided_slice %div3A_133 {offsets = [0, 3], sizes = [128, 1], strides = [1, 1]} : vector<128x8xf32> to vector<128x1xf32>
      %mul3A_149 = vector.broadcast %slice3A_148 : vector<128x1xf32> to vector<128x32xf32>
      %mul3A_150 = arith.mulf %slice3A_147, %mul3A_149 : vector<128x32xf32>
      %slice3A_151 = vector.extract_strided_slice %get3A_136 {offsets = [0, 128], sizes = [128, 32], strides = [1, 1]} : vector<128x256xf32> to vector<128x32xf32>
      %slice3A_152 = vector.extract_strided_slice %div3A_133 {offsets = [0, 4], sizes = [128, 1], strides = [1, 1]} : vector<128x8xf32> to vector<128x1xf32>
      %mul3A_153 = vector.broadcast %slice3A_152 : vector<128x1xf32> to vector<128x32xf32>
      %mul3A_154 = arith.mulf %slice3A_151, %mul3A_153 : vector<128x32xf32>
      %slice3A_155 = vector.extract_strided_slice %get3A_136 {offsets = [0, 160], sizes = [128, 32], strides = [1, 1]} : vector<128x256xf32> to vector<128x32xf32>
      %slice3A_156 = vector.extract_strided_slice %div3A_133 {offsets = [0, 5], sizes = [128, 1], strides = [1, 1]} : vector<128x8xf32> to vector<128x1xf32>
      %mul3A_157 = vector.broadcast %slice3A_156 : vector<128x1xf32> to vector<128x32xf32>
      %mul3A_158 = arith.mulf %slice3A_155, %mul3A_157 : vector<128x32xf32>
      %slice3A_159 = vector.extract_strided_slice %get3A_136 {offsets = [0, 192], sizes = [128, 32], strides = [1, 1]} : vector<128x256xf32> to vector<128x32xf32>
      %slice3A_160 = vector.extract_strided_slice %div3A_133 {offsets = [0, 6], sizes = [128, 1], strides = [1, 1]} : vector<128x8xf32> to vector<128x1xf32>
      %mul3A_161 = vector.broadcast %slice3A_160 : vector<128x1xf32> to vector<128x32xf32>
      %mul3A_162 = arith.mulf %slice3A_159, %mul3A_161 : vector<128x32xf32>
      %slice3A_163 = vector.extract_strided_slice %get3A_136 {offsets = [0, 224], sizes = [128, 32], strides = [1, 1]} : vector<128x256xf32> to vector<128x32xf32>
      %slice3A_164 = vector.extract_strided_slice %div3A_133 {offsets = [0, 7], sizes = [128, 1], strides = [1, 1]} : vector<128x8xf32> to vector<128x1xf32>
      %mul3A_165 = vector.broadcast %slice3A_164 : vector<128x1xf32> to vector<128x32xf32>
      %mul3A_166 = arith.mulf %slice3A_163, %mul3A_165 : vector<128x32xf32>
      %concatenate3A = tpu.concatenate %mul3A_138, %mul3A_142, %mul3A_146, %mul3A_150, %mul3A_154, %mul3A_158, %mul3A_162, %mul3A_166 in 1 : vector<128x32xf32>, vector<128x32xf32>, vector<128x32xf32>, vector<128x32xf32>, vector<128x32xf32>, vector<128x32xf32>, vector<128x32xf32>, vector<128x32xf32> -> vector<128x256xf32>
      %convert_element_type3A_167 = arith.truncf %concatenate3A : vector<128x256xf32> to vector<128x256xbf16>
      %get3A_168 = arith.constant 0 : index
      %get3A_169 = arith.constant 0 : index
      %get3A_170 = vector.load %arg13[%get3A_168, %get3A_169] : memref<256x256xbf16, #tpu.memory_space<vmem>>, vector<256x256xbf16>
      %dot_general3A_171 = arith.constant dense<0.000000e+00> : vector<128x256xf32>
      %dot_general3A_172 = tpu.matmul %convert_element_type3A_167, %get3A_170, %dot_general3A_171 {dimension_numbers = #tpu.dot_dimension_numbers<[1], [0], [0], [1], [0, 0, 1, 1], [], []>, transpose_lhs_hint = false} : vector<128x256xbf16>, vector<256x256xbf16>, vector<128x256xf32> -> vector<128x256xf32>
      %get3A_173 = arith.constant 0 : index
      %get3A_174 = arith.constant 0 : index
      %get3A_175 = vector.load %arg14[%get3A_173, %get3A_174] : memref<1x256xf32, #tpu.memory_space<vmem>>, vector<1x256xf32>
      %add3A = vector.broadcast %get3A_175 : vector<1x256xf32> to vector<128x256xf32>
      %add3A_176 = arith.addf %dot_general3A_172, %add3A : vector<128x256xf32>
      %swap3A_177 = arith.constant 0 : index
      %swap3A_178 = arith.constant 0 : index
      %swap3A_179 = vector.load %arg15[%swap3A_177, %swap3A_178] : memref<128x256xf32, #tpu.memory_space<vmem>>, vector<128x256xf32>
      tpu.vector_store %arg15[%swap3A_177, %swap3A_178], %add3A_176 {strides = array<i32>} : memref<128x256xf32, #tpu.memory_space<vmem>>, vector<128x256xf32>,
    } else {
    }
    return
  }
  func.func @transform_0(%arg0: i32, %arg1: memref<128xi32, #tpu.memory_space<smem>>, %arg2: memref<1xi32, #tpu.memory_space<smem>>, %arg3: memref<128xi32, #tpu.memory_space<smem>>, %arg4: memref<128xi32, #tpu.memory_space<smem>>) -> (i32, i32) {
    %get3A = arith.index_cast %arg0 : i32 to index
    %get3A_0 = memref.load %arg1[%get3A] : memref<128xi32, #tpu.memory_space<smem>>
    %c0_i32 = arith.constant 0 : i32
    %c0_i32_1 = arith.constant 0 : i32
    return %get3A_0, %c0_i32 : i32, i32
  }
  func.func @transform_1(%arg0: i32, %arg1: memref<128xi32, #tpu.memory_space<smem>>, %arg2: memref<1xi32, #tpu.memory_space<smem>>, %arg3: memref<128xi32, #tpu.memory_space<smem>>, %arg4: memref<128xi32, #tpu.memory_space<smem>>) -> (i32, i32) {
    %get3A = arith.index_cast %arg0 : i32 to index
    %get3A_0 = memref.load %arg1[%get3A] : memref<128xi32, #tpu.memory_space<smem>>
    %c0_i32 = arith.constant 0 : i32
    %c0_i32_1 = arith.constant 0 : i32
    return %get3A_0, %c0_i32 : i32, i32
  }
  func.func @transform_2(%arg0: i32, %arg1: memref<128xi32, #tpu.memory_space<smem>>, %arg2: memref<1xi32, #tpu.memory_space<smem>>, %arg3: memref<128xi32, #tpu.memory_space<smem>>, %arg4: memref<128xi32, #tpu.memory_space<smem>>) -> (i32, i32) {
    %get3A = arith.index_cast %arg0 : i32 to index
    %get3A_0 = memref.load %arg1[%get3A] : memref<128xi32, #tpu.memory_space<smem>>
    %c0_i32 = arith.constant 0 : i32
    %c0_i32_1 = arith.constant 0 : i32
    return %get3A_0, %c0_i32 : i32, i32
  }
  func.func @transform_3(%arg0: i32, %arg1: memref<128xi32, #tpu.memory_space<smem>>, %arg2: memref<1xi32, #tpu.memory_space<smem>>, %arg3: memref<128xi32, #tpu.memory_space<smem>>, %arg4: memref<128xi32, #tpu.memory_space<smem>>) -> (i32, i32) {
    %get3A = arith.index_cast %arg0 : i32 to index
    %get3A_0 = memref.load %arg1[%get3A] : memref<128xi32, #tpu.memory_space<smem>>
    %c0_i32 = arith.constant 0 : i32
    %c0_i32_1 = arith.constant 0 : i32
    return %get3A_0, %c0_i32 : i32, i32
  }
  func.func @transform_4(%arg0: i32, %arg1: memref<128xi32, #tpu.memory_space<smem>>, %arg2: memref<1xi32, #tpu.memory_space<smem>>, %arg3: memref<128xi32, #tpu.memory_space<smem>>, %arg4: memref<128xi32, #tpu.memory_space<smem>>) -> (i32, i32, i32) {
    %c0_i32 = arith.constant 0 : i32
    %c0_i32_0 = arith.constant 0 : i32
    %c0_i32_1 = arith.constant 0 : i32
    %c0_i32_2 = arith.constant 0 : i32
    return %c0_i32, %c0_i32_0, %c0_i32_1 : i32, i32, i32
  }
  func.func @transform_5(%arg0: i32, %arg1: memref<128xi32, #tpu.memory_space<smem>>, %arg2: memref<1xi32, #tpu.memory_space<smem>>, %arg3: memref<128xi32, #tpu.memory_space<smem>>, %arg4: memref<128xi32, #tpu.memory_space<smem>>) -> (i32, i32, i32) {
    %c0_i32 = arith.constant 0 : i32
    %c0_i32_0 = arith.constant 0 : i32
    %c0_i32_1 = arith.constant 0 : i32
    %c0_i32_2 = arith.constant 0 : i32
    return %c0_i32, %c0_i32_0, %c0_i32_1 : i32, i32, i32
  }
  func.func @transform_7(%arg0: i32, %arg1: memref<128xi32, #tpu.memory_space<smem>>, %arg2: memref<1xi32, #tpu.memory_space<smem>>, %arg3: memref<128xi32, #tpu.memory_space<smem>>, %arg4: memref<128xi32, #tpu.memory_space<smem>>) -> (i32, i32, i32) {
    %c0_i32 = arith.constant 0 : i32
    %c0_i32_0 = arith.constant 0 : i32
    %c0_i32_1 = arith.constant 0 : i32
    %c0_i32_2 = arith.constant 0 : i32
    return %c0_i32, %c0_i32_0, %c0_i32_1 : i32, i32, i32
  }
  func.func @transform_8(%arg0: i32, %arg1: memref<128xi32, #tpu.memory_space<smem>>, %arg2: memref<1xi32, #tpu.memory_space<smem>>, %arg3: memref<128xi32, #tpu.memory_space<smem>>, %arg4: memref<128xi32, #tpu.memory_space<smem>>) -> (i32, i32) {
    %c0_i32 = arith.constant 0 : i32
    %c0_i32_0 = arith.constant 0 : i32
    %c0_i32_1 = arith.constant 0 : i32
    return %c0_i32, %c0_i32_0 : i32, i32
  }
  func.func @transform_9(%arg0: i32, %arg1: memref<128xi32, #tpu.memory_space<smem>>, %arg2: memref<1xi32, #tpu.memory_space<smem>>, %arg3: memref<128xi32, #tpu.memory_space<smem>>, %arg4: memref<128xi32, #tpu.memory_space<smem>>) -> (i32, i32) {
    %c0_i32 = arith.constant 0 : i32
    %c0_i32_0 = arith.constant 0 : i32
    %c0_i32_1 = arith.constant 0 : i32
    return %c0_i32, %c0_i32_0 : i32, i32
  }
  func.func @transform_10(%arg0: i32, %arg1: memref<128xi32, #tpu.memory_space<smem>>, %arg2: memref<1xi32, #tpu.memory_space<smem>>, %arg3: memref<128xi32, #tpu.memory_space<smem>>, %arg4: memref<128xi32, #tpu.memory_space<smem>>) -> (i32, i32) {
    %get3A = arith.index_cast %arg0 : i32 to index
    %get3A_0 = memref.load %arg1[%get3A] : memref<128xi32, #tpu.memory_space<smem>>
    %c0_i32 = arith.constant 0 : i32
    %c0_i32_1 = arith.constant 0 : i32
    return %get3A_0, %c0_i32 : i32, i32
  }
}

</mosaic_0001>

<sc_bundles>
// kernel: gather_offload_async_start.1
scs
__scs_entry_jumppad:
0x0: {  	(pc) =	sbr.rel $0x88, $3  }
0x1: {  	(tag) =	ssettag $0x0;
	lr =	simm.s32 $0x1  }
0x2: {  	[smem:$0x3F9A] =	sst lr;
	_ =	strace $0xD0000000  }
0x3: {  	_ = 	snop  }
0x4: {  	_ = 	snop  }
0x5: {  	_ = 	snop  }
0x6: {  	_ = 	snop  }
0x7: {  	_ = 	snop  }
__scs_overlays_trampoline_lowered:
0x8: {  	[smem:$0x3FA9] =	sst s0  }
0x9: {  	[smem:$0x3FAA] =	sst s1  }
0xa: {  	[smem:$0x3FAB] =	sst s2  }
0xb: {  	[smem:$0x3FAC] =	sst s3  }
0xc: {  	[smem:$0x3FAD] =	sst s4  }
0xd: {  	[smem:$0x3FAE] =	sst s5  }
0xe: {  	[smem:$0x3FAF] =	sst s6  }
0xf: {  	[smem:$0x3FB0] =	sst s7  }
0x10: {  	[smem:$0x3FB1] =	sst s8  }
0x11: {  	[smem:$0x3FB2] =	sst s9;
	s0 =	simm.s32 @!p0 $0x0  }
0x12: {  	s1 =	sld [smem:$0x3F98];
	s0 =	simm.s32 @p0 $0x1  }
0x13: {  	[smem:$0x3FB3] =	sst s0;
	s0 =	simm.s32 @!p1 $0x0  }
0x14: {  	s2 =	sld [smem:$0x3F97];
	s0 =	simm.s32 @p1 $0x1  }
0x15: {  	[smem:$0x3FB4] =	sst s0;
	s0 =	simm.s32 @!p2 $0x0  }
0x16: {  	s3 =	sld [smem:$0x3FDB];
	s0 =	simm.s32 @p2 $0x1  }
0x17: {  	s4 =	simm.s32 $0x1BF5;
	[smem:$0x3FB6] =	sst s0  }
0x18: {  	s0 =	sld [smem:$0x3F99];
	_ =	swait.ge [sflag:s4], $0x0  }
0x19: {  	s7 =	sld [smem:$0x3F9A]  }
0x1a: {  	s8 =	sadd.s32 $0xFFFFE003, lr  }
0x1b: {  	s9 =	sadd.s32 $0xFFFFFEF7, lr;
	s5 =	simm.s32 $0xFFFFFFFF;
	p2 =	slt.u32 s8, $0xFFFFF086  }
0x1c: {  	p1 =	slt.u32 s9, $0xF7A;
	s5 =	simm.s32 @!p2 $0x0  }
0x1d: {  	s5 =	simm.s32 @p1 $0x1;
	p0 =	seq.s32 s7, s2  }
0x1e: {  	s7 =	smul.u32 @!p0 $0xF7A, s2;
	p2 =	seq.s32 @!p0 s5, $0x0  }
0x1f: {  	s9 =	smul.u32 $0xF7A, s1;
	s8 =	simm.s32 @!p0 $0x1BF5;
	p2 =	por !p2, p0  }
0x20: {  	[sflag:s8] =	ssyncset.s32 @!p0 $0xFFFFF086;
	s6 =	sadd.s32 @!p0 s3, s7;
	s7 =	simm.s32 @!p0 $0x108  }
0x21: {  	s3 =	sadd.s32 s3, s9;
	s6 =	sadd.s32 @!p0 $0x88, s6;
	s7 =	simm.s32 @p2 $0x1082  }
0x22: {  	[simem:s7], [sflag:s8] =	dma.local @!p0 [hbm:s6], $0xF7A  }
0x23: {  	s9 =	sor.u32 $0xD0000000, s2;
	s6 =	simm.s32 $0x108;
	_ =	swait.ge @!p0 [sflag:s8], $0x0  }
0x24: {  	s3 =	sadd.s32 $0x88, s3;
	s6 =	simm.s32 @!p1 $0x1082;
	[sflag:s4] =	ssyncset.s32 $0xFFFFF086  }
0x25: {  	[simem:s6], [sflag:s4] =	dma.local [hbm:s3], $0xF7A  }
0x26: {  	[smem:$0x3F9A] =	sst s1;
	(tag) =	ssettag s2;
	_ =	strace s9  }
0x27: {  	s1 =	sld [smem:$0x3FAA]  }
0x28: {  	s2 =	sld [smem:$0x3FAB]  }
0x29: {  	s4 =	sld [smem:$0x3FAD]  }
0x2a: {  	p0 =	seq.s32 s5, $0x0;
	s5 =	sld [smem:$0x3FAE]  }
0x2b: {  	s6 =	sld [smem:$0x3FAF]  }
0x2c: {  	s7 =	sld [smem:$0x3FB0]  }
0x2d: {  	s3 =	simm.s32 $0x108;
	s8 =	sld [smem:$0x3FB1]  }
0x2e: {  	s3 =	simm.s32 @!p0 $0x1082;
	s9 =	sld [smem:$0x3FB2]  }
0x2f: {  	lr =	sadd.s32 s0, s3;
	s0 =	sld [smem:$0x3FA9]  }
0x30: {  	s3 =	sld [smem:$0x3FAC]  }
0x31: {  	[smem:$0x3FB5] =	sst s10  }
0x32: {  	s10 =	sld [smem:$0x3FB3];
	_ =	sdelay $0x3  }
0x33: {  	p0 =	seq.s32 s10, $0x1;
	s10 =	sld [smem:$0x3FB5];
	_ =	sdelay $0x3  }
0x34: {  	[smem:$0x3FB5] =	sst s10  }
0x35: {  	s10 =	sld [smem:$0x3FB4];
	_ =	sdelay $0x3  }
0x36: {  	p1 =	seq.s32 s10, $0x1;
	s10 =	sld [smem:$0x3FB5];
	_ =	sdelay $0x3  }
0x37: {  	[smem:$0x3FB5] =	sst s10  }
0x38: {  	s10 =	sld [smem:$0x3FB6]  }
0x39: {  	_ = 	snop;
	(pc) =	sbr.ind lr, $3  }
0x3a: {  	_ = 	snop  }
0x3b: {  	_ = 	snop  }
0x3c: {  	p2 =	seq.s32 s10, $0x1;
	s10 =	sld [smem:$0x3FB5]  }
0x3d: {  	_ =	shalt  }
0x3e: {  	_ =	shalt  }
0x3f: {  	_ =	shalt  }
0x40: {  	_ =	shalt  }
0x41: {  	_ =	shalt  }
0x42: {  	_ =	shalt  }
0x43: {  	_ =	shalt  }
0x44: {  	_ =	shalt  }
0x45: {  	_ =	shalt  }
0x46: {  	_ =	shalt  }
0x47: {  	_ =	shalt  }
0x48: {  	_ =	shalt  }
0x49: {  	_ =	shalt  }
0x4a: {  	_ =	shalt  }
0x4b: {  	_ =	shalt  }
0x4c: {  	_ =	shalt  }
0x4d: {  	_ =	shalt  }
0x4e: {  	_ =	shalt  }
0x4f: {  	_ =	shalt  }
0x50: {  	_ =	shalt  }
0x51: {  	_ =	shalt  }
0x52: {  	_ =	shalt  }
0x53: {  	_ =	shalt  }
0x54: {  	_ =	shalt  }
0x55: {  	_ =	shalt  }
0x56: {  	_ =	shalt  }
0x57: {  	_ =	shalt  }
0x58: {  	_ =	shalt  }
0x59: {  	_ =	shalt  }
0x5a: {  	_ =	shalt  }
0x5b: {  	_ =	shalt  }
0x5c: {  	_ =	shalt  }
0x5d: {  	_ =	shalt  }
0x5e: {  	_ =	shalt  }
0x5f: {  	_ =	shalt  }
0x60: {  	_ =	shalt  }
0x61: {  	_ =	shalt  }
0x62: {  	_ =	shalt  }
0x63: {  	_ =	shalt  }
0x64: {  	_ =	shalt  }
0x65: {  	_ =	shalt  }
0x66: {  	_ =	shalt  }
0x67: {  	_ =	shalt  }
0x68: {  	_ =	shalt  }
0x69: {  	_ =	shalt  }
0x6a: {  	_ =	shalt  }
0x6b: {  	_ =	shalt  }
0x6c: {  	_ =	shalt  }
0x6d: {  	_ =	shalt  }
0x6e: {  	_ =	shalt  }
0x6f: {  	_ =	shalt  }
0x70: {  	_ =	shalt  }
0x71: {  	_ =	shalt  }
0x72: {  	_ =	shalt  }
0x73: {  	_ =	shalt  }
0x74: {  	_ =	shalt  }
0x75: {  	_ =	shalt  }
0x76: {  	_ =	shalt  }
0x77: {  	_ =	shalt  }
0x78: {  	_ =	shalt  }
0x79: {  	_ =	shalt  }
0x7a: {  	_ =	shalt  }
0x7b: {  	_ =	shalt  }
0x7c: {  	_ =	shalt  }
0x7d: {  	_ =	shalt  }
0x7e: {  	_ =	shalt  }
0x7f: {  	_ =	shalt  }
0x80: {  	_ =	shalt  }
0x81: {  	_ =	shalt  }
0x82: {  	_ =	shalt  }
0x83: {  	_ =	shalt  }
0x84: {  	_ =	shalt  }
0x85: {  	_ =	shalt  }
0x86: {  	_ =	shalt  }
0x87: {  	_ =	shalt  }
.Lfunc_end0:
.L_simem_size_0:
called_computation.1_lowered:
.L_overlay_start_0:
0x88: {  	s2 =	sld [smem:$0x3FD9]  }
0x89: {  	s3 =	sld [smem:$0x3FFE];
	_ =	sdelay $0x1  }
0x8a: {  	s1 =	srdreg.scid  }
0x8b: {  	s0 =	sand.u32 $0x1, s1  }
0x8c: {  	s17 =	sshll.u32 s0, $0xA;
	s2 =	sadd.s32 s3, s2  }
0x8d: {  	s2 =	sadd.s32 s2, s17  }
0x8e: {  	[smem:$0x3FC1] =	sst s2  }
0x8f: {  	_ = 	snop  }
0x90: {  	(tm) =	ssettm $0x1  }
0x91: {  	s18 =	sld [smem:$0x3FFB];
	_ =	sdelay $0x3  }
0x92: {  	_ =	strace s18  }
0x93: {  	s2 =	sld [smem:$0x3FFC];
	_ =	sdelay $0x3  }
0x94: {  	_ =	strace s2  }
0x95: {  	s2 =	sld [smem:$0x3FFD];
	_ =	sdelay $0x3  }
0x96: {  	_ =	strace s2  }
0x97: {  	_ =	strace $0x8FFFFFFF  }
0x98: {  	s19 =	sld [smem:$0x3FDB];
	_ =	sdelay $0x1  }
0x99: {  	s20 =	simm.s32 $_scs_section_size  }
0x9a: {  	s4 =	simm.s32 $_size__tile_overlayer_lowered;
	s5 =	simm.s32 $_tile_overlayer_lowered  }
0x9b: {  	s6 =	simm.s32 $0x1BFF;
	s21 =	sshll.u32 s5, $0x1;
	s3 =	sadd.s32 s20, s19  }
0x9c: {  	s22 =	simm.s32 $0x0;
	s4 =	sshll.u32 s4, $0x1;
	s5 =	sadd.s32 s21, s3  }
0x9d: {  	[timem:s22], [sflag:s6] =	dma.local [hbm:s5], s4  }
0x9e: {  	_ =	swait.ge [sflag:s6], s4  }
0x9f: {  	s4 =	ssub.s32 $0x0, s4;
	[sflag:s6] =	ssyncset.done $0x0  }
0xa0: {  	[sflag:s6] =	ssyncadd.s32 s4;
	_ =	sdelay $0x1  }
0xa1: {  	s23 =	simm.s32 $0x1B8B  }
0xa2: {  	_ =	swait.ge [sflag:s23], $0x1  }
0xa3: {  	[sflag:s23] =	ssyncset.done $0x0  }
0xa4: {  	[sflag:s23] =	ssyncadd.s32 $0xFFFFFFFF  }
0xa5: {  	s4 =	sld [smem:$0x0]  }
0xa6: {  	s5 =	sand.u32 $0xFFFFFFFE, s1  }
0xa7: {  	p0 =	sne.s32 s1, s5  }
0xa8: {  	s5 =	sshll.u32 @p0 s5, $0xE  }
0xa9: {  	s5 =	sadd.s32 @p0 $0x11B8D, s5;
	s6 =	sshll.u32 @p0 s4, $0x11  }
0xaa: {  	s5 =	sor.u32 @p0 s6, s5  }
0xab: {  	[sflag:s5] =	ssyncadd.remote.s32 @p0 $0x1;
	_ =	sdelay $0x1  }
0xac: {  	s5 =	simm.s32 @p0 $0x1B8D  }
0xad: {  	_ =	swait.eq @p0 [sflag:s5], $0x1  }
0xae: {  	[sflag:s5] =	ssyncadd.s32 @p0 $0xFFFFFFFF  }
0xaf: {  	s6 =	sshll.u32 @!p0 s1, $0xE  }
0xb0: {  	s6 =	sor.u32 @!p0 $0x4000, s6;
	s5 =	simm.s32 @!p0 $0x1B8D  }
0xb1: {  	s4 =	sshll.u32 @!p0 s4, $0x11;
	s6 =	sadd.s32 @!p0 $0x11B8D, s6;
	_ =	swait.eq @!p0 [sflag:s5], $0x1  }
0xb2: {  	s4 =	sor.u32 @!p0 s4, s6;
	[sflag:s5] =	ssyncadd.s32 @!p0 $0xFFFFFFFF  }
0xb3: {  	s25 =	simm.s32 $0x1B8E;
	s24 =	sld [smem:$0x3FFE];
	[sflag:s4] =	ssyncadd.remote.s32 @!p0 $0x1  }
0xb4: {  	s26 =	simm.s32 $execute0_lowered;
	[smem:$0x3FD2] =	sst s25  }
0xb5: {  	s5 =	sshll.u32 s26, $0x1;
	_ =	strace $0x80000049;
	[dreg:$0x1] =	wrdreg $0xFFFFFFFF  }
0xb6: {  	s28 =	simm.s32 $_size_execute0_lowered;
	s3 =	sadd.s32 s3, s5;
	[dreg:$0x0] =	wrdreg $0x0  }
0xb7: {  	s5 =	sshll.u32 s28, $0x1;
	[dreg:$0x2] =	wrdreg s3  }
0xb8: {  	[dreg:$0x3] =	wrdreg s5  }
0xb9: {  	[dreg:$0x4] =	wrdreg $0xC0  }
0xba: {  	_ =	task [dreg:s22], $0x5FFFF  }
0xbb: {  	[dreg:$0x1] =	wrdreg $0xFFFFFFFF  }
0xbc: {  	[dreg:$0x0] =	wrdreg $0x60  }
0xbd: {  	[dreg:$0x2] =	wrdreg s24  }
0xbe: {  	[dreg:$0x3] =	wrdreg $0xA  }
0xbf: {  	_ =	task.clear_ibuf [dreg:s22], $0x4FFFF;
	_ =	strace $0x90000049  }
0xc0: {  	s29 =	simm.s32 $0xA;
	_ =	strace $0x8000004B  }
0xc1: {  	_ =	swait.ge [sflag:s29], $0x1  }
0xc2: {  	[sflag:s29] =	ssyncadd.s32 $0xFFFFFFFF  }
0xc3: {  	_ =	strace $0x9000004B  }
0xc4: {  	_ =	sfence  }
0xc5: {  	s30 =	sld [smem:$0x0];
	_ =	sdelay $0x2  }
0xc6: {  	s31 =	sshll.u32 s1, $0xD;
	s1 =	sshrl.u32 s1, $0x2  }
0xc7: {  	s4 =	sand.u32 $0x4000, s31;
	s1 =	sadd.s32 s1, s30  }
0xc8: {  	s0 =	sor.u32 s4, s0;
	s1 =	sshll.u32 s1, $0x11  }
0xc9: {  	s0 =	sor.u32 s1, s0  }
0xca: {  	s0 =	sadd.s32 $0x8F2B, s0  }
0xcb: {  	[sflag:s0] =	ssyncadd.remote.s32 $0x1  }
0xcc: {  	_ =	sfence.sel $0xFFFF  }
0xcd: {  	[dreg:$0x0] =	wrdreg $0xFFFFFFFF;
	(pc) =	sbr.abs _section_cstart, $3  }
0xce: {  	[dreg:$0x1] =	wrdreg $0xFFFFFFFF  }
0xcf: {  	_ =	task.clear_ibuf [dreg:s22], $0x2FFFF;
	_ =	strace $0x9FFFFFFF  }
0xd0: {  	(tm) =	ssettm $0x7FFFFFFF  }
0xd1: {  	_ =	shalt  }
tec
execute0_lowered:
.L_overlay_start_1:
0x0: {  	(tag) =	ssettag $0x1  }
0x1: {  	s0 =	srdreg.scid;
	s5 =	rddreg [dreg:$0x0]  }
0x2: {  	s1 =	stileid.u32;
	s6 =	simm.s32 $0x1;
	s9 =	simm.s32 $0x1  }
0x3: {  	s10 =	simm.s32 $0x3;
	s13 =	simm.s32 $0x0;
	s2 =	sshll.u32 s0, $0x8  }
0x4: {  	s12 =	simm.s32 $0x0;
	s3 =	sshll.u32 s1, $0x9;
	s2 =	sand.u32 $0x100, s2  }
0x5: {  	s0 =	rddreg [dreg:$0x1];
	_ =	strace $0x8000004A;
	s2 =	sor.u32 s3, s2  }
0x6: {  	s4 =	sadd.s32 $0x1A00, s5;
	[sflag:s6] =	ssyncpa.u1 $0x0;
	s8 =	ssub.s32 $0x4000, s2  }
.Ltmp0:
0x7: {  	s3 =	sadd.s32 $0x2A00, s5;
	s7 =	sand.u32 $0x1F00, s8;
	(pc) =	sbr.rel .LBB2_1-.Ltmp0, $4  }
0x8: {  	s5 =	sadd.s32 $0x3200, s5;
	s11 =	smov.u32 s2;
	p0 =	sne.s32 s7, $0x0  }
0x9: {  	s8 =	sshrl.u32 s8, $0xD;
	s7 =	simm.s32 $0x2;
	s9 =	simm.s32 @!p0 $0x0  }
0xa: {  	[sflag:s7] =	ssyncpa.u1 $0x0;
	p0 =	por $0x0, $0x0;
	s8 =	sadd.s32 s9, s8  }
0xb: {  	vm0 =	vmmov $0xffff;
	[sflag:s10] =	ssyncpa.u1 $0x0;
	s10 =	simm.s32 $0x0;
	s9 =	sadd.s32 $0x1, s8  }
.LBB2_4:
0xc: {  	v2 =	vnsel vm1, $0x0, v2  }
0xd: {  	vm1 =	vgt.s32 v0, $0x0;
	v2 =	vmin.u32 v2, $0x3FFF  }
0xe: {  	v0 =	vnsel vm1, $0x0, v0  }
0xf: {  	v0 =	vmin.u32 v0, $0x3FFF  }
0x10: {  	[tilespmem:s15], [sflag:$0x1] =	stream.indirect_vreg.gather [hbm4b:s3+s10], $0x1, v1, vm0, $0x4038;
	[tilespmem:$0x400] =	vst v63  }
0x11: {  	(ifvalue) =	ssetifvalue $0x7FFFFFFF  }
0x12: {  	[tilespmem:s16], [sflag:$0x1] =	stream.indirect_vreg.gather [hbm4b:s3+s10], $0x1, v2, vm0, $0x4038;
	[tilespmem:$0x400] =	vst v63  }
0x13: {  	s29 =	sadd.s32 $0x10, s16;
	(ifvalue) =	ssetifvalue $0x7FFFFFFF  }
0x14: {  	[tilespmem:s29], [sflag:$0x1] =	stream.indirect_vreg.gather [hbm4b:s3+s10], $0x1, v0, vm0, $0x4038;
	[tilespmem:$0x400] =	vst v63  }
0x15: {  	_ =	swait.ge [sflag:s6], $0x100  }
0x16: {  	s30 =	sshrl.u32 s13, $0x3;
	[sflag:s6] =	ssyncset.done $0x0  }
0x17: {  	s31 =	sand.u32 $0x7, s13;
	s15 =	sadd.s32 s5, s30;
	[sflag:s6] =	ssyncadd.s32 $0xFFFFFF00  }
0x18: {  	[hbm4b:s15+s31] =	stream.linear.scatter [tilespmem:s14], [sflag:$0x3], $0x100, $0x38;
	[tilespmem:$0x400] =	vst v63  }
.LBB2_5:
0x19: {  	s15 =	sadd.s32 $0x2000, s11  }
0x1a: {  	p2 =	sgt.s32 s15, $0x3FFF  }
0x1b: {  	s15 =	smov.u32 @p2 s2;
	p2 =	sne.s32 s12, s9  }
.Ltmp1:
0x1c: {  	p1 =	slt.u32 s12, $0x2;
	(pc) =	sbr.rel @!p2 .LBB2_6-.Ltmp1, $4  }
0x1d: {  	s14 =	simm.s32 @!p1 $0x3  }
0x1e: {  	s16 =	sadd.s32 $0x1, s12;
	_ =	swait.ge @!p1 [sflag:s14], $0x100  }
0x1f: {  	s13 =	smov.u32 s11;
	p0 =	por !p0, !p0;
	[sflag:s14] =	ssyncset.done @!p1 $0x0  }
0x20: {  	s12 =	smov.u32 s16;
	s11 =	smov.u32 s15;
	[sflag:s14] =	ssyncadd.s32 @!p1 $0xFFFFFF00  }
.LBB2_1:
0x21: {  	p1 =	sge.u32 s12, s8  }
0x22: {  	s14 =	sxor.u32 @!p1 $0xFFFFFFFF, s12  }
0x23: {  	s31 =	sadd.s32 $0xFFFFFFFF, s12;
	s15 =	sshrl.u32 @!p1 s11, $0x3;
	s14 =	sshll.u32 @!p1 s14, $0x8  }
0x24: {  	s16 =	sand.u32 @!p1 $0x7, s11;
	s15 =	sadd.s32 @!p1 s4, s15;
	s14 =	sand.u32 @!p1 $0x100, s14  }
0x25: {  	[tilespmem:s14], [sflag:$0x2] =	stream.linear.gather @!p1 [hbm4b:s15+s16], $0x100, $0x38;
	[tilespmem:$0x400] =	vst v63  }
0x26: {  	p1 =	sge.u32 s31, s8  }
.Ltmp2:
0x27: {  	_ = 	snop;
	(pc) =	sbr.rel @p1 .LBB2_5-.Ltmp2, $1  }
0x28: {  	_ =	sdelay $0x3  }
0x29: {  	s14 =	simm.s32 $0x1  }
0x2a: {  	_ =	swait.ge [sflag:s7], $0x100;
	s14 =	simm.s32 @!p0 $0x0  }
0x2b: {  	[sflag:s7] =	ssyncset.done $0x0;
	s14 =	sshll.u32 s14, $0x8  }
0x2c: {  	[sflag:s7] =	ssyncadd.s32 $0xFFFFFF00;
	(ifvalue) =	ssetifvalue $0x7FFFFFFF;
	v0 =	vld.msk [tilespmem:s14+$0x0 ss:$0x1], $0xffff;
	_ =	sdelay $0x4  }
0x2d: {  	s15 =	sadd.s32 $0x10, s14;
	vm1 =	vgt.s32 v0, $0x0  }
0x2e: {  	v2 =	vld.msk [tilespmem:s15+$0x0 ss:$0x1], $0xffff;
	v1 =	vnsel vm1, $0x0, v0  }
0x2f: {  	v1 =	vmin.u32 v1, $0x3FFF;
	_ =	sdelay $0x1  }
0x30: {  	s16 =	sshll.u32 s12, $0x8;
	s18 =	simm.s32 $0x20  }
0x31: {  	s16 =	sand.u32 $0x100, s16;
	s17 =	sadd.s32 $0x10, s15;
	s15 =	sor.u32 $0x200, s14  }
0x32: {  	s14 =	sor.u32 $0x200, s16;
	s16 =	sadd.s32 $0x10, s15;
	v0 =	vld.msk [tilespmem:s17+$0x0 ss:$0x1], $0xffff;
	vm1 =	vgt.s32 v2, $0x0;
	(ifvalue) =	ssetifvalue $0x7FFFFFFF  }
.LBB2_3:
0x33: {  	[tilespmem:s15], [sflag:$0x1] =	stream.indirect_vreg.gather [hbm4b:s3+s10], $0x1, v1, vm0, $0x4038;
	[tilespmem:$0x400] =	vst v63  }
0x34: {  	s18 =	sadd.s32 $0x10, s18  }
0x35: {  	v2 =	vnsel vm1, $0x0, v2;
	p1 =	slt.u32 s18, $0xF0  }
.Ltmp3:
0x36: {  	s15 =	smov.u32 s16;
	v1 =	vmin.u32 v2, $0x3FFF;
	(pc) =	sbr.rel @p1 .LBB2_3-.Ltmp3, $3  }
0x37: {  	_ =	sdelay $0x1  }
0x38: {  	s17 =	sadd.s32 $0x10, s17  }
0x39: {  	vm1 =	vgt.s32 v0, $0x0;
	s16 =	sadd.s32 $0x10, s16;
	v2 =	vmov v0;
	(ifvalue) =	ssetifvalue $0x7FFFFFFF;
	v0 =	vld.msk [tilespmem:s17+$0x0 ss:$0x1], $0xffff  }
.Ltmp4:
0x3a: {  	_ = 	snop;
	(pc) =	sbr.rel .LBB2_4-.Ltmp4, $1  }
0x3b: {  	_ =	sdelay $0x3  }
.LBB2_6:
0x3c: {  	_ =	sfence.sel $0x180000  }
0x3d: {  	s2 =	simm.s32 $0x2;
	[bflag:$0x0] =	sbarrier.arrive $0xFFFF  }
0x3e: {  	s30 =	simm.s32 $0x3;
	[sflag:s2] =	ssyncpa.u1 $0x1  }
0x3f: {  	s31 =	simm.s32 $0x1;
	[sflag:s30] =	ssyncpa.u1 $0x1  }
0x40: {  	[sflag:s31] =	ssyncpa.u1 $0x1  }
0x41: {  	p0 =	sne.s32 s1, $0x0;
	_ =	strace $0x9000004A  }
0x42: {  	s0 =	sadd.s32 @!p0 $0x100000, s0;
	[bflag:$0x2] =	sbarrier.arrive $0xFFFF  }
0x43: {  	[sflag:s0] =	ssyncadd.tile.s32 @!p0 $0x1;
	_ =	shalt  }
.Lfunc_end2:
_tile_overlayer_lowered:
.L_overlay_start_2:
0x44: {  	(tag) =	ssettag $0x2  }
0x45: {  	s0 =	rddreg [dreg:$0x0];
	s2 =	stileid.u32  }
0x46: {  	s1 =	rddreg [dreg:$0x1];
	p0 =	sne.s32 s2, $0x0  }
0x47: {  	s3 =	rddreg [dreg:$0x2];
	[bflag:$0x3] =	sbarrier.arrive $0xFFFF;
	s2 =	simm.s32 @!p0 $0x1C01  }
0x48: {  	[timem:s3], [sflag:s2] =	dma.local @!p0 [hbm:s0], s1  }
0x49: {  	s0 =	simm.s32 @!p0 $0x1  }
0x4a: {  	_ =	swait.ge @!p0 [sflag:s0], s1  }
0x4b: {  	s1 =	ssub.s32 @!p0 $0x0, s1;
	[sflag:s0] =	ssyncset.done @!p0 $0x0  }
0x4c: {  	[sflag:s0] =	ssyncadd.s32 @!p0 s1  }
0x4d: {  	[bflag:$0x3] =	sbarrier.arrive $0xFFFF  }
0x4e: {  	_ =	shalt  }

// kernel: gather_offload_async_start
scs
__scs_entry_jumppad:
0x0: {  	(pc) =	sbr.rel $0x88, $3  }
0x1: {  	(tag) =	ssettag $0x0;
	lr =	simm.s32 $0x1  }
0x2: {  	[smem:$0x3F9A] =	sst lr;
	_ =	strace $0xD0000000  }
0x3: {  	_ = 	snop  }
0x4: {  	_ = 	snop  }
0x5: {  	_ = 	snop  }
0x6: {  	_ = 	snop  }
0x7: {  	_ = 	snop  }
__scs_overlays_trampoline_lowered:
0x8: {  	[smem:$0x3FA9] =	sst s0  }
0x9: {  	[smem:$0x3FAA] =	sst s1  }
0xa: {  	[smem:$0x3FAB] =	sst s2  }
0xb: {  	[smem:$0x3FAC] =	sst s3  }
0xc: {  	[smem:$0x3FAD] =	sst s4  }
0xd: {  	[smem:$0x3FAE] =	sst s5  }
0xe: {  	[smem:$0x3FAF] =	sst s6  }
0xf: {  	[smem:$0x3FB0] =	sst s7  }
0x10: {  	[smem:$0x3FB1] =	sst s8  }
0x11: {  	[smem:$0x3FB2] =	sst s9;
	s0 =	simm.s32 @!p0 $0x0  }
0x12: {  	s1 =	sld [smem:$0x3F98];
	s0 =	simm.s32 @p0 $0x1  }
0x13: {  	[smem:$0x3FB3] =	sst s0;
	s0 =	simm.s32 @!p1 $0x0  }
0x14: {  	s2 =	sld [smem:$0x3F97];
	s0 =	simm.s32 @p1 $0x1  }
0x15: {  	[smem:$0x3FB4] =	sst s0;
	s0 =	simm.s32 @!p2 $0x0  }
0x16: {  	s3 =	sld [smem:$0x3FDB];
	s0 =	simm.s32 @p2 $0x1  }
0x17: {  	s4 =	simm.s32 $0x1BF5;
	[smem:$0x3FB6] =	sst s0  }
0x18: {  	s0 =	sld [smem:$0x3F99];
	_ =	swait.ge [sflag:s4], $0x0  }
0x19: {  	s7 =	sld [smem:$0x3F9A]  }
0x1a: {  	s8 =	sadd.s32 $0xFFFFE003, lr  }
0x1b: {  	s9 =	sadd.s32 $0xFFFFFEF7, lr;
	s5 =	simm.s32 $0xFFFFFFFF;
	p2 =	slt.u32 s8, $0xFFFFF086  }
0x1c: {  	p1 =	slt.u32 s9, $0xF7A;
	s5 =	simm.s32 @!p2 $0x0  }
0x1d: {  	s5 =	simm.s32 @p1 $0x1;
	p0 =	seq.s32 s7, s2  }
0x1e: {  	s7 =	smul.u32 @!p0 $0xF7A, s2;
	p2 =	seq.s32 @!p0 s5, $0x0  }
0x1f: {  	s9 =	smul.u32 $0xF7A, s1;
	s8 =	simm.s32 @!p0 $0x1BF5;
	p2 =	por !p2, p0  }
0x20: {  	[sflag:s8] =	ssyncset.s32 @!p0 $0xFFFFF086;
	s6 =	sadd.s32 @!p0 s3, s7;
	s7 =	simm.s32 @!p0 $0x108  }
0x21: {  	s3 =	sadd.s32 s3, s9;
	s6 =	sadd.s32 @!p0 $0x88, s6;
	s7 =	simm.s32 @p2 $0x1082  }
0x22: {  	[simem:s7], [sflag:s8] =	dma.local @!p0 [hbm:s6], $0xF7A  }
0x23: {  	s9 =	sor.u32 $0xD0000000, s2;
	s6 =	simm.s32 $0x108;
	_ =	swait.ge @!p0 [sflag:s8], $0x0  }
0x24: {  	s3 =	sadd.s32 $0x88, s3;
	s6 =	simm.s32 @!p1 $0x1082;
	[sflag:s4] =	ssyncset.s32 $0xFFFFF086  }
0x25: {  	[simem:s6], [sflag:s4] =	dma.local [hbm:s3], $0xF7A  }
0x26: {  	[smem:$0x3F9A] =	sst s1;
	(tag) =	ssettag s2;
	_ =	strace s9  }
0x27: {  	s1 =	sld [smem:$0x3FAA]  }
0x28: {  	s2 =	sld [smem:$0x3FAB]  }
0x29: {  	s4 =	sld [smem:$0x3FAD]  }
0x2a: {  	p0 =	seq.s32 s5, $0x0;
	s5 =	sld [smem:$0x3FAE]  }
0x2b: {  	s6 =	sld [smem:$0x3FAF]  }
0x2c: {  	s7 =	sld [smem:$0x3FB0]  }
0x2d: {  	s3 =	simm.s32 $0x108;
	s8 =	sld [smem:$0x3FB1]  }
0x2e: {  	s3 =	simm.s32 @!p0 $0x1082;
	s9 =	sld [smem:$0x3FB2]  }
0x2f: {  	lr =	sadd.s32 s0, s3;
	s0 =	sld [smem:$0x3FA9]  }
0x30: {  	s3 =	sld [smem:$0x3FAC]  }
0x31: {  	[smem:$0x3FB5] =	sst s10  }
0x32: {  	s10 =	sld [smem:$0x3FB3];
	_ =	sdelay $0x3  }
0x33: {  	p0 =	seq.s32 s10, $0x1;
	s10 =	sld [smem:$0x3FB5];
	_ =	sdelay $0x3  }
0x34: {  	[smem:$0x3FB5] =	sst s10  }
0x35: {  	s10 =	sld [smem:$0x3FB4];
	_ =	sdelay $0x3  }
0x36: {  	p1 =	seq.s32 s10, $0x1;
	s10 =	sld [smem:$0x3FB5];
	_ =	sdelay $0x3  }
0x37: {  	[smem:$0x3FB5] =	sst s10  }
0x38: {  	s10 =	sld [smem:$0x3FB6]  }
0x39: {  	_ = 	snop;
	(pc) =	sbr.ind lr, $3  }
0x3a: {  	_ = 	snop  }
0x3b: {  	_ = 	snop  }
0x3c: {  	p2 =	seq.s32 s10, $0x1;
	s10 =	sld [smem:$0x3FB5]  }
0x3d: {  	_ =	shalt  }
0x3e: {  	_ =	shalt  }
0x3f: {  	_ =	shalt  }
0x40: {  	_ =	shalt  }
0x41: {  	_ =	shalt  }
0x42: {  	_ =	shalt  }
0x43: {  	_ =	shalt  }
0x44: {  	_ =	shalt  }
0x45: {  	_ =	shalt  }
0x46: {  	_ =	shalt  }
0x47: {  	_ =	shalt  }
0x48: {  	_ =	shalt  }
0x49: {  	_ =	shalt  }
0x4a: {  	_ =	shalt  }
0x4b: {  	_ =	shalt  }
0x4c: {  	_ =	shalt  }
0x4d: {  	_ =	shalt  }
0x4e: {  	_ =	shalt  }
0x4f: {  	_ =	shalt  }
0x50: {  	_ =	shalt  }
0x51: {  	_ =	shalt  }
0x52: {  	_ =	shalt  }
0x53: {  	_ =	shalt  }
0x54: {  	_ =	shalt  }
0x55: {  	_ =	shalt  }
0x56: {  	_ =	shalt  }
0x57: {  	_ =	shalt  }
0x58: {  	_ =	shalt  }
0x59: {  	_ =	shalt  }
0x5a: {  	_ =	shalt  }
0x5b: {  	_ =	shalt  }
0x5c: {  	_ =	shalt  }
0x5d: {  	_ =	shalt  }
0x5e: {  	_ =	shalt  }
0x5f: {  	_ =	shalt  }
0x60: {  	_ =	shalt  }
0x61: {  	_ =	shalt  }
0x62: {  	_ =	shalt  }
0x63: {  	_ =	shalt  }
0x64: {  	_ =	shalt  }
0x65: {  	_ =	shalt  }
0x66: {  	_ =	shalt  }
0x67: {  	_ =	shalt  }
0x68: {  	_ =	shalt  }
0x69: {  	_ =	shalt  }
0x6a: {  	_ =	shalt  }
0x6b: {  	_ =	shalt  }
0x6c: {  	_ =	shalt  }
0x6d: {  	_ =	shalt  }
0x6e: {  	_ =	shalt  }
0x6f: {  	_ =	shalt  }
0x70: {  	_ =	shalt  }
0x71: {  	_ =	shalt  }
0x72: {  	_ =	shalt  }
0x73: {  	_ =	shalt  }
0x74: {  	_ =	shalt  }
0x75: {  	_ =	shalt  }
0x76: {  	_ =	shalt  }
0x77: {  	_ =	shalt  }
0x78: {  	_ =	shalt  }
0x79: {  	_ =	shalt  }
0x7a: {  	_ =	shalt  }
0x7b: {  	_ =	shalt  }
0x7c: {  	_ =	shalt  }
0x7d: {  	_ =	shalt  }
0x7e: {  	_ =	shalt  }
0x7f: {  	_ =	shalt  }
0x80: {  	_ =	shalt  }
0x81: {  	_ =	shalt  }
0x82: {  	_ =	shalt  }
0x83: {  	_ =	shalt  }
0x84: {  	_ =	shalt  }
0x85: {  	_ =	shalt  }
0x86: {  	_ =	shalt  }
0x87: {  	_ =	shalt  }
.Lfunc_end0:
.L_simem_size_0:
called_computation_lowered:
.L_overlay_start_0:
0x88: {  	s2 =	sld [smem:$0x3FD9]  }
0x89: {  	s3 =	sld [smem:$0x3FFE];
	_ =	sdelay $0x1  }
0x8a: {  	s1 =	srdreg.scid  }
0x8b: {  	s0 =	sand.u32 $0x1, s1  }
0x8c: {  	s16 =	sshll.u32 s0, $0xA;
	s2 =	sadd.s32 s3, s2  }
0x8d: {  	s2 =	sadd.s32 s2, s16  }
0x8e: {  	[smem:$0x3FC1] =	sst s2  }
0x8f: {  	_ = 	snop  }
0x90: {  	(tm) =	ssettm $0x1  }
0x91: {  	s17 =	sld [smem:$0x3FFB];
	_ =	sdelay $0x3  }
0x92: {  	_ =	strace s17  }
0x93: {  	s2 =	sld [smem:$0x3FFC];
	_ =	sdelay $0x3  }
0x94: {  	_ =	strace s2  }
0x95: {  	s2 =	sld [smem:$0x3FFD];
	_ =	sdelay $0x3  }
0x96: {  	_ =	strace s2  }
0x97: {  	_ =	strace $0x8FFFFFFF  }
0x98: {  	s18 =	sld [smem:$0x3FDB];
	_ =	sdelay $0x1  }
0x99: {  	s19 =	simm.s32 $_scs_section_size  }
0x9a: {  	s4 =	simm.s32 $_size__tile_overlayer_lowered;
	s5 =	simm.s32 $_tile_overlayer_lowered  }
0x9b: {  	s22 =	simm.s32 $0x1BFF;
	s21 =	sshll.u32 s5, $0x1;
	s2 =	sadd.s32 s19, s18  }
0x9c: {  	s6 =	simm.s32 $0x0;
	s20 =	sshll.u32 s4, $0x1;
	s4 =	sadd.s32 s21, s2  }
0x9d: {  	[timem:s6], [sflag:s22] =	dma.local [hbm:s4], s20  }
0x9e: {  	_ =	swait.ge [sflag:s22], s20  }
0x9f: {  	s3 =	ssub.s32 $0x0, s20;
	[sflag:s22] =	ssyncset.done $0x0  }
0xa0: {  	[sflag:s22] =	ssyncadd.s32 s3;
	_ =	sdelay $0x1  }
0xa1: {  	s23 =	simm.s32 $0x1B8B  }
0xa2: {  	_ =	swait.ge [sflag:s23], $0x1  }
0xa3: {  	[sflag:s23] =	ssyncset.done $0x0  }
0xa4: {  	s25 =	simm.s32 $0x1B8E;
	s24 =	sld [smem:$0x3FFE];
	[sflag:s23] =	ssyncadd.s32 $0xFFFFFFFF  }
0xa5: {  	s26 =	simm.s32 $execute0_lowered;
	[smem:$0x3FD2] =	sst s25  }
0xa6: {  	s4 =	sshll.u32 s26, $0x1;
	_ =	strace $0x80000046;
	[dreg:$0x1] =	wrdreg $0xFFFFFFFF  }
0xa7: {  	s28 =	simm.s32 $_size_execute0_lowered;
	s2 =	sadd.s32 s2, s4;
	[dreg:$0x0] =	wrdreg $0x0  }
0xa8: {  	s4 =	sshll.u32 s28, $0x1;
	[dreg:$0x2] =	wrdreg s2  }
0xa9: {  	[dreg:$0x3] =	wrdreg s4  }
0xaa: {  	[dreg:$0x4] =	wrdreg $0xC0  }
0xab: {  	_ =	task [dreg:s6], $0x5FFFF  }
0xac: {  	[dreg:$0x1] =	wrdreg $0xFFFFFFFF  }
0xad: {  	[dreg:$0x0] =	wrdreg $0x60  }
0xae: {  	[dreg:$0x2] =	wrdreg s24  }
0xaf: {  	[dreg:$0x3] =	wrdreg $0x9  }
0xb0: {  	_ =	task.clear_ibuf [dreg:s6], $0x4FFFF;
	_ =	strace $0x90000046  }
0xb1: {  	s29 =	simm.s32 $0x9;
	_ =	strace $0x80000048  }
0xb2: {  	_ =	swait.ge [sflag:s29], $0x1  }
0xb3: {  	[sflag:s29] =	ssyncadd.s32 $0xFFFFFFFF  }
0xb4: {  	_ =	strace $0x90000048  }
0xb5: {  	_ =	sfence  }
0xb6: {  	s30 =	sld [smem:$0x0];
	_ =	sdelay $0x2  }
0xb7: {  	s31 =	sshll.u32 s1, $0xD;
	s1 =	sshrl.u32 s1, $0x2  }
0xb8: {  	s3 =	sand.u32 $0x4000, s31;
	s1 =	sadd.s32 s1, s30  }
0xb9: {  	s0 =	sor.u32 s3, s0;
	s1 =	sshll.u32 s1, $0x11  }
0xba: {  	s0 =	sor.u32 s1, s0  }
0xbb: {  	s0 =	sadd.s32 $0x8F2B, s0  }
0xbc: {  	[sflag:s0] =	ssyncadd.remote.s32 $0x1  }
0xbd: {  	_ =	sfence.sel $0xFFFF  }
0xbe: {  	[dreg:$0x0] =	wrdreg $0xFFFFFFFF;
	(pc) =	sbr.abs _section_cstart, $3  }
0xbf: {  	[dreg:$0x1] =	wrdreg $0xFFFFFFFF  }
0xc0: {  	_ =	task.clear_ibuf [dreg:s6], $0x2FFFF;
	_ =	strace $0x9FFFFFFF  }
0xc1: {  	(tm) =	ssettm $0x7FFFFFFF  }
tec
execute0_lowered:
.L_overlay_start_1:
0x0: {  	(tag) =	ssettag $0x1  }
0x1: {  	s0 =	srdreg.scid;
	s5 =	rddreg [dreg:$0x0]  }
0x2: {  	s1 =	stileid.u32;
	s6 =	simm.s32 $0x1;
	s9 =	simm.s32 $0x1  }
0x3: {  	s10 =	simm.s32 $0x3;
	s13 =	simm.s32 $0x0;
	s2 =	sshll.u32 s0, $0x8  }
0x4: {  	s12 =	simm.s32 $0x0;
	s3 =	sshll.u32 s1, $0x9;
	s2 =	sand.u32 $0x100, s2  }
0x5: {  	s0 =	rddreg [dreg:$0x1];
	_ =	strace $0x80000047;
	s2 =	sor.u32 s3, s2  }
0x6: {  	s4 =	sadd.s32 $0x1A00, s5;
	[sflag:s6] =	ssyncpa.u1 $0x0;
	s8 =	ssub.s32 $0x4000, s2  }
.Ltmp0:
0x7: {  	s3 =	sadd.s32 $0xA00, s5;
	s7 =	sand.u32 $0x1F00, s8;
	(pc) =	sbr.rel .LBB2_1-.Ltmp0, $4  }
0x8: {  	s5 =	sadd.s32 $0x2200, s5;
	s11 =	smov.u32 s2;
	p0 =	sne.s32 s7, $0x0  }
0x9: {  	s8 =	sshrl.u32 s8, $0xD;
	s7 =	simm.s32 $0x2;
	s9 =	simm.s32 @!p0 $0x0  }
0xa: {  	[sflag:s7] =	ssyncpa.u1 $0x0;
	p0 =	por $0x0, $0x0;
	s8 =	sadd.s32 s9, s8  }
0xb: {  	vm0 =	vmmov $0xffff;
	[sflag:s10] =	ssyncpa.u1 $0x0;
	s10 =	simm.s32 $0x0;
	s9 =	sadd.s32 $0x1, s8  }
.LBB2_4:
0xc: {  	v2 =	vnsel vm1, $0x0, v2  }
0xd: {  	vm1 =	vgt.s32 v0, $0x0;
	v2 =	vmin.u32 v2, $0x3FFF  }
0xe: {  	v0 =	vnsel vm1, $0x0, v0  }
0xf: {  	v0 =	vmin.u32 v0, $0x3FFF  }
0x10: {  	[tilespmem:s15], [sflag:$0x1] =	stream.indirect_vreg.gather [hbm4b:s3+s10], $0x1, v1, vm0, $0x4038;
	[tilespmem:$0x400] =	vst v63  }
0x11: {  	(ifvalue) =	ssetifvalue $0x7FFFFFFF  }
0x12: {  	[tilespmem:s16], [sflag:$0x1] =	stream.indirect_vreg.gather [hbm4b:s3+s10], $0x1, v2, vm0, $0x4038;
	[tilespmem:$0x400] =	vst v63  }
0x13: {  	s29 =	sadd.s32 $0x10, s16;
	(ifvalue) =	ssetifvalue $0x7FFFFFFF  }
0x14: {  	[tilespmem:s29], [sflag:$0x1] =	stream.indirect_vreg.gather [hbm4b:s3+s10], $0x1, v0, vm0, $0x4038;
	[tilespmem:$0x400] =	vst v63  }
0x15: {  	_ =	swait.ge [sflag:s6], $0x100  }
0x16: {  	s30 =	sshrl.u32 s13, $0x3;
	[sflag:s6] =	ssyncset.done $0x0  }
0x17: {  	s31 =	sand.u32 $0x7, s13;
	s15 =	sadd.s32 s5, s30;
	[sflag:s6] =	ssyncadd.s32 $0xFFFFFF00  }
0x18: {  	[hbm4b:s15+s31] =	stream.linear.scatter [tilespmem:s14], [sflag:$0x3], $0x100, $0x38;
	[tilespmem:$0x400] =	vst v63  }
.LBB2_5:
0x19: {  	s15 =	sadd.s32 $0x2000, s11  }
0x1a: {  	p2 =	sgt.s32 s15, $0x3FFF  }
0x1b: {  	s15 =	smov.u32 @p2 s2;
	p2 =	sne.s32 s12, s9  }
.Ltmp1:
0x1c: {  	p1 =	slt.u32 s12, $0x2;
	(pc) =	sbr.rel @!p2 .LBB2_6-.Ltmp1, $4  }
0x1d: {  	s14 =	simm.s32 @!p1 $0x3  }
0x1e: {  	s16 =	sadd.s32 $0x1, s12;
	_ =	swait.ge @!p1 [sflag:s14], $0x100  }
0x1f: {  	s13 =	smov.u32 s11;
	p0 =	por !p0, !p0;
	[sflag:s14] =	ssyncset.done @!p1 $0x0  }
0x20: {  	s12 =	smov.u32 s16;
	s11 =	smov.u32 s15;
	[sflag:s14] =	ssyncadd.s32 @!p1 $0xFFFFFF00  }
.LBB2_1:
0x21: {  	p1 =	sge.u32 s12, s8  }
0x22: {  	s14 =	sxor.u32 @!p1 $0xFFFFFFFF, s12  }
0x23: {  	s31 =	sadd.s32 $0xFFFFFFFF, s12;
	s15 =	sshrl.u32 @!p1 s11, $0x3;
	s14 =	sshll.u32 @!p1 s14, $0x8  }
0x24: {  	s16 =	sand.u32 @!p1 $0x7, s11;
	s15 =	sadd.s32 @!p1 s4, s15;
	s14 =	sand.u32 @!p1 $0x100, s14  }
0x25: {  	[tilespmem:s14], [sflag:$0x2] =	stream.linear.gather @!p1 [hbm4b:s15+s16], $0x100, $0x38;
	[tilespmem:$0x400] =	vst v63  }
0x26: {  	p1 =	sge.u32 s31, s8  }
.Ltmp2:
0x27: {  	_ = 	snop;
	(pc) =	sbr.rel @p1 .LBB2_5-.Ltmp2, $1  }
0x28: {  	_ =	sdelay $0x3  }
0x29: {  	s14 =	simm.s32 $0x1  }
0x2a: {  	_ =	swait.ge [sflag:s7], $0x100;
	s14 =	simm.s32 @!p0 $0x0  }
0x2b: {  	[sflag:s7] =	ssyncset.done $0x0;
	s14 =	sshll.u32 s14, $0x8  }
0x2c: {  	[sflag:s7] =	ssyncadd.s32 $0xFFFFFF00;
	(ifvalue) =	ssetifvalue $0x7FFFFFFF;
	v0 =	vld.msk [tilespmem:s14+$0x0 ss:$0x1], $0xffff;
	_ =	sdelay $0x4  }
0x2d: {  	s15 =	sadd.s32 $0x10, s14;
	vm1 =	vgt.s32 v0, $0x0  }
0x2e: {  	v2 =	vld.msk [tilespmem:s15+$0x0 ss:$0x1], $0xffff;
	v1 =	vnsel vm1, $0x0, v0  }
0x2f: {  	v1 =	vmin.u32 v1, $0x3FFF;
	_ =	sdelay $0x1  }
0x30: {  	s16 =	sshll.u32 s12, $0x8;
	s18 =	simm.s32 $0x20  }
0x31: {  	s16 =	sand.u32 $0x100, s16;
	s17 =	sadd.s32 $0x10, s15;
	s15 =	sor.u32 $0x200, s14  }
0x32: {  	s14 =	sor.u32 $0x200, s16;
	s16 =	sadd.s32 $0x10, s15;
	v0 =	vld.msk [tilespmem:s17+$0x0 ss:$0x1], $0xffff;
	vm1 =	vgt.s32 v2, $0x0;
	(ifvalue) =	ssetifvalue $0x7FFFFFFF  }
.LBB2_3:
0x33: {  	[tilespmem:s15], [sflag:$0x1] =	stream.indirect_vreg.gather [hbm4b:s3+s10], $0x1, v1, vm0, $0x4038;
	[tilespmem:$0x400] =	vst v63  }
0x34: {  	s18 =	sadd.s32 $0x10, s18  }
0x35: {  	v2 =	vnsel vm1, $0x0, v2;
	p1 =	slt.u32 s18, $0xF0  }
.Ltmp3:
0x36: {  	s15 =	smov.u32 s16;
	v1 =	vmin.u32 v2, $0x3FFF;
	(pc) =	sbr.rel @p1 .LBB2_3-.Ltmp3, $3  }
0x37: {  	_ =	sdelay $0x1  }
0x38: {  	s17 =	sadd.s32 $0x10, s17  }
0x39: {  	vm1 =	vgt.s32 v0, $0x0;
	s16 =	sadd.s32 $0x10, s16;
	v2 =	vmov v0;
	(ifvalue) =	ssetifvalue $0x7FFFFFFF;
	v0 =	vld.msk [tilespmem:s17+$0x0 ss:$0x1], $0xffff  }
.Ltmp4:
0x3a: {  	_ = 	snop;
	(pc) =	sbr.rel .LBB2_4-.Ltmp4, $1  }
0x3b: {  	_ =	sdelay $0x3  }
.LBB2_6:
0x3c: {  	_ =	sfence.sel $0x180000  }
0x3d: {  	s2 =	simm.s32 $0x2;
	[bflag:$0x0] =	sbarrier.arrive $0xFFFF  }
0x3e: {  	s30 =	simm.s32 $0x3;
	[sflag:s2] =	ssyncpa.u1 $0x1  }
0x3f: {  	s31 =	simm.s32 $0x1;
	[sflag:s30] =	ssyncpa.u1 $0x1  }
0x40: {  	[sflag:s31] =	ssyncpa.u1 $0x1  }
0x41: {  	p0 =	sne.s32 s1, $0x0;
	_ =	strace $0x90000047  }
0x42: {  	s0 =	sadd.s32 @!p0 $0x100000, s0;
	[bflag:$0x2] =	sbarrier.arrive $0xFFFF  }
0x43: {  	[sflag:s0] =	ssyncadd.tile.s32 @!p0 $0x1;
	_ =	shalt  }
.Lfunc_end2:
_tile_overlayer_lowered:
.L_overlay_start_2:
0x44: {  	(tag) =	ssettag $0x2  }
0x45: {  	s0 =	rddreg [dreg:$0x0];
	s2 =	stileid.u32  }
0x46: {  	s1 =	rddreg [dreg:$0x1];
	p0 =	sne.s32 s2, $0x0  }
0x47: {  	s3 =	rddreg [dreg:$0x2];
	[bflag:$0x3] =	sbarrier.arrive $0xFFFF;
	s2 =	simm.s32 @!p0 $0x1C01  }
0x48: {  	[timem:s3], [sflag:s2] =	dma.local @!p0 [hbm:s0], s1  }
0x49: {  	s0 =	simm.s32 @!p0 $0x1  }
0x4a: {  	_ =	swait.ge @!p0 [sflag:s0], s1  }
0x4b: {  	s1 =	ssub.s32 @!p0 $0x0, s1;
	[sflag:s0] =	ssyncset.done @!p0 $0x0  }
0x4c: {  	[sflag:s0] =	ssyncadd.s32 @!p0 s1  }
0x4d: {  	[bflag:$0x3] =	sbarrier.arrive $0xFFFF  }
0x4e: {  	_ =	shalt  }

// kernel: kernel.10.cloned.1.call-start
scs
__scs_entry_jumppad:
0x0: {  	(pc) =	sbr.rel $0x88, $3  }
0x1: {  	(tag) =	ssettag $0x0;
	lr =	simm.s32 $0x1  }
0x2: {  	[smem:$0x3F9A] =	sst lr;
	_ =	strace $0xD0000000  }
0x3: {  	_ = 	snop  }
0x4: {  	_ = 	snop  }
0x5: {  	_ = 	snop  }
0x6: {  	_ = 	snop  }
0x7: {  	_ = 	snop  }
__scs_overlays_trampoline_lowered:
0x8: {  	[smem:$0x3FA9] =	sst s0  }
0x9: {  	[smem:$0x3FAA] =	sst s1  }
0xa: {  	[smem:$0x3FAB] =	sst s2  }
0xb: {  	[smem:$0x3FAC] =	sst s3  }
0xc: {  	[smem:$0x3FAD] =	sst s4  }
0xd: {  	[smem:$0x3FAE] =	sst s5  }
0xe: {  	[smem:$0x3FAF] =	sst s6  }
0xf: {  	[smem:$0x3FB0] =	sst s7  }
0x10: {  	[smem:$0x3FB1] =	sst s8  }
0x11: {  	[smem:$0x3FB2] =	sst s9;
	s0 =	simm.s32 @!p0 $0x0  }
0x12: {  	s1 =	sld [smem:$0x3F98];
	s0 =	simm.s32 @p0 $0x1  }
0x13: {  	[smem:$0x3FB3] =	sst s0;
	s0 =	simm.s32 @!p1 $0x0  }
0x14: {  	s2 =	sld [smem:$0x3F97];
	s0 =	simm.s32 @p1 $0x1  }
0x15: {  	[smem:$0x3FB4] =	sst s0;
	s0 =	simm.s32 @!p2 $0x0  }
0x16: {  	s3 =	sld [smem:$0x3FDB];
	s0 =	simm.s32 @p2 $0x1  }
0x17: {  	s4 =	simm.s32 $0x1BF5;
	[smem:$0x3FB6] =	sst s0  }
0x18: {  	s0 =	sld [smem:$0x3F99];
	_ =	swait.ge [sflag:s4], $0x0  }
0x19: {  	s7 =	sld [smem:$0x3F9A]  }
0x1a: {  	s8 =	sadd.s32 $0xFFFFE003, lr  }
0x1b: {  	s9 =	sadd.s32 $0xFFFFFEF7, lr;
	s5 =	simm.s32 $0xFFFFFFFF;
	p2 =	slt.u32 s8, $0xFFFFF086  }
0x1c: {  	p1 =	slt.u32 s9, $0xF7A;
	s5 =	simm.s32 @!p2 $0x0  }
0x1d: {  	s5 =	simm.s32 @p1 $0x1;
	p0 =	seq.s32 s7, s2  }
0x1e: {  	s7 =	smul.u32 @!p0 $0xF7A, s2;
	p2 =	seq.s32 @!p0 s5, $0x0  }
0x1f: {  	s9 =	smul.u32 $0xF7A, s1;
	s8 =	simm.s32 @!p0 $0x1BF5;
	p2 =	por !p2, p0  }
0x20: {  	[sflag:s8] =	ssyncset.s32 @!p0 $0xFFFFF086;
	s6 =	sadd.s32 @!p0 s3, s7;
	s7 =	simm.s32 @!p0 $0x108  }
0x21: {  	s3 =	sadd.s32 s3, s9;
	s6 =	sadd.s32 @!p0 $0x88, s6;
	s7 =	simm.s32 @p2 $0x1082  }
0x22: {  	[simem:s7], [sflag:s8] =	dma.local @!p0 [hbm:s6], $0xF7A  }
0x23: {  	s9 =	sor.u32 $0xD0000000, s2;
	s6 =	simm.s32 $0x108;
	_ =	swait.ge @!p0 [sflag:s8], $0x0  }
0x24: {  	s3 =	sadd.s32 $0x88, s3;
	s6 =	simm.s32 @!p1 $0x1082;
	[sflag:s4] =	ssyncset.s32 $0xFFFFF086  }
0x25: {  	[simem:s6], [sflag:s4] =	dma.local [hbm:s3], $0xF7A  }
0x26: {  	[smem:$0x3F9A] =	sst s1;
	(tag) =	ssettag s2;
	_ =	strace s9  }
0x27: {  	s1 =	sld [smem:$0x3FAA]  }
0x28: {  	s2 =	sld [smem:$0x3FAB]  }
0x29: {  	s4 =	sld [smem:$0x3FAD]  }
0x2a: {  	p0 =	seq.s32 s5, $0x0;
	s5 =	sld [smem:$0x3FAE]  }
0x2b: {  	s6 =	sld [smem:$0x3FAF]  }
0x2c: {  	s7 =	sld [smem:$0x3FB0]  }
0x2d: {  	s3 =	simm.s32 $0x108;
	s8 =	sld [smem:$0x3FB1]  }
0x2e: {  	s3 =	simm.s32 @!p0 $0x1082;
	s9 =	sld [smem:$0x3FB2]  }
0x2f: {  	lr =	sadd.s32 s0, s3;
	s0 =	sld [smem:$0x3FA9]  }
0x30: {  	s3 =	sld [smem:$0x3FAC]  }
0x31: {  	[smem:$0x3FB5] =	sst s10  }
0x32: {  	s10 =	sld [smem:$0x3FB3];
	_ =	sdelay $0x3  }
0x33: {  	p0 =	seq.s32 s10, $0x1;
	s10 =	sld [smem:$0x3FB5];
	_ =	sdelay $0x3  }
0x34: {  	[smem:$0x3FB5] =	sst s10  }
0x35: {  	s10 =	sld [smem:$0x3FB4];
	_ =	sdelay $0x3  }
0x36: {  	p1 =	seq.s32 s10, $0x1;
	s10 =	sld [smem:$0x3FB5];
	_ =	sdelay $0x3  }
0x37: {  	[smem:$0x3FB5] =	sst s10  }
0x38: {  	s10 =	sld [smem:$0x3FB6]  }
0x39: {  	_ = 	snop;
	(pc) =	sbr.ind lr, $3  }
0x3a: {  	_ = 	snop  }
0x3b: {  	_ = 	snop  }
0x3c: {  	p2 =	seq.s32 s10, $0x1;
	s10 =	sld [smem:$0x3FB5]  }
0x3d: {  	_ =	shalt  }
0x3e: {  	_ =	shalt  }
0x3f: {  	_ =	shalt  }
0x40: {  	_ =	shalt  }
0x41: {  	_ =	shalt  }
0x42: {  	_ =	shalt  }
0x43: {  	_ =	shalt  }
0x44: {  	_ =	shalt  }
0x45: {  	_ =	shalt  }
0x46: {  	_ =	shalt  }
0x47: {  	_ =	shalt  }
0x48: {  	_ =	shalt  }
0x49: {  	_ =	shalt  }
0x4a: {  	_ =	shalt  }
0x4b: {  	_ =	shalt  }
0x4c: {  	_ =	shalt  }
0x4d: {  	_ =	shalt  }
0x4e: {  	_ =	shalt  }
0x4f: {  	_ =	shalt  }
0x50: {  	_ =	shalt  }
0x51: {  	_ =	shalt  }
0x52: {  	_ =	shalt  }
0x53: {  	_ =	shalt  }
0x54: {  	_ =	shalt  }
0x55: {  	_ =	shalt  }
0x56: {  	_ =	shalt  }
0x57: {  	_ =	shalt  }
0x58: {  	_ =	shalt  }
0x59: {  	_ =	shalt  }
0x5a: {  	_ =	shalt  }
0x5b: {  	_ =	shalt  }
0x5c: {  	_ =	shalt  }
0x5d: {  	_ =	shalt  }
0x5e: {  	_ =	shalt  }
0x5f: {  	_ =	shalt  }
0x60: {  	_ =	shalt  }
0x61: {  	_ =	shalt  }
0x62: {  	_ =	shalt  }
0x63: {  	_ =	shalt  }
0x64: {  	_ =	shalt  }
0x65: {  	_ =	shalt  }
0x66: {  	_ =	shalt  }
0x67: {  	_ =	shalt  }
0x68: {  	_ =	shalt  }
0x69: {  	_ =	shalt  }
0x6a: {  	_ =	shalt  }
0x6b: {  	_ =	shalt  }
0x6c: {  	_ =	shalt  }
0x6d: {  	_ =	shalt  }
0x6e: {  	_ =	shalt  }
0x6f: {  	_ =	shalt  }
0x70: {  	_ =	shalt  }
0x71: {  	_ =	shalt  }
0x72: {  	_ =	shalt  }
0x73: {  	_ =	shalt  }
0x74: {  	_ =	shalt  }
0x75: {  	_ =	shalt  }
0x76: {  	_ =	shalt  }
0x77: {  	_ =	shalt  }
0x78: {  	_ =	shalt  }
0x79: {  	_ =	shalt  }
0x7a: {  	_ =	shalt  }
0x7b: {  	_ =	shalt  }
0x7c: {  	_ =	shalt  }
0x7d: {  	_ =	shalt  }
0x7e: {  	_ =	shalt  }
0x7f: {  	_ =	shalt  }
0x80: {  	_ =	shalt  }
0x81: {  	_ =	shalt  }
0x82: {  	_ =	shalt  }
0x83: {  	_ =	shalt  }
0x84: {  	_ =	shalt  }
0x85: {  	_ =	shalt  }
0x86: {  	_ =	shalt  }
0x87: {  	_ =	shalt  }
.Lfunc_end0:
.L_simem_size_0:
called_computation.3_lowered:
.L_overlay_start_0:
0x88: {  	s2 =	sld [smem:$0x3FD9]  }
0x89: {  	s3 =	sld [smem:$0x3FFE];
	_ =	sdelay $0x1  }
0x8a: {  	s1 =	srdreg.scid  }
0x8b: {  	s0 =	sand.u32 $0x1, s1  }
0x8c: {  	s17 =	sshll.u32 s0, $0xA;
	s2 =	sadd.s32 s3, s2  }
0x8d: {  	s2 =	sadd.s32 s2, s17  }
0x8e: {  	[smem:$0x3FC1] =	sst s2  }
0x8f: {  	_ = 	snop  }
0x90: {  	s2 =	sld [smem:$0x3FD0];
	(tm) =	ssettm $0x1  }
0x91: {  	s18 =	sld [smem:$0x3FFB];
	_ =	sdelay $0x3  }
0x92: {  	_ =	strace s18  }
0x93: {  	s3 =	sld [smem:$0x3FFC];
	_ =	sdelay $0x3  }
0x94: {  	_ =	strace s3  }
0x95: {  	s3 =	sld [smem:$0x3FFD];
	_ =	sdelay $0x3  }
0x96: {  	_ =	strace s3  }
0x97: {  	_ =	strace $0x8FFFFFFF  }
0x98: {  	s19 =	sld [smem:$0x3FDB];
	_ =	sdelay $0x1  }
0x99: {  	s4 =	simm.s32 $_scs_section_size  }
0x9a: {  	s5 =	simm.s32 $_size__tile_overlayer_lowered;
	s6 =	simm.s32 $_tile_overlayer_lowered  }
0x9b: {  	s22 =	simm.s32 $0x1BFF;
	s21 =	sshll.u32 s6, $0x1;
	s3 =	sadd.s32 s4, s19  }
0x9c: {  	s7 =	simm.s32 $0x0;
	s20 =	sshll.u32 s5, $0x1;
	s5 =	sadd.s32 s21, s3  }
0x9d: {  	[timem:s7], [sflag:s22] =	dma.local [hbm:s5], s20  }
0x9e: {  	_ =	swait.ge [sflag:s22], s20  }
0x9f: {  	s4 =	ssub.s32 $0x0, s20;
	[sflag:s22] =	ssyncset.done $0x0  }
0xa0: {  	[sflag:s22] =	ssyncadd.s32 s4;
	_ =	sdelay $0x1  }
0xa1: {  	s23 =	simm.s32 $0x1B8B  }
0xa2: {  	_ =	swait.ge [sflag:s23], $0x1  }
0xa3: {  	[sflag:s23] =	ssyncset.done $0x0  }
0xa4: {  	s25 =	simm.s32 $0x1B8E;
	s24 =	sld [smem:$0x3FFE];
	[sflag:s23] =	ssyncadd.s32 $0xFFFFFFFF  }
0xa5: {  	s26 =	simm.s32 $execute0_lowered;
	[smem:$0x3FD2] =	sst s25  }
0xa6: {  	s5 =	sshll.u32 s26, $0x1;
	_ =	strace $0x8000004F;
	[dreg:$0x1] =	wrdreg $0xFFFFFFFF  }
0xa7: {  	s28 =	simm.s32 $_size_execute0_lowered;
	s3 =	sadd.s32 s3, s5;
	[dreg:$0x0] =	wrdreg $0x0  }
0xa8: {  	s5 =	sshll.u32 s28, $0x1;
	[dreg:$0x2] =	wrdreg s3  }
0xa9: {  	[dreg:$0x3] =	wrdreg s5  }
0xaa: {  	[dreg:$0x4] =	wrdreg $0xC0  }
0xab: {  	_ =	task [dreg:s7], $0x5FFFF  }
0xac: {  	[dreg:$0x1] =	wrdreg $0xFFFFFFFF  }
0xad: {  	[dreg:$0x0] =	wrdreg $0x60  }
0xae: {  	[dreg:$0x2] =	wrdreg s24  }
0xaf: {  	[dreg:$0x3] =	wrdreg s2  }
0xb0: {  	[dreg:$0x4] =	wrdreg $0x9  }
0xb1: {  	_ =	task.clear_ibuf [dreg:s7], $0x5FFFF;
	_ =	strace $0x9000004F  }
0xb2: {  	s29 =	simm.s32 $0x9;
	_ =	strace $0x80000051  }
0xb3: {  	_ =	swait.ge [sflag:s29], $0x1  }
0xb4: {  	[sflag:s29] =	ssyncadd.s32 $0xFFFFFFFF  }
0xb5: {  	_ =	strace $0x90000051  }
0xb6: {  	_ =	sfence  }
0xb7: {  	s30 =	sld [smem:$0x0];
	_ =	sdelay $0x2  }
0xb8: {  	s31 =	sshll.u32 s1, $0xD;
	s1 =	sshrl.u32 s1, $0x2  }
0xb9: {  	s3 =	sand.u32 $0x4000, s31;
	s1 =	sadd.s32 s1, s30  }
0xba: {  	s0 =	sor.u32 s3, s0;
	s1 =	sshll.u32 s1, $0x11  }
0xbb: {  	s0 =	sor.u32 s1, s0  }
0xbc: {  	s0 =	sadd.s32 $0x8F2B, s0  }
0xbd: {  	[sflag:s0] =	ssyncadd.remote.s32 $0x1  }
0xbe: {  	_ =	sfence.sel $0xFFFF  }
0xbf: {  	[dreg:$0x0] =	wrdreg $0xFFFFFFFF;
	(pc) =	sbr.abs _section_cstart, $3  }
0xc0: {  	[dreg:$0x1] =	wrdreg $0xFFFFFFFF  }
0xc1: {  	_ =	task.clear_ibuf [dreg:s7], $0x2FFFF;
	_ =	strace $0x9FFFFFFF  }
0xc2: {  	(tm) =	ssettm $0x7FFFFFFF  }
0xc3: {  	_ =	shalt  }
tec
execute0_lowered:
.L_overlay_start_1:
0x0: {  	(tag) =	ssettag $0x1  }
0x1: {  	s4 =	rddreg [dreg:$0x0]  }
0x2: {  	s11 =	rddreg [dreg:$0x1]  }
0x3: {  	s0 =	rddreg [dreg:$0x2];
	s1 =	simm.s32 $0x0  }
0x4: {  	s5 =	srdreg.scid;
	s2 =	stileid.u32;
	s15 =	simm.s32 $0x880  }
0x5: {  	s16 =	simm.s32 $0x1080;
	s17 =	simm.s32 $0x1880;
	s18 =	simm.s32 $0x2080  }
0x6: {  	s19 =	simm.s32 $0x2880;
	s20 =	simm.s32 $0x3080;
	s28 =	simm.s32 $0x6880  }
0x7: {  	s29 =	simm.s32 $0x7080;
	s30 =	simm.s32 $0x7880;
	s31 =	simm.s32 $0x1  }
0x8: {  	[smem:$0x7FF] =	sst s1;
	s3 =	sadd.s32 $0x84E00, s4;
	s5 =	sand.u32 $0x1, s5  }
0x9: {  	s7 =	sshll.u32 s2, $0xA;
	s6 =	ssub.s32 $0x2, s5;
	s5 =	sshll.u32 s5, $0x9  }
0xa: {  	s10 =	sadd.s32 $0x4600, s4;
	s21 =	sshrl.u32 s6, $0x1;
	s9 =	sor.u32 s5, s7  }
0xb: {  	_ =	strace $0x80000050;
	s12 =	ssub.s32 s6, s21;
	s22 =	sshrl.u32 s9, $0x3  }
0xc: {  	s5 =	sshll.u32 s9, $0x5;
	s23 =	sor.u32 $0x80, s9;
	s13 =	sor.u32 $0x100, s9  }
0xd: {  	s14 =	sor.u32 $0x180, s9;
	s21 =	simm.s32 $0x3880;
	s4 =	sadd.s32 s10, s22  }
0xe: {  	s5 =	sadd.s32 s11, s5;
	s24 =	sshrl.u32 s23, $0x3;
	s8 =	sshll.u32 s23, $0x5  }
0xf: {  	s25 =	sshrl.u32 s13, $0x3;
	s13 =	sshll.u32 s13, $0x5;
	s26 =	sshrl.u32 s14, $0x3  }
0x10: {  	s14 =	sshll.u32 s14, $0x5;
	s12 =	smax.u32 s12, $0x1;
	s22 =	simm.s32 $0x4080  }
0x11: {  	s23 =	simm.s32 $0x4880;
	s6 =	sadd.s32 s10, s24;
	s7 =	sadd.s32 s11, s8  }
0x12: {  	v2 =	vlaneseq.u32;
	s8 =	sadd.s32 s10, s25;
	s9 =	sadd.s32 s11, s13;
	s10 =	sadd.s32 s10, s26  }
0x13: {  	vm0 =	vmmov $0xffff;
	v1 =	vshrl.u32 v2, $0x3;
	s11 =	sadd.s32 s11, s14;
	s13 =	simm.s32 $0x2;
	s14 =	simm.s32 $0x80  }
0x14: {  	v0 =	vand.u32 $0x7, v2;
	v2 =	vor.u32 $0x8, v2;
	v1 =	vmul.u32 $0x8, v1;
	s24 =	simm.s32 $0x5080;
	s25 =	simm.s32 $0x5880;
	s26 =	simm.s32 $0x6080  }
.LBB2_1:
0x15: {  	[tilespmem:s1], [sflag:$0x2] =	stream.linear.gather [hbm4b:s4+s1], $0x80, $0x38;
	[tilespmem:$0x8080] =	vst v63  }
0x16: {  	_ =	swait.ge [sflag:s13], $0x80  }
0x17: {  	[sflag:s13] =	ssyncset.done $0x0  }
0x18: {  	[sflag:s13] =	ssyncadd.s32 $0xFFFFFF80  }
0x19: {  	v3 =	vld [tilespmem:$0x0];
	_ =	sdelay $0x4  }
0x1a: {  	v4 =	vshll.u32 v3, $0x1  }
0x1b: {  	v3 =	vand.u32 $0x7, v3;
	v4 =	vand.u32 $0xFFFFFFF0, v4  }
0x1c: {  	v3 =	vor.u32 v3, v4  }
0x1d: {  	v4 =	vperm.xlane v3, v0;
	_ =	sdelay $0x1  }
0x1e: {  	v3 =	vperm.xlane v3, v2;
	v4 =	vadd.s32 v1, v4;
	_ =	sdelay $0x1  }
0x1f: {  	v3 =	vadd.s32 v1, v3;
	_ =	sdelay $0x2  }
0x20: {  	[tilespmem:s14], [sflag:$0x1] =	stream.indirect_vreg.gather [hbm4b:s3+s1], $0x80, v4, vm0, $0xb8;
	[tilespmem:$0x8080] =	vst v63  }
0x21: {  	_ = 	snop  }
0x22: {  	[tilespmem:s15], [sflag:$0x1] =	stream.indirect_vreg.gather [hbm4b:s3+s1], $0x80, v3, vm0, $0xb8;
	[tilespmem:$0x8080] =	vst v63  }
0x23: {  	v3 =	vld [tilespmem:$0x10];
	_ =	sdelay $0x4  }
0x24: {  	v33 =	vshll.u32 v3, $0x1  }
0x25: {  	v3 =	vand.u32 $0x7, v3;
	v4 =	vand.u32 $0xFFFFFFF0, v33  }
0x26: {  	v3 =	vor.u32 v3, v4  }
0x27: {  	v4 =	vperm.xlane v3, v0;
	_ =	sdelay $0x1  }
0x28: {  	v3 =	vperm.xlane v3, v2;
	v4 =	vadd.s32 v1, v4;
	_ =	sdelay $0x1  }
0x29: {  	v3 =	vadd.s32 v1, v3;
	_ =	sdelay $0x2  }
0x2a: {  	[tilespmem:s16], [sflag:$0x1] =	stream.indirect_vreg.gather [hbm4b:s3+s1], $0x80, v4, vm0, $0xb8;
	[tilespmem:$0x8080] =	vst v63  }
0x2b: {  	_ = 	snop  }
0x2c: {  	[tilespmem:s17], [sflag:$0x1] =	stream.indirect_vreg.gather [hbm4b:s3+s1], $0x80, v3, vm0, $0xb8;
	[tilespmem:$0x8080] =	vst v63  }
0x2d: {  	v3 =	vld [tilespmem:$0x20];
	_ =	sdelay $0x4  }
0x2e: {  	v34 =	vshll.u32 v3, $0x1  }
0x2f: {  	v3 =	vand.u32 $0x7, v3;
	v4 =	vand.u32 $0xFFFFFFF0, v34  }
0x30: {  	v3 =	vor.u32 v3, v4  }
0x31: {  	v4 =	vperm.xlane v3, v0;
	_ =	sdelay $0x1  }
0x32: {  	v3 =	vperm.xlane v3, v2;
	v4 =	vadd.s32 v1, v4;
	_ =	sdelay $0x1  }
0x33: {  	v3 =	vadd.s32 v1, v3;
	_ =	sdelay $0x2  }
0x34: {  	[tilespmem:s18], [sflag:$0x1] =	stream.indirect_vreg.gather [hbm4b:s3+s1], $0x80, v4, vm0, $0xb8;
	[tilespmem:$0x8080] =	vst v63  }
0x35: {  	_ = 	snop  }
0x36: {  	[tilespmem:s19], [sflag:$0x1] =	stream.indirect_vreg.gather [hbm4b:s3+s1], $0x80, v3, vm0, $0xb8;
	[tilespmem:$0x8080] =	vst v63  }
0x37: {  	v3 =	vld [tilespmem:$0x30];
	_ =	sdelay $0x4  }
0x38: {  	v35 =	vshll.u32 v3, $0x1  }
0x39: {  	v3 =	vand.u32 $0x7, v3;
	v4 =	vand.u32 $0xFFFFFFF0, v35  }
0x3a: {  	v3 =	vor.u32 v3, v4  }
0x3b: {  	v4 =	vperm.xlane v3, v0;
	_ =	sdelay $0x1  }
0x3c: {  	v3 =	vperm.xlane v3, v2;
	v4 =	vadd.s32 v1, v4;
	_ =	sdelay $0x1  }
0x3d: {  	v3 =	vadd.s32 v1, v3;
	_ =	sdelay $0x2  }
0x3e: {  	[tilespmem:s20], [sflag:$0x1] =	stream.indirect_vreg.gather [hbm4b:s3+s1], $0x80, v4, vm0, $0xb8;
	[tilespmem:$0x8080] =	vst v63  }
0x3f: {  	_ = 	snop  }
0x40: {  	[tilespmem:s21], [sflag:$0x1] =	stream.indirect_vreg.gather [hbm4b:s3+s1], $0x80, v3, vm0, $0xb8;
	[tilespmem:$0x8080] =	vst v63  }
0x41: {  	v3 =	vld [tilespmem:$0x40];
	_ =	sdelay $0x4  }
0x42: {  	v36 =	vshll.u32 v3, $0x1  }
0x43: {  	v3 =	vand.u32 $0x7, v3;
	v4 =	vand.u32 $0xFFFFFFF0, v36  }
0x44: {  	v3 =	vor.u32 v3, v4  }
0x45: {  	v4 =	vperm.xlane v3, v0;
	_ =	sdelay $0x1  }
0x46: {  	v3 =	vperm.xlane v3, v2;
	v4 =	vadd.s32 v1, v4;
	_ =	sdelay $0x1  }
0x47: {  	v3 =	vadd.s32 v1, v3;
	_ =	sdelay $0x2  }
0x48: {  	[tilespmem:s22], [sflag:$0x1] =	stream.indirect_vreg.gather [hbm4b:s3+s1], $0x80, v4, vm0, $0xb8;
	[tilespmem:$0x8080] =	vst v63  }
0x49: {  	_ = 	snop  }
0x4a: {  	[tilespmem:s23], [sflag:$0x1] =	stream.indirect_vreg.gather [hbm4b:s3+s1], $0x80, v3, vm0, $0xb8;
	[tilespmem:$0x8080] =	vst v63  }
0x4b: {  	v3 =	vld [tilespmem:$0x50];
	_ =	sdelay $0x4  }
0x4c: {  	v37 =	vshll.u32 v3, $0x1  }
0x4d: {  	v3 =	vand.u32 $0x7, v3;
	v4 =	vand.u32 $0xFFFFFFF0, v37  }
0x4e: {  	v3 =	vor.u32 v3, v4  }
0x4f: {  	v4 =	vperm.xlane v3, v0;
	_ =	sdelay $0x1  }
0x50: {  	v3 =	vperm.xlane v3, v2;
	v4 =	vadd.s32 v1, v4;
	_ =	sdelay $0x1  }
0x51: {  	v3 =	vadd.s32 v1, v3;
	_ =	sdelay $0x2  }
0x52: {  	[tilespmem:s24], [sflag:$0x1] =	stream.indirect_vreg.gather [hbm4b:s3+s1], $0x80, v4, vm0, $0xb8;
	[tilespmem:$0x8080] =	vst v63  }
0x53: {  	_ = 	snop  }
0x54: {  	[tilespmem:s25], [sflag:$0x1] =	stream.indirect_vreg.gather [hbm4b:s3+s1], $0x80, v3, vm0, $0xb8;
	[tilespmem:$0x8080] =	vst v63  }
0x55: {  	v3 =	vld [tilespmem:$0x60];
	_ =	sdelay $0x4  }
0x56: {  	v38 =	vshll.u32 v3, $0x1  }
0x57: {  	v3 =	vand.u32 $0x7, v3;
	v4 =	vand.u32 $0xFFFFFFF0, v38  }
0x58: {  	v3 =	vor.u32 v3, v4  }
0x59: {  	v4 =	vperm.xlane v3, v0;
	_ =	sdelay $0x1  }
0x5a: {  	v3 =	vperm.xlane v3, v2;
	v4 =	vadd.s32 v1, v4;
	_ =	sdelay $0x1  }
0x5b: {  	v3 =	vadd.s32 v1, v3;
	_ =	sdelay $0x2  }
0x5c: {  	[tilespmem:s26], [sflag:$0x1] =	stream.indirect_vreg.gather [hbm4b:s3+s1], $0x80, v4, vm0, $0xb8;
	[tilespmem:$0x8080] =	vst v63  }
0x5d: {  	_ = 	snop  }
0x5e: {  	[tilespmem:s28], [sflag:$0x1] =	stream.indirect_vreg.gather [hbm4b:s3+s1], $0x80, v3, vm0, $0xb8;
	[tilespmem:$0x8080] =	vst v63  }
0x5f: {  	v3 =	vld [tilespmem:$0x70];
	_ =	sdelay $0x4  }
0x60: {  	v39 =	vshll.u32 v3, $0x1  }
0x61: {  	v3 =	vand.u32 $0x7, v3;
	v4 =	vand.u32 $0xFFFFFFF0, v39  }
0x62: {  	v3 =	vor.u32 v3, v4  }
0x63: {  	v4 =	vperm.xlane v3, v0;
	_ =	sdelay $0x1  }
0x64: {  	v3 =	vperm.xlane v3, v2;
	v4 =	vadd.s32 v1, v4;
	_ =	sdelay $0x1  }
0x65: {  	v3 =	vadd.s32 v1, v3;
	_ =	sdelay $0x2  }
0x66: {  	[tilespmem:s29], [sflag:$0x1] =	stream.indirect_vreg.gather [hbm4b:s3+s1], $0x80, v4, vm0, $0xb8;
	[tilespmem:$0x8080] =	vst v63  }
0x67: {  	_ = 	snop  }
0x68: {  	[tilespmem:s30], [sflag:$0x1] =	stream.indirect_vreg.gather [hbm4b:s3+s1], $0x80, v3, vm0, $0xb8;
	[tilespmem:$0x8080] =	vst v63  }
0x69: {  	_ =	swait.ge [sflag:s31], $0x8000  }
0x6a: {  	[sflag:s31] =	ssyncset.done $0x0  }
0x6b: {  	[sflag:s31] =	ssyncadd.s32 $0xFFFF8000  }
0x6c: {  	[hbm4b:s5+s1] =	stream.linear.scatter [tilespmem:s14], [sflag:$0x2], $0x8000, $0x38;
	[tilespmem:$0x8080] =	vst v63  }
0x6d: {  	_ =	swait.ge [sflag:s13], $0x8000  }
0x6e: {  	[sflag:s13] =	ssyncset.done $0x0  }
0x6f: {  	[sflag:s13] =	ssyncadd.s32 $0xFFFF8000  }
0x70: {  	[tilespmem:s1], [sflag:$0x2] =	stream.linear.gather [hbm4b:s6+s1], $0x80, $0x38;
	[tilespmem:$0x8080] =	vst v63  }
0x71: {  	_ =	swait.ge [sflag:s13], $0x80  }
0x72: {  	[sflag:s13] =	ssyncset.done $0x0  }
0x73: {  	[sflag:s13] =	ssyncadd.s32 $0xFFFFFF80  }
0x74: {  	v3 =	vld [tilespmem:$0x0];
	_ =	sdelay $0x4  }
0x75: {  	v40 =	vshll.u32 v3, $0x1  }
0x76: {  	v3 =	vand.u32 $0x7, v3;
	v4 =	vand.u32 $0xFFFFFFF0, v40  }
0x77: {  	v3 =	vor.u32 v3, v4  }
0x78: {  	v4 =	vperm.xlane v3, v0;
	_ =	sdelay $0x1  }
0x79: {  	v3 =	vperm.xlane v3, v2;
	v4 =	vadd.s32 v1, v4;
	_ =	sdelay $0x1  }
0x7a: {  	v3 =	vadd.s32 v1, v3;
	_ =	sdelay $0x2  }
0x7b: {  	[tilespmem:s14], [sflag:$0x1] =	stream.indirect_vreg.gather [hbm4b:s3+s1], $0x80, v4, vm0, $0xb8;
	[tilespmem:$0x8080] =	vst v63  }
0x7c: {  	_ = 	snop  }
0x7d: {  	[tilespmem:s15], [sflag:$0x1] =	stream.indirect_vreg.gather [hbm4b:s3+s1], $0x80, v3, vm0, $0xb8;
	[tilespmem:$0x8080] =	vst v63  }
0x7e: {  	v3 =	vld [tilespmem:$0x10];
	_ =	sdelay $0x4  }
0x7f: {  	v41 =	vshll.u32 v3, $0x1  }
0x80: {  	v3 =	vand.u32 $0x7, v3;
	v4 =	vand.u32 $0xFFFFFFF0, v41  }
0x81: {  	v3 =	vor.u32 v3, v4  }
0x82: {  	v4 =	vperm.xlane v3, v0;
	_ =	sdelay $0x1  }
0x83: {  	v3 =	vperm.xlane v3, v2;
	v4 =	vadd.s32 v1, v4;
	_ =	sdelay $0x1  }
0x84: {  	v3 =	vadd.s32 v1, v3;
	_ =	sdelay $0x2  }
0x85: {  	[tilespmem:s16], [sflag:$0x1] =	stream.indirect_vreg.gather [hbm4b:s3+s1], $0x80, v4, vm0, $0xb8;
	[tilespmem:$0x8080] =	vst v63  }
0x86: {  	_ = 	snop  }
0x87: {  	[tilespmem:s17], [sflag:$0x1] =	stream.indirect_vreg.gather [hbm4b:s3+s1], $0x80, v3, vm0, $0xb8;
	[tilespmem:$0x8080] =	vst v63  }
0x88: {  	v3 =	vld [tilespmem:$0x20];
	_ =	sdelay $0x4  }
0x89: {  	v42 =	vshll.u32 v3, $0x1  }
0x8a: {  	v3 =	vand.u32 $0x7, v3;
	v4 =	vand.u32 $0xFFFFFFF0, v42  }
0x8b: {  	v3 =	vor.u32 v3, v4  }
0x8c: {  	v4 =	vperm.xlane v3, v0;
	_ =	sdelay $0x1  }
0x8d: {  	v3 =	vperm.xlane v3, v2;
	v4 =	vadd.s32 v1, v4;
	_ =	sdelay $0x1  }
0x8e: {  	v3 =	vadd.s32 v1, v3;
	_ =	sdelay $0x2  }
0x8f: {  	[tilespmem:s18], [sflag:$0x1] =	stream.indirect_vreg.gather [hbm4b:s3+s1], $0x80, v4, vm0, $0xb8;
	[tilespmem:$0x8080] =	vst v63  }
0x90: {  	_ = 	snop  }
0x91: {  	[tilespmem:s19], [sflag:$0x1] =	stream.indirect_vreg.gather [hbm4b:s3+s1], $0x80, v3, vm0, $0xb8;
	[tilespmem:$0x8080] =	vst v63  }
0x92: {  	v3 =	vld [tilespmem:$0x30];
	_ =	sdelay $0x4  }
0x93: {  	v43 =	vshll.u32 v3, $0x1  }
0x94: {  	v3 =	vand.u32 $0x7, v3;
	v4 =	vand.u32 $0xFFFFFFF0, v43  }
0x95: {  	v3 =	vor.u32 v3, v4  }
0x96: {  	v4 =	vperm.xlane v3, v0;
	_ =	sdelay $0x1  }
0x97: {  	v3 =	vperm.xlane v3, v2;
	v4 =	vadd.s32 v1, v4;
	_ =	sdelay $0x1  }
0x98: {  	v3 =	vadd.s32 v1, v3;
	_ =	sdelay $0x2  }
0x99: {  	[tilespmem:s20], [sflag:$0x1] =	stream.indirect_vreg.gather [hbm4b:s3+s1], $0x80, v4, vm0, $0xb8;
	[tilespmem:$0x8080] =	vst v63  }
0x9a: {  	_ = 	snop  }
0x9b: {  	[tilespmem:s21], [sflag:$0x1] =	stream.indirect_vreg.gather [hbm4b:s3+s1], $0x80, v3, vm0, $0xb8;
	[tilespmem:$0x8080] =	vst v63  }
0x9c: {  	v3 =	vld [tilespmem:$0x40];
	_ =	sdelay $0x4  }
0x9d: {  	v44 =	vshll.u32 v3, $0x1  }
0x9e: {  	v3 =	vand.u32 $0x7, v3;
	v4 =	vand.u32 $0xFFFFFFF0, v44  }
0x9f: {  	v3 =	vor.u32 v3, v4  }
0xa0: {  	v4 =	vperm.xlane v3, v0;
	_ =	sdelay $0x1  }
0xa1: {  	v3 =	vperm.xlane v3, v2;
	v4 =	vadd.s32 v1, v4;
	_ =	sdelay $0x1  }
0xa2: {  	v3 =	vadd.s32 v1, v3;
	_ =	sdelay $0x2  }
0xa3: {  	[tilespmem:s22], [sflag:$0x1] =	stream.indirect_vreg.gather [hbm4b:s3+s1], $0x80, v4, vm0, $0xb8;
	[tilespmem:$0x8080] =	vst v63  }
0xa4: {  	_ = 	snop  }
0xa5: {  	[tilespmem:s23], [sflag:$0x1] =	stream.indirect_vreg.gather [hbm4b:s3+s1], $0x80, v3, vm0, $0xb8;
	[tilespmem:$0x8080] =	vst v63  }
0xa6: {  	v3 =	vld [tilespmem:$0x50];
	_ =	sdelay $0x4  }
0xa7: {  	v45 =	vshll.u32 v3, $0x1  }
0xa8: {  	v3 =	vand.u32 $0x7, v3;
	v4 =	vand.u32 $0xFFFFFFF0, v45  }
0xa9: {  	v3 =	vor.u32 v3, v4  }
0xaa: {  	v4 =	vperm.xlane v3, v0;
	_ =	sdelay $0x1  }
0xab: {  	v3 =	vperm.xlane v3, v2;
	v4 =	vadd.s32 v1, v4;
	_ =	sdelay $0x1  }
0xac: {  	v3 =	vadd.s32 v1, v3;
	_ =	sdelay $0x2  }
0xad: {  	[tilespmem:s24], [sflag:$0x1] =	stream.indirect_vreg.gather [hbm4b:s3+s1], $0x80, v4, vm0, $0xb8;
	[tilespmem:$0x8080] =	vst v63  }
0xae: {  	_ = 	snop  }
0xaf: {  	[tilespmem:s25], [sflag:$0x1] =	stream.indirect_vreg.gather [hbm4b:s3+s1], $0x80, v3, vm0, $0xb8;
	[tilespmem:$0x8080] =	vst v63  }
0xb0: {  	v3 =	vld [tilespmem:$0x60];
	_ =	sdelay $0x4  }
0xb1: {  	v46 =	vshll.u32 v3, $0x1  }
0xb2: {  	v3 =	vand.u32 $0x7, v3;
	v4 =	vand.u32 $0xFFFFFFF0, v46  }
0xb3: {  	v3 =	vor.u32 v3, v4  }
0xb4: {  	v4 =	vperm.xlane v3, v0;
	_ =	sdelay $0x1  }
0xb5: {  	v3 =	vperm.xlane v3, v2;
	v4 =	vadd.s32 v1, v4;
	_ =	sdelay $0x1  }
0xb6: {  	v3 =	vadd.s32 v1, v3;
	_ =	sdelay $0x2  }
0xb7: {  	[tilespmem:s26], [sflag:$0x1] =	stream.indirect_vreg.gather [hbm4b:s3+s1], $0x80, v4, vm0, $0xb8;
	[tilespmem:$0x8080] =	vst v63  }
0xb8: {  	_ = 	snop  }
0xb9: {  	[tilespmem:s28], [sflag:$0x1] =	stream.indirect_vreg.gather [hbm4b:s3+s1], $0x80, v3, vm0, $0xb8;
	[tilespmem:$0x8080] =	vst v63  }
0xba: {  	v3 =	vld [tilespmem:$0x70];
	_ =	sdelay $0x4  }
0xbb: {  	v47 =	vshll.u32 v3, $0x1  }
0xbc: {  	v3 =	vand.u32 $0x7, v3;
	v4 =	vand.u32 $0xFFFFFFF0, v47  }
0xbd: {  	v3 =	vor.u32 v3, v4  }
0xbe: {  	v4 =	vperm.xlane v3, v0;
	_ =	sdelay $0x1  }
0xbf: {  	v3 =	vperm.xlane v3, v2;
	v4 =	vadd.s32 v1, v4;
	_ =	sdelay $0x1  }
0xc0: {  	v3 =	vadd.s32 v1, v3;
	_ =	sdelay $0x2  }
0xc1: {  	[tilespmem:s29], [sflag:$0x1] =	stream.indirect_vreg.gather [hbm4b:s3+s1], $0x80, v4, vm0, $0xb8;
	[tilespmem:$0x8080] =	vst v63  }
0xc2: {  	_ = 	snop  }
0xc3: {  	[tilespmem:s30], [sflag:$0x1] =	stream.indirect_vreg.gather [hbm4b:s3+s1], $0x80, v3, vm0, $0xb8;
	[tilespmem:$0x8080] =	vst v63  }
0xc4: {  	_ =	swait.ge [sflag:s31], $0x8000  }
0xc5: {  	[sflag:s31] =	ssyncset.done $0x0  }
0xc6: {  	[sflag:s31] =	ssyncadd.s32 $0xFFFF8000  }
0xc7: {  	[hbm4b:s7+s1] =	stream.linear.scatter [tilespmem:s14], [sflag:$0x2], $0x8000, $0x38;
	[tilespmem:$0x8080] =	vst v63  }
0xc8: {  	_ =	swait.ge [sflag:s13], $0x8000  }
0xc9: {  	[sflag:s13] =	ssyncset.done $0x0  }
0xca: {  	[sflag:s13] =	ssyncadd.s32 $0xFFFF8000  }
0xcb: {  	[tilespmem:s1], [sflag:$0x2] =	stream.linear.gather [hbm4b:s8+s1], $0x80, $0x38;
	[tilespmem:$0x8080] =	vst v63  }
0xcc: {  	_ =	swait.ge [sflag:s13], $0x80  }
0xcd: {  	[sflag:s13] =	ssyncset.done $0x0  }
0xce: {  	[sflag:s13] =	ssyncadd.s32 $0xFFFFFF80  }
0xcf: {  	v3 =	vld [tilespmem:$0x0];
	_ =	sdelay $0x4  }
0xd0: {  	v48 =	vshll.u32 v3, $0x1  }
0xd1: {  	v3 =	vand.u32 $0x7, v3;
	v4 =	vand.u32 $0xFFFFFFF0, v48  }
0xd2: {  	v3 =	vor.u32 v3, v4  }
0xd3: {  	v4 =	vperm.xlane v3, v0;
	_ =	sdelay $0x1  }
0xd4: {  	v3 =	vperm.xlane v3, v2;
	v4 =	vadd.s32 v1, v4;
	_ =	sdelay $0x1  }
0xd5: {  	v3 =	vadd.s32 v1, v3;
	_ =	sdelay $0x2  }
0xd6: {  	[tilespmem:s14], [sflag:$0x1] =	stream.indirect_vreg.gather [hbm4b:s3+s1], $0x80, v4, vm0, $0xb8;
	[tilespmem:$0x8080] =	vst v63  }
0xd7: {  	_ = 	snop  }
0xd8: {  	[tilespmem:s15], [sflag:$0x1] =	stream.indirect_vreg.gather [hbm4b:s3+s1], $0x80, v3, vm0, $0xb8;
	[tilespmem:$0x8080] =	vst v63  }
0xd9: {  	v3 =	vld [tilespmem:$0x10];
	_ =	sdelay $0x4  }
0xda: {  	v49 =	vshll.u32 v3, $0x1  }
0xdb: {  	v3 =	vand.u32 $0x7, v3;
	v4 =	vand.u32 $0xFFFFFFF0, v49  }
0xdc: {  	v3 =	vor.u32 v3, v4  }
0xdd: {  	v4 =	vperm.xlane v3, v0;
	_ =	sdelay $0x1  }
0xde: {  	v3 =	vperm.xlane v3, v2;
	v4 =	vadd.s32 v1, v4;
	_ =	sdelay $0x1  }
0xdf: {  	v3 =	vadd.s32 v1, v3;
	_ =	sdelay $0x2  }
0xe0: {  	[tilespmem:s16], [sflag:$0x1] =	stream.indirect_vreg.gather [hbm4b:s3+s1], $0x80, v4, vm0, $0xb8;
	[tilespmem:$0x8080] =	vst v63  }
0xe1: {  	_ = 	snop  }
0xe2: {  	[tilespmem:s17], [sflag:$0x1] =	stream.indirect_vreg.gather [hbm4b:s3+s1], $0x80, v3, vm0, $0xb8;
	[tilespmem:$0x8080] =	vst v63  }
0xe3: {  	v3 =	vld [tilespmem:$0x20];
	_ =	sdelay $0x4  }
0xe4: {  	v50 =	vshll.u32 v3, $0x1  }
0xe5: {  	v3 =	vand.u32 $0x7, v3;
	v4 =	vand.u32 $0xFFFFFFF0, v50  }
0xe6: {  	v3 =	vor.u32 v3, v4  }
0xe7: {  	v4 =	vperm.xlane v3, v0;
	_ =	sdelay $0x1  }
0xe8: {  	v3 =	vperm.xlane v3, v2;
	v4 =	vadd.s32 v1, v4;
	_ =	sdelay $0x1  }
0xe9: {  	v3 =	vadd.s32 v1, v3;
	_ =	sdelay $0x2  }
0xea: {  	[tilespmem:s18], [sflag:$0x1] =	stream.indirect_vreg.gather [hbm4b:s3+s1], $0x80, v4, vm0, $0xb8;
	[tilespmem:$0x8080] =	vst v63  }
0xeb: {  	_ = 	snop  }
0xec: {  	[tilespmem:s19], [sflag:$0x1] =	stream.indirect_vreg.gather [hbm4b:s3+s1], $0x80, v3, vm0, $0xb8;
	[tilespmem:$0x8080] =	vst v63  }
0xed: {  	v3 =	vld [tilespmem:$0x30];
	_ =	sdelay $0x4  }
0xee: {  	v51 =	vshll.u32 v3, $0x1  }
0xef: {  	v3 =	vand.u32 $0x7, v3;
	v4 =	vand.u32 $0xFFFFFFF0, v51  }
0xf0: {  	v3 =	vor.u32 v3, v4  }
0xf1: {  	v4 =	vperm.xlane v3, v0;
	_ =	sdelay $0x1  }
0xf2: {  	v3 =	vperm.xlane v3, v2;
	v4 =	vadd.s32 v1, v4;
	_ =	sdelay $0x1  }
0xf3: {  	v3 =	vadd.s32 v1, v3;
	_ =	sdelay $0x2  }
0xf4: {  	[tilespmem:s20], [sflag:$0x1] =	stream.indirect_vreg.gather [hbm4b:s3+s1], $0x80, v4, vm0, $0xb8;
	[tilespmem:$0x8080] =	vst v63  }
0xf5: {  	_ = 	snop  }
0xf6: {  	[tilespmem:s21], [sflag:$0x1] =	stream.indirect_vreg.gather [hbm4b:s3+s1], $0x80, v3, vm0, $0xb8;
	[tilespmem:$0x8080] =	vst v63  }
0xf7: {  	v3 =	vld [tilespmem:$0x40];
	_ =	sdelay $0x4  }
0xf8: {  	v52 =	vshll.u32 v3, $0x1  }
0xf9: {  	v3 =	vand.u32 $0x7, v3;
	v4 =	vand.u32 $0xFFFFFFF0, v52  }
0xfa: {  	v3 =	vor.u32 v3, v4  }
0xfb: {  	v4 =	vperm.xlane v3, v0;
	_ =	sdelay $0x1  }
0xfc: {  	v3 =	vperm.xlane v3, v2;
	v4 =	vadd.s32 v1, v4;
	_ =	sdelay $0x1  }
0xfd: {  	v3 =	vadd.s32 v1, v3;
	_ =	sdelay $0x2  }
0xfe: {  	[tilespmem:s22], [sflag:$0x1] =	stream.indirect_vreg.gather [hbm4b:s3+s1], $0x80, v4, vm0, $0xb8;
	[tilespmem:$0x8080] =	vst v63  }
0xff: {  	_ = 	snop  }
0x100: {  	[tilespmem:s23], [sflag:$0x1] =	stream.indirect_vreg.gather [hbm4b:s3+s1], $0x80, v3, vm0, $0xb8;
	[tilespmem:$0x8080] =	vst v63  }
0x101: {  	v3 =	vld [tilespmem:$0x50];
	_ =	sdelay $0x4  }
0x102: {  	v53 =	vshll.u32 v3, $0x1  }
0x103: {  	v3 =	vand.u32 $0x7, v3;
	v4 =	vand.u32 $0xFFFFFFF0, v53  }
0x104: {  	v3 =	vor.u32 v3, v4  }
0x105: {  	v4 =	vperm.xlane v3, v0;
	_ =	sdelay $0x1  }
0x106: {  	v3 =	vperm.xlane v3, v2;
	v4 =	vadd.s32 v1, v4;
	_ =	sdelay $0x1  }
0x107: {  	v3 =	vadd.s32 v1, v3;
	_ =	sdelay $0x2  }
0x108: {  	[tilespmem:s24], [sflag:$0x1] =	stream.indirect_vreg.gather [hbm4b:s3+s1], $0x80, v4, vm0, $0xb8;
	[tilespmem:$0x8080] =	vst v63  }
0x109: {  	_ = 	snop  }
0x10a: {  	[tilespmem:s25], [sflag:$0x1] =	stream.indirect_vreg.gather [hbm4b:s3+s1], $0x80, v3, vm0, $0xb8;
	[tilespmem:$0x8080] =	vst v63  }
0x10b: {  	v3 =	vld [tilespmem:$0x60];
	_ =	sdelay $0x4  }
0x10c: {  	v54 =	vshll.u32 v3, $0x1  }
0x10d: {  	v3 =	vand.u32 $0x7, v3;
	v4 =	vand.u32 $0xFFFFFFF0, v54  }
0x10e: {  	v3 =	vor.u32 v3, v4  }
0x10f: {  	v4 =	vperm.xlane v3, v0;
	_ =	sdelay $0x1  }
0x110: {  	v3 =	vperm.xlane v3, v2;
	v4 =	vadd.s32 v1, v4;
	_ =	sdelay $0x1  }
0x111: {  	v3 =	vadd.s32 v1, v3;
	_ =	sdelay $0x2  }
0x112: {  	[tilespmem:s26], [sflag:$0x1] =	stream.indirect_vreg.gather [hbm4b:s3+s1], $0x80, v4, vm0, $0xb8;
	[tilespmem:$0x8080] =	vst v63  }
0x113: {  	_ = 	snop  }
0x114: {  	[tilespmem:s28], [sflag:$0x1] =	stream.indirect_vreg.gather [hbm4b:s3+s1], $0x80, v3, vm0, $0xb8;
	[tilespmem:$0x8080] =	vst v63  }
0x115: {  	v3 =	vld [tilespmem:$0x70];
	_ =	sdelay $0x4  }
0x116: {  	v55 =	vshll.u32 v3, $0x1  }
0x117: {  	v3 =	vand.u32 $0x7, v3;
	v4 =	vand.u32 $0xFFFFFFF0, v55  }
0x118: {  	v3 =	vor.u32 v3, v4  }
0x119: {  	v4 =	vperm.xlane v3, v0;
	_ =	sdelay $0x1  }
0x11a: {  	v3 =	vperm.xlane v3, v2;
	v4 =	vadd.s32 v1, v4;
	_ =	sdelay $0x1  }
0x11b: {  	v3 =	vadd.s32 v1, v3;
	_ =	sdelay $0x2  }
0x11c: {  	[tilespmem:s29], [sflag:$0x1] =	stream.indirect_vreg.gather [hbm4b:s3+s1], $0x80, v4, vm0, $0xb8;
	[tilespmem:$0x8080] =	vst v63  }
0x11d: {  	_ = 	snop  }
0x11e: {  	[tilespmem:s30], [sflag:$0x1] =	stream.indirect_vreg.gather [hbm4b:s3+s1], $0x80, v3, vm0, $0xb8;
	[tilespmem:$0x8080] =	vst v63  }
0x11f: {  	_ =	swait.ge [sflag:s31], $0x8000  }
0x120: {  	[sflag:s31] =	ssyncset.done $0x0  }
0x121: {  	[sflag:s31] =	ssyncadd.s32 $0xFFFF8000  }
0x122: {  	[hbm4b:s9+s1] =	stream.linear.scatter [tilespmem:s14], [sflag:$0x2], $0x8000, $0x38;
	[tilespmem:$0x8080] =	vst v63  }
0x123: {  	_ =	swait.ge [sflag:s13], $0x8000  }
0x124: {  	[sflag:s13] =	ssyncset.done $0x0  }
0x125: {  	[sflag:s13] =	ssyncadd.s32 $0xFFFF8000  }
0x126: {  	[tilespmem:s1], [sflag:$0x2] =	stream.linear.gather [hbm4b:s10+s1], $0x80, $0x38;
	[tilespmem:$0x8080] =	vst v63  }
0x127: {  	_ =	swait.ge [sflag:s13], $0x80  }
0x128: {  	[sflag:s13] =	ssyncset.done $0x0  }
0x129: {  	[sflag:s13] =	ssyncadd.s32 $0xFFFFFF80  }
0x12a: {  	v3 =	vld [tilespmem:$0x0];
	_ =	sdelay $0x4  }
0x12b: {  	v56 =	vshll.u32 v3, $0x1  }
0x12c: {  	v3 =	vand.u32 $0x7, v3;
	v4 =	vand.u32 $0xFFFFFFF0, v56  }
0x12d: {  	v3 =	vor.u32 v3, v4  }
0x12e: {  	v4 =	vperm.xlane v3, v0;
	_ =	sdelay $0x1  }
0x12f: {  	v3 =	vperm.xlane v3, v2;
	v4 =	vadd.s32 v1, v4;
	_ =	sdelay $0x1  }
0x130: {  	v3 =	vadd.s32 v1, v3;
	_ =	sdelay $0x2  }
0x131: {  	[tilespmem:s14], [sflag:$0x1] =	stream.indirect_vreg.gather [hbm4b:s3+s1], $0x80, v4, vm0, $0xb8;
	[tilespmem:$0x8080] =	vst v63  }
0x132: {  	_ = 	snop  }
0x133: {  	[tilespmem:s15], [sflag:$0x1] =	stream.indirect_vreg.gather [hbm4b:s3+s1], $0x80, v3, vm0, $0xb8;
	[tilespmem:$0x8080] =	vst v63  }
0x134: {  	v3 =	vld [tilespmem:$0x10];
	_ =	sdelay $0x4  }
0x135: {  	v57 =	vshll.u32 v3, $0x1  }
0x136: {  	v3 =	vand.u32 $0x7, v3;
	v4 =	vand.u32 $0xFFFFFFF0, v57  }
0x137: {  	v3 =	vor.u32 v3, v4  }
0x138: {  	v4 =	vperm.xlane v3, v0;
	_ =	sdelay $0x1  }
0x139: {  	v3 =	vperm.xlane v3, v2;
	v4 =	vadd.s32 v1, v4;
	_ =	sdelay $0x1  }
0x13a: {  	v3 =	vadd.s32 v1, v3;
	_ =	sdelay $0x2  }
0x13b: {  	[tilespmem:s16], [sflag:$0x1] =	stream.indirect_vreg.gather [hbm4b:s3+s1], $0x80, v4, vm0, $0xb8;
	[tilespmem:$0x8080] =	vst v63  }
0x13c: {  	_ = 	snop  }
0x13d: {  	[tilespmem:s17], [sflag:$0x1] =	stream.indirect_vreg.gather [hbm4b:s3+s1], $0x80, v3, vm0, $0xb8;
	[tilespmem:$0x8080] =	vst v63  }
0x13e: {  	v3 =	vld [tilespmem:$0x20];
	_ =	sdelay $0x4  }
0x13f: {  	v58 =	vshll.u32 v3, $0x1  }
0x140: {  	v3 =	vand.u32 $0x7, v3;
	v4 =	vand.u32 $0xFFFFFFF0, v58  }
0x141: {  	v3 =	vor.u32 v3, v4  }
0x142: {  	v4 =	vperm.xlane v3, v0;
	_ =	sdelay $0x1  }
0x143: {  	v3 =	vperm.xlane v3, v2;
	v4 =	vadd.s32 v1, v4;
	_ =	sdelay $0x1  }
0x144: {  	v3 =	vadd.s32 v1, v3;
	_ =	sdelay $0x2  }
0x145: {  	[tilespmem:s18], [sflag:$0x1] =	stream.indirect_vreg.gather [hbm4b:s3+s1], $0x80, v4, vm0, $0xb8;
	[tilespmem:$0x8080] =	vst v63  }
0x146: {  	_ = 	snop  }
0x147: {  	[tilespmem:s19], [sflag:$0x1] =	stream.indirect_vreg.gather [hbm4b:s3+s1], $0x80, v3, vm0, $0xb8;
	[tilespmem:$0x8080] =	vst v63  }
0x148: {  	v3 =	vld [tilespmem:$0x30];
	_ =	sdelay $0x4  }
0x149: {  	v59 =	vshll.u32 v3, $0x1  }
0x14a: {  	v3 =	vand.u32 $0x7, v3;
	v4 =	vand.u32 $0xFFFFFFF0, v59  }
0x14b: {  	v3 =	vor.u32 v3, v4  }
0x14c: {  	v4 =	vperm.xlane v3, v0;
	_ =	sdelay $0x1  }
0x14d: {  	v3 =	vperm.xlane v3, v2;
	v4 =	vadd.s32 v1, v4;
	_ =	sdelay $0x1  }
0x14e: {  	v3 =	vadd.s32 v1, v3;
	_ =	sdelay $0x2  }
0x14f: {  	[tilespmem:s20], [sflag:$0x1] =	stream.indirect_vreg.gather [hbm4b:s3+s1], $0x80, v4, vm0, $0xb8;
	[tilespmem:$0x8080] =	vst v63  }
0x150: {  	_ = 	snop  }
0x151: {  	[tilespmem:s21], [sflag:$0x1] =	stream.indirect_vreg.gather [hbm4b:s3+s1], $0x80, v3, vm0, $0xb8;
	[tilespmem:$0x8080] =	vst v63  }
0x152: {  	v3 =	vld [tilespmem:$0x40];
	_ =	sdelay $0x4  }
0x153: {  	v60 =	vshll.u32 v3, $0x1  }
0x154: {  	v3 =	vand.u32 $0x7, v3;
	v4 =	vand.u32 $0xFFFFFFF0, v60  }
0x155: {  	v3 =	vor.u32 v3, v4  }
0x156: {  	v4 =	vperm.xlane v3, v0;
	_ =	sdelay $0x1  }
0x157: {  	v3 =	vperm.xlane v3, v2;
	v4 =	vadd.s32 v1, v4;
	_ =	sdelay $0x1  }
0x158: {  	v3 =	vadd.s32 v1, v3;
	_ =	sdelay $0x2  }
0x159: {  	[tilespmem:s22], [sflag:$0x1] =	stream.indirect_vreg.gather [hbm4b:s3+s1], $0x80, v4, vm0, $0xb8;
	[tilespmem:$0x8080] =	vst v63  }
0x15a: {  	_ = 	snop  }
0x15b: {  	[tilespmem:s23], [sflag:$0x1] =	stream.indirect_vreg.gather [hbm4b:s3+s1], $0x80, v3, vm0, $0xb8;
	[tilespmem:$0x8080] =	vst v63  }
0x15c: {  	v3 =	vld [tilespmem:$0x50];
	_ =	sdelay $0x4  }
0x15d: {  	v61 =	vshll.u32 v3, $0x1  }
0x15e: {  	v3 =	vand.u32 $0x7, v3;
	v4 =	vand.u32 $0xFFFFFFF0, v61  }
0x15f: {  	v3 =	vor.u32 v3, v4  }
0x160: {  	v4 =	vperm.xlane v3, v0;
	_ =	sdelay $0x1  }
0x161: {  	v3 =	vperm.xlane v3, v2;
	v4 =	vadd.s32 v1, v4;
	_ =	sdelay $0x1  }
0x162: {  	v3 =	vadd.s32 v1, v3;
	_ =	sdelay $0x2  }
0x163: {  	[tilespmem:s24], [sflag:$0x1] =	stream.indirect_vreg.gather [hbm4b:s3+s1], $0x80, v4, vm0, $0xb8;
	[tilespmem:$0x8080] =	vst v63  }
0x164: {  	_ = 	snop  }
0x165: {  	[tilespmem:s25], [sflag:$0x1] =	stream.indirect_vreg.gather [hbm4b:s3+s1], $0x80, v3, vm0, $0xb8;
	[tilespmem:$0x8080] =	vst v63  }
0x166: {  	v3 =	vld [tilespmem:$0x60];
	_ =	sdelay $0x4  }
0x167: {  	v62 =	vshll.u32 v3, $0x1  }
0x168: {  	v3 =	vand.u32 $0x7, v3;
	v4 =	vand.u32 $0xFFFFFFF0, v62  }
0x169: {  	v3 =	vor.u32 v3, v4  }
0x16a: {  	v4 =	vperm.xlane v3, v0;
	_ =	sdelay $0x1  }
0x16b: {  	v3 =	vperm.xlane v3, v2;
	v4 =	vadd.s32 v1, v4;
	_ =	sdelay $0x1  }
0x16c: {  	v3 =	vadd.s32 v1, v3;
	_ =	sdelay $0x2  }
0x16d: {  	[tilespmem:s26], [sflag:$0x1] =	stream.indirect_vreg.gather [hbm4b:s3+s1], $0x80, v4, vm0, $0xb8;
	[tilespmem:$0x8080] =	vst v63  }
0x16e: {  	_ = 	snop  }
0x16f: {  	[tilespmem:s28], [sflag:$0x1] =	stream.indirect_vreg.gather [hbm4b:s3+s1], $0x80, v3, vm0, $0xb8;
	[tilespmem:$0x8080] =	vst v63  }
0x170: {  	v3 =	vld [tilespmem:$0x70];
	_ =	sdelay $0x4  }
0x171: {  	v63 =	vshll.u32 v3, $0x1  }
0x172: {  	v3 =	vand.u32 $0x7, v3;
	v4 =	vand.u32 $0xFFFFFFF0, v63  }
0x173: {  	v3 =	vor.u32 v3, v4  }
0x174: {  	v4 =	vperm.xlane v3, v0;
	_ =	sdelay $0x1  }
0x175: {  	v3 =	vperm.xlane v3, v2;
	v4 =	vadd.s32 v1, v4;
	_ =	sdelay $0x1  }
0x176: {  	v3 =	vadd.s32 v1, v3;
	_ =	sdelay $0x2  }
0x177: {  	[tilespmem:s29], [sflag:$0x1] =	stream.indirect_vreg.gather [hbm4b:s3+s1], $0x80, v4, vm0, $0xb8;
	[tilespmem:$0x8080] =	vst v63  }
0x178: {  	_ = 	snop  }
0x179: {  	[tilespmem:s30], [sflag:$0x1] =	stream.indirect_vreg.gather [hbm4b:s3+s1], $0x80, v3, vm0, $0xb8;
	[tilespmem:$0x8080] =	vst v63  }
0x17a: {  	_ =	swait.ge [sflag:s31], $0x8000  }
0x17b: {  	p0 =	sne.s32 s12, $0x1;
	[sflag:s31] =	ssyncset.done $0x0  }
.Ltmp0:
0x17c: {  	[sflag:s31] =	ssyncadd.s32 $0xFFFF8000;
	(pc) =	sbr.rel @p0 .LBB2_1-.Ltmp0, $4  }
0x17d: {  	[hbm4b:s11+s1] =	stream.linear.scatter [tilespmem:s14], [sflag:$0x2], $0x8000, $0x38;
	[tilespmem:$0x8080] =	vst v63  }
0x17e: {  	_ =	swait.ge [sflag:s13], $0x8000  }
0x17f: {  	[sflag:s13] =	ssyncset.done $0x0  }
0x180: {  	s12 =	sadd.s32 $0xFFFFFFFF, s12;
	[sflag:s13] =	ssyncadd.s32 $0xFFFF8000  }
0x181: {  	_ =	sfence.sel $0x180000  }
0x182: {  	[bflag:$0x0] =	sbarrier.arrive $0xFFFF  }
0x183: {  	p0 =	sne.s32 s2, $0x0;
	_ =	strace $0x90000050  }
0x184: {  	s0 =	sadd.s32 @!p0 $0x100000, s0;
	[bflag:$0x2] =	sbarrier.arrive $0xFFFF  }
0x185: {  	[sflag:s0] =	ssyncadd.tile.s32 @!p0 $0x1;
	_ =	shalt  }
.Lfunc_end2:
_tile_overlayer_lowered:
.L_overlay_start_2:
0x186: {  	(tag) =	ssettag $0x2  }
0x187: {  	s0 =	rddreg [dreg:$0x0];
	s2 =	stileid.u32  }
0x188: {  	s1 =	rddreg [dreg:$0x1];
	p0 =	sne.s32 s2, $0x0  }
0x189: {  	s3 =	rddreg [dreg:$0x2];
	[bflag:$0x3] =	sbarrier.arrive $0xFFFF;
	s2 =	simm.s32 @!p0 $0x1C02  }
0x18a: {  	[timem:s3], [sflag:s2] =	dma.local @!p0 [hbm:s0], s1  }
0x18b: {  	s0 =	simm.s32 @!p0 $0x2  }
0x18c: {  	_ =	swait.ge @!p0 [sflag:s0], s1  }
0x18d: {  	s1 =	ssub.s32 @!p0 $0x0, s1;
	[sflag:s0] =	ssyncset.done @!p0 $0x0  }
0x18e: {  	[sflag:s0] =	ssyncadd.s32 @!p0 s1  }
0x18f: {  	[bflag:$0x3] =	sbarrier.arrive $0xFFFF  }
0x190: {  	_ =	shalt  }

// kernel: kernel.7.cloned.1.call-start
scs
__scs_entry_jumppad:
0x0: {  	(pc) =	sbr.rel $0x88, $3  }
0x1: {  	(tag) =	ssettag $0x0;
	lr =	simm.s32 $0x1  }
0x2: {  	[smem:$0x3F9A] =	sst lr;
	_ =	strace $0xD0000000  }
0x3: {  	_ = 	snop  }
0x4: {  	_ = 	snop  }
0x5: {  	_ = 	snop  }
0x6: {  	_ = 	snop  }
0x7: {  	_ = 	snop  }
__scs_overlays_trampoline_lowered:
0x8: {  	[smem:$0x3FA9] =	sst s0  }
0x9: {  	[smem:$0x3FAA] =	sst s1  }
0xa: {  	[smem:$0x3FAB] =	sst s2  }
0xb: {  	[smem:$0x3FAC] =	sst s3  }
0xc: {  	[smem:$0x3FAD] =	sst s4  }
0xd: {  	[smem:$0x3FAE] =	sst s5  }
0xe: {  	[smem:$0x3FAF] =	sst s6  }
0xf: {  	[smem:$0x3FB0] =	sst s7  }
0x10: {  	[smem:$0x3FB1] =	sst s8  }
0x11: {  	[smem:$0x3FB2] =	sst s9;
	s0 =	simm.s32 @!p0 $0x0  }
0x12: {  	s1 =	sld [smem:$0x3F98];
	s0 =	simm.s32 @p0 $0x1  }
0x13: {  	[smem:$0x3FB3] =	sst s0;
	s0 =	simm.s32 @!p1 $0x0  }
0x14: {  	s2 =	sld [smem:$0x3F97];
	s0 =	simm.s32 @p1 $0x1  }
0x15: {  	[smem:$0x3FB4] =	sst s0;
	s0 =	simm.s32 @!p2 $0x0  }
0x16: {  	s3 =	sld [smem:$0x3FDB];
	s0 =	simm.s32 @p2 $0x1  }
0x17: {  	s4 =	simm.s32 $0x1BF5;
	[smem:$0x3FB6] =	sst s0  }
0x18: {  	s0 =	sld [smem:$0x3F99];
	_ =	swait.ge [sflag:s4], $0x0  }
0x19: {  	s7 =	sld [smem:$0x3F9A]  }
0x1a: {  	s8 =	sadd.s32 $0xFFFFE003, lr  }
0x1b: {  	s9 =	sadd.s32 $0xFFFFFEF7, lr;
	s5 =	simm.s32 $0xFFFFFFFF;
	p2 =	slt.u32 s8, $0xFFFFF086  }
0x1c: {  	p1 =	slt.u32 s9, $0xF7A;
	s5 =	simm.s32 @!p2 $0x0  }
0x1d: {  	s5 =	simm.s32 @p1 $0x1;
	p0 =	seq.s32 s7, s2  }
0x1e: {  	s7 =	smul.u32 @!p0 $0xF7A, s2;
	p2 =	seq.s32 @!p0 s5, $0x0  }
0x1f: {  	s9 =	smul.u32 $0xF7A, s1;
	s8 =	simm.s32 @!p0 $0x1BF5;
	p2 =	por !p2, p0  }
0x20: {  	[sflag:s8] =	ssyncset.s32 @!p0 $0xFFFFF086;
	s6 =	sadd.s32 @!p0 s3, s7;
	s7 =	simm.s32 @!p0 $0x108  }
0x21: {  	s3 =	sadd.s32 s3, s9;
	s6 =	sadd.s32 @!p0 $0x88, s6;
	s7 =	simm.s32 @p2 $0x1082  }
0x22: {  	[simem:s7], [sflag:s8] =	dma.local @!p0 [hbm:s6], $0xF7A  }
0x23: {  	s9 =	sor.u32 $0xD0000000, s2;
	s6 =	simm.s32 $0x108;
	_ =	swait.ge @!p0 [sflag:s8], $0x0  }
0x24: {  	s3 =	sadd.s32 $0x88, s3;
	s6 =	simm.s32 @!p1 $0x1082;
	[sflag:s4] =	ssyncset.s32 $0xFFFFF086  }
0x25: {  	[simem:s6], [sflag:s4] =	dma.local [hbm:s3], $0xF7A  }
0x26: {  	[smem:$0x3F9A] =	sst s1;
	(tag) =	ssettag s2;
	_ =	strace s9  }
0x27: {  	s1 =	sld [smem:$0x3FAA]  }
0x28: {  	s2 =	sld [smem:$0x3FAB]  }
0x29: {  	s4 =	sld [smem:$0x3FAD]  }
0x2a: {  	p0 =	seq.s32 s5, $0x0;
	s5 =	sld [smem:$0x3FAE]  }
0x2b: {  	s6 =	sld [smem:$0x3FAF]  }
0x2c: {  	s7 =	sld [smem:$0x3FB0]  }
0x2d: {  	s3 =	simm.s32 $0x108;
	s8 =	sld [smem:$0x3FB1]  }
0x2e: {  	s3 =	simm.s32 @!p0 $0x1082;
	s9 =	sld [smem:$0x3FB2]  }
0x2f: {  	lr =	sadd.s32 s0, s3;
	s0 =	sld [smem:$0x3FA9]  }
0x30: {  	s3 =	sld [smem:$0x3FAC]  }
0x31: {  	[smem:$0x3FB5] =	sst s10  }
0x32: {  	s10 =	sld [smem:$0x3FB3];
	_ =	sdelay $0x3  }
0x33: {  	p0 =	seq.s32 s10, $0x1;
	s10 =	sld [smem:$0x3FB5];
	_ =	sdelay $0x3  }
0x34: {  	[smem:$0x3FB5] =	sst s10  }
0x35: {  	s10 =	sld [smem:$0x3FB4];
	_ =	sdelay $0x3  }
0x36: {  	p1 =	seq.s32 s10, $0x1;
	s10 =	sld [smem:$0x3FB5];
	_ =	sdelay $0x3  }
0x37: {  	[smem:$0x3FB5] =	sst s10  }
0x38: {  	s10 =	sld [smem:$0x3FB6]  }
0x39: {  	_ = 	snop;
	(pc) =	sbr.ind lr, $3  }
0x3a: {  	_ = 	snop  }
0x3b: {  	_ = 	snop  }
0x3c: {  	p2 =	seq.s32 s10, $0x1;
	s10 =	sld [smem:$0x3FB5]  }
0x3d: {  	_ =	shalt  }
0x3e: {  	_ =	shalt  }
0x3f: {  	_ =	shalt  }
0x40: {  	_ =	shalt  }
0x41: {  	_ =	shalt  }
0x42: {  	_ =	shalt  }
0x43: {  	_ =	shalt  }
0x44: {  	_ =	shalt  }
0x45: {  	_ =	shalt  }
0x46: {  	_ =	shalt  }
0x47: {  	_ =	shalt  }
0x48: {  	_ =	shalt  }
0x49: {  	_ =	shalt  }
0x4a: {  	_ =	shalt  }
0x4b: {  	_ =	shalt  }
0x4c: {  	_ =	shalt  }
0x4d: {  	_ =	shalt  }
0x4e: {  	_ =	shalt  }
0x4f: {  	_ =	shalt  }
0x50: {  	_ =	shalt  }
0x51: {  	_ =	shalt  }
0x52: {  	_ =	shalt  }
0x53: {  	_ =	shalt  }
0x54: {  	_ =	shalt  }
0x55: {  	_ =	shalt  }
0x56: {  	_ =	shalt  }
0x57: {  	_ =	shalt  }
0x58: {  	_ =	shalt  }
0x59: {  	_ =	shalt  }
0x5a: {  	_ =	shalt  }
0x5b: {  	_ =	shalt  }
0x5c: {  	_ =	shalt  }
0x5d: {  	_ =	shalt  }
0x5e: {  	_ =	shalt  }
0x5f: {  	_ =	shalt  }
0x60: {  	_ =	shalt  }
0x61: {  	_ =	shalt  }
0x62: {  	_ =	shalt  }
0x63: {  	_ =	shalt  }
0x64: {  	_ =	shalt  }
0x65: {  	_ =	shalt  }
0x66: {  	_ =	shalt  }
0x67: {  	_ =	shalt  }
0x68: {  	_ =	shalt  }
0x69: {  	_ =	shalt  }
0x6a: {  	_ =	shalt  }
0x6b: {  	_ =	shalt  }
0x6c: {  	_ =	shalt  }
0x6d: {  	_ =	shalt  }
0x6e: {  	_ =	shalt  }
0x6f: {  	_ =	shalt  }
0x70: {  	_ =	shalt  }
0x71: {  	_ =	shalt  }
0x72: {  	_ =	shalt  }
0x73: {  	_ =	shalt  }
0x74: {  	_ =	shalt  }
0x75: {  	_ =	shalt  }
0x76: {  	_ =	shalt  }
0x77: {  	_ =	shalt  }
0x78: {  	_ =	shalt  }
0x79: {  	_ =	shalt  }
0x7a: {  	_ =	shalt  }
0x7b: {  	_ =	shalt  }
0x7c: {  	_ =	shalt  }
0x7d: {  	_ =	shalt  }
0x7e: {  	_ =	shalt  }
0x7f: {  	_ =	shalt  }
0x80: {  	_ =	shalt  }
0x81: {  	_ =	shalt  }
0x82: {  	_ =	shalt  }
0x83: {  	_ =	shalt  }
0x84: {  	_ =	shalt  }
0x85: {  	_ =	shalt  }
0x86: {  	_ =	shalt  }
0x87: {  	_ =	shalt  }
.Lfunc_end0:
.L_simem_size_0:
called_computation.2_lowered:
.L_overlay_start_0:
0x88: {  	s2 =	sld [smem:$0x3FD9]  }
0x89: {  	s3 =	sld [smem:$0x3FFE];
	_ =	sdelay $0x1  }
0x8a: {  	s1 =	srdreg.scid  }
0x8b: {  	s0 =	sand.u32 $0x1, s1  }
0x8c: {  	s17 =	sshll.u32 s0, $0xA;
	s2 =	sadd.s32 s3, s2  }
0x8d: {  	s2 =	sadd.s32 s2, s17  }
0x8e: {  	[smem:$0x3FC1] =	sst s2  }
0x8f: {  	_ = 	snop  }
0x90: {  	s4 =	sld [smem:$0x3FC9]  }
0x91: {  	s18 =	sld [smem:$0x3FD0];
	(tm) =	ssettm $0x1  }
0x92: {  	s19 =	sld [smem:$0x3FFB];
	_ =	sdelay $0x3  }
0x93: {  	_ =	strace s19  }
0x94: {  	s2 =	sld [smem:$0x3FFC];
	_ =	sdelay $0x3  }
0x95: {  	_ =	strace s2  }
0x96: {  	s2 =	sld [smem:$0x3FFD];
	_ =	sdelay $0x3  }
0x97: {  	_ =	strace s2  }
0x98: {  	_ =	strace $0x8FFFFFFF  }
0x99: {  	s20 =	sld [smem:$0x3FDB];
	_ =	sdelay $0x1  }
0x9a: {  	s5 =	simm.s32 $_scs_section_size  }
0x9b: {  	s6 =	simm.s32 $_size__tile_overlayer_lowered;
	s7 =	simm.s32 $_tile_overlayer_lowered  }
0x9c: {  	s8 =	simm.s32 $0x1BFF;
	s21 =	sshll.u32 s7, $0x1;
	s5 =	sadd.s32 s5, s20  }
0x9d: {  	s22 =	simm.s32 $0x0;
	s6 =	sshll.u32 s6, $0x1;
	s7 =	sadd.s32 s21, s5  }
0x9e: {  	[timem:s22], [sflag:s8] =	dma.local [hbm:s7], s6  }
0x9f: {  	_ =	swait.ge [sflag:s8], s6  }
0xa0: {  	s6 =	ssub.s32 $0x0, s6;
	[sflag:s8] =	ssyncset.done $0x0  }
0xa1: {  	[sflag:s8] =	ssyncadd.s32 s6;
	_ =	sdelay $0x1  }
0xa2: {  	s23 =	simm.s32 $0x1B8B  }
0xa3: {  	_ =	swait.ge [sflag:s23], $0x1  }
0xa4: {  	[sflag:s23] =	ssyncset.done $0x0  }
0xa5: {  	[sflag:s23] =	ssyncadd.s32 $0xFFFFFFFF  }
0xa6: {  	s6 =	sld [smem:$0x0]  }
0xa7: {  	s7 =	sand.u32 $0xFFFFFFFE, s1  }
0xa8: {  	p0 =	sne.s32 s1, s7  }
0xa9: {  	s7 =	sshll.u32 @p0 s7, $0xE  }
0xaa: {  	s7 =	sadd.s32 @p0 $0x11B8D, s7;
	s8 =	sshll.u32 @p0 s6, $0x11  }
0xab: {  	s7 =	sor.u32 @p0 s8, s7  }
0xac: {  	[sflag:s7] =	ssyncadd.remote.s32 @p0 $0x1;
	_ =	sdelay $0x1  }
0xad: {  	s7 =	simm.s32 @p0 $0x1B8D  }
0xae: {  	_ =	swait.eq @p0 [sflag:s7], $0x1  }
0xaf: {  	[sflag:s7] =	ssyncadd.s32 @p0 $0xFFFFFFFF  }
0xb0: {  	s8 =	sshll.u32 @!p0 s1, $0xE  }
0xb1: {  	s8 =	sor.u32 @!p0 $0x4000, s8;
	s7 =	simm.s32 @!p0 $0x1B8D  }
0xb2: {  	s6 =	sshll.u32 @!p0 s6, $0x11;
	s8 =	sadd.s32 @!p0 $0x11B8D, s8;
	_ =	swait.eq @!p0 [sflag:s7], $0x1  }
0xb3: {  	s6 =	sor.u32 @!p0 s6, s8;
	[sflag:s7] =	ssyncadd.s32 @!p0 $0xFFFFFFFF  }
0xb4: {  	s25 =	simm.s32 $0x1B8E;
	s24 =	sld [smem:$0x3FFE];
	[sflag:s6] =	ssyncadd.remote.s32 @!p0 $0x1  }
0xb5: {  	s26 =	simm.s32 $execute0_lowered;
	[smem:$0x3FD2] =	sst s25  }
0xb6: {  	s7 =	sshll.u32 s26, $0x1;
	_ =	strace $0x8000004C;
	[dreg:$0x1] =	wrdreg $0xFFFFFFFF  }
0xb7: {  	s28 =	simm.s32 $_size_execute0_lowered;
	s5 =	sadd.s32 s5, s7;
	[dreg:$0x0] =	wrdreg $0x0  }
0xb8: {  	s7 =	sshll.u32 s28, $0x1;
	[dreg:$0x2] =	wrdreg s5  }
0xb9: {  	[dreg:$0x3] =	wrdreg s7  }
0xba: {  	[dreg:$0x4] =	wrdreg $0xC0  }
0xbb: {  	_ =	task [dreg:s22], $0x5FFFF  }
0xbc: {  	[dreg:$0x1] =	wrdreg $0xFFFFFFFF  }
0xbd: {  	[dreg:$0x0] =	wrdreg $0x60  }
0xbe: {  	[dreg:$0x2] =	wrdreg s4  }
0xbf: {  	[dreg:$0x3] =	wrdreg s24  }
0xc0: {  	[dreg:$0x4] =	wrdreg s18  }
0xc1: {  	[dreg:$0x5] =	wrdreg $0xB  }
0xc2: {  	_ =	task.clear_ibuf [dreg:s22], $0x6FFFF;
	_ =	strace $0x9000004C  }
0xc3: {  	s29 =	simm.s32 $0xB;
	_ =	strace $0x8000004E  }
0xc4: {  	_ =	swait.ge [sflag:s29], $0x1  }
0xc5: {  	[sflag:s29] =	ssyncadd.s32 $0xFFFFFFFF  }
0xc6: {  	_ =	strace $0x9000004E  }
0xc7: {  	_ =	sfence  }
0xc8: {  	s30 =	sld [smem:$0x0];
	_ =	sdelay $0x2  }
0xc9: {  	s31 =	sshll.u32 s1, $0xD;
	s1 =	sshrl.u32 s1, $0x2  }
0xca: {  	s4 =	sand.u32 $0x4000, s31;
	s1 =	sadd.s32 s1, s30  }
0xcb: {  	s0 =	sor.u32 s4, s0;
	s1 =	sshll.u32 s1, $0x11  }
0xcc: {  	s0 =	sor.u32 s1, s0  }
0xcd: {  	s0 =	sadd.s32 $0x8F2B, s0  }
0xce: {  	[sflag:s0] =	ssyncadd.remote.s32 $0x1  }
0xcf: {  	_ =	sfence.sel $0xFFFF  }
0xd0: {  	[dreg:$0x0] =	wrdreg $0xFFFFFFFF;
	(pc) =	sbr.abs _section_cstart, $3  }
0xd1: {  	[dreg:$0x1] =	wrdreg $0xFFFFFFFF  }
0xd2: {  	_ =	task.clear_ibuf [dreg:s22], $0x2FFFF;
	_ =	strace $0x9FFFFFFF  }
0xd3: {  	(tm) =	ssettm $0x7FFFFFFF  }
tec
execute0_lowered:
.L_overlay_start_1:
0x0: {  	(tag) =	ssettag $0x1  }
0x1: {  	s1 =	rddreg [dreg:$0x0]  }
0x2: {  	s4 =	rddreg [dreg:$0x1]  }
0x3: {  	s11 =	rddreg [dreg:$0x2]  }
0x4: {  	s0 =	rddreg [dreg:$0x3]  }
0x5: {  	s3 =	simm.s32 $0x0;
	s5 =	srdreg.scid;
	s2 =	stileid.u32  }
0x6: {  	s15 =	simm.s32 $0x880;
	s16 =	simm.s32 $0x1080;
	s17 =	simm.s32 $0x1880  }
0x7: {  	s18 =	simm.s32 $0x2080;
	s19 =	simm.s32 $0x2880;
	s20 =	simm.s32 $0x3080  }
0x8: {  	s28 =	simm.s32 $0x6880;
	s29 =	simm.s32 $0x7080;
	s30 =	simm.s32 $0x7880  }
0x9: {  	s31 =	simm.s32 $0x1;
	[smem:$0x7FF] =	sst s3;
	s5 =	sand.u32 $0x1, s5  }
0xa: {  	s7 =	sshll.u32 s2, $0xA;
	s6 =	ssub.s32 $0x2, s5;
	s5 =	sshll.u32 s5, $0x9  }
0xb: {  	s10 =	sadd.s32 $0x1200, s4;
	s21 =	sshrl.u32 s6, $0x1;
	s9 =	sor.u32 s5, s7  }
0xc: {  	_ =	strace $0x8000004D;
	s12 =	ssub.s32 s6, s21;
	s22 =	sshrl.u32 s9, $0x3  }
0xd: {  	s5 =	sshll.u32 s9, $0x5;
	s23 =	sor.u32 $0x80, s9;
	s13 =	sor.u32 $0x100, s9  }
0xe: {  	s14 =	sor.u32 $0x180, s9;
	s21 =	simm.s32 $0x3880;
	s4 =	sadd.s32 s10, s22  }
0xf: {  	s5 =	sadd.s32 s11, s5;
	s24 =	sshrl.u32 s23, $0x3;
	s8 =	sshll.u32 s23, $0x5  }
0x10: {  	s25 =	sshrl.u32 s13, $0x3;
	s13 =	sshll.u32 s13, $0x5;
	s26 =	sshrl.u32 s14, $0x3  }
0x11: {  	s14 =	sshll.u32 s14, $0x5;
	s12 =	smax.u32 s12, $0x1;
	s22 =	simm.s32 $0x4080  }
0x12: {  	s23 =	simm.s32 $0x4880;
	s6 =	sadd.s32 s10, s24;
	s7 =	sadd.s32 s11, s8  }
0x13: {  	v2 =	vlaneseq.u32;
	s8 =	sadd.s32 s10, s25;
	s9 =	sadd.s32 s11, s13;
	s10 =	sadd.s32 s10, s26  }
0x14: {  	vm0 =	vmmov $0xffff;
	v1 =	vshrl.u32 v2, $0x3;
	s11 =	sadd.s32 s11, s14;
	s13 =	simm.s32 $0x2;
	s14 =	simm.s32 $0x80  }
0x15: {  	v0 =	vand.u32 $0x7, v2;
	v2 =	vor.u32 $0x8, v2;
	v1 =	vmul.u32 $0x8, v1;
	s24 =	simm.s32 $0x5080;
	s25 =	simm.s32 $0x5880;
	s26 =	simm.s32 $0x6080  }
.LBB2_1:
0x16: {  	[tilespmem:s3], [sflag:$0x2] =	stream.linear.gather [hbm4b:s4+s3], $0x80, $0x38;
	[tilespmem:$0x8080] =	vst v63  }
0x17: {  	_ =	swait.ge [sflag:s13], $0x80  }
0x18: {  	[sflag:s13] =	ssyncset.done $0x0  }
0x19: {  	[sflag:s13] =	ssyncadd.s32 $0xFFFFFF80  }
0x1a: {  	v3 =	vld [tilespmem:$0x0];
	_ =	sdelay $0x4  }
0x1b: {  	v4 =	vshll.u32 v3, $0x1  }
0x1c: {  	v3 =	vand.u32 $0x7, v3;
	v4 =	vand.u32 $0xFFFFFFF0, v4  }
0x1d: {  	v3 =	vor.u32 v3, v4  }
0x1e: {  	v4 =	vperm.xlane v3, v0;
	_ =	sdelay $0x1  }
0x1f: {  	v3 =	vperm.xlane v3, v2;
	v4 =	vadd.s32 v1, v4;
	_ =	sdelay $0x1  }
0x20: {  	v3 =	vadd.s32 v1, v3;
	_ =	sdelay $0x2  }
0x21: {  	[tilespmem:s14], [sflag:$0x1] =	stream.indirect_vreg.gather [hbm4b:s1+s3], $0x80, v4, vm0, $0xb8;
	[tilespmem:$0x8080] =	vst v63  }
0x22: {  	_ = 	snop  }
0x23: {  	[tilespmem:s15], [sflag:$0x1] =	stream.indirect_vreg.gather [hbm4b:s1+s3], $0x80, v3, vm0, $0xb8;
	[tilespmem:$0x8080] =	vst v63  }
0x24: {  	v3 =	vld [tilespmem:$0x10];
	_ =	sdelay $0x4  }
0x25: {  	v33 =	vshll.u32 v3, $0x1  }
0x26: {  	v3 =	vand.u32 $0x7, v3;
	v4 =	vand.u32 $0xFFFFFFF0, v33  }
0x27: {  	v3 =	vor.u32 v3, v4  }
0x28: {  	v4 =	vperm.xlane v3, v0;
	_ =	sdelay $0x1  }
0x29: {  	v3 =	vperm.xlane v3, v2;
	v4 =	vadd.s32 v1, v4;
	_ =	sdelay $0x1  }
0x2a: {  	v3 =	vadd.s32 v1, v3;
	_ =	sdelay $0x2  }
0x2b: {  	[tilespmem:s16], [sflag:$0x1] =	stream.indirect_vreg.gather [hbm4b:s1+s3], $0x80, v4, vm0, $0xb8;
	[tilespmem:$0x8080] =	vst v63  }
0x2c: {  	_ = 	snop  }
0x2d: {  	[tilespmem:s17], [sflag:$0x1] =	stream.indirect_vreg.gather [hbm4b:s1+s3], $0x80, v3, vm0, $0xb8;
	[tilespmem:$0x8080] =	vst v63  }
0x2e: {  	v3 =	vld [tilespmem:$0x20];
	_ =	sdelay $0x4  }
0x2f: {  	v34 =	vshll.u32 v3, $0x1  }
0x30: {  	v3 =	vand.u32 $0x7, v3;
	v4 =	vand.u32 $0xFFFFFFF0, v34  }
0x31: {  	v3 =	vor.u32 v3, v4  }
0x32: {  	v4 =	vperm.xlane v3, v0;
	_ =	sdelay $0x1  }
0x33: {  	v3 =	vperm.xlane v3, v2;
	v4 =	vadd.s32 v1, v4;
	_ =	sdelay $0x1  }
0x34: {  	v3 =	vadd.s32 v1, v3;
	_ =	sdelay $0x2  }
0x35: {  	[tilespmem:s18], [sflag:$0x1] =	stream.indirect_vreg.gather [hbm4b:s1+s3], $0x80, v4, vm0, $0xb8;
	[tilespmem:$0x8080] =	vst v63  }
0x36: {  	_ = 	snop  }
0x37: {  	[tilespmem:s19], [sflag:$0x1] =	stream.indirect_vreg.gather [hbm4b:s1+s3], $0x80, v3, vm0, $0xb8;
	[tilespmem:$0x8080] =	vst v63  }
0x38: {  	v3 =	vld [tilespmem:$0x30];
	_ =	sdelay $0x4  }
0x39: {  	v35 =	vshll.u32 v3, $0x1  }
0x3a: {  	v3 =	vand.u32 $0x7, v3;
	v4 =	vand.u32 $0xFFFFFFF0, v35  }
0x3b: {  	v3 =	vor.u32 v3, v4  }
0x3c: {  	v4 =	vperm.xlane v3, v0;
	_ =	sdelay $0x1  }
0x3d: {  	v3 =	vperm.xlane v3, v2;
	v4 =	vadd.s32 v1, v4;
	_ =	sdelay $0x1  }
0x3e: {  	v3 =	vadd.s32 v1, v3;
	_ =	sdelay $0x2  }
0x3f: {  	[tilespmem:s20], [sflag:$0x1] =	stream.indirect_vreg.gather [hbm4b:s1+s3], $0x80, v4, vm0, $0xb8;
	[tilespmem:$0x8080] =	vst v63  }
0x40: {  	_ = 	snop  }
0x41: {  	[tilespmem:s21], [sflag:$0x1] =	stream.indirect_vreg.gather [hbm4b:s1+s3], $0x80, v3, vm0, $0xb8;
	[tilespmem:$0x8080] =	vst v63  }
0x42: {  	v3 =	vld [tilespmem:$0x40];
	_ =	sdelay $0x4  }
0x43: {  	v36 =	vshll.u32 v3, $0x1  }
0x44: {  	v3 =	vand.u32 $0x7, v3;
	v4 =	vand.u32 $0xFFFFFFF0, v36  }
0x45: {  	v3 =	vor.u32 v3, v4  }
0x46: {  	v4 =	vperm.xlane v3, v0;
	_ =	sdelay $0x1  }
0x47: {  	v3 =	vperm.xlane v3, v2;
	v4 =	vadd.s32 v1, v4;
	_ =	sdelay $0x1  }
0x48: {  	v3 =	vadd.s32 v1, v3;
	_ =	sdelay $0x2  }
0x49: {  	[tilespmem:s22], [sflag:$0x1] =	stream.indirect_vreg.gather [hbm4b:s1+s3], $0x80, v4, vm0, $0xb8;
	[tilespmem:$0x8080] =	vst v63  }
0x4a: {  	_ = 	snop  }
0x4b: {  	[tilespmem:s23], [sflag:$0x1] =	stream.indirect_vreg.gather [hbm4b:s1+s3], $0x80, v3, vm0, $0xb8;
	[tilespmem:$0x8080] =	vst v63  }
0x4c: {  	v3 =	vld [tilespmem:$0x50];
	_ =	sdelay $0x4  }
0x4d: {  	v37 =	vshll.u32 v3, $0x1  }
0x4e: {  	v3 =	vand.u32 $0x7, v3;
	v4 =	vand.u32 $0xFFFFFFF0, v37  }
0x4f: {  	v3 =	vor.u32 v3, v4  }
0x50: {  	v4 =	vperm.xlane v3, v0;
	_ =	sdelay $0x1  }
0x51: {  	v3 =	vperm.xlane v3, v2;
	v4 =	vadd.s32 v1, v4;
	_ =	sdelay $0x1  }
0x52: {  	v3 =	vadd.s32 v1, v3;
	_ =	sdelay $0x2  }
0x53: {  	[tilespmem:s24], [sflag:$0x1] =	stream.indirect_vreg.gather [hbm4b:s1+s3], $0x80, v4, vm0, $0xb8;
	[tilespmem:$0x8080] =	vst v63  }
0x54: {  	_ = 	snop  }
0x55: {  	[tilespmem:s25], [sflag:$0x1] =	stream.indirect_vreg.gather [hbm4b:s1+s3], $0x80, v3, vm0, $0xb8;
	[tilespmem:$0x8080] =	vst v63  }
0x56: {  	v3 =	vld [tilespmem:$0x60];
	_ =	sdelay $0x4  }
0x57: {  	v38 =	vshll.u32 v3, $0x1  }
0x58: {  	v3 =	vand.u32 $0x7, v3;
	v4 =	vand.u32 $0xFFFFFFF0, v38  }
0x59: {  	v3 =	vor.u32 v3, v4  }
0x5a: {  	v4 =	vperm.xlane v3, v0;
	_ =	sdelay $0x1  }
0x5b: {  	v3 =	vperm.xlane v3, v2;
	v4 =	vadd.s32 v1, v4;
	_ =	sdelay $0x1  }
0x5c: {  	v3 =	vadd.s32 v1, v3;
	_ =	sdelay $0x2  }
0x5d: {  	[tilespmem:s26], [sflag:$0x1] =	stream.indirect_vreg.gather [hbm4b:s1+s3], $0x80, v4, vm0, $0xb8;
	[tilespmem:$0x8080] =	vst v63  }
0x5e: {  	_ = 	snop  }
0x5f: {  	[tilespmem:s28], [sflag:$0x1] =	stream.indirect_vreg.gather [hbm4b:s1+s3], $0x80, v3, vm0, $0xb8;
	[tilespmem:$0x8080] =	vst v63  }
0x60: {  	v3 =	vld [tilespmem:$0x70];
	_ =	sdelay $0x4  }
0x61: {  	v39 =	vshll.u32 v3, $0x1  }
0x62: {  	v3 =	vand.u32 $0x7, v3;
	v4 =	vand.u32 $0xFFFFFFF0, v39  }
0x63: {  	v3 =	vor.u32 v3, v4  }
0x64: {  	v4 =	vperm.xlane v3, v0;
	_ =	sdelay $0x1  }
0x65: {  	v3 =	vperm.xlane v3, v2;
	v4 =	vadd.s32 v1, v4;
	_ =	sdelay $0x1  }
0x66: {  	v3 =	vadd.s32 v1, v3;
	_ =	sdelay $0x2  }
0x67: {  	[tilespmem:s29], [sflag:$0x1] =	stream.indirect_vreg.gather [hbm4b:s1+s3], $0x80, v4, vm0, $0xb8;
	[tilespmem:$0x8080] =	vst v63  }
0x68: {  	_ = 	snop  }
0x69: {  	[tilespmem:s30], [sflag:$0x1] =	stream.indirect_vreg.gather [hbm4b:s1+s3], $0x80, v3, vm0, $0xb8;
	[tilespmem:$0x8080] =	vst v63  }
0x6a: {  	_ =	swait.ge [sflag:s31], $0x8000  }
0x6b: {  	[sflag:s31] =	ssyncset.done $0x0  }
0x6c: {  	[sflag:s31] =	ssyncadd.s32 $0xFFFF8000  }
0x6d: {  	[hbm4b:s5+s3] =	stream.linear.scatter [tilespmem:s14], [sflag:$0x2], $0x8000, $0x38;
	[tilespmem:$0x8080] =	vst v63  }
0x6e: {  	_ =	swait.ge [sflag:s13], $0x8000  }
0x6f: {  	[sflag:s13] =	ssyncset.done $0x0  }
0x70: {  	[sflag:s13] =	ssyncadd.s32 $0xFFFF8000  }
0x71: {  	[tilespmem:s3], [sflag:$0x2] =	stream.linear.gather [hbm4b:s6+s3], $0x80, $0x38;
	[tilespmem:$0x8080] =	vst v63  }
0x72: {  	_ =	swait.ge [sflag:s13], $0x80  }
0x73: {  	[sflag:s13] =	ssyncset.done $0x0  }
0x74: {  	[sflag:s13] =	ssyncadd.s32 $0xFFFFFF80  }
0x75: {  	v3 =	vld [tilespmem:$0x0];
	_ =	sdelay $0x4  }
0x76: {  	v40 =	vshll.u32 v3, $0x1  }
0x77: {  	v3 =	vand.u32 $0x7, v3;
	v4 =	vand.u32 $0xFFFFFFF0, v40  }
0x78: {  	v3 =	vor.u32 v3, v4  }
0x79: {  	v4 =	vperm.xlane v3, v0;
	_ =	sdelay $0x1  }
0x7a: {  	v3 =	vperm.xlane v3, v2;
	v4 =	vadd.s32 v1, v4;
	_ =	sdelay $0x1  }
0x7b: {  	v3 =	vadd.s32 v1, v3;
	_ =	sdelay $0x2  }
0x7c: {  	[tilespmem:s14], [sflag:$0x1] =	stream.indirect_vreg.gather [hbm4b:s1+s3], $0x80, v4, vm0, $0xb8;
	[tilespmem:$0x8080] =	vst v63  }
0x7d: {  	_ = 	snop  }
0x7e: {  	[tilespmem:s15], [sflag:$0x1] =	stream.indirect_vreg.gather [hbm4b:s1+s3], $0x80, v3, vm0, $0xb8;
	[tilespmem:$0x8080] =	vst v63  }
0x7f: {  	v3 =	vld [tilespmem:$0x10];
	_ =	sdelay $0x4  }
0x80: {  	v41 =	vshll.u32 v3, $0x1  }
0x81: {  	v3 =	vand.u32 $0x7, v3;
	v4 =	vand.u32 $0xFFFFFFF0, v41  }
0x82: {  	v3 =	vor.u32 v3, v4  }
0x83: {  	v4 =	vperm.xlane v3, v0;
	_ =	sdelay $0x1  }
0x84: {  	v3 =	vperm.xlane v3, v2;
	v4 =	vadd.s32 v1, v4;
	_ =	sdelay $0x1  }
0x85: {  	v3 =	vadd.s32 v1, v3;
	_ =	sdelay $0x2  }
0x86: {  	[tilespmem:s16], [sflag:$0x1] =	stream.indirect_vreg.gather [hbm4b:s1+s3], $0x80, v4, vm0, $0xb8;
	[tilespmem:$0x8080] =	vst v63  }
0x87: {  	_ = 	snop  }
0x88: {  	[tilespmem:s17], [sflag:$0x1] =	stream.indirect_vreg.gather [hbm4b:s1+s3], $0x80, v3, vm0, $0xb8;
	[tilespmem:$0x8080] =	vst v63  }
0x89: {  	v3 =	vld [tilespmem:$0x20];
	_ =	sdelay $0x4  }
0x8a: {  	v42 =	vshll.u32 v3, $0x1  }
0x8b: {  	v3 =	vand.u32 $0x7, v3;
	v4 =	vand.u32 $0xFFFFFFF0, v42  }
0x8c: {  	v3 =	vor.u32 v3, v4  }
0x8d: {  	v4 =	vperm.xlane v3, v0;
	_ =	sdelay $0x1  }
0x8e: {  	v3 =	vperm.xlane v3, v2;
	v4 =	vadd.s32 v1, v4;
	_ =	sdelay $0x1  }
0x8f: {  	v3 =	vadd.s32 v1, v3;
	_ =	sdelay $0x2  }
0x90: {  	[tilespmem:s18], [sflag:$0x1] =	stream.indirect_vreg.gather [hbm4b:s1+s3], $0x80, v4, vm0, $0xb8;
	[tilespmem:$0x8080] =	vst v63  }
0x91: {  	_ = 	snop  }
0x92: {  	[tilespmem:s19], [sflag:$0x1] =	stream.indirect_vreg.gather [hbm4b:s1+s3], $0x80, v3, vm0, $0xb8;
	[tilespmem:$0x8080] =	vst v63  }
0x93: {  	v3 =	vld [tilespmem:$0x30];
	_ =	sdelay $0x4  }
0x94: {  	v43 =	vshll.u32 v3, $0x1  }
0x95: {  	v3 =	vand.u32 $0x7, v3;
	v4 =	vand.u32 $0xFFFFFFF0, v43  }
0x96: {  	v3 =	vor.u32 v3, v4  }
0x97: {  	v4 =	vperm.xlane v3, v0;
	_ =	sdelay $0x1  }
0x98: {  	v3 =	vperm.xlane v3, v2;
	v4 =	vadd.s32 v1, v4;
	_ =	sdelay $0x1  }
0x99: {  	v3 =	vadd.s32 v1, v3;
	_ =	sdelay $0x2  }
0x9a: {  	[tilespmem:s20], [sflag:$0x1] =	stream.indirect_vreg.gather [hbm4b:s1+s3], $0x80, v4, vm0, $0xb8;
	[tilespmem:$0x8080] =	vst v63  }
0x9b: {  	_ = 	snop  }
0x9c: {  	[tilespmem:s21], [sflag:$0x1] =	stream.indirect_vreg.gather [hbm4b:s1+s3], $0x80, v3, vm0, $0xb8;
	[tilespmem:$0x8080] =	vst v63  }
0x9d: {  	v3 =	vld [tilespmem:$0x40];
	_ =	sdelay $0x4  }
0x9e: {  	v44 =	vshll.u32 v3, $0x1  }
0x9f: {  	v3 =	vand.u32 $0x7, v3;
	v4 =	vand.u32 $0xFFFFFFF0, v44  }
0xa0: {  	v3 =	vor.u32 v3, v4  }
0xa1: {  	v4 =	vperm.xlane v3, v0;
	_ =	sdelay $0x1  }
0xa2: {  	v3 =	vperm.xlane v3, v2;
	v4 =	vadd.s32 v1, v4;
	_ =	sdelay $0x1  }
0xa3: {  	v3 =	vadd.s32 v1, v3;
	_ =	sdelay $0x2  }
0xa4: {  	[tilespmem:s22], [sflag:$0x1] =	stream.indirect_vreg.gather [hbm4b:s1+s3], $0x80, v4, vm0, $0xb8;
	[tilespmem:$0x8080] =	vst v63  }
0xa5: {  	_ = 	snop  }
0xa6: {  	[tilespmem:s23], [sflag:$0x1] =	stream.indirect_vreg.gather [hbm4b:s1+s3], $0x80, v3, vm0, $0xb8;
	[tilespmem:$0x8080] =	vst v63  }
0xa7: {  	v3 =	vld [tilespmem:$0x50];
	_ =	sdelay $0x4  }
0xa8: {  	v45 =	vshll.u32 v3, $0x1  }
0xa9: {  	v3 =	vand.u32 $0x7, v3;
	v4 =	vand.u32 $0xFFFFFFF0, v45  }
0xaa: {  	v3 =	vor.u32 v3, v4  }
0xab: {  	v4 =	vperm.xlane v3, v0;
	_ =	sdelay $0x1  }
0xac: {  	v3 =	vperm.xlane v3, v2;
	v4 =	vadd.s32 v1, v4;
	_ =	sdelay $0x1  }
0xad: {  	v3 =	vadd.s32 v1, v3;
	_ =	sdelay $0x2  }
0xae: {  	[tilespmem:s24], [sflag:$0x1] =	stream.indirect_vreg.gather [hbm4b:s1+s3], $0x80, v4, vm0, $0xb8;
	[tilespmem:$0x8080] =	vst v63  }
0xaf: {  	_ = 	snop  }
0xb0: {  	[tilespmem:s25], [sflag:$0x1] =	stream.indirect_vreg.gather [hbm4b:s1+s3], $0x80, v3, vm0, $0xb8;
	[tilespmem:$0x8080] =	vst v63  }
0xb1: {  	v3 =	vld [tilespmem:$0x60];
	_ =	sdelay $0x4  }
0xb2: {  	v46 =	vshll.u32 v3, $0x1  }
0xb3: {  	v3 =	vand.u32 $0x7, v3;
	v4 =	vand.u32 $0xFFFFFFF0, v46  }
0xb4: {  	v3 =	vor.u32 v3, v4  }
0xb5: {  	v4 =	vperm.xlane v3, v0;
	_ =	sdelay $0x1  }
0xb6: {  	v3 =	vperm.xlane v3, v2;
	v4 =	vadd.s32 v1, v4;
	_ =	sdelay $0x1  }
0xb7: {  	v3 =	vadd.s32 v1, v3;
	_ =	sdelay $0x2  }
0xb8: {  	[tilespmem:s26], [sflag:$0x1] =	stream.indirect_vreg.gather [hbm4b:s1+s3], $0x80, v4, vm0, $0xb8;
	[tilespmem:$0x8080] =	vst v63  }
0xb9: {  	_ = 	snop  }
0xba: {  	[tilespmem:s28], [sflag:$0x1] =	stream.indirect_vreg.gather [hbm4b:s1+s3], $0x80, v3, vm0, $0xb8;
	[tilespmem:$0x8080] =	vst v63  }
0xbb: {  	v3 =	vld [tilespmem:$0x70];
	_ =	sdelay $0x4  }
0xbc: {  	v47 =	vshll.u32 v3, $0x1  }
0xbd: {  	v3 =	vand.u32 $0x7, v3;
	v4 =	vand.u32 $0xFFFFFFF0, v47  }
0xbe: {  	v3 =	vor.u32 v3, v4  }
0xbf: {  	v4 =	vperm.xlane v3, v0;
	_ =	sdelay $0x1  }
0xc0: {  	v3 =	vperm.xlane v3, v2;
	v4 =	vadd.s32 v1, v4;
	_ =	sdelay $0x1  }
0xc1: {  	v3 =	vadd.s32 v1, v3;
	_ =	sdelay $0x2  }
0xc2: {  	[tilespmem:s29], [sflag:$0x1] =	stream.indirect_vreg.gather [hbm4b:s1+s3], $0x80, v4, vm0, $0xb8;
	[tilespmem:$0x8080] =	vst v63  }
0xc3: {  	_ = 	snop  }
0xc4: {  	[tilespmem:s30], [sflag:$0x1] =	stream.indirect_vreg.gather [hbm4b:s1+s3], $0x80, v3, vm0, $0xb8;
	[tilespmem:$0x8080] =	vst v63  }
0xc5: {  	_ =	swait.ge [sflag:s31], $0x8000  }
0xc6: {  	[sflag:s31] =	ssyncset.done $0x0  }
0xc7: {  	[sflag:s31] =	ssyncadd.s32 $0xFFFF8000  }
0xc8: {  	[hbm4b:s7+s3] =	stream.linear.scatter [tilespmem:s14], [sflag:$0x2], $0x8000, $0x38;
	[tilespmem:$0x8080] =	vst v63  }
0xc9: {  	_ =	swait.ge [sflag:s13], $0x8000  }
0xca: {  	[sflag:s13] =	ssyncset.done $0x0  }
0xcb: {  	[sflag:s13] =	ssyncadd.s32 $0xFFFF8000  }
0xcc: {  	[tilespmem:s3], [sflag:$0x2] =	stream.linear.gather [hbm4b:s8+s3], $0x80, $0x38;
	[tilespmem:$0x8080] =	vst v63  }
0xcd: {  	_ =	swait.ge [sflag:s13], $0x80  }
0xce: {  	[sflag:s13] =	ssyncset.done $0x0  }
0xcf: {  	[sflag:s13] =	ssyncadd.s32 $0xFFFFFF80  }
0xd0: {  	v3 =	vld [tilespmem:$0x0];
	_ =	sdelay $0x4  }
0xd1: {  	v48 =	vshll.u32 v3, $0x1  }
0xd2: {  	v3 =	vand.u32 $0x7, v3;
	v4 =	vand.u32 $0xFFFFFFF0, v48  }
0xd3: {  	v3 =	vor.u32 v3, v4  }
0xd4: {  	v4 =	vperm.xlane v3, v0;
	_ =	sdelay $0x1  }
0xd5: {  	v3 =	vperm.xlane v3, v2;
	v4 =	vadd.s32 v1, v4;
	_ =	sdelay $0x1  }
0xd6: {  	v3 =	vadd.s32 v1, v3;
	_ =	sdelay $0x2  }
0xd7: {  	[tilespmem:s14], [sflag:$0x1] =	stream.indirect_vreg.gather [hbm4b:s1+s3], $0x80, v4, vm0, $0xb8;
	[tilespmem:$0x8080] =	vst v63  }
0xd8: {  	_ = 	snop  }
0xd9: {  	[tilespmem:s15], [sflag:$0x1] =	stream.indirect_vreg.gather [hbm4b:s1+s3], $0x80, v3, vm0, $0xb8;
	[tilespmem:$0x8080] =	vst v63  }
0xda: {  	v3 =	vld [tilespmem:$0x10];
	_ =	sdelay $0x4  }
0xdb: {  	v49 =	vshll.u32 v3, $0x1  }
0xdc: {  	v3 =	vand.u32 $0x7, v3;
	v4 =	vand.u32 $0xFFFFFFF0, v49  }
0xdd: {  	v3 =	vor.u32 v3, v4  }
0xde: {  	v4 =	vperm.xlane v3, v0;
	_ =	sdelay $0x1  }
0xdf: {  	v3 =	vperm.xlane v3, v2;
	v4 =	vadd.s32 v1, v4;
	_ =	sdelay $0x1  }
0xe0: {  	v3 =	vadd.s32 v1, v3;
	_ =	sdelay $0x2  }
0xe1: {  	[tilespmem:s16], [sflag:$0x1] =	stream.indirect_vreg.gather [hbm4b:s1+s3], $0x80, v4, vm0, $0xb8;
	[tilespmem:$0x8080] =	vst v63  }
0xe2: {  	_ = 	snop  }
0xe3: {  	[tilespmem:s17], [sflag:$0x1] =	stream.indirect_vreg.gather [hbm4b:s1+s3], $0x80, v3, vm0, $0xb8;
	[tilespmem:$0x8080] =	vst v63  }
0xe4: {  	v3 =	vld [tilespmem:$0x20];
	_ =	sdelay $0x4  }
0xe5: {  	v50 =	vshll.u32 v3, $0x1  }
0xe6: {  	v3 =	vand.u32 $0x7, v3;
	v4 =	vand.u32 $0xFFFFFFF0, v50  }
0xe7: {  	v3 =	vor.u32 v3, v4  }
0xe8: {  	v4 =	vperm.xlane v3, v0;
	_ =	sdelay $0x1  }
0xe9: {  	v3 =	vperm.xlane v3, v2;
	v4 =	vadd.s32 v1, v4;
	_ =	sdelay $0x1  }
0xea: {  	v3 =	vadd.s32 v1, v3;
	_ =	sdelay $0x2  }
0xeb: {  	[tilespmem:s18], [sflag:$0x1] =	stream.indirect_vreg.gather [hbm4b:s1+s3], $0x80, v4, vm0, $0xb8;
	[tilespmem:$0x8080] =	vst v63  }
0xec: {  	_ = 	snop  }
0xed: {  	[tilespmem:s19], [sflag:$0x1] =	stream.indirect_vreg.gather [hbm4b:s1+s3], $0x80, v3, vm0, $0xb8;
	[tilespmem:$0x8080] =	vst v63  }
0xee: {  	v3 =	vld [tilespmem:$0x30];
	_ =	sdelay $0x4  }
0xef: {  	v51 =	vshll.u32 v3, $0x1  }
0xf0: {  	v3 =	vand.u32 $0x7, v3;
	v4 =	vand.u32 $0xFFFFFFF0, v51  }
0xf1: {  	v3 =	vor.u32 v3, v4  }
0xf2: {  	v4 =	vperm.xlane v3, v0;
	_ =	sdelay $0x1  }
0xf3: {  	v3 =	vperm.xlane v3, v2;
	v4 =	vadd.s32 v1, v4;
	_ =	sdelay $0x1  }
0xf4: {  	v3 =	vadd.s32 v1, v3;
	_ =	sdelay $0x2  }
0xf5: {  	[tilespmem:s20], [sflag:$0x1] =	stream.indirect_vreg.gather [hbm4b:s1+s3], $0x80, v4, vm0, $0xb8;
	[tilespmem:$0x8080] =	vst v63  }
0xf6: {  	_ = 	snop  }
0xf7: {  	[tilespmem:s21], [sflag:$0x1] =	stream.indirect_vreg.gather [hbm4b:s1+s3], $0x80, v3, vm0, $0xb8;
	[tilespmem:$0x8080] =	vst v63  }
0xf8: {  	v3 =	vld [tilespmem:$0x40];
	_ =	sdelay $0x4  }
0xf9: {  	v52 =	vshll.u32 v3, $0x1  }
0xfa: {  	v3 =	vand.u32 $0x7, v3;
	v4 =	vand.u32 $0xFFFFFFF0, v52  }
0xfb: {  	v3 =	vor.u32 v3, v4  }
0xfc: {  	v4 =	vperm.xlane v3, v0;
	_ =	sdelay $0x1  }
0xfd: {  	v3 =	vperm.xlane v3, v2;
	v4 =	vadd.s32 v1, v4;
	_ =	sdelay $0x1  }
0xfe: {  	v3 =	vadd.s32 v1, v3;
	_ =	sdelay $0x2  }
0xff: {  	[tilespmem:s22], [sflag:$0x1] =	stream.indirect_vreg.gather [hbm4b:s1+s3], $0x80, v4, vm0, $0xb8;
	[tilespmem:$0x8080] =	vst v63  }
0x100: {  	_ = 	snop  }
0x101: {  	[tilespmem:s23], [sflag:$0x1] =	stream.indirect_vreg.gather [hbm4b:s1+s3], $0x80, v3, vm0, $0xb8;
	[tilespmem:$0x8080] =	vst v63  }
0x102: {  	v3 =	vld [tilespmem:$0x50];
	_ =	sdelay $0x4  }
0x103: {  	v53 =	vshll.u32 v3, $0x1  }
0x104: {  	v3 =	vand.u32 $0x7, v3;
	v4 =	vand.u32 $0xFFFFFFF0, v53  }
0x105: {  	v3 =	vor.u32 v3, v4  }
0x106: {  	v4 =	vperm.xlane v3, v0;
	_ =	sdelay $0x1  }
0x107: {  	v3 =	vperm.xlane v3, v2;
	v4 =	vadd.s32 v1, v4;
	_ =	sdelay $0x1  }
0x108: {  	v3 =	vadd.s32 v1, v3;
	_ =	sdelay $0x2  }
0x109: {  	[tilespmem:s24], [sflag:$0x1] =	stream.indirect_vreg.gather [hbm4b:s1+s3], $0x80, v4, vm0, $0xb8;
	[tilespmem:$0x8080] =	vst v63  }
0x10a: {  	_ = 	snop  }
0x10b: {  	[tilespmem:s25], [sflag:$0x1] =	stream.indirect_vreg.gather [hbm4b:s1+s3], $0x80, v3, vm0, $0xb8;
	[tilespmem:$0x8080] =	vst v63  }
0x10c: {  	v3 =	vld [tilespmem:$0x60];
	_ =	sdelay $0x4  }
0x10d: {  	v54 =	vshll.u32 v3, $0x1  }
0x10e: {  	v3 =	vand.u32 $0x7, v3;
	v4 =	vand.u32 $0xFFFFFFF0, v54  }
0x10f: {  	v3 =	vor.u32 v3, v4  }
0x110: {  	v4 =	vperm.xlane v3, v0;
	_ =	sdelay $0x1  }
0x111: {  	v3 =	vperm.xlane v3, v2;
	v4 =	vadd.s32 v1, v4;
	_ =	sdelay $0x1  }
0x112: {  	v3 =	vadd.s32 v1, v3;
	_ =	sdelay $0x2  }
0x113: {  	[tilespmem:s26], [sflag:$0x1] =	stream.indirect_vreg.gather [hbm4b:s1+s3], $0x80, v4, vm0, $0xb8;
	[tilespmem:$0x8080] =	vst v63  }
0x114: {  	_ = 	snop  }
0x115: {  	[tilespmem:s28], [sflag:$0x1] =	stream.indirect_vreg.gather [hbm4b:s1+s3], $0x80, v3, vm0, $0xb8;
	[tilespmem:$0x8080] =	vst v63  }
0x116: {  	v3 =	vld [tilespmem:$0x70];
	_ =	sdelay $0x4  }
0x117: {  	v55 =	vshll.u32 v3, $0x1  }
0x118: {  	v3 =	vand.u32 $0x7, v3;
	v4 =	vand.u32 $0xFFFFFFF0, v55  }
0x119: {  	v3 =	vor.u32 v3, v4  }
0x11a: {  	v4 =	vperm.xlane v3, v0;
	_ =	sdelay $0x1  }
0x11b: {  	v3 =	vperm.xlane v3, v2;
	v4 =	vadd.s32 v1, v4;
	_ =	sdelay $0x1  }
0x11c: {  	v3 =	vadd.s32 v1, v3;
	_ =	sdelay $0x2  }
0x11d: {  	[tilespmem:s29], [sflag:$0x1] =	stream.indirect_vreg.gather [hbm4b:s1+s3], $0x80, v4, vm0, $0xb8;
	[tilespmem:$0x8080] =	vst v63  }
0x11e: {  	_ = 	snop  }
0x11f: {  	[tilespmem:s30], [sflag:$0x1] =	stream.indirect_vreg.gather [hbm4b:s1+s3], $0x80, v3, vm0, $0xb8;
	[tilespmem:$0x8080] =	vst v63  }
0x120: {  	_ =	swait.ge [sflag:s31], $0x8000  }
0x121: {  	[sflag:s31] =	ssyncset.done $0x0  }
0x122: {  	[sflag:s31] =	ssyncadd.s32 $0xFFFF8000  }
0x123: {  	[hbm4b:s9+s3] =	stream.linear.scatter [tilespmem:s14], [sflag:$0x2], $0x8000, $0x38;
	[tilespmem:$0x8080] =	vst v63  }
0x124: {  	_ =	swait.ge [sflag:s13], $0x8000  }
0x125: {  	[sflag:s13] =	ssyncset.done $0x0  }
0x126: {  	[sflag:s13] =	ssyncadd.s32 $0xFFFF8000  }
0x127: {  	[tilespmem:s3], [sflag:$0x2] =	stream.linear.gather [hbm4b:s10+s3], $0x80, $0x38;
	[tilespmem:$0x8080] =	vst v63  }
0x128: {  	_ =	swait.ge [sflag:s13], $0x80  }
0x129: {  	[sflag:s13] =	ssyncset.done $0x0  }
0x12a: {  	[sflag:s13] =	ssyncadd.s32 $0xFFFFFF80  }
0x12b: {  	v3 =	vld [tilespmem:$0x0];
	_ =	sdelay $0x4  }
0x12c: {  	v56 =	vshll.u32 v3, $0x1  }
0x12d: {  	v3 =	vand.u32 $0x7, v3;
	v4 =	vand.u32 $0xFFFFFFF0, v56  }
0x12e: {  	v3 =	vor.u32 v3, v4  }
0x12f: {  	v4 =	vperm.xlane v3, v0;
	_ =	sdelay $0x1  }
0x130: {  	v3 =	vperm.xlane v3, v2;
	v4 =	vadd.s32 v1, v4;
	_ =	sdelay $0x1  }
0x131: {  	v3 =	vadd.s32 v1, v3;
	_ =	sdelay $0x2  }
0x132: {  	[tilespmem:s14], [sflag:$0x1] =	stream.indirect_vreg.gather [hbm4b:s1+s3], $0x80, v4, vm0, $0xb8;
	[tilespmem:$0x8080] =	vst v63  }
0x133: {  	_ = 	snop  }
0x134: {  	[tilespmem:s15], [sflag:$0x1] =	stream.indirect_vreg.gather [hbm4b:s1+s3], $0x80, v3, vm0, $0xb8;
	[tilespmem:$0x8080] =	vst v63  }
0x135: {  	v3 =	vld [tilespmem:$0x10];
	_ =	sdelay $0x4  }
0x136: {  	v57 =	vshll.u32 v3, $0x1  }
0x137: {  	v3 =	vand.u32 $0x7, v3;
	v4 =	vand.u32 $0xFFFFFFF0, v57  }
0x138: {  	v3 =	vor.u32 v3, v4  }
0x139: {  	v4 =	vperm.xlane v3, v0;
	_ =	sdelay $0x1  }
0x13a: {  	v3 =	vperm.xlane v3, v2;
	v4 =	vadd.s32 v1, v4;
	_ =	sdelay $0x1  }
0x13b: {  	v3 =	vadd.s32 v1, v3;
	_ =	sdelay $0x2  }
0x13c: {  	[tilespmem:s16], [sflag:$0x1] =	stream.indirect_vreg.gather [hbm4b:s1+s3], $0x80, v4, vm0, $0xb8;
	[tilespmem:$0x8080] =	vst v63  }
0x13d: {  	_ = 	snop  }
0x13e: {  	[tilespmem:s17], [sflag:$0x1] =	stream.indirect_vreg.gather [hbm4b:s1+s3], $0x80, v3, vm0, $0xb8;
	[tilespmem:$0x8080] =	vst v63  }
0x13f: {  	v3 =	vld [tilespmem:$0x20];
	_ =	sdelay $0x4  }
0x140: {  	v58 =	vshll.u32 v3, $0x1  }
0x141: {  	v3 =	vand.u32 $0x7, v3;
	v4 =	vand.u32 $0xFFFFFFF0, v58  }
0x142: {  	v3 =	vor.u32 v3, v4  }
0x143: {  	v4 =	vperm.xlane v3, v0;
	_ =	sdelay $0x1  }
0x144: {  	v3 =	vperm.xlane v3, v2;
	v4 =	vadd.s32 v1, v4;
	_ =	sdelay $0x1  }
0x145: {  	v3 =	vadd.s32 v1, v3;
	_ =	sdelay $0x2  }
0x146: {  	[tilespmem:s18], [sflag:$0x1] =	stream.indirect_vreg.gather [hbm4b:s1+s3], $0x80, v4, vm0, $0xb8;
	[tilespmem:$0x8080] =	vst v63  }
0x147: {  	_ = 	snop  }
0x148: {  	[tilespmem:s19], [sflag:$0x1] =	stream.indirect_vreg.gather [hbm4b:s1+s3], $0x80, v3, vm0, $0xb8;
	[tilespmem:$0x8080] =	vst v63  }
0x149: {  	v3 =	vld [tilespmem:$0x30];
	_ =	sdelay $0x4  }
0x14a: {  	v59 =	vshll.u32 v3, $0x1  }
0x14b: {  	v3 =	vand.u32 $0x7, v3;
	v4 =	vand.u32 $0xFFFFFFF0, v59  }
0x14c: {  	v3 =	vor.u32 v3, v4  }
0x14d: {  	v4 =	vperm.xlane v3, v0;
	_ =	sdelay $0x1  }
0x14e: {  	v3 =	vperm.xlane v3, v2;
	v4 =	vadd.s32 v1, v4;
	_ =	sdelay $0x1  }
0x14f: {  	v3 =	vadd.s32 v1, v3;
	_ =	sdelay $0x2  }
0x150: {  	[tilespmem:s20], [sflag:$0x1] =	stream.indirect_vreg.gather [hbm4b:s1+s3], $0x80, v4, vm0, $0xb8;
	[tilespmem:$0x8080] =	vst v63  }
0x151: {  	_ = 	snop  }
0x152: {  	[tilespmem:s21], [sflag:$0x1] =	stream.indirect_vreg.gather [hbm4b:s1+s3], $0x80, v3, vm0, $0xb8;
	[tilespmem:$0x8080] =	vst v63  }
0x153: {  	v3 =	vld [tilespmem:$0x40];
	_ =	sdelay $0x4  }
0x154: {  	v60 =	vshll.u32 v3, $0x1  }
0x155: {  	v3 =	vand.u32 $0x7, v3;
	v4 =	vand.u32 $0xFFFFFFF0, v60  }
0x156: {  	v3 =	vor.u32 v3, v4  }
0x157: {  	v4 =	vperm.xlane v3, v0;
	_ =	sdelay $0x1  }
0x158: {  	v3 =	vperm.xlane v3, v2;
	v4 =	vadd.s32 v1, v4;
	_ =	sdelay $0x1  }
0x159: {  	v3 =	vadd.s32 v1, v3;
	_ =	sdelay $0x2  }
0x15a: {  	[tilespmem:s22], [sflag:$0x1] =	stream.indirect_vreg.gather [hbm4b:s1+s3], $0x80, v4, vm0, $0xb8;
	[tilespmem:$0x8080] =	vst v63  }
0x15b: {  	_ = 	snop  }
0x15c: {  	[tilespmem:s23], [sflag:$0x1] =	stream.indirect_vreg.gather [hbm4b:s1+s3], $0x80, v3, vm0, $0xb8;
	[tilespmem:$0x8080] =	vst v63  }
0x15d: {  	v3 =	vld [tilespmem:$0x50];
	_ =	sdelay $0x4  }
0x15e: {  	v61 =	vshll.u32 v3, $0x1  }
0x15f: {  	v3 =	vand.u32 $0x7, v3;
	v4 =	vand.u32 $0xFFFFFFF0, v61  }
0x160: {  	v3 =	vor.u32 v3, v4  }
0x161: {  	v4 =	vperm.xlane v3, v0;
	_ =	sdelay $0x1  }
0x162: {  	v3 =	vperm.xlane v3, v2;
	v4 =	vadd.s32 v1, v4;
	_ =	sdelay $0x1  }
0x163: {  	v3 =	vadd.s32 v1, v3;
	_ =	sdelay $0x2  }
0x164: {  	[tilespmem:s24], [sflag:$0x1] =	stream.indirect_vreg.gather [hbm4b:s1+s3], $0x80, v4, vm0, $0xb8;
	[tilespmem:$0x8080] =	vst v63  }
0x165: {  	_ = 	snop  }
0x166: {  	[tilespmem:s25], [sflag:$0x1] =	stream.indirect_vreg.gather [hbm4b:s1+s3], $0x80, v3, vm0, $0xb8;
	[tilespmem:$0x8080] =	vst v63  }
0x167: {  	v3 =	vld [tilespmem:$0x60];
	_ =	sdelay $0x4  }
0x168: {  	v62 =	vshll.u32 v3, $0x1  }
0x169: {  	v3 =	vand.u32 $0x7, v3;
	v4 =	vand.u32 $0xFFFFFFF0, v62  }
0x16a: {  	v3 =	vor.u32 v3, v4  }
0x16b: {  	v4 =	vperm.xlane v3, v0;
	_ =	sdelay $0x1  }
0x16c: {  	v3 =	vperm.xlane v3, v2;
	v4 =	vadd.s32 v1, v4;
	_ =	sdelay $0x1  }
0x16d: {  	v3 =	vadd.s32 v1, v3;
	_ =	sdelay $0x2  }
0x16e: {  	[tilespmem:s26], [sflag:$0x1] =	stream.indirect_vreg.gather [hbm4b:s1+s3], $0x80, v4, vm0, $0xb8;
	[tilespmem:$0x8080] =	vst v63  }
0x16f: {  	_ = 	snop  }
0x170: {  	[tilespmem:s28], [sflag:$0x1] =	stream.indirect_vreg.gather [hbm4b:s1+s3], $0x80, v3, vm0, $0xb8;
	[tilespmem:$0x8080] =	vst v63  }
0x171: {  	v3 =	vld [tilespmem:$0x70];
	_ =	sdelay $0x4  }
0x172: {  	v63 =	vshll.u32 v3, $0x1  }
0x173: {  	v3 =	vand.u32 $0x7, v3;
	v4 =	vand.u32 $0xFFFFFFF0, v63  }
0x174: {  	v3 =	vor.u32 v3, v4  }
0x175: {  	v4 =	vperm.xlane v3, v0;
	_ =	sdelay $0x1  }
0x176: {  	v3 =	vperm.xlane v3, v2;
	v4 =	vadd.s32 v1, v4;
	_ =	sdelay $0x1  }
0x177: {  	v3 =	vadd.s32 v1, v3;
	_ =	sdelay $0x2  }
0x178: {  	[tilespmem:s29], [sflag:$0x1] =	stream.indirect_vreg.gather [hbm4b:s1+s3], $0x80, v4, vm0, $0xb8;
	[tilespmem:$0x8080] =	vst v63  }
0x179: {  	_ = 	snop  }
0x17a: {  	[tilespmem:s30], [sflag:$0x1] =	stream.indirect_vreg.gather [hbm4b:s1+s3], $0x80, v3, vm0, $0xb8;
	[tilespmem:$0x8080] =	vst v63  }
0x17b: {  	_ =	swait.ge [sflag:s31], $0x8000  }
0x17c: {  	p0 =	sne.s32 s12, $0x1;
	[sflag:s31] =	ssyncset.done $0x0  }
.Ltmp0:
0x17d: {  	[sflag:s31] =	ssyncadd.s32 $0xFFFF8000;
	(pc) =	sbr.rel @p0 .LBB2_1-.Ltmp0, $4  }
0x17e: {  	[hbm4b:s11+s3] =	stream.linear.scatter [tilespmem:s14], [sflag:$0x2], $0x8000, $0x38;
	[tilespmem:$0x8080] =	vst v63  }
0x17f: {  	_ =	swait.ge [sflag:s13], $0x8000  }
0x180: {  	[sflag:s13] =	ssyncset.done $0x0  }
0x181: {  	s12 =	sadd.s32 $0xFFFFFFFF, s12;
	[sflag:s13] =	ssyncadd.s32 $0xFFFF8000  }
0x182: {  	_ =	sfence.sel $0x180000  }
0x183: {  	[bflag:$0x0] =	sbarrier.arrive $0xFFFF  }
0x184: {  	p0 =	sne.s32 s2, $0x0;
	_ =	strace $0x9000004D  }
0x185: {  	s0 =	sadd.s32 @!p0 $0x100000, s0;
	[bflag:$0x2] =	sbarrier.arrive $0xFFFF  }
0x186: {  	[sflag:s0] =	ssyncadd.tile.s32 @!p0 $0x1;
	_ =	shalt  }
.Lfunc_end2:
_tile_overlayer_lowered:
.L_overlay_start_2:
0x187: {  	(tag) =	ssettag $0x2  }
0x188: {  	s0 =	rddreg [dreg:$0x0];
	s2 =	stileid.u32  }
0x189: {  	s1 =	rddreg [dreg:$0x1];
	p0 =	sne.s32 s2, $0x0  }
0x18a: {  	s3 =	rddreg [dreg:$0x2];
	[bflag:$0x3] =	sbarrier.arrive $0xFFFF;
	s2 =	simm.s32 @!p0 $0x1C02  }
0x18b: {  	[timem:s3], [sflag:s2] =	dma.local @!p0 [hbm:s0], s1  }
0x18c: {  	s0 =	simm.s32 @!p0 $0x2  }
0x18d: {  	_ =	swait.ge @!p0 [sflag:s0], s1  }
0x18e: {  	s1 =	ssub.s32 @!p0 $0x0, s1;
	[sflag:s0] =	ssyncset.done @!p0 $0x0  }
0x18f: {  	[sflag:s0] =	ssyncadd.s32 @!p0 s1  }
0x190: {  	[bflag:$0x3] =	sbarrier.arrive $0xFFFF  }
0x191: {  	_ =	shalt  }

</sc_bundles>
